<compile_context>
chip_gen: v7x
topology: tpu7x:2x2x1
jax: 0.10.2.dev20260603
libtpu: 0.0.44.dev20260713+nightly
codegen_flags: <defaults>
</compile_context>

<pallas_src>
import functools

import jax
import jax.numpy as jnp
from jax import lax
from jax.experimental import pallas as pl
from jax.experimental.pallas import tpu as pltpu
from jax.experimental.pallas import tpu_sc as plsc

_N = 10000
_E = 320000
_D = 128

_NC = 2
_NS = 16
_NW = _NC * _NS
_WIN = 128
_WPT = 80
_EPW = _WPT * _WIN
_E_PAD = _NW * _EPW
_N_PAD = 10112
_RPT = _N_PAD // _NS
_PACK = 16384


def _sc_scatter_add(h, packed2d, zrows):
    mesh = plsc.VectorSubcoreMesh(
        core_axis_name="c", subcore_axis_name="s",
        num_cores=_NC, num_subcores=_NS)

    @functools.partial(
        pl.kernel,
        out_type=jax.ShapeDtypeStruct((_NC, _N_PAD, _D), jnp.float32),
        mesh=mesh,
        scratch_types=[
            pltpu.VMEM((_WPT, _WIN), jnp.int32),
            pltpu.VMEM((2, _WIN), jnp.int32),
            pltpu.VMEM((2, _WIN), jnp.int32),
            pltpu.VMEM((2, _WIN, _D), jnp.float32),
            pltpu.VMEM_SHARED((_N_PAD, _D), jnp.float32),
            pltpu.SemaphoreType.DMA,
            pltpu.SemaphoreType.DMA,
            pltpu.SemaphoreType.DMA,
        ],
    )
    def k(h_hbm, pk_hbm, z_hbm, out_hbm, pk_v, sring, dring, rows_v,
          agg_sh, isem, g0, g1):
        c = lax.axis_index("c")
        s = lax.axis_index("s")
        w = c * _NS + s
        gsem = (g0, g1)

        dstage = pltpu.async_copy(pk_hbm.at[pl.ds(w * _WPT, _WPT)],
                                  pk_v, isem)
        dstage.wait()

        def unpack(i, r):
            for j in range(_WIN // 16):
                v = pk_v[i, pl.ds(j * 16, 16)]
                sring[r, pl.ds(j * 16, 16)] = lax.shift_right_logical(
                    v, 14)
                dring[r, pl.ds(j * 16, 16)] = lax.bitwise_and(
                    v, _PACK - 1)

        def g_start(b):
            pltpu.make_async_copy(h_hbm.at[sring.at[b]], rows_v.at[b],
                                  gsem[b]).start()

        def g_wait(b):
            pltpu.make_async_copy(h_hbm.at[sring.at[b]], rows_v.at[b],
                                  gsem[b]).wait()

        unpack(0, 0)
        g_start(0)
        unpack(1, 1)
        g_start(1)
        pltpu.sync_copy(z_hbm, agg_sh.at[pl.ds(s * _RPT, _RPT)])
        plsc.subcore_barrier()

        def pair(t, carry):
            for b in range(2):
                i = 2 * t + b
                g_wait(b)
                pltpu.sync_copy(rows_v.at[b], agg_sh.at[dring.at[b]],
                                add=True)

                @pl.when(i + 2 < _WPT)
                def _():
                    unpack(i + 2, b)
                    g_start(b)
            return carry

        lax.fori_loop(0, _WPT // 2, pair, 0)

        plsc.subcore_barrier()
        pltpu.sync_copy(agg_sh.at[pl.ds(s * _RPT, _RPT)],
                        out_hbm.at[c, pl.ds(s * _RPT, _RPT)])

    return k(h, packed2d, zrows)


_BT = 2000
_NBLK = _N // _BT


def _zin(z, w1_ref, b1_ref, w2_ref, b2_ref):
    zz = jnp.maximum(
        jnp.dot(z, w1_ref[...], preferred_element_type=jnp.float32)
        + b1_ref[...], 0.0)
    return (jnp.dot(zz, w2_ref[...], preferred_element_type=jnp.float32)
            + b2_ref[...])


def _mlp_body(scale_ref, h_ref, agg_ref, w1_ref, b1_ref, w2_ref, b2_ref,
              out_ref):
    z = h_ref[...] * scale_ref[0, 0] + agg_ref[0] + agg_ref[1]
    out_ref[...] = _zin(z, w1_ref, b1_ref, w2_ref, b2_ref)


def _mlp_head_body(scale_ref, h_ref, agg_ref, w1_ref, b1_ref,
                   w2_ref, b2_ref, lw_ref, lb_ref, fw_ref, fb_ref,
                   out_ref, pool_ref):
    z = h_ref[...] * scale_ref[0, 0] + agg_ref[0] + agg_ref[1]
    o = _zin(z, w1_ref, b1_ref, w2_ref, b2_ref)

    @pl.when(pl.program_id(0) == 0)
    def _():
        pool_ref[...] = jnp.zeros_like(pool_ref)

    pool_ref[...] += jnp.sum(o, axis=0, keepdims=True)

    @pl.when(pl.program_id(0) == _NBLK - 1)
    def _():
        t = jnp.maximum(
            jnp.dot(pool_ref[...], lw_ref[...],
                    preferred_element_type=jnp.float32) + lb_ref[...], 0.0)
        out_ref[...] = (jnp.dot(t, fw_ref[...],
                                preferred_element_type=jnp.float32)
                        + fb_ref[...])


_MLP_SPECS = [
    pl.BlockSpec(memory_space=pltpu.SMEM),
    pl.BlockSpec((_BT, _D), lambda i: (i, 0)),
    pl.BlockSpec((2, _BT, _D), lambda i: (0, i, 0)),
    pl.BlockSpec((_D, _D), lambda i: (0, 0)),
    pl.BlockSpec((1, _D), lambda i: (0, 0)),
    pl.BlockSpec((_D, _D), lambda i: (0, 0)),
    pl.BlockSpec((1, _D), lambda i: (0, 0)),
]


def _tc_mlp(scale, h, agg, w1, b1, w2, b2):
    return pl.pallas_call(
        _mlp_body, grid=(_NBLK,), in_specs=_MLP_SPECS,
        out_specs=pl.BlockSpec((_BT, _D), lambda i: (i, 0)),
        out_shape=jax.ShapeDtypeStruct((_N, _D), jnp.float32),
    )(scale, h, agg, w1, b1, w2, b2)


def _tc_mlp_head(scale, h, agg, w1, b1, w2, b2, lin_w, lin_b, fw_pad,
                 fb_pad):
    head_specs = [pl.BlockSpec((_D, _D), lambda i: (0, 0)),
                  pl.BlockSpec((1, _D), lambda i: (0, 0)),
                  pl.BlockSpec((_D, _D), lambda i: (0, 0)),
                  pl.BlockSpec((1, _D), lambda i: (0, 0))]
    return pl.pallas_call(
        _mlp_head_body, grid=(_NBLK,), in_specs=_MLP_SPECS + head_specs,
        out_specs=pl.BlockSpec((1, _D), lambda i: (0, 0)),
        out_shape=jax.ShapeDtypeStruct((1, _D), jnp.float32),
        scratch_shapes=[pltpu.VMEM((1, _D), jnp.float32)],
    )(scale, h, agg, w1, b1, w2, b2, lin_w, lin_b, fw_pad, fb_pad)


def kernel(x, edge_index, eps0, eps1, eps2,
           W1_0, b1_0, W2_0, b2_0,
           W1_1, b1_1, W2_1, b2_1,
           W1_2, b1_2, W2_2, b2_2,
           lin_W, lin_b, final_W, final_b):
    src = edge_index[0]
    dst = edge_index[1]

    npad = _E_PAD - _E
    pad_ar = jnp.arange(npad, dtype=jnp.int32)
    src_p = jnp.concatenate([src, pad_ar % jnp.int32(_N)])
    dst_p = jnp.concatenate([dst, jnp.int32(_N) + pad_ar % jnp.int32(_N_PAD - _N)])
    packed2d = (src_p * jnp.int32(_PACK) + dst_p).reshape(
        _E_PAD // _WIN, _WIN)
    zrows = jnp.zeros((_RPT, _D), jnp.float32)

    scales = [(1.0 + eps0).reshape(1, 1), (1.0 + eps1).reshape(1, 1),
              (1.0 + eps2).reshape(1, 1)]
    params = [(W1_0, b1_0.reshape(1, _D), W2_0, b2_0.reshape(1, _D)),
              (W1_1, b1_1.reshape(1, _D), W2_1, b2_1.reshape(1, _D)),
              (W1_2, b1_2.reshape(1, _D), W2_2, b2_2.reshape(1, _D))]

    fw_pad = jnp.pad(final_W, ((0, 0), (0, _D - final_W.shape[1])))
    fb_pad = jnp.pad(final_b, (0, _D - final_b.shape[0])).reshape(1, _D)

    h = x
    for l in range(2):
        agg = _sc_scatter_add(h, packed2d, zrows)
        w1, b1, w2, b2 = params[l]
        h = _tc_mlp(scales[l], h, agg, w1, b1, w2, b2)
    agg = _sc_scatter_add(h, packed2d, zrows)
    w1, b1, w2, b2 = params[2]
    out = _tc_mlp_head(scales[2], h, agg, w1, b1, w2, b2,
                       lin_W, lin_b.reshape(1, _D), fw_pad, fb_pad)
    return out[:, :2]

# --- scband reference (transcript-rebuilt; emitter-appended) ---
"""Pipeline reference for scband-gin-32890859552796 (READ-ONLY COPY).

The authoritative reference and input builder live on the scoring server;
editing this copy changes nothing except your own understanding.
"""

import jax, jax.numpy as jnp
import numpy as np

N = 10000
E = 320000
D_IN = 128
C = 128

def _uniform(key, shape, fan_in):
    limit = 1.0 / np.sqrt(fan_in)
    return jax.random.uniform(key, shape, minval=-limit, maxval=limit, dtype=jnp.float32)

def setup_inputs(seed: int = 0):
    key = jax.random.key(seed)
    ks = jax.random.split(key, 24)
    inp = {}
    inp["x"] = jax.random.normal(ks[0], (N, D_IN), dtype=jnp.float32)
    inp["edge_index"] = jax.random.randint(ks[1], (2, E), 0, N, dtype=jnp.int32)
    inp["eps0"] = jnp.zeros((), dtype=jnp.float32)
    inp["eps1"] = jnp.zeros((), dtype=jnp.float32)
    inp["eps2"] = jnp.zeros((), dtype=jnp.float32)
    k = 2
    for l in range(3):
        din = D_IN if l == 0 else C
        inp["W1_%d" % l] = _uniform(ks[k], (din, C), din); k += 1
        inp["b1_%d" % l] = _uniform(ks[k], (C,), din); k += 1
        inp["W2_%d" % l] = _uniform(ks[k], (C, C), C); k += 1
        inp["b2_%d" % l] = _uniform(ks[k], (C,), C); k += 1
    inp["lin_W"] = _uniform(ks[k], (C, C), C); k += 1
    inp["lin_b"] = _uniform(ks[k], (C,), C); k += 1
    inp["final_W"] = _uniform(ks[k], (C, 2), C); k += 1
    inp["final_b"] = _uniform(ks[k], (2,), C); k += 1
    return inp

def _gin_conv(h, src, dst, eps, W1, b1, W2, b2):
    # GINConv: MLP((1+eps)*x + sum_{j in N(i)} x_j); scatter-add aggregation at dst
    agg = jnp.zeros_like(h).at[dst].add(h[src])
    z = (1.0 + eps) * h + agg
    z = jnp.maximum(z @ W1 + b1, 0.0)  # MLP hidden: Linear -> ReLU (dropout=eval identity)
    return z @ W2 + b2

def reference(x, edge_index, eps0, eps1, eps2,
              W1_0, b1_0, W2_0, b2_0,
              W1_1, b1_1, W2_1, b2_1,
              W1_2, b1_2, W2_2, b2_2,
              lin_W, lin_b, final_W, final_b):
    src = edge_index[0]
    dst = edge_index[1]
    h = _gin_conv(x, src, dst, eps0, W1_0, b1_0, W2_0, b2_0)
    h = _gin_conv(h, src, dst, eps1, W1_1, b1_1, W2_1, b2_1)
    h = _gin_conv(h, src, dst, eps2, W1_2, b1_2, W2_2, b2_2)
    # global_add_pool with batch=None -> single-graph sum over all nodes
    pooled = jnp.sum(h, axis=0, keepdims=True)
    out = jnp.maximum(pooled @ lin_W + lin_b, 0.0)
    return out @ final_W + final_b

if __name__ == "__main__":
    import jax
    _d = setup_inputs()
    print(jax.jit(kernel)(*tuple(_d.values())))

</pallas_src>

<mosaic_0001>
#map = affine_map<(d0, d1) -> (0, 0)>
#map1 = affine_map<(d0, d1) -> (0, 0, 0)>
module attributes {stable_mosaic.version = 14 : i64} {
  func.func @k(%arg0: i32, %arg1: i32, %arg2: memref<10000x128xf32, #tpu.memory_space<hbm>>, %arg3: memref<2560x128xi32, #tpu.memory_space<hbm>>, %arg4: memref<632x128xf32, #tpu.memory_space<hbm>>, %arg5: memref<2x10112x128xf32, #tpu.memory_space<hbm>>, %arg6: memref<80x128xi32, #tpu.memory_space<vmem>>, %arg7: memref<2x128xi32, #tpu.memory_space<vmem>>, %arg8: memref<2x128xi32, #tpu.memory_space<vmem>>, %arg9: memref<2x128x128xf32, #tpu.memory_space<vmem>>, %arg10: memref<10112x128xf32, #tpu.memory_space<vmem_shared>>, %arg11: memref<!tpu.dma_semaphore, #tpu.memory_space<semaphore_mem>>, %arg12: memref<!tpu.dma_semaphore, #tpu.memory_space<semaphore_mem>>, %arg13: memref<!tpu.dma_semaphore, #tpu.memory_space<semaphore_mem>>) attributes {dimension_semantics = [#tpu.dimension_semantics<core_parallel>, #tpu.dimension_semantics<subcore_parallel>], iteration_bounds = array<i64: 2, 16>, scalar_prefetch = 0 : i64, scratch_operands = 8 : i64, tpu.core_type = #tpu.core_type<sc_vector_subcore>, window_params = [{transform_indices = #map}, {transform_indices = #map}, {transform_indices = #map}, {transform_indices = #map1}]} {
    %mul3A = arith.constant 16 : i32
    %mul3A_0 = arith.muli %arg0, %mul3A : i32
    %add3A = arith.addi %mul3A_0, %arg1 : i32
    %mul3A_1 = arith.constant 80 : i32
    %mul3A_2 = arith.muli %add3A, %mul3A_1 : i32
    %dma_start3A = arith.constant 0 : i32
    %dma_start3A_3 = tpu.memref_slice %arg3[%mul3A_2, %dma_start3A] : memref<2560x128xi32, #tpu.memory_space<hbm>> -> memref<80x128xi32, #tpu.memory_space<hbm>>
    %dma_start3A_4 = arith.constant 0 : i32
    %dma_start3A_5 = tpu.memref_slice %arg3[%mul3A_2, %dma_start3A_4] : memref<2560x128xi32, #tpu.memory_space<hbm>> -> memref<80x128xi32, #tpu.memory_space<hbm>>
    tpu.enqueue_dma source(%dma_start3A_5 : memref<80x128xi32, #tpu.memory_space<hbm>>) target(%arg6 : memref<80x128xi32, #tpu.memory_space<vmem>>) target_semaphore(%arg11 : memref<!tpu.dma_semaphore, #tpu.memory_space<semaphore_mem>>)
    %dma_wait3A = arith.constant 0 : i32
    %dma_wait3A_6 = tpu.memref_slice %arg3[%mul3A_2, %dma_wait3A] : memref<2560x128xi32, #tpu.memory_space<hbm>> -> memref<80x128xi32, #tpu.memory_space<hbm>>
    %dma_wait3A_7 = arith.constant 0 : i32
    %dma_wait3A_8 = tpu.memref_slice %arg3[%mul3A_2, %dma_wait3A_7] : memref<2560x128xi32, #tpu.memory_space<hbm>> -> memref<80x128xi32, #tpu.memory_space<hbm>>
    tpu.wait_dma2 semaphore(%arg11 : memref<!tpu.dma_semaphore, #tpu.memory_space<semaphore_mem>>) src(%dma_wait3A_8 : memref<80x128xi32, #tpu.memory_space<hbm>>) dst(%arg6 : memref<80x128xi32, #tpu.memory_space<vmem>>)
    %get3A = arith.constant 0 : i32
    %get3A_9 = arith.index_cast %get3A : i32 to index
    %get3A_10 = arith.constant 0 : index
    %get3A_11 = tpu.vector_load %arg6[%get3A_9, %get3A_10] {strides = array<i32>} : memref<80x128xi32, #tpu.memory_space<vmem>>, vector<1x16xi32>,
    %get3A_12 = vector.shape_cast %get3A_11 : vector<1x16xi32> to vector<16xi32>
    %shift_right_logical3A = arith.constant 14 : i32
    %shift_right_logical3A_13 = vector.broadcast %shift_right_logical3A : i32 to vector<16xi32>
    %shift_right_logical3A_14 = arith.shrui %get3A_12, %shift_right_logical3A_13 : vector<16xi32>
    %swap3A = arith.constant 0 : i32
    %swap3A_15 = arith.index_cast %swap3A : i32 to index
    %swap3A_16 = arith.constant 0 : index
    %swap3A_17 = tpu.vector_load %arg7[%swap3A_15, %swap3A_16] {strides = array<i32>} : memref<2x128xi32, #tpu.memory_space<vmem>>, vector<1x16xi32>,
    %swap3A_18 = vector.shape_cast %swap3A_17 : vector<1x16xi32> to vector<16xi32>
    %swap3A_19 = vector.shape_cast %shift_right_logical3A_14 : vector<16xi32> to vector<1x16xi32>
    tpu.vector_store %arg7[%swap3A_15, %swap3A_16], %swap3A_19 {strides = array<i32>} : memref<2x128xi32, #tpu.memory_space<vmem>>, vector<1x16xi32>,
    %and3A = arith.constant 16383 : i32
    %and3A_20 = vector.broadcast %and3A : i32 to vector<16xi32>
    %and3A_21 = arith.andi %get3A_12, %and3A_20 : vector<16xi32>
    %swap3A_22 = arith.constant 0 : i32
    %swap3A_23 = arith.index_cast %swap3A_22 : i32 to index
    %swap3A_24 = arith.constant 0 : index
    %swap3A_25 = tpu.vector_load %arg8[%swap3A_23, %swap3A_24] {strides = array<i32>} : memref<2x128xi32, #tpu.memory_space<vmem>>, vector<1x16xi32>,
    %swap3A_26 = vector.shape_cast %swap3A_25 : vector<1x16xi32> to vector<16xi32>
    %swap3A_27 = vector.shape_cast %and3A_21 : vector<16xi32> to vector<1x16xi32>
    tpu.vector_store %arg8[%swap3A_23, %swap3A_24], %swap3A_27 {strides = array<i32>} : memref<2x128xi32, #tpu.memory_space<vmem>>, vector<1x16xi32>,
    %get3A_28 = arith.constant 0 : i32
    %get3A_29 = arith.index_cast %get3A_28 : i32 to index
    %get3A_30 = arith.constant 16 : index
    %get3A_31 = tpu.vector_load %arg6[%get3A_29, %get3A_30] {strides = array<i32>} : memref<80x128xi32, #tpu.memory_space<vmem>>, vector<1x16xi32>,
    %get3A_32 = vector.shape_cast %get3A_31 : vector<1x16xi32> to vector<16xi32>
    %shift_right_logical3A_33 = arith.constant 14 : i32
    %shift_right_logical3A_34 = vector.broadcast %shift_right_logical3A_33 : i32 to vector<16xi32>
    %shift_right_logical3A_35 = arith.shrui %get3A_32, %shift_right_logical3A_34 : vector<16xi32>
    %swap3A_36 = arith.constant 0 : i32
    %swap3A_37 = arith.index_cast %swap3A_36 : i32 to index
    %swap3A_38 = arith.constant 16 : index
    %swap3A_39 = tpu.vector_load %arg7[%swap3A_37, %swap3A_38] {strides = array<i32>} : memref<2x128xi32, #tpu.memory_space<vmem>>, vector<1x16xi32>,
    %swap3A_40 = vector.shape_cast %swap3A_39 : vector<1x16xi32> to vector<16xi32>
    %swap3A_41 = vector.shape_cast %shift_right_logical3A_35 : vector<16xi32> to vector<1x16xi32>
    tpu.vector_store %arg7[%swap3A_37, %swap3A_38], %swap3A_41 {strides = array<i32>} : memref<2x128xi32, #tpu.memory_space<vmem>>, vector<1x16xi32>,
    %and3A_42 = arith.constant 16383 : i32
    %and3A_43 = vector.broadcast %and3A_42 : i32 to vector<16xi32>
    %and3A_44 = arith.andi %get3A_32, %and3A_43 : vector<16xi32>
    %swap3A_45 = arith.constant 0 : i32
    %swap3A_46 = arith.index_cast %swap3A_45 : i32 to index
    %swap3A_47 = arith.constant 16 : index
    %swap3A_48 = tpu.vector_load %arg8[%swap3A_46, %swap3A_47] {strides = array<i32>} : memref<2x128xi32, #tpu.memory_space<vmem>>, vector<1x16xi32>,
    %swap3A_49 = vector.shape_cast %swap3A_48 : vector<1x16xi32> to vector<16xi32>
    %swap3A_50 = vector.shape_cast %and3A_44 : vector<16xi32> to vector<1x16xi32>
    tpu.vector_store %arg8[%swap3A_46, %swap3A_47], %swap3A_50 {strides = array<i32>} : memref<2x128xi32, #tpu.memory_space<vmem>>, vector<1x16xi32>,
    %get3A_51 = arith.constant 0 : i32
    %get3A_52 = arith.index_cast %get3A_51 : i32 to index
    %get3A_53 = arith.constant 32 : index
    %get3A_54 = tpu.vector_load %arg6[%get3A_52, %get3A_53] {strides = array<i32>} : memref<80x128xi32, #tpu.memory_space<vmem>>, vector<1x16xi32>,
    %get3A_55 = vector.shape_cast %get3A_54 : vector<1x16xi32> to vector<16xi32>
    %shift_right_logical3A_56 = arith.constant 14 : i32
    %shift_right_logical3A_57 = vector.broadcast %shift_right_logical3A_56 : i32 to vector<16xi32>
    %shift_right_logical3A_58 = arith.shrui %get3A_55, %shift_right_logical3A_57 : vector<16xi32>
    %swap3A_59 = arith.constant 0 : i32
    %swap3A_60 = arith.index_cast %swap3A_59 : i32 to index
    %swap3A_61 = arith.constant 32 : index
    %swap3A_62 = tpu.vector_load %arg7[%swap3A_60, %swap3A_61] {strides = array<i32>} : memref<2x128xi32, #tpu.memory_space<vmem>>, vector<1x16xi32>,
    %swap3A_63 = vector.shape_cast %swap3A_62 : vector<1x16xi32> to vector<16xi32>
    %swap3A_64 = vector.shape_cast %shift_right_logical3A_58 : vector<16xi32> to vector<1x16xi32>
    tpu.vector_store %arg7[%swap3A_60, %swap3A_61], %swap3A_64 {strides = array<i32>} : memref<2x128xi32, #tpu.memory_space<vmem>>, vector<1x16xi32>,
    %and3A_65 = arith.constant 16383 : i32
    %and3A_66 = vector.broadcast %and3A_65 : i32 to vector<16xi32>
    %and3A_67 = arith.andi %get3A_55, %and3A_66 : vector<16xi32>
    %swap3A_68 = arith.constant 0 : i32
    %swap3A_69 = arith.index_cast %swap3A_68 : i32 to index
    %swap3A_70 = arith.constant 32 : index
    %swap3A_71 = tpu.vector_load %arg8[%swap3A_69, %swap3A_70] {strides = array<i32>} : memref<2x128xi32, #tpu.memory_space<vmem>>, vector<1x16xi32>,
    %swap3A_72 = vector.shape_cast %swap3A_71 : vector<1x16xi32> to vector<16xi32>
    %swap3A_73 = vector.shape_cast %and3A_67 : vector<16xi32> to vector<1x16xi32>
    tpu.vector_store %arg8[%swap3A_69, %swap3A_70], %swap3A_73 {strides = array<i32>} : memref<2x128xi32, #tpu.memory_space<vmem>>, vector<1x16xi32>,
    %get3A_74 = arith.constant 0 : i32
    %get3A_75 = arith.index_cast %get3A_74 : i32 to index
    %get3A_76 = arith.constant 48 : index
    %get3A_77 = tpu.vector_load %arg6[%get3A_75, %get3A_76] {strides = array<i32>} : memref<80x128xi32, #tpu.memory_space<vmem>>, vector<1x16xi32>,
    %get3A_78 = vector.shape_cast %get3A_77 : vector<1x16xi32> to vector<16xi32>
    %shift_right_logical3A_79 = arith.constant 14 : i32
    %shift_right_logical3A_80 = vector.broadcast %shift_right_logical3A_79 : i32 to vector<16xi32>
    %shift_right_logical3A_81 = arith.shrui %get3A_78, %shift_right_logical3A_80 : vector<16xi32>
    %swap3A_82 = arith.constant 0 : i32
    %swap3A_83 = arith.index_cast %swap3A_82 : i32 to index
    %swap3A_84 = arith.constant 48 : index
    %swap3A_85 = tpu.vector_load %arg7[%swap3A_83, %swap3A_84] {strides = array<i32>} : memref<2x128xi32, #tpu.memory_space<vmem>>, vector<1x16xi32>,
    %swap3A_86 = vector.shape_cast %swap3A_85 : vector<1x16xi32> to vector<16xi32>
    %swap3A_87 = vector.shape_cast %shift_right_logical3A_81 : vector<16xi32> to vector<1x16xi32>
    tpu.vector_store %arg7[%swap3A_83, %swap3A_84], %swap3A_87 {strides = array<i32>} : memref<2x128xi32, #tpu.memory_space<vmem>>, vector<1x16xi32>,
    %and3A_88 = arith.constant 16383 : i32
    %and3A_89 = vector.broadcast %and3A_88 : i32 to vector<16xi32>
    %and3A_90 = arith.andi %get3A_78, %and3A_89 : vector<16xi32>
    %swap3A_91 = arith.constant 0 : i32
    %swap3A_92 = arith.index_cast %swap3A_91 : i32 to index
    %swap3A_93 = arith.constant 48 : index
    %swap3A_94 = tpu.vector_load %arg8[%swap3A_92, %swap3A_93] {strides = array<i32>} : memref<2x128xi32, #tpu.memory_space<vmem>>, vector<1x16xi32>,
    %swap3A_95 = vector.shape_cast %swap3A_94 : vector<1x16xi32> to vector<16xi32>
    %swap3A_96 = vector.shape_cast %and3A_90 : vector<16xi32> to vector<1x16xi32>
    tpu.vector_store %arg8[%swap3A_92, %swap3A_93], %swap3A_96 {strides = array<i32>} : memref<2x128xi32, #tpu.memory_space<vmem>>, vector<1x16xi32>,
    %get3A_97 = arith.constant 0 : i32
    %get3A_98 = arith.index_cast %get3A_97 : i32 to index
    %get3A_99 = arith.constant 64 : index
    %get3A_100 = tpu.vector_load %arg6[%get3A_98, %get3A_99] {strides = array<i32>} : memref<80x128xi32, #tpu.memory_space<vmem>>, vector<1x16xi32>,
    %get3A_101 = vector.shape_cast %get3A_100 : vector<1x16xi32> to vector<16xi32>
    %shift_right_logical3A_102 = arith.constant 14 : i32
    %shift_right_logical3A_103 = vector.broadcast %shift_right_logical3A_102 : i32 to vector<16xi32>
    %shift_right_logical3A_104 = arith.shrui %get3A_101, %shift_right_logical3A_103 : vector<16xi32>
    %swap3A_105 = arith.constant 0 : i32
    %swap3A_106 = arith.index_cast %swap3A_105 : i32 to index
    %swap3A_107 = arith.constant 64 : index
    %swap3A_108 = tpu.vector_load %arg7[%swap3A_106, %swap3A_107] {strides = array<i32>} : memref<2x128xi32, #tpu.memory_space<vmem>>, vector<1x16xi32>,
    %swap3A_109 = vector.shape_cast %swap3A_108 : vector<1x16xi32> to vector<16xi32>
    %swap3A_110 = vector.shape_cast %shift_right_logical3A_104 : vector<16xi32> to vector<1x16xi32>
    tpu.vector_store %arg7[%swap3A_106, %swap3A_107], %swap3A_110 {strides = array<i32>} : memref<2x128xi32, #tpu.memory_space<vmem>>, vector<1x16xi32>,
    %and3A_111 = arith.constant 16383 : i32
    %and3A_112 = vector.broadcast %and3A_111 : i32 to vector<16xi32>
    %and3A_113 = arith.andi %get3A_101, %and3A_112 : vector<16xi32>
    %swap3A_114 = arith.constant 0 : i32
    %swap3A_115 = arith.index_cast %swap3A_114 : i32 to index
    %swap3A_116 = arith.constant 64 : index
    %swap3A_117 = tpu.vector_load %arg8[%swap3A_115, %swap3A_116] {strides = array<i32>} : memref<2x128xi32, #tpu.memory_space<vmem>>, vector<1x16xi32>,
    %swap3A_118 = vector.shape_cast %swap3A_117 : vector<1x16xi32> to vector<16xi32>
    %swap3A_119 = vector.shape_cast %and3A_113 : vector<16xi32> to vector<1x16xi32>
    tpu.vector_store %arg8[%swap3A_115, %swap3A_116], %swap3A_119 {strides = array<i32>} : memref<2x128xi32, #tpu.memory_space<vmem>>, vector<1x16xi32>,
    %get3A_120 = arith.constant 0 : i32
    %get3A_121 = arith.index_cast %get3A_120 : i32 to index
    %get3A_122 = arith.constant 80 : index
    %get3A_123 = tpu.vector_load %arg6[%get3A_121, %get3A_122] {strides = array<i32>} : memref<80x128xi32, #tpu.memory_space<vmem>>, vector<1x16xi32>,
    %get3A_124 = vector.shape_cast %get3A_123 : vector<1x16xi32> to vector<16xi32>
    %shift_right_logical3A_125 = arith.constant 14 : i32
    %shift_right_logical3A_126 = vector.broadcast %shift_right_logical3A_125 : i32 to vector<16xi32>
    %shift_right_logical3A_127 = arith.shrui %get3A_124, %shift_right_logical3A_126 : vector<16xi32>
    %swap3A_128 = arith.constant 0 : i32
    %swap3A_129 = arith.index_cast %swap3A_128 : i32 to index
    %swap3A_130 = arith.constant 80 : index
    %swap3A_131 = tpu.vector_load %arg7[%swap3A_129, %swap3A_130] {strides = array<i32>} : memref<2x128xi32, #tpu.memory_space<vmem>>, vector<1x16xi32>,
    %swap3A_132 = vector.shape_cast %swap3A_131 : vector<1x16xi32> to vector<16xi32>
    %swap3A_133 = vector.shape_cast %shift_right_logical3A_127 : vector<16xi32> to vector<1x16xi32>
    tpu.vector_store %arg7[%swap3A_129, %swap3A_130], %swap3A_133 {strides = array<i32>} : memref<2x128xi32, #tpu.memory_space<vmem>>, vector<1x16xi32>,
    %and3A_134 = arith.constant 16383 : i32
    %and3A_135 = vector.broadcast %and3A_134 : i32 to vector<16xi32>
    %and3A_136 = arith.andi %get3A_124, %and3A_135 : vector<16xi32>
    %swap3A_137 = arith.constant 0 : i32
    %swap3A_138 = arith.index_cast %swap3A_137 : i32 to index
    %swap3A_139 = arith.constant 80 : index
    %swap3A_140 = tpu.vector_load %arg8[%swap3A_138, %swap3A_139] {strides = array<i32>} : memref<2x128xi32, #tpu.memory_space<vmem>>, vector<1x16xi32>,
    %swap3A_141 = vector.shape_cast %swap3A_140 : vector<1x16xi32> to vector<16xi32>
    %swap3A_142 = vector.shape_cast %and3A_136 : vector<16xi32> to vector<1x16xi32>
    tpu.vector_store %arg8[%swap3A_138, %swap3A_139], %swap3A_142 {strides = array<i32>} : memref<2x128xi32, #tpu.memory_space<vmem>>, vector<1x16xi32>,
    %get3A_143 = arith.constant 0 : i32
    %get3A_144 = arith.index_cast %get3A_143 : i32 to index
    %get3A_145 = arith.constant 96 : index
    %get3A_146 = tpu.vector_load %arg6[%get3A_144, %get3A_145] {strides = array<i32>} : memref<80x128xi32, #tpu.memory_space<vmem>>, vector<1x16xi32>,
    %get3A_147 = vector.shape_cast %get3A_146 : vector<1x16xi32> to vector<16xi32>
    %shift_right_logical3A_148 = arith.constant 14 : i32
    %shift_right_logical3A_149 = vector.broadcast %shift_right_logical3A_148 : i32 to vector<16xi32>
    %shift_right_logical3A_150 = arith.shrui %get3A_147, %shift_right_logical3A_149 : vector<16xi32>
    %swap3A_151 = arith.constant 0 : i32
    %swap3A_152 = arith.index_cast %swap3A_151 : i32 to index
    %swap3A_153 = arith.constant 96 : index
    %swap3A_154 = tpu.vector_load %arg7[%swap3A_152, %swap3A_153] {strides = array<i32>} : memref<2x128xi32, #tpu.memory_space<vmem>>, vector<1x16xi32>,
    %swap3A_155 = vector.shape_cast %swap3A_154 : vector<1x16xi32> to vector<16xi32>
    %swap3A_156 = vector.shape_cast %shift_right_logical3A_150 : vector<16xi32> to vector<1x16xi32>
    tpu.vector_store %arg7[%swap3A_152, %swap3A_153], %swap3A_156 {strides = array<i32>} : memref<2x128xi32, #tpu.memory_space<vmem>>, vector<1x16xi32>,
    %and3A_157 = arith.constant 16383 : i32
    %and3A_158 = vector.broadcast %and3A_157 : i32 to vector<16xi32>
    %and3A_159 = arith.andi %get3A_147, %and3A_158 : vector<16xi32>
    %swap3A_160 = arith.constant 0 : i32
    %swap3A_161 = arith.index_cast %swap3A_160 : i32 to index
    %swap3A_162 = arith.constant 96 : index
    %swap3A_163 = tpu.vector_load %arg8[%swap3A_161, %swap3A_162] {strides = array<i32>} : memref<2x128xi32, #tpu.memory_space<vmem>>, vector<1x16xi32>,
    %swap3A_164 = vector.shape_cast %swap3A_163 : vector<1x16xi32> to vector<16xi32>
    %swap3A_165 = vector.shape_cast %and3A_159 : vector<16xi32> to vector<1x16xi32>
    tpu.vector_store %arg8[%swap3A_161, %swap3A_162], %swap3A_165 {strides = array<i32>} : memref<2x128xi32, #tpu.memory_space<vmem>>, vector<1x16xi32>,
    %get3A_166 = arith.constant 0 : i32
    %get3A_167 = arith.index_cast %get3A_166 : i32 to index
    %get3A_168 = arith.constant 112 : index
    %get3A_169 = tpu.vector_load %arg6[%get3A_167, %get3A_168] {strides = array<i32>} : memref<80x128xi32, #tpu.memory_space<vmem>>, vector<1x16xi32>,
    %get3A_170 = vector.shape_cast %get3A_169 : vector<1x16xi32> to vector<16xi32>
    %shift_right_logical3A_171 = arith.constant 14 : i32
    %shift_right_logical3A_172 = vector.broadcast %shift_right_logical3A_171 : i32 to vector<16xi32>
    %shift_right_logical3A_173 = arith.shrui %get3A_170, %shift_right_logical3A_172 : vector<16xi32>
    %swap3A_174 = arith.constant 0 : i32
    %swap3A_175 = arith.index_cast %swap3A_174 : i32 to index
    %swap3A_176 = arith.constant 112 : index
    %swap3A_177 = tpu.vector_load %arg7[%swap3A_175, %swap3A_176] {strides = array<i32>} : memref<2x128xi32, #tpu.memory_space<vmem>>, vector<1x16xi32>,
    %swap3A_178 = vector.shape_cast %swap3A_177 : vector<1x16xi32> to vector<16xi32>
    %swap3A_179 = vector.shape_cast %shift_right_logical3A_173 : vector<16xi32> to vector<1x16xi32>
    tpu.vector_store %arg7[%swap3A_175, %swap3A_176], %swap3A_179 {strides = array<i32>} : memref<2x128xi32, #tpu.memory_space<vmem>>, vector<1x16xi32>,
    %and3A_180 = arith.constant 16383 : i32
    %and3A_181 = vector.broadcast %and3A_180 : i32 to vector<16xi32>
    %and3A_182 = arith.andi %get3A_170, %and3A_181 : vector<16xi32>
    %swap3A_183 = arith.constant 0 : i32
    %swap3A_184 = arith.index_cast %swap3A_183 : i32 to index
    %swap3A_185 = arith.constant 112 : index
    %swap3A_186 = tpu.vector_load %arg8[%swap3A_184, %swap3A_185] {strides = array<i32>} : memref<2x128xi32, #tpu.memory_space<vmem>>, vector<1x16xi32>,
    %swap3A_187 = vector.shape_cast %swap3A_186 : vector<1x16xi32> to vector<16xi32>
    %swap3A_188 = vector.shape_cast %and3A_182 : vector<16xi32> to vector<1x16xi32>
    tpu.vector_store %arg8[%swap3A_184, %swap3A_185], %swap3A_188 {strides = array<i32>} : memref<2x128xi32, #tpu.memory_space<vmem>>, vector<1x16xi32>,
    %dma_start3A_189 = arith.constant 0 : i32
    %dma_start3A_190 = arith.constant 0 : i32
    %dma_start3A_191 = arith.constant 0 : i32
    %dma_start3A_192 = arith.constant 0 : i32
    %dma_start3A_193 = tpu.memref_slice %arg9[%dma_start3A_190, %dma_start3A_191, %dma_start3A_192] : memref<2x128x128xf32, #tpu.memory_space<vmem>> -> memref<1x128x128xf32, #tpu.memory_space<vmem>>
    %dma_start3A_194 = tpu.memref_squeeze %dma_start3A_193 : memref<1x128x128xf32, #tpu.memory_space<vmem>> -> memref<128x128xf32, #tpu.memory_space<vmem>>
    %dma_start3A_195 = arith.constant 0 : i32
    %dma_start3A_196 = tpu.memref_slice %arg7[%dma_start3A_189, %dma_start3A_195] : memref<2x128xi32, #tpu.memory_space<vmem>> -> memref<1x128xi32, #tpu.memory_space<vmem>>
    %dma_start3A_197 = tpu.memref_squeeze %dma_start3A_196 : memref<1x128xi32, #tpu.memory_space<vmem>> -> memref<128xi32, #tpu.memory_space<vmem>>
    %dma_start3A_198 = arith.constant 0 : i32
    %dma_start3A_199 = arith.constant 0 : i32
    %dma_start3A_200 = tpu.memref_slice %arg2[%dma_start3A_198, %dma_start3A_199] : memref<10000x128xf32, #tpu.memory_space<hbm>> -> memref<10000x128xf32, #tpu.memory_space<hbm>>
    tpu.enqueue_indirect_dma source(%dma_start3A_200 : memref<10000x128xf32, #tpu.memory_space<hbm>>) target(%dma_start3A_194 : memref<128x128xf32, #tpu.memory_space<vmem>>) offsets(%dma_start3A_197 : memref<128xi32, #tpu.memory_space<vmem>>) semaphore(%arg12 : memref<!tpu.dma_semaphore, #tpu.memory_space<semaphore_mem>>)
    %get3A_201 = arith.constant 1 : i32
    %get3A_202 = arith.index_cast %get3A_201 : i32 to index
    %get3A_203 = arith.constant 0 : index
    %get3A_204 = tpu.vector_load %arg6[%get3A_202, %get3A_203] {strides = array<i32>} : memref<80x128xi32, #tpu.memory_space<vmem>>, vector<1x16xi32>,
    %get3A_205 = vector.shape_cast %get3A_204 : vector<1x16xi32> to vector<16xi32>
    %shift_right_logical3A_206 = arith.constant 14 : i32
    %shift_right_logical3A_207 = vector.broadcast %shift_right_logical3A_206 : i32 to vector<16xi32>
    %shift_right_logical3A_208 = arith.shrui %get3A_205, %shift_right_logical3A_207 : vector<16xi32>
    %swap3A_209 = arith.constant 1 : i32
    %swap3A_210 = arith.index_cast %swap3A_209 : i32 to index
    %swap3A_211 = arith.constant 0 : index
    %swap3A_212 = tpu.vector_load %arg7[%swap3A_210, %swap3A_211] {strides = array<i32>} : memref<2x128xi32, #tpu.memory_space<vmem>>, vector<1x16xi32>,
    %swap3A_213 = vector.shape_cast %swap3A_212 : vector<1x16xi32> to vector<16xi32>
    %swap3A_214 = vector.shape_cast %shift_right_logical3A_208 : vector<16xi32> to vector<1x16xi32>
    tpu.vector_store %arg7[%swap3A_210, %swap3A_211], %swap3A_214 {strides = array<i32>} : memref<2x128xi32, #tpu.memory_space<vmem>>, vector<1x16xi32>,
    %and3A_215 = arith.constant 16383 : i32
    %and3A_216 = vector.broadcast %and3A_215 : i32 to vector<16xi32>
    %and3A_217 = arith.andi %get3A_205, %and3A_216 : vector<16xi32>
    %swap3A_218 = arith.constant 1 : i32
    %swap3A_219 = arith.index_cast %swap3A_218 : i32 to index
    %swap3A_220 = arith.constant 0 : index
    %swap3A_221 = tpu.vector_load %arg8[%swap3A_219, %swap3A_220] {strides = array<i32>} : memref<2x128xi32, #tpu.memory_space<vmem>>, vector<1x16xi32>,
    %swap3A_222 = vector.shape_cast %swap3A_221 : vector<1x16xi32> to vector<16xi32>
    %swap3A_223 = vector.shape_cast %and3A_217 : vector<16xi32> to vector<1x16xi32>
    tpu.vector_store %arg8[%swap3A_219, %swap3A_220], %swap3A_223 {strides = array<i32>} : memref<2x128xi32, #tpu.memory_space<vmem>>, vector<1x16xi32>,
    %get3A_224 = arith.constant 1 : i32
    %get3A_225 = arith.index_cast %get3A_224 : i32 to index
    %get3A_226 = arith.constant 16 : index
    %get3A_227 = tpu.vector_load %arg6[%get3A_225, %get3A_226] {strides = array<i32>} : memref<80x128xi32, #tpu.memory_space<vmem>>, vector<1x16xi32>,
    %get3A_228 = vector.shape_cast %get3A_227 : vector<1x16xi32> to vector<16xi32>
    %shift_right_logical3A_229 = arith.constant 14 : i32
    %shift_right_logical3A_230 = vector.broadcast %shift_right_logical3A_229 : i32 to vector<16xi32>
    %shift_right_logical3A_231 = arith.shrui %get3A_228, %shift_right_logical3A_230 : vector<16xi32>
    %swap3A_232 = arith.constant 1 : i32
    %swap3A_233 = arith.index_cast %swap3A_232 : i32 to index
    %swap3A_234 = arith.constant 16 : index
    %swap3A_235 = tpu.vector_load %arg7[%swap3A_233, %swap3A_234] {strides = array<i32>} : memref<2x128xi32, #tpu.memory_space<vmem>>, vector<1x16xi32>,
    %swap3A_236 = vector.shape_cast %swap3A_235 : vector<1x16xi32> to vector<16xi32>
    %swap3A_237 = vector.shape_cast %shift_right_logical3A_231 : vector<16xi32> to vector<1x16xi32>
    tpu.vector_store %arg7[%swap3A_233, %swap3A_234], %swap3A_237 {strides = array<i32>} : memref<2x128xi32, #tpu.memory_space<vmem>>, vector<1x16xi32>,
    %and3A_238 = arith.constant 16383 : i32
    %and3A_239 = vector.broadcast %and3A_238 : i32 to vector<16xi32>
    %and3A_240 = arith.andi %get3A_228, %and3A_239 : vector<16xi32>
    %swap3A_241 = arith.constant 1 : i32
    %swap3A_242 = arith.index_cast %swap3A_241 : i32 to index
    %swap3A_243 = arith.constant 16 : index
    %swap3A_244 = tpu.vector_load %arg8[%swap3A_242, %swap3A_243] {strides = array<i32>} : memref<2x128xi32, #tpu.memory_space<vmem>>, vector<1x16xi32>,
    %swap3A_245 = vector.shape_cast %swap3A_244 : vector<1x16xi32> to vector<16xi32>
    %swap3A_246 = vector.shape_cast %and3A_240 : vector<16xi32> to vector<1x16xi32>
    tpu.vector_store %arg8[%swap3A_242, %swap3A_243], %swap3A_246 {strides = array<i32>} : memref<2x128xi32, #tpu.memory_space<vmem>>, vector<1x16xi32>,
    %get3A_247 = arith.constant 1 : i32
    %get3A_248 = arith.index_cast %get3A_247 : i32 to index
    %get3A_249 = arith.constant 32 : index
    %get3A_250 = tpu.vector_load %arg6[%get3A_248, %get3A_249] {strides = array<i32>} : memref<80x128xi32, #tpu.memory_space<vmem>>, vector<1x16xi32>,
    %get3A_251 = vector.shape_cast %get3A_250 : vector<1x16xi32> to vector<16xi32>
    %shift_right_logical3A_252 = arith.constant 14 : i32
    %shift_right_logical3A_253 = vector.broadcast %shift_right_logical3A_252 : i32 to vector<16xi32>
    %shift_right_logical3A_254 = arith.shrui %get3A_251, %shift_right_logical3A_253 : vector<16xi32>
    %swap3A_255 = arith.constant 1 : i32
    %swap3A_256 = arith.index_cast %swap3A_255 : i32 to index
    %swap3A_257 = arith.constant 32 : index
    %swap3A_258 = tpu.vector_load %arg7[%swap3A_256, %swap3A_257] {strides = array<i32>} : memref<2x128xi32, #tpu.memory_space<vmem>>, vector<1x16xi32>,
    %swap3A_259 = vector.shape_cast %swap3A_258 : vector<1x16xi32> to vector<16xi32>
    %swap3A_260 = vector.shape_cast %shift_right_logical3A_254 : vector<16xi32> to vector<1x16xi32>
    tpu.vector_store %arg7[%swap3A_256, %swap3A_257], %swap3A_260 {strides = array<i32>} : memref<2x128xi32, #tpu.memory_space<vmem>>, vector<1x16xi32>,
    %and3A_261 = arith.constant 16383 : i32
    %and3A_262 = vector.broadcast %and3A_261 : i32 to vector<16xi32>
    %and3A_263 = arith.andi %get3A_251, %and3A_262 : vector<16xi32>
    %swap3A_264 = arith.constant 1 : i32
    %swap3A_265 = arith.index_cast %swap3A_264 : i32 to index
    %swap3A_266 = arith.constant 32 : index
    %swap3A_267 = tpu.vector_load %arg8[%swap3A_265, %swap3A_266] {strides = array<i32>} : memref<2x128xi32, #tpu.memory_space<vmem>>, vector<1x16xi32>,
    %swap3A_268 = vector.shape_cast %swap3A_267 : vector<1x16xi32> to vector<16xi32>
    %swap3A_269 = vector.shape_cast %and3A_263 : vector<16xi32> to vector<1x16xi32>
    tpu.vector_store %arg8[%swap3A_265, %swap3A_266], %swap3A_269 {strides = array<i32>} : memref<2x128xi32, #tpu.memory_space<vmem>>, vector<1x16xi32>,
    %get3A_270 = arith.constant 1 : i32
    %get3A_271 = arith.index_cast %get3A_270 : i32 to index
    %get3A_272 = arith.constant 48 : index
    %get3A_273 = tpu.vector_load %arg6[%get3A_271, %get3A_272] {strides = array<i32>} : memref<80x128xi32, #tpu.memory_space<vmem>>, vector<1x16xi32>,
    %get3A_274 = vector.shape_cast %get3A_273 : vector<1x16xi32> to vector<16xi32>
    %shift_right_logical3A_275 = arith.constant 14 : i32
    %shift_right_logical3A_276 = vector.broadcast %shift_right_logical3A_275 : i32 to vector<16xi32>
    %shift_right_logical3A_277 = arith.shrui %get3A_274, %shift_right_logical3A_276 : vector<16xi32>
    %swap3A_278 = arith.constant 1 : i32
    %swap3A_279 = arith.index_cast %swap3A_278 : i32 to index
    %swap3A_280 = arith.constant 48 : index
    %swap3A_281 = tpu.vector_load %arg7[%swap3A_279, %swap3A_280] {strides = array<i32>} : memref<2x128xi32, #tpu.memory_space<vmem>>, vector<1x16xi32>,
    %swap3A_282 = vector.shape_cast %swap3A_281 : vector<1x16xi32> to vector<16xi32>
    %swap3A_283 = vector.shape_cast %shift_right_logical3A_277 : vector<16xi32> to vector<1x16xi32>
    tpu.vector_store %arg7[%swap3A_279, %swap3A_280], %swap3A_283 {strides = array<i32>} : memref<2x128xi32, #tpu.memory_space<vmem>>, vector<1x16xi32>,
    %and3A_284 = arith.constant 16383 : i32
    %and3A_285 = vector.broadcast %and3A_284 : i32 to vector<16xi32>
    %and3A_286 = arith.andi %get3A_274, %and3A_285 : vector<16xi32>
    %swap3A_287 = arith.constant 1 : i32
    %swap3A_288 = arith.index_cast %swap3A_287 : i32 to index
    %swap3A_289 = arith.constant 48 : index
    %swap3A_290 = tpu.vector_load %arg8[%swap3A_288, %swap3A_289] {strides = array<i32>} : memref<2x128xi32, #tpu.memory_space<vmem>>, vector<1x16xi32>,
    %swap3A_291 = vector.shape_cast %swap3A_290 : vector<1x16xi32> to vector<16xi32>
    %swap3A_292 = vector.shape_cast %and3A_286 : vector<16xi32> to vector<1x16xi32>
    tpu.vector_store %arg8[%swap3A_288, %swap3A_289], %swap3A_292 {strides = array<i32>} : memref<2x128xi32, #tpu.memory_space<vmem>>, vector<1x16xi32>,
    %get3A_293 = arith.constant 1 : i32
    %get3A_294 = arith.index_cast %get3A_293 : i32 to index
    %get3A_295 = arith.constant 64 : index
    %get3A_296 = tpu.vector_load %arg6[%get3A_294, %get3A_295] {strides = array<i32>} : memref<80x128xi32, #tpu.memory_space<vmem>>, vector<1x16xi32>,
    %get3A_297 = vector.shape_cast %get3A_296 : vector<1x16xi32> to vector<16xi32>
    %shift_right_logical3A_298 = arith.constant 14 : i32
    %shift_right_logical3A_299 = vector.broadcast %shift_right_logical3A_298 : i32 to vector<16xi32>
    %shift_right_logical3A_300 = arith.shrui %get3A_297, %shift_right_logical3A_299 : vector<16xi32>
    %swap3A_301 = arith.constant 1 : i32
    %swap3A_302 = arith.index_cast %swap3A_301 : i32 to index
    %swap3A_303 = arith.constant 64 : index
    %swap3A_304 = tpu.vector_load %arg7[%swap3A_302, %swap3A_303] {strides = array<i32>} : memref<2x128xi32, #tpu.memory_space<vmem>>, vector<1x16xi32>,
    %swap3A_305 = vector.shape_cast %swap3A_304 : vector<1x16xi32> to vector<16xi32>
    %swap3A_306 = vector.shape_cast %shift_right_logical3A_300 : vector<16xi32> to vector<1x16xi32>
    tpu.vector_store %arg7[%swap3A_302, %swap3A_303], %swap3A_306 {strides = array<i32>} : memref<2x128xi32, #tpu.memory_space<vmem>>, vector<1x16xi32>,
    %and3A_307 = arith.constant 16383 : i32
    %and3A_308 = vector.broadcast %and3A_307 : i32 to vector<16xi32>
    %and3A_309 = arith.andi %get3A_297, %and3A_308 : vector<16xi32>
    %swap3A_310 = arith.constant 1 : i32
    %swap3A_311 = arith.index_cast %swap3A_310 : i32 to index
    %swap3A_312 = arith.constant 64 : index
    %swap3A_313 = tpu.vector_load %arg8[%swap3A_311, %swap3A_312] {strides = array<i32>} : memref<2x128xi32, #tpu.memory_space<vmem>>, vector<1x16xi32>,
    %swap3A_314 = vector.shape_cast %swap3A_313 : vector<1x16xi32> to vector<16xi32>
    %swap3A_315 = vector.shape_cast %and3A_309 : vector<16xi32> to vector<1x16xi32>
    tpu.vector_store %arg8[%swap3A_311, %swap3A_312], %swap3A_315 {strides = array<i32>} : memref<2x128xi32, #tpu.memory_space<vmem>>, vector<1x16xi32>,
    %get3A_316 = arith.constant 1 : i32
    %get3A_317 = arith.index_cast %get3A_316 : i32 to index
    %get3A_318 = arith.constant 80 : index
    %get3A_319 = tpu.vector_load %arg6[%get3A_317, %get3A_318] {strides = array<i32>} : memref<80x128xi32, #tpu.memory_space<vmem>>, vector<1x16xi32>,
    %get3A_320 = vector.shape_cast %get3A_319 : vector<1x16xi32> to vector<16xi32>
    %shift_right_logical3A_321 = arith.constant 14 : i32
    %shift_right_logical3A_322 = vector.broadcast %shift_right_logical3A_321 : i32 to vector<16xi32>
    %shift_right_logical3A_323 = arith.shrui %get3A_320, %shift_right_logical3A_322 : vector<16xi32>
    %swap3A_324 = arith.constant 1 : i32
    %swap3A_325 = arith.index_cast %swap3A_324 : i32 to index
    %swap3A_326 = arith.constant 80 : index
    %swap3A_327 = tpu.vector_load %arg7[%swap3A_325, %swap3A_326] {strides = array<i32>} : memref<2x128xi32, #tpu.memory_space<vmem>>, vector<1x16xi32>,
    %swap3A_328 = vector.shape_cast %swap3A_327 : vector<1x16xi32> to vector<16xi32>
    %swap3A_329 = vector.shape_cast %shift_right_logical3A_323 : vector<16xi32> to vector<1x16xi32>
    tpu.vector_store %arg7[%swap3A_325, %swap3A_326], %swap3A_329 {strides = array<i32>} : memref<2x128xi32, #tpu.memory_space<vmem>>, vector<1x16xi32>,
    %and3A_330 = arith.constant 16383 : i32
    %and3A_331 = vector.broadcast %and3A_330 : i32 to vector<16xi32>
    %and3A_332 = arith.andi %get3A_320, %and3A_331 : vector<16xi32>
    %swap3A_333 = arith.constant 1 : i32
    %swap3A_334 = arith.index_cast %swap3A_333 : i32 to index
    %swap3A_335 = arith.constant 80 : index
    %swap3A_336 = tpu.vector_load %arg8[%swap3A_334, %swap3A_335] {strides = array<i32>} : memref<2x128xi32, #tpu.memory_space<vmem>>, vector<1x16xi32>,
    %swap3A_337 = vector.shape_cast %swap3A_336 : vector<1x16xi32> to vector<16xi32>
    %swap3A_338 = vector.shape_cast %and3A_332 : vector<16xi32> to vector<1x16xi32>
    tpu.vector_store %arg8[%swap3A_334, %swap3A_335], %swap3A_338 {strides = array<i32>} : memref<2x128xi32, #tpu.memory_space<vmem>>, vector<1x16xi32>,
    %get3A_339 = arith.constant 1 : i32
    %get3A_340 = arith.index_cast %get3A_339 : i32 to index
    %get3A_341 = arith.constant 96 : index
    %get3A_342 = tpu.vector_load %arg6[%get3A_340, %get3A_341] {strides = array<i32>} : memref<80x128xi32, #tpu.memory_space<vmem>>, vector<1x16xi32>,
    %get3A_343 = vector.shape_cast %get3A_342 : vector<1x16xi32> to vector<16xi32>
    %shift_right_logical3A_344 = arith.constant 14 : i32
    %shift_right_logical3A_345 = vector.broadcast %shift_right_logical3A_344 : i32 to vector<16xi32>
    %shift_right_logical3A_346 = arith.shrui %get3A_343, %shift_right_logical3A_345 : vector<16xi32>
    %swap3A_347 = arith.constant 1 : i32
    %swap3A_348 = arith.index_cast %swap3A_347 : i32 to index
    %swap3A_349 = arith.constant 96 : index
    %swap3A_350 = tpu.vector_load %arg7[%swap3A_348, %swap3A_349] {strides = array<i32>} : memref<2x128xi32, #tpu.memory_space<vmem>>, vector<1x16xi32>,
    %swap3A_351 = vector.shape_cast %swap3A_350 : vector<1x16xi32> to vector<16xi32>
    %swap3A_352 = vector.shape_cast %shift_right_logical3A_346 : vector<16xi32> to vector<1x16xi32>
    tpu.vector_store %arg7[%swap3A_348, %swap3A_349], %swap3A_352 {strides = array<i32>} : memref<2x128xi32, #tpu.memory_space<vmem>>, vector<1x16xi32>,
    %and3A_353 = arith.constant 16383 : i32
    %and3A_354 = vector.broadcast %and3A_353 : i32 to vector<16xi32>
    %and3A_355 = arith.andi %get3A_343, %and3A_354 : vector<16xi32>
    %swap3A_356 = arith.constant 1 : i32
    %swap3A_357 = arith.index_cast %swap3A_356 : i32 to index
    %swap3A_358 = arith.constant 96 : index
    %swap3A_359 = tpu.vector_load %arg8[%swap3A_357, %swap3A_358] {strides = array<i32>} : memref<2x128xi32, #tpu.memory_space<vmem>>, vector<1x16xi32>,
    %swap3A_360 = vector.shape_cast %swap3A_359 : vector<1x16xi32> to vector<16xi32>
    %swap3A_361 = vector.shape_cast %and3A_355 : vector<16xi32> to vector<1x16xi32>
    tpu.vector_store %arg8[%swap3A_357, %swap3A_358], %swap3A_361 {strides = array<i32>} : memref<2x128xi32, #tpu.memory_space<vmem>>, vector<1x16xi32>,
    %get3A_362 = arith.constant 1 : i32
    %get3A_363 = arith.index_cast %get3A_362 : i32 to index
    %get3A_364 = arith.constant 112 : index
    %get3A_365 = tpu.vector_load %arg6[%get3A_363, %get3A_364] {strides = array<i32>} : memref<80x128xi32, #tpu.memory_space<vmem>>, vector<1x16xi32>,
    %get3A_366 = vector.shape_cast %get3A_365 : vector<1x16xi32> to vector<16xi32>
    %shift_right_logical3A_367 = arith.constant 14 : i32
    %shift_right_logical3A_368 = vector.broadcast %shift_right_logical3A_367 : i32 to vector<16xi32>
    %shift_right_logical3A_369 = arith.shrui %get3A_366, %shift_right_logical3A_368 : vector<16xi32>
    %swap3A_370 = arith.constant 1 : i32
    %swap3A_371 = arith.index_cast %swap3A_370 : i32 to index
    %swap3A_372 = arith.constant 112 : index
    %swap3A_373 = tpu.vector_load %arg7[%swap3A_371, %swap3A_372] {strides = array<i32>} : memref<2x128xi32, #tpu.memory_space<vmem>>, vector<1x16xi32>,
    %swap3A_374 = vector.shape_cast %swap3A_373 : vector<1x16xi32> to vector<16xi32>
    %swap3A_375 = vector.shape_cast %shift_right_logical3A_369 : vector<16xi32> to vector<1x16xi32>
    tpu.vector_store %arg7[%swap3A_371, %swap3A_372], %swap3A_375 {strides = array<i32>} : memref<2x128xi32, #tpu.memory_space<vmem>>, vector<1x16xi32>,
    %and3A_376 = arith.constant 16383 : i32
    %and3A_377 = vector.broadcast %and3A_376 : i32 to vector<16xi32>
    %and3A_378 = arith.andi %get3A_366, %and3A_377 : vector<16xi32>
    %swap3A_379 = arith.constant 1 : i32
    %swap3A_380 = arith.index_cast %swap3A_379 : i32 to index
    %swap3A_381 = arith.constant 112 : index
    %swap3A_382 = tpu.vector_load %arg8[%swap3A_380, %swap3A_381] {strides = array<i32>} : memref<2x128xi32, #tpu.memory_space<vmem>>, vector<1x16xi32>,
    %swap3A_383 = vector.shape_cast %swap3A_382 : vector<1x16xi32> to vector<16xi32>
    %swap3A_384 = vector.shape_cast %and3A_378 : vector<16xi32> to vector<1x16xi32>
    tpu.vector_store %arg8[%swap3A_380, %swap3A_381], %swap3A_384 {strides = array<i32>} : memref<2x128xi32, #tpu.memory_space<vmem>>, vector<1x16xi32>,
    %dma_start3A_385 = arith.constant 1 : i32
    %dma_start3A_386 = arith.constant 1 : i32
    %dma_start3A_387 = arith.constant 0 : i32
    %dma_start3A_388 = arith.constant 0 : i32
    %dma_start3A_389 = tpu.memref_slice %arg9[%dma_start3A_386, %dma_start3A_387, %dma_start3A_388] : memref<2x128x128xf32, #tpu.memory_space<vmem>> -> memref<1x128x128xf32, #tpu.memory_space<vmem>>
    %dma_start3A_390 = tpu.memref_squeeze %dma_start3A_389 : memref<1x128x128xf32, #tpu.memory_space<vmem>> -> memref<128x128xf32, #tpu.memory_space<vmem>>
    %dma_start3A_391 = arith.constant 0 : i32
    %dma_start3A_392 = tpu.memref_slice %arg7[%dma_start3A_385, %dma_start3A_391] : memref<2x128xi32, #tpu.memory_space<vmem>> -> memref<1x128xi32, #tpu.memory_space<vmem>>
    %dma_start3A_393 = tpu.memref_squeeze %dma_start3A_392 : memref<1x128xi32, #tpu.memory_space<vmem>> -> memref<128xi32, #tpu.memory_space<vmem>>
    %dma_start3A_394 = arith.constant 0 : i32
    %dma_start3A_395 = arith.constant 0 : i32
    %dma_start3A_396 = tpu.memref_slice %arg2[%dma_start3A_394, %dma_start3A_395] : memref<10000x128xf32, #tpu.memory_space<hbm>> -> memref<10000x128xf32, #tpu.memory_space<hbm>>
    tpu.enqueue_indirect_dma source(%dma_start3A_396 : memref<10000x128xf32, #tpu.memory_space<hbm>>) target(%dma_start3A_390 : memref<128x128xf32, #tpu.memory_space<vmem>>) offsets(%dma_start3A_393 : memref<128xi32, #tpu.memory_space<vmem>>) semaphore(%arg13 : memref<!tpu.dma_semaphore, #tpu.memory_space<semaphore_mem>>)
    %mul3A_397 = arith.constant 632 : i32
    %mul3A_398 = arith.muli %arg1, %mul3A_397 : i32
    "tpu.region"() ({
      %run_scoped3A = tpu.sem_alloc : memref<!tpu.dma_semaphore, #tpu.memory_space<semaphore_mem>>
      %dma_start3A_409 = arith.constant 0 : i32
      %dma_start3A_410 = tpu.memref_slice %arg10[%mul3A_398, %dma_start3A_409] : memref<10112x128xf32, #tpu.memory_space<vmem_shared>> -> memref<632x128xf32, #tpu.memory_space<vmem_shared>>
      tpu.enqueue_dma source(%arg4 : memref<632x128xf32, #tpu.memory_space<hbm>>) target(%dma_start3A_410 : memref<632x128xf32, #tpu.memory_space<vmem_shared>>) target_semaphore(%run_scoped3A : memref<!tpu.dma_semaphore, #tpu.memory_space<semaphore_mem>>)
      %dma_wait3A_411 = arith.constant 0 : i32
      %dma_wait3A_412 = tpu.memref_slice %arg10[%mul3A_398, %dma_wait3A_411] : memref<10112x128xf32, #tpu.memory_space<vmem_shared>> -> memref<632x128xf32, #tpu.memory_space<vmem_shared>>
      tpu.wait_dma2 semaphore(%run_scoped3A : memref<!tpu.dma_semaphore, #tpu.memory_space<semaphore_mem>>) src(%arg4 : memref<632x128xf32, #tpu.memory_space<hbm>>) dst(%dma_wait3A_412 : memref<632x128xf32, #tpu.memory_space<vmem_shared>>)
      tpu.yield
    }) : () -> ()
    %barrier3A = arith.constant 0 : index
    tpu.barrier barrier_id(%barrier3A)
    %scan3A = arith.constant 0 : i32
    %scan3A_399 = arith.constant 0 : i32
    %scan3A_400 = arith.constant 40 : i32
    %scan3A_401 = arith.addi %scan3A_399, %scan3A_400 : i32
    %scan3A_402 = arith.constant 1 : i32
    scf.for %scan3A_409 = %scan3A_399 to %scan3A_401 step %scan3A_402  : i32 {
      %mul3A_410 = arith.constant 2 : i32
      %mul3A_411 = arith.muli %mul3A_410, %scan3A_409 : i32
      %add3A_412 = arith.constant 0 : i32
      %add3A_413 = arith.addi %mul3A_411, %add3A_412 : i32
      %dma_wait3A_414 = arith.constant 0 : i32
      %dma_wait3A_415 = arith.constant 0 : i32
      %dma_wait3A_416 = arith.constant 0 : i32
      %dma_wait3A_417 = arith.constant 0 : i32
      %dma_wait3A_418 = tpu.memref_slice %arg9[%dma_wait3A_415, %dma_wait3A_416, %dma_wait3A_417] : memref<2x128x128xf32, #tpu.memory_space<vmem>> -> memref<1x128x128xf32, #tpu.memory_space<vmem>>
      %dma_wait3A_419 = tpu.memref_squeeze %dma_wait3A_418 : memref<1x128x128xf32, #tpu.memory_space<vmem>> -> memref<128x128xf32, #tpu.memory_space<vmem>>
      %dma_wait3A_420 = arith.constant 0 : i32
      %dma_wait3A_421 = tpu.memref_slice %arg7[%dma_wait3A_414, %dma_wait3A_420] : memref<2x128xi32, #tpu.memory_space<vmem>> -> memref<1x128xi32, #tpu.memory_space<vmem>>
      %dma_wait3A_422 = tpu.memref_squeeze %dma_wait3A_421 : memref<1x128xi32, #tpu.memory_space<vmem>> -> memref<128xi32, #tpu.memory_space<vmem>>
      %dma_wait3A_423 = arith.constant 0 : i32
      %dma_wait3A_424 = arith.constant 0 : i32
      %dma_wait3A_425 = tpu.memref_slice %arg2[%dma_wait3A_423, %dma_wait3A_424] : memref<10000x128xf32, #tpu.memory_space<hbm>> -> memref<10000x128xf32, #tpu.memory_space<hbm>>
      tpu.wait_indirect_dma semaphore(%arg12 : memref<!tpu.dma_semaphore, #tpu.memory_space<semaphore_mem>>) src(%dma_wait3A_425 : memref<10000x128xf32, #tpu.memory_space<hbm>>) dst(%dma_wait3A_419 : memref<128x128xf32, #tpu.memory_space<vmem>>)
      %run_scoped3A = arith.constant 0 : i32
      %run_scoped3A_426 = arith.constant 0 : i32
      "tpu.region"() ({
        %run_scoped3A_456 = tpu.sem_alloc : memref<!tpu.dma_semaphore, #tpu.memory_space<semaphore_mem>>
        %dma_start3A_457 = arith.constant 0 : i32
        %dma_start3A_458 = arith.constant 0 : i32
        %dma_start3A_459 = tpu.memref_slice %arg9[%run_scoped3A, %dma_start3A_457, %dma_start3A_458] : memref<2x128x128xf32, #tpu.memory_space<vmem>> -> memref<1x128x128xf32, #tpu.memory_space<vmem>>
        %dma_start3A_460 = tpu.memref_squeeze %dma_start3A_459 : memref<1x128x128xf32, #tpu.memory_space<vmem>> -> memref<128x128xf32, #tpu.memory_space<vmem>>
        %dma_start3A_461 = arith.constant 0 : i32
        %dma_start3A_462 = tpu.memref_slice %arg8[%run_scoped3A_426, %dma_start3A_461] : memref<2x128xi32, #tpu.memory_space<vmem>> -> memref<1x128xi32, #tpu.memory_space<vmem>>
        %dma_start3A_463 = tpu.memref_squeeze %dma_start3A_462 : memref<1x128xi32, #tpu.memory_space<vmem>> -> memref<128xi32, #tpu.memory_space<vmem>>
        %dma_start3A_464 = arith.constant 0 : i32
        %dma_start3A_465 = arith.constant 0 : i32
        %dma_start3A_466 = tpu.memref_slice %arg10[%dma_start3A_464, %dma_start3A_465] : memref<10112x128xf32, #tpu.memory_space<vmem_shared>> -> memref<10112x128xf32, #tpu.memory_space<vmem_shared>>
        tpu.enqueue_indirect_dma source(%dma_start3A_460 : memref<128x128xf32, #tpu.memory_space<vmem>>) target(%dma_start3A_466 : memref<10112x128xf32, #tpu.memory_space<vmem_shared>>) offsets(%dma_start3A_463 : memref<128xi32, #tpu.memory_space<vmem>>) semaphore(%run_scoped3A_456 : memref<!tpu.dma_semaphore, #tpu.memory_space<semaphore_mem>>) {add = true}
        %dma_wait3A_467 = arith.constant 0 : i32
        %dma_wait3A_468 = arith.constant 0 : i32
        %dma_wait3A_469 = tpu.memref_slice %arg9[%run_scoped3A, %dma_wait3A_467, %dma_wait3A_468] : memref<2x128x128xf32, #tpu.memory_space<vmem>> -> memref<1x128x128xf32, #tpu.memory_space<vmem>>
        %dma_wait3A_470 = tpu.memref_squeeze %dma_wait3A_469 : memref<1x128x128xf32, #tpu.memory_space<vmem>> -> memref<128x128xf32, #tpu.memory_space<vmem>>
        %dma_wait3A_471 = arith.constant 0 : i32
        %dma_wait3A_472 = tpu.memref_slice %arg8[%run_scoped3A_426, %dma_wait3A_471] : memref<2x128xi32, #tpu.memory_space<vmem>> -> memref<1x128xi32, #tpu.memory_space<vmem>>
        %dma_wait3A_473 = tpu.memref_squeeze %dma_wait3A_472 : memref<1x128xi32, #tpu.memory_space<vmem>> -> memref<128xi32, #tpu.memory_space<vmem>>
        %dma_wait3A_474 = arith.constant 0 : i32
        %dma_wait3A_475 = arith.constant 0 : i32
        %dma_wait3A_476 = tpu.memref_slice %arg10[%dma_wait3A_474, %dma_wait3A_475] : memref<10112x128xf32, #tpu.memory_space<vmem_shared>> -> memref<10112x128xf32, #tpu.memory_space<vmem_shared>>
        tpu.wait_indirect_dma semaphore(%run_scoped3A_456 : memref<!tpu.dma_semaphore, #tpu.memory_space<semaphore_mem>>) src(%dma_wait3A_470 : memref<128x128xf32, #tpu.memory_space<vmem>>) dst(%dma_wait3A_476 : memref<10112x128xf32, #tpu.memory_space<vmem_shared>>)
        tpu.yield
      }) : () -> ()
      %add3A_427 = arith.constant 2 : i32
      %add3A_428 = arith.addi %add3A_413, %add3A_427 : i32
      %lt3A = arith.constant 80 : i32
      %lt3A_429 = arith.cmpi slt, %add3A_428, %lt3A : i32
      %convert_element_type3A = arith.extui %lt3A_429 : i1 to i32
      %cond3A = arith.constant 0 : i32
      %cond3A_430 = arith.cmpi ne, %convert_element_type3A, %cond3A : i32
      scf.if %cond3A_430 {
        %add3A_456 = arith.constant 2 : i32
        %add3A_457 = arith.addi %add3A_413, %add3A_456 : i32
        %get3A_458 = arith.index_cast %add3A_457 : i32 to index
        %get3A_459 = arith.constant 0 : index
        %get3A_460 = tpu.vector_load %arg6[%get3A_458, %get3A_459] {strides = array<i32>} : memref<80x128xi32, #tpu.memory_space<vmem>>, vector<1x16xi32>,
        %get3A_461 = vector.shape_cast %get3A_460 : vector<1x16xi32> to vector<16xi32>
        %shift_right_logical3A_462 = arith.constant 14 : i32
        %shift_right_logical3A_463 = vector.broadcast %shift_right_logical3A_462 : i32 to vector<16xi32>
        %shift_right_logical3A_464 = arith.shrui %get3A_461, %shift_right_logical3A_463 : vector<16xi32>
        %swap3A_465 = arith.constant 0 : i32
        %swap3A_466 = arith.index_cast %swap3A_465 : i32 to index
        %swap3A_467 = arith.constant 0 : index
        %swap3A_468 = tpu.vector_load %arg7[%swap3A_466, %swap3A_467] {strides = array<i32>} : memref<2x128xi32, #tpu.memory_space<vmem>>, vector<1x16xi32>,
        %swap3A_469 = vector.shape_cast %swap3A_468 : vector<1x16xi32> to vector<16xi32>
        %swap3A_470 = vector.shape_cast %shift_right_logical3A_464 : vector<16xi32> to vector<1x16xi32>
        tpu.vector_store %arg7[%swap3A_466, %swap3A_467], %swap3A_470 {strides = array<i32>} : memref<2x128xi32, #tpu.memory_space<vmem>>, vector<1x16xi32>,
        %and3A_471 = arith.constant 16383 : i32
        %and3A_472 = vector.broadcast %and3A_471 : i32 to vector<16xi32>
        %and3A_473 = arith.andi %get3A_461, %and3A_472 : vector<16xi32>
        %swap3A_474 = arith.constant 0 : i32
        %swap3A_475 = arith.index_cast %swap3A_474 : i32 to index
        %swap3A_476 = arith.constant 0 : index
        %swap3A_477 = tpu.vector_load %arg8[%swap3A_475, %swap3A_476] {strides = array<i32>} : memref<2x128xi32, #tpu.memory_space<vmem>>, vector<1x16xi32>,
        %swap3A_478 = vector.shape_cast %swap3A_477 : vector<1x16xi32> to vector<16xi32>
        %swap3A_479 = vector.shape_cast %and3A_473 : vector<16xi32> to vector<1x16xi32>
        tpu.vector_store %arg8[%swap3A_475, %swap3A_476], %swap3A_479 {strides = array<i32>} : memref<2x128xi32, #tpu.memory_space<vmem>>, vector<1x16xi32>,
        %get3A_480 = arith.index_cast %add3A_457 : i32 to index
        %get3A_481 = arith.constant 16 : index
        %get3A_482 = tpu.vector_load %arg6[%get3A_480, %get3A_481] {strides = array<i32>} : memref<80x128xi32, #tpu.memory_space<vmem>>, vector<1x16xi32>,
        %get3A_483 = vector.shape_cast %get3A_482 : vector<1x16xi32> to vector<16xi32>
        %shift_right_logical3A_484 = arith.constant 14 : i32
        %shift_right_logical3A_485 = vector.broadcast %shift_right_logical3A_484 : i32 to vector<16xi32>
        %shift_right_logical3A_486 = arith.shrui %get3A_483, %shift_right_logical3A_485 : vector<16xi32>
        %swap3A_487 = arith.constant 0 : i32
        %swap3A_488 = arith.index_cast %swap3A_487 : i32 to index
        %swap3A_489 = arith.constant 16 : index
        %swap3A_490 = tpu.vector_load %arg7[%swap3A_488, %swap3A_489] {strides = array<i32>} : memref<2x128xi32, #tpu.memory_space<vmem>>, vector<1x16xi32>,
        %swap3A_491 = vector.shape_cast %swap3A_490 : vector<1x16xi32> to vector<16xi32>
        %swap3A_492 = vector.shape_cast %shift_right_logical3A_486 : vector<16xi32> to vector<1x16xi32>
        tpu.vector_store %arg7[%swap3A_488, %swap3A_489], %swap3A_492 {strides = array<i32>} : memref<2x128xi32, #tpu.memory_space<vmem>>, vector<1x16xi32>,
        %and3A_493 = arith.constant 16383 : i32
        %and3A_494 = vector.broadcast %and3A_493 : i32 to vector<16xi32>
        %and3A_495 = arith.andi %get3A_483, %and3A_494 : vector<16xi32>
        %swap3A_496 = arith.constant 0 : i32
        %swap3A_497 = arith.index_cast %swap3A_496 : i32 to index
        %swap3A_498 = arith.constant 16 : index
        %swap3A_499 = tpu.vector_load %arg8[%swap3A_497, %swap3A_498] {strides = array<i32>} : memref<2x128xi32, #tpu.memory_space<vmem>>, vector<1x16xi32>,
        %swap3A_500 = vector.shape_cast %swap3A_499 : vector<1x16xi32> to vector<16xi32>
        %swap3A_501 = vector.shape_cast %and3A_495 : vector<16xi32> to vector<1x16xi32>
        tpu.vector_store %arg8[%swap3A_497, %swap3A_498], %swap3A_501 {strides = array<i32>} : memref<2x128xi32, #tpu.memory_space<vmem>>, vector<1x16xi32>,
        %get3A_502 = arith.index_cast %add3A_457 : i32 to index
        %get3A_503 = arith.constant 32 : index
        %get3A_504 = tpu.vector_load %arg6[%get3A_502, %get3A_503] {strides = array<i32>} : memref<80x128xi32, #tpu.memory_space<vmem>>, vector<1x16xi32>,
        %get3A_505 = vector.shape_cast %get3A_504 : vector<1x16xi32> to vector<16xi32>
        %shift_right_logical3A_506 = arith.constant 14 : i32
        %shift_right_logical3A_507 = vector.broadcast %shift_right_logical3A_506 : i32 to vector<16xi32>
        %shift_right_logical3A_508 = arith.shrui %get3A_505, %shift_right_logical3A_507 : vector<16xi32>
        %swap3A_509 = arith.constant 0 : i32
        %swap3A_510 = arith.index_cast %swap3A_509 : i32 to index
        %swap3A_511 = arith.constant 32 : index
        %swap3A_512 = tpu.vector_load %arg7[%swap3A_510, %swap3A_511] {strides = array<i32>} : memref<2x128xi32, #tpu.memory_space<vmem>>, vector<1x16xi32>,
        %swap3A_513 = vector.shape_cast %swap3A_512 : vector<1x16xi32> to vector<16xi32>
        %swap3A_514 = vector.shape_cast %shift_right_logical3A_508 : vector<16xi32> to vector<1x16xi32>
        tpu.vector_store %arg7[%swap3A_510, %swap3A_511], %swap3A_514 {strides = array<i32>} : memref<2x128xi32, #tpu.memory_space<vmem>>, vector<1x16xi32>,
        %and3A_515 = arith.constant 16383 : i32
        %and3A_516 = vector.broadcast %and3A_515 : i32 to vector<16xi32>
        %and3A_517 = arith.andi %get3A_505, %and3A_516 : vector<16xi32>
        %swap3A_518 = arith.constant 0 : i32
        %swap3A_519 = arith.index_cast %swap3A_518 : i32 to index
        %swap3A_520 = arith.constant 32 : index
        %swap3A_521 = tpu.vector_load %arg8[%swap3A_519, %swap3A_520] {strides = array<i32>} : memref<2x128xi32, #tpu.memory_space<vmem>>, vector<1x16xi32>,
        %swap3A_522 = vector.shape_cast %swap3A_521 : vector<1x16xi32> to vector<16xi32>
        %swap3A_523 = vector.shape_cast %and3A_517 : vector<16xi32> to vector<1x16xi32>
        tpu.vector_store %arg8[%swap3A_519, %swap3A_520], %swap3A_523 {strides = array<i32>} : memref<2x128xi32, #tpu.memory_space<vmem>>, vector<1x16xi32>,
        %get3A_524 = arith.index_cast %add3A_457 : i32 to index
        %get3A_525 = arith.constant 48 : index
        %get3A_526 = tpu.vector_load %arg6[%get3A_524, %get3A_525] {strides = array<i32>} : memref<80x128xi32, #tpu.memory_space<vmem>>, vector<1x16xi32>,
        %get3A_527 = vector.shape_cast %get3A_526 : vector<1x16xi32> to vector<16xi32>
        %shift_right_logical3A_528 = arith.constant 14 : i32
        %shift_right_logical3A_529 = vector.broadcast %shift_right_logical3A_528 : i32 to vector<16xi32>
        %shift_right_logical3A_530 = arith.shrui %get3A_527, %shift_right_logical3A_529 : vector<16xi32>
        %swap3A_531 = arith.constant 0 : i32
        %swap3A_532 = arith.index_cast %swap3A_531 : i32 to index
        %swap3A_533 = arith.constant 48 : index
        %swap3A_534 = tpu.vector_load %arg7[%swap3A_532, %swap3A_533] {strides = array<i32>} : memref<2x128xi32, #tpu.memory_space<vmem>>, vector<1x16xi32>,
        %swap3A_535 = vector.shape_cast %swap3A_534 : vector<1x16xi32> to vector<16xi32>
        %swap3A_536 = vector.shape_cast %shift_right_logical3A_530 : vector<16xi32> to vector<1x16xi32>
        tpu.vector_store %arg7[%swap3A_532, %swap3A_533], %swap3A_536 {strides = array<i32>} : memref<2x128xi32, #tpu.memory_space<vmem>>, vector<1x16xi32>,
        %and3A_537 = arith.constant 16383 : i32
        %and3A_538 = vector.broadcast %and3A_537 : i32 to vector<16xi32>
        %and3A_539 = arith.andi %get3A_527, %and3A_538 : vector<16xi32>
        %swap3A_540 = arith.constant 0 : i32
        %swap3A_541 = arith.index_cast %swap3A_540 : i32 to index
        %swap3A_542 = arith.constant 48 : index
        %swap3A_543 = tpu.vector_load %arg8[%swap3A_541, %swap3A_542] {strides = array<i32>} : memref<2x128xi32, #tpu.memory_space<vmem>>, vector<1x16xi32>,
        %swap3A_544 = vector.shape_cast %swap3A_543 : vector<1x16xi32> to vector<16xi32>
        %swap3A_545 = vector.shape_cast %and3A_539 : vector<16xi32> to vector<1x16xi32>
        tpu.vector_store %arg8[%swap3A_541, %swap3A_542], %swap3A_545 {strides = array<i32>} : memref<2x128xi32, #tpu.memory_space<vmem>>, vector<1x16xi32>,
        %get3A_546 = arith.index_cast %add3A_457 : i32 to index
        %get3A_547 = arith.constant 64 : index
        %get3A_548 = tpu.vector_load %arg6[%get3A_546, %get3A_547] {strides = array<i32>} : memref<80x128xi32, #tpu.memory_space<vmem>>, vector<1x16xi32>,
        %get3A_549 = vector.shape_cast %get3A_548 : vector<1x16xi32> to vector<16xi32>
        %shift_right_logical3A_550 = arith.constant 14 : i32
        %shift_right_logical3A_551 = vector.broadcast %shift_right_logical3A_550 : i32 to vector<16xi32>
        %shift_right_logical3A_552 = arith.shrui %get3A_549, %shift_right_logical3A_551 : vector<16xi32>
        %swap3A_553 = arith.constant 0 : i32
        %swap3A_554 = arith.index_cast %swap3A_553 : i32 to index
        %swap3A_555 = arith.constant 64 : index
        %swap3A_556 = tpu.vector_load %arg7[%swap3A_554, %swap3A_555] {strides = array<i32>} : memref<2x128xi32, #tpu.memory_space<vmem>>, vector<1x16xi32>,
        %swap3A_557 = vector.shape_cast %swap3A_556 : vector<1x16xi32> to vector<16xi32>
        %swap3A_558 = vector.shape_cast %shift_right_logical3A_552 : vector<16xi32> to vector<1x16xi32>
        tpu.vector_store %arg7[%swap3A_554, %swap3A_555], %swap3A_558 {strides = array<i32>} : memref<2x128xi32, #tpu.memory_space<vmem>>, vector<1x16xi32>,
        %and3A_559 = arith.constant 16383 : i32
        %and3A_560 = vector.broadcast %and3A_559 : i32 to vector<16xi32>
        %and3A_561 = arith.andi %get3A_549, %and3A_560 : vector<16xi32>
        %swap3A_562 = arith.constant 0 : i32
        %swap3A_563 = arith.index_cast %swap3A_562 : i32 to index
        %swap3A_564 = arith.constant 64 : index
        %swap3A_565 = tpu.vector_load %arg8[%swap3A_563, %swap3A_564] {strides = array<i32>} : memref<2x128xi32, #tpu.memory_space<vmem>>, vector<1x16xi32>,
        %swap3A_566 = vector.shape_cast %swap3A_565 : vector<1x16xi32> to vector<16xi32>
        %swap3A_567 = vector.shape_cast %and3A_561 : vector<16xi32> to vector<1x16xi32>
        tpu.vector_store %arg8[%swap3A_563, %swap3A_564], %swap3A_567 {strides = array<i32>} : memref<2x128xi32, #tpu.memory_space<vmem>>, vector<1x16xi32>,
        %get3A_568 = arith.index_cast %add3A_457 : i32 to index
        %get3A_569 = arith.constant 80 : index
        %get3A_570 = tpu.vector_load %arg6[%get3A_568, %get3A_569] {strides = array<i32>} : memref<80x128xi32, #tpu.memory_space<vmem>>, vector<1x16xi32>,
        %get3A_571 = vector.shape_cast %get3A_570 : vector<1x16xi32> to vector<16xi32>
        %shift_right_logical3A_572 = arith.constant 14 : i32
        %shift_right_logical3A_573 = vector.broadcast %shift_right_logical3A_572 : i32 to vector<16xi32>
        %shift_right_logical3A_574 = arith.shrui %get3A_571, %shift_right_logical3A_573 : vector<16xi32>
        %swap3A_575 = arith.constant 0 : i32
        %swap3A_576 = arith.index_cast %swap3A_575 : i32 to index
        %swap3A_577 = arith.constant 80 : index
        %swap3A_578 = tpu.vector_load %arg7[%swap3A_576, %swap3A_577] {strides = array<i32>} : memref<2x128xi32, #tpu.memory_space<vmem>>, vector<1x16xi32>,
        %swap3A_579 = vector.shape_cast %swap3A_578 : vector<1x16xi32> to vector<16xi32>
        %swap3A_580 = vector.shape_cast %shift_right_logical3A_574 : vector<16xi32> to vector<1x16xi32>
        tpu.vector_store %arg7[%swap3A_576, %swap3A_577], %swap3A_580 {strides = array<i32>} : memref<2x128xi32, #tpu.memory_space<vmem>>, vector<1x16xi32>,
        %and3A_581 = arith.constant 16383 : i32
        %and3A_582 = vector.broadcast %and3A_581 : i32 to vector<16xi32>
        %and3A_583 = arith.andi %get3A_571, %and3A_582 : vector<16xi32>
        %swap3A_584 = arith.constant 0 : i32
        %swap3A_585 = arith.index_cast %swap3A_584 : i32 to index
        %swap3A_586 = arith.constant 80 : index
        %swap3A_587 = tpu.vector_load %arg8[%swap3A_585, %swap3A_586] {strides = array<i32>} : memref<2x128xi32, #tpu.memory_space<vmem>>, vector<1x16xi32>,
        %swap3A_588 = vector.shape_cast %swap3A_587 : vector<1x16xi32> to vector<16xi32>
        %swap3A_589 = vector.shape_cast %and3A_583 : vector<16xi32> to vector<1x16xi32>
        tpu.vector_store %arg8[%swap3A_585, %swap3A_586], %swap3A_589 {strides = array<i32>} : memref<2x128xi32, #tpu.memory_space<vmem>>, vector<1x16xi32>,
        %get3A_590 = arith.index_cast %add3A_457 : i32 to index
        %get3A_591 = arith.constant 96 : index
        %get3A_592 = tpu.vector_load %arg6[%get3A_590, %get3A_591] {strides = array<i32>} : memref<80x128xi32, #tpu.memory_space<vmem>>, vector<1x16xi32>,
        %get3A_593 = vector.shape_cast %get3A_592 : vector<1x16xi32> to vector<16xi32>
        %shift_right_logical3A_594 = arith.constant 14 : i32
        %shift_right_logical3A_595 = vector.broadcast %shift_right_logical3A_594 : i32 to vector<16xi32>
        %shift_right_logical3A_596 = arith.shrui %get3A_593, %shift_right_logical3A_595 : vector<16xi32>
        %swap3A_597 = arith.constant 0 : i32
        %swap3A_598 = arith.index_cast %swap3A_597 : i32 to index
        %swap3A_599 = arith.constant 96 : index
        %swap3A_600 = tpu.vector_load %arg7[%swap3A_598, %swap3A_599] {strides = array<i32>} : memref<2x128xi32, #tpu.memory_space<vmem>>, vector<1x16xi32>,
        %swap3A_601 = vector.shape_cast %swap3A_600 : vector<1x16xi32> to vector<16xi32>
        %swap3A_602 = vector.shape_cast %shift_right_logical3A_596 : vector<16xi32> to vector<1x16xi32>
        tpu.vector_store %arg7[%swap3A_598, %swap3A_599], %swap3A_602 {strides = array<i32>} : memref<2x128xi32, #tpu.memory_space<vmem>>, vector<1x16xi32>,
        %and3A_603 = arith.constant 16383 : i32
        %and3A_604 = vector.broadcast %and3A_603 : i32 to vector<16xi32>
        %and3A_605 = arith.andi %get3A_593, %and3A_604 : vector<16xi32>
        %swap3A_606 = arith.constant 0 : i32
        %swap3A_607 = arith.index_cast %swap3A_606 : i32 to index
        %swap3A_608 = arith.constant 96 : index
        %swap3A_609 = tpu.vector_load %arg8[%swap3A_607, %swap3A_608] {strides = array<i32>} : memref<2x128xi32, #tpu.memory_space<vmem>>, vector<1x16xi32>,
        %swap3A_610 = vector.shape_cast %swap3A_609 : vector<1x16xi32> to vector<16xi32>
        %swap3A_611 = vector.shape_cast %and3A_605 : vector<16xi32> to vector<1x16xi32>
        tpu.vector_store %arg8[%swap3A_607, %swap3A_608], %swap3A_611 {strides = array<i32>} : memref<2x128xi32, #tpu.memory_space<vmem>>, vector<1x16xi32>,
        %get3A_612 = arith.index_cast %add3A_457 : i32 to index
        %get3A_613 = arith.constant 112 : index
        %get3A_614 = tpu.vector_load %arg6[%get3A_612, %get3A_613] {strides = array<i32>} : memref<80x128xi32, #tpu.memory_space<vmem>>, vector<1x16xi32>,
        %get3A_615 = vector.shape_cast %get3A_614 : vector<1x16xi32> to vector<16xi32>
        %shift_right_logical3A_616 = arith.constant 14 : i32
        %shift_right_logical3A_617 = vector.broadcast %shift_right_logical3A_616 : i32 to vector<16xi32>
        %shift_right_logical3A_618 = arith.shrui %get3A_615, %shift_right_logical3A_617 : vector<16xi32>
        %swap3A_619 = arith.constant 0 : i32
        %swap3A_620 = arith.index_cast %swap3A_619 : i32 to index
        %swap3A_621 = arith.constant 112 : index
        %swap3A_622 = tpu.vector_load %arg7[%swap3A_620, %swap3A_621] {strides = array<i32>} : memref<2x128xi32, #tpu.memory_space<vmem>>, vector<1x16xi32>,
        %swap3A_623 = vector.shape_cast %swap3A_622 : vector<1x16xi32> to vector<16xi32>
        %swap3A_624 = vector.shape_cast %shift_right_logical3A_618 : vector<16xi32> to vector<1x16xi32>
        tpu.vector_store %arg7[%swap3A_620, %swap3A_621], %swap3A_624 {strides = array<i32>} : memref<2x128xi32, #tpu.memory_space<vmem>>, vector<1x16xi32>,
        %and3A_625 = arith.constant 16383 : i32
        %and3A_626 = vector.broadcast %and3A_625 : i32 to vector<16xi32>
        %and3A_627 = arith.andi %get3A_615, %and3A_626 : vector<16xi32>
        %swap3A_628 = arith.constant 0 : i32
        %swap3A_629 = arith.index_cast %swap3A_628 : i32 to index
        %swap3A_630 = arith.constant 112 : index
        %swap3A_631 = tpu.vector_load %arg8[%swap3A_629, %swap3A_630] {strides = array<i32>} : memref<2x128xi32, #tpu.memory_space<vmem>>, vector<1x16xi32>,
        %swap3A_632 = vector.shape_cast %swap3A_631 : vector<1x16xi32> to vector<16xi32>
        %swap3A_633 = vector.shape_cast %and3A_627 : vector<16xi32> to vector<1x16xi32>
        tpu.vector_store %arg8[%swap3A_629, %swap3A_630], %swap3A_633 {strides = array<i32>} : memref<2x128xi32, #tpu.memory_space<vmem>>, vector<1x16xi32>,
        %dma_start3A_634 = arith.constant 0 : i32
        %dma_start3A_635 = arith.constant 0 : i32
        %dma_start3A_636 = arith.constant 0 : i32
        %dma_start3A_637 = arith.constant 0 : i32
        %dma_start3A_638 = tpu.memref_slice %arg9[%dma_start3A_635, %dma_start3A_636, %dma_start3A_637] : memref<2x128x128xf32, #tpu.memory_space<vmem>> -> memref<1x128x128xf32, #tpu.memory_space<vmem>>
        %dma_start3A_639 = tpu.memref_squeeze %dma_start3A_638 : memref<1x128x128xf32, #tpu.memory_space<vmem>> -> memref<128x128xf32, #tpu.memory_space<vmem>>
        %dma_start3A_640 = arith.constant 0 : i32
        %dma_start3A_641 = tpu.memref_slice %arg7[%dma_start3A_634, %dma_start3A_640] : memref<2x128xi32, #tpu.memory_space<vmem>> -> memref<1x128xi32, #tpu.memory_space<vmem>>
        %dma_start3A_642 = tpu.memref_squeeze %dma_start3A_641 : memref<1x128xi32, #tpu.memory_space<vmem>> -> memref<128xi32, #tpu.memory_space<vmem>>
        %dma_start3A_643 = arith.constant 0 : i32
        %dma_start3A_644 = arith.constant 0 : i32
        %dma_start3A_645 = tpu.memref_slice %arg2[%dma_start3A_643, %dma_start3A_644] : memref<10000x128xf32, #tpu.memory_space<hbm>> -> memref<10000x128xf32, #tpu.memory_space<hbm>>
        tpu.enqueue_indirect_dma source(%dma_start3A_645 : memref<10000x128xf32, #tpu.memory_space<hbm>>) target(%dma_start3A_639 : memref<128x128xf32, #tpu.memory_space<vmem>>) offsets(%dma_start3A_642 : memref<128xi32, #tpu.memory_space<vmem>>) semaphore(%arg12 : memref<!tpu.dma_semaphore, #tpu.memory_space<semaphore_mem>>)
      } else {
      }
      %mul3A_431 = arith.constant 2 : i32
      %mul3A_432 = arith.muli %mul3A_431, %scan3A_409 : i32
      %add3A_433 = arith.constant 1 : i32
      %add3A_434 = arith.addi %mul3A_432, %add3A_433 : i32
      %dma_wait3A_435 = arith.constant 1 : i32
      %dma_wait3A_436 = arith.constant 1 : i32
      %dma_wait3A_437 = arith.constant 0 : i32
      %dma_wait3A_438 = arith.constant 0 : i32
      %dma_wait3A_439 = tpu.memref_slice %arg9[%dma_wait3A_436, %dma_wait3A_437, %dma_wait3A_438] : memref<2x128x128xf32, #tpu.memory_space<vmem>> -> memref<1x128x128xf32, #tpu.memory_space<vmem>>
      %dma_wait3A_440 = tpu.memref_squeeze %dma_wait3A_439 : memref<1x128x128xf32, #tpu.memory_space<vmem>> -> memref<128x128xf32, #tpu.memory_space<vmem>>
      %dma_wait3A_441 = arith.constant 0 : i32
      %dma_wait3A_442 = tpu.memref_slice %arg7[%dma_wait3A_435, %dma_wait3A_441] : memref<2x128xi32, #tpu.memory_space<vmem>> -> memref<1x128xi32, #tpu.memory_space<vmem>>
      %dma_wait3A_443 = tpu.memref_squeeze %dma_wait3A_442 : memref<1x128xi32, #tpu.memory_space<vmem>> -> memref<128xi32, #tpu.memory_space<vmem>>
      %dma_wait3A_444 = arith.constant 0 : i32
      %dma_wait3A_445 = arith.constant 0 : i32
      %dma_wait3A_446 = tpu.memref_slice %arg2[%dma_wait3A_444, %dma_wait3A_445] : memref<10000x128xf32, #tpu.memory_space<hbm>> -> memref<10000x128xf32, #tpu.memory_space<hbm>>
      tpu.wait_indirect_dma semaphore(%arg13 : memref<!tpu.dma_semaphore, #tpu.memory_space<semaphore_mem>>) src(%dma_wait3A_446 : memref<10000x128xf32, #tpu.memory_space<hbm>>) dst(%dma_wait3A_440 : memref<128x128xf32, #tpu.memory_space<vmem>>)
      %run_scoped3A_447 = arith.constant 1 : i32
      %run_scoped3A_448 = arith.constant 1 : i32
      "tpu.region"() ({
        %run_scoped3A_456 = tpu.sem_alloc : memref<!tpu.dma_semaphore, #tpu.memory_space<semaphore_mem>>
        %dma_start3A_457 = arith.constant 0 : i32
        %dma_start3A_458 = arith.constant 0 : i32
        %dma_start3A_459 = tpu.memref_slice %arg9[%run_scoped3A_447, %dma_start3A_457, %dma_start3A_458] : memref<2x128x128xf32, #tpu.memory_space<vmem>> -> memref<1x128x128xf32, #tpu.memory_space<vmem>>
        %dma_start3A_460 = tpu.memref_squeeze %dma_start3A_459 : memref<1x128x128xf32, #tpu.memory_space<vmem>> -> memref<128x128xf32, #tpu.memory_space<vmem>>
        %dma_start3A_461 = arith.constant 0 : i32
        %dma_start3A_462 = tpu.memref_slice %arg8[%run_scoped3A_448, %dma_start3A_461] : memref<2x128xi32, #tpu.memory_space<vmem>> -> memref<1x128xi32, #tpu.memory_space<vmem>>
        %dma_start3A_463 = tpu.memref_squeeze %dma_start3A_462 : memref<1x128xi32, #tpu.memory_space<vmem>> -> memref<128xi32, #tpu.memory_space<vmem>>
        %dma_start3A_464 = arith.constant 0 : i32
        %dma_start3A_465 = arith.constant 0 : i32
        %dma_start3A_466 = tpu.memref_slice %arg10[%dma_start3A_464, %dma_start3A_465] : memref<10112x128xf32, #tpu.memory_space<vmem_shared>> -> memref<10112x128xf32, #tpu.memory_space<vmem_shared>>
        tpu.enqueue_indirect_dma source(%dma_start3A_460 : memref<128x128xf32, #tpu.memory_space<vmem>>) target(%dma_start3A_466 : memref<10112x128xf32, #tpu.memory_space<vmem_shared>>) offsets(%dma_start3A_463 : memref<128xi32, #tpu.memory_space<vmem>>) semaphore(%run_scoped3A_456 : memref<!tpu.dma_semaphore, #tpu.memory_space<semaphore_mem>>) {add = true}
        %dma_wait3A_467 = arith.constant 0 : i32
        %dma_wait3A_468 = arith.constant 0 : i32
        %dma_wait3A_469 = tpu.memref_slice %arg9[%run_scoped3A_447, %dma_wait3A_467, %dma_wait3A_468] : memref<2x128x128xf32, #tpu.memory_space<vmem>> -> memref<1x128x128xf32, #tpu.memory_space<vmem>>
        %dma_wait3A_470 = tpu.memref_squeeze %dma_wait3A_469 : memref<1x128x128xf32, #tpu.memory_space<vmem>> -> memref<128x128xf32, #tpu.memory_space<vmem>>
        %dma_wait3A_471 = arith.constant 0 : i32
        %dma_wait3A_472 = tpu.memref_slice %arg8[%run_scoped3A_448, %dma_wait3A_471] : memref<2x128xi32, #tpu.memory_space<vmem>> -> memref<1x128xi32, #tpu.memory_space<vmem>>
        %dma_wait3A_473 = tpu.memref_squeeze %dma_wait3A_472 : memref<1x128xi32, #tpu.memory_space<vmem>> -> memref<128xi32, #tpu.memory_space<vmem>>
        %dma_wait3A_474 = arith.constant 0 : i32
        %dma_wait3A_475 = arith.constant 0 : i32
        %dma_wait3A_476 = tpu.memref_slice %arg10[%dma_wait3A_474, %dma_wait3A_475] : memref<10112x128xf32, #tpu.memory_space<vmem_shared>> -> memref<10112x128xf32, #tpu.memory_space<vmem_shared>>
        tpu.wait_indirect_dma semaphore(%run_scoped3A_456 : memref<!tpu.dma_semaphore, #tpu.memory_space<semaphore_mem>>) src(%dma_wait3A_470 : memref<128x128xf32, #tpu.memory_space<vmem>>) dst(%dma_wait3A_476 : memref<10112x128xf32, #tpu.memory_space<vmem_shared>>)
        tpu.yield
      }) : () -> ()
      %add3A_449 = arith.constant 2 : i32
      %add3A_450 = arith.addi %add3A_434, %add3A_449 : i32
      %lt3A_451 = arith.constant 80 : i32
      %lt3A_452 = arith.cmpi slt, %add3A_450, %lt3A_451 : i32
      %convert_element_type3A_453 = arith.extui %lt3A_452 : i1 to i32
      %cond3A_454 = arith.constant 0 : i32
      %cond3A_455 = arith.cmpi ne, %convert_element_type3A_453, %cond3A_454 : i32
      scf.if %cond3A_455 {
        %add3A_456 = arith.constant 2 : i32
        %add3A_457 = arith.addi %add3A_434, %add3A_456 : i32
        %get3A_458 = arith.index_cast %add3A_457 : i32 to index
        %get3A_459 = arith.constant 0 : index
        %get3A_460 = tpu.vector_load %arg6[%get3A_458, %get3A_459] {strides = array<i32>} : memref<80x128xi32, #tpu.memory_space<vmem>>, vector<1x16xi32>,
        %get3A_461 = vector.shape_cast %get3A_460 : vector<1x16xi32> to vector<16xi32>
        %shift_right_logical3A_462 = arith.constant 14 : i32
        %shift_right_logical3A_463 = vector.broadcast %shift_right_logical3A_462 : i32 to vector<16xi32>
        %shift_right_logical3A_464 = arith.shrui %get3A_461, %shift_right_logical3A_463 : vector<16xi32>
        %swap3A_465 = arith.constant 1 : i32
        %swap3A_466 = arith.index_cast %swap3A_465 : i32 to index
        %swap3A_467 = arith.constant 0 : index
        %swap3A_468 = tpu.vector_load %arg7[%swap3A_466, %swap3A_467] {strides = array<i32>} : memref<2x128xi32, #tpu.memory_space<vmem>>, vector<1x16xi32>,
        %swap3A_469 = vector.shape_cast %swap3A_468 : vector<1x16xi32> to vector<16xi32>
        %swap3A_470 = vector.shape_cast %shift_right_logical3A_464 : vector<16xi32> to vector<1x16xi32>
        tpu.vector_store %arg7[%swap3A_466, %swap3A_467], %swap3A_470 {strides = array<i32>} : memref<2x128xi32, #tpu.memory_space<vmem>>, vector<1x16xi32>,
        %and3A_471 = arith.constant 16383 : i32
        %and3A_472 = vector.broadcast %and3A_471 : i32 to vector<16xi32>
        %and3A_473 = arith.andi %get3A_461, %and3A_472 : vector<16xi32>
        %swap3A_474 = arith.constant 1 : i32
        %swap3A_475 = arith.index_cast %swap3A_474 : i32 to index
        %swap3A_476 = arith.constant 0 : index
        %swap3A_477 = tpu.vector_load %arg8[%swap3A_475, %swap3A_476] {strides = array<i32>} : memref<2x128xi32, #tpu.memory_space<vmem>>, vector<1x16xi32>,
        %swap3A_478 = vector.shape_cast %swap3A_477 : vector<1x16xi32> to vector<16xi32>
        %swap3A_479 = vector.shape_cast %and3A_473 : vector<16xi32> to vector<1x16xi32>
        tpu.vector_store %arg8[%swap3A_475, %swap3A_476], %swap3A_479 {strides = array<i32>} : memref<2x128xi32, #tpu.memory_space<vmem>>, vector<1x16xi32>,
        %get3A_480 = arith.index_cast %add3A_457 : i32 to index
        %get3A_481 = arith.constant 16 : index
        %get3A_482 = tpu.vector_load %arg6[%get3A_480, %get3A_481] {strides = array<i32>} : memref<80x128xi32, #tpu.memory_space<vmem>>, vector<1x16xi32>,
        %get3A_483 = vector.shape_cast %get3A_482 : vector<1x16xi32> to vector<16xi32>
        %shift_right_logical3A_484 = arith.constant 14 : i32
        %shift_right_logical3A_485 = vector.broadcast %shift_right_logical3A_484 : i32 to vector<16xi32>
        %shift_right_logical3A_486 = arith.shrui %get3A_483, %shift_right_logical3A_485 : vector<16xi32>
        %swap3A_487 = arith.constant 1 : i32
        %swap3A_488 = arith.index_cast %swap3A_487 : i32 to index
        %swap3A_489 = arith.constant 16 : index
        %swap3A_490 = tpu.vector_load %arg7[%swap3A_488, %swap3A_489] {strides = array<i32>} : memref<2x128xi32, #tpu.memory_space<vmem>>, vector<1x16xi32>,
        %swap3A_491 = vector.shape_cast %swap3A_490 : vector<1x16xi32> to vector<16xi32>
        %swap3A_492 = vector.shape_cast %shift_right_logical3A_486 : vector<16xi32> to vector<1x16xi32>
        tpu.vector_store %arg7[%swap3A_488, %swap3A_489], %swap3A_492 {strides = array<i32>} : memref<2x128xi32, #tpu.memory_space<vmem>>, vector<1x16xi32>,
        %and3A_493 = arith.constant 16383 : i32
        %and3A_494 = vector.broadcast %and3A_493 : i32 to vector<16xi32>
        %and3A_495 = arith.andi %get3A_483, %and3A_494 : vector<16xi32>
        %swap3A_496 = arith.constant 1 : i32
        %swap3A_497 = arith.index_cast %swap3A_496 : i32 to index
        %swap3A_498 = arith.constant 16 : index
        %swap3A_499 = tpu.vector_load %arg8[%swap3A_497, %swap3A_498] {strides = array<i32>} : memref<2x128xi32, #tpu.memory_space<vmem>>, vector<1x16xi32>,
        %swap3A_500 = vector.shape_cast %swap3A_499 : vector<1x16xi32> to vector<16xi32>
        %swap3A_501 = vector.shape_cast %and3A_495 : vector<16xi32> to vector<1x16xi32>
        tpu.vector_store %arg8[%swap3A_497, %swap3A_498], %swap3A_501 {strides = array<i32>} : memref<2x128xi32, #tpu.memory_space<vmem>>, vector<1x16xi32>,
        %get3A_502 = arith.index_cast %add3A_457 : i32 to index
        %get3A_503 = arith.constant 32 : index
        %get3A_504 = tpu.vector_load %arg6[%get3A_502, %get3A_503] {strides = array<i32>} : memref<80x128xi32, #tpu.memory_space<vmem>>, vector<1x16xi32>,
        %get3A_505 = vector.shape_cast %get3A_504 : vector<1x16xi32> to vector<16xi32>
        %shift_right_logical3A_506 = arith.constant 14 : i32
        %shift_right_logical3A_507 = vector.broadcast %shift_right_logical3A_506 : i32 to vector<16xi32>
        %shift_right_logical3A_508 = arith.shrui %get3A_505, %shift_right_logical3A_507 : vector<16xi32>
        %swap3A_509 = arith.constant 1 : i32
        %swap3A_510 = arith.index_cast %swap3A_509 : i32 to index
        %swap3A_511 = arith.constant 32 : index
        %swap3A_512 = tpu.vector_load %arg7[%swap3A_510, %swap3A_511] {strides = array<i32>} : memref<2x128xi32, #tpu.memory_space<vmem>>, vector<1x16xi32>,
        %swap3A_513 = vector.shape_cast %swap3A_512 : vector<1x16xi32> to vector<16xi32>
        %swap3A_514 = vector.shape_cast %shift_right_logical3A_508 : vector<16xi32> to vector<1x16xi32>
        tpu.vector_store %arg7[%swap3A_510, %swap3A_511], %swap3A_514 {strides = array<i32>} : memref<2x128xi32, #tpu.memory_space<vmem>>, vector<1x16xi32>,
        %and3A_515 = arith.constant 16383 : i32
        %and3A_516 = vector.broadcast %and3A_515 : i32 to vector<16xi32>
        %and3A_517 = arith.andi %get3A_505, %and3A_516 : vector<16xi32>
        %swap3A_518 = arith.constant 1 : i32
        %swap3A_519 = arith.index_cast %swap3A_518 : i32 to index
        %swap3A_520 = arith.constant 32 : index
        %swap3A_521 = tpu.vector_load %arg8[%swap3A_519, %swap3A_520] {strides = array<i32>} : memref<2x128xi32, #tpu.memory_space<vmem>>, vector<1x16xi32>,
        %swap3A_522 = vector.shape_cast %swap3A_521 : vector<1x16xi32> to vector<16xi32>
        %swap3A_523 = vector.shape_cast %and3A_517 : vector<16xi32> to vector<1x16xi32>
        tpu.vector_store %arg8[%swap3A_519, %swap3A_520], %swap3A_523 {strides = array<i32>} : memref<2x128xi32, #tpu.memory_space<vmem>>, vector<1x16xi32>,
        %get3A_524 = arith.index_cast %add3A_457 : i32 to index
        %get3A_525 = arith.constant 48 : index
        %get3A_526 = tpu.vector_load %arg6[%get3A_524, %get3A_525] {strides = array<i32>} : memref<80x128xi32, #tpu.memory_space<vmem>>, vector<1x16xi32>,
        %get3A_527 = vector.shape_cast %get3A_526 : vector<1x16xi32> to vector<16xi32>
        %shift_right_logical3A_528 = arith.constant 14 : i32
        %shift_right_logical3A_529 = vector.broadcast %shift_right_logical3A_528 : i32 to vector<16xi32>
        %shift_right_logical3A_530 = arith.shrui %get3A_527, %shift_right_logical3A_529 : vector<16xi32>
        %swap3A_531 = arith.constant 1 : i32
        %swap3A_532 = arith.index_cast %swap3A_531 : i32 to index
        %swap3A_533 = arith.constant 48 : index
        %swap3A_534 = tpu.vector_load %arg7[%swap3A_532, %swap3A_533] {strides = array<i32>} : memref<2x128xi32, #tpu.memory_space<vmem>>, vector<1x16xi32>,
        %swap3A_535 = vector.shape_cast %swap3A_534 : vector<1x16xi32> to vector<16xi32>
        %swap3A_536 = vector.shape_cast %shift_right_logical3A_530 : vector<16xi32> to vector<1x16xi32>
        tpu.vector_store %arg7[%swap3A_532, %swap3A_533], %swap3A_536 {strides = array<i32>} : memref<2x128xi32, #tpu.memory_space<vmem>>, vector<1x16xi32>,
        %and3A_537 = arith.constant 16383 : i32
        %and3A_538 = vector.broadcast %and3A_537 : i32 to vector<16xi32>
        %and3A_539 = arith.andi %get3A_527, %and3A_538 : vector<16xi32>
        %swap3A_540 = arith.constant 1 : i32
        %swap3A_541 = arith.index_cast %swap3A_540 : i32 to index
        %swap3A_542 = arith.constant 48 : index
        %swap3A_543 = tpu.vector_load %arg8[%swap3A_541, %swap3A_542] {strides = array<i32>} : memref<2x128xi32, #tpu.memory_space<vmem>>, vector<1x16xi32>,
        %swap3A_544 = vector.shape_cast %swap3A_543 : vector<1x16xi32> to vector<16xi32>
        %swap3A_545 = vector.shape_cast %and3A_539 : vector<16xi32> to vector<1x16xi32>
        tpu.vector_store %arg8[%swap3A_541, %swap3A_542], %swap3A_545 {strides = array<i32>} : memref<2x128xi32, #tpu.memory_space<vmem>>, vector<1x16xi32>,
        %get3A_546 = arith.index_cast %add3A_457 : i32 to index
        %get3A_547 = arith.constant 64 : index
        %get3A_548 = tpu.vector_load %arg6[%get3A_546, %get3A_547] {strides = array<i32>} : memref<80x128xi32, #tpu.memory_space<vmem>>, vector<1x16xi32>,
        %get3A_549 = vector.shape_cast %get3A_548 : vector<1x16xi32> to vector<16xi32>
        %shift_right_logical3A_550 = arith.constant 14 : i32
        %shift_right_logical3A_551 = vector.broadcast %shift_right_logical3A_550 : i32 to vector<16xi32>
        %shift_right_logical3A_552 = arith.shrui %get3A_549, %shift_right_logical3A_551 : vector<16xi32>
        %swap3A_553 = arith.constant 1 : i32
        %swap3A_554 = arith.index_cast %swap3A_553 : i32 to index
        %swap3A_555 = arith.constant 64 : index
        %swap3A_556 = tpu.vector_load %arg7[%swap3A_554, %swap3A_555] {strides = array<i32>} : memref<2x128xi32, #tpu.memory_space<vmem>>, vector<1x16xi32>,
        %swap3A_557 = vector.shape_cast %swap3A_556 : vector<1x16xi32> to vector<16xi32>
        %swap3A_558 = vector.shape_cast %shift_right_logical3A_552 : vector<16xi32> to vector<1x16xi32>
        tpu.vector_store %arg7[%swap3A_554, %swap3A_555], %swap3A_558 {strides = array<i32>} : memref<2x128xi32, #tpu.memory_space<vmem>>, vector<1x16xi32>,
        %and3A_559 = arith.constant 16383 : i32
        %and3A_560 = vector.broadcast %and3A_559 : i32 to vector<16xi32>
        %and3A_561 = arith.andi %get3A_549, %and3A_560 : vector<16xi32>
        %swap3A_562 = arith.constant 1 : i32
        %swap3A_563 = arith.index_cast %swap3A_562 : i32 to index
        %swap3A_564 = arith.constant 64 : index
        %swap3A_565 = tpu.vector_load %arg8[%swap3A_563, %swap3A_564] {strides = array<i32>} : memref<2x128xi32, #tpu.memory_space<vmem>>, vector<1x16xi32>,
        %swap3A_566 = vector.shape_cast %swap3A_565 : vector<1x16xi32> to vector<16xi32>
        %swap3A_567 = vector.shape_cast %and3A_561 : vector<16xi32> to vector<1x16xi32>
        tpu.vector_store %arg8[%swap3A_563, %swap3A_564], %swap3A_567 {strides = array<i32>} : memref<2x128xi32, #tpu.memory_space<vmem>>, vector<1x16xi32>,
        %get3A_568 = arith.index_cast %add3A_457 : i32 to index
        %get3A_569 = arith.constant 80 : index
        %get3A_570 = tpu.vector_load %arg6[%get3A_568, %get3A_569] {strides = array<i32>} : memref<80x128xi32, #tpu.memory_space<vmem>>, vector<1x16xi32>,
        %get3A_571 = vector.shape_cast %get3A_570 : vector<1x16xi32> to vector<16xi32>
        %shift_right_logical3A_572 = arith.constant 14 : i32
        %shift_right_logical3A_573 = vector.broadcast %shift_right_logical3A_572 : i32 to vector<16xi32>
        %shift_right_logical3A_574 = arith.shrui %get3A_571, %shift_right_logical3A_573 : vector<16xi32>
        %swap3A_575 = arith.constant 1 : i32
        %swap3A_576 = arith.index_cast %swap3A_575 : i32 to index
        %swap3A_577 = arith.constant 80 : index
        %swap3A_578 = tpu.vector_load %arg7[%swap3A_576, %swap3A_577] {strides = array<i32>} : memref<2x128xi32, #tpu.memory_space<vmem>>, vector<1x16xi32>,
        %swap3A_579 = vector.shape_cast %swap3A_578 : vector<1x16xi32> to vector<16xi32>
        %swap3A_580 = vector.shape_cast %shift_right_logical3A_574 : vector<16xi32> to vector<1x16xi32>
        tpu.vector_store %arg7[%swap3A_576, %swap3A_577], %swap3A_580 {strides = array<i32>} : memref<2x128xi32, #tpu.memory_space<vmem>>, vector<1x16xi32>,
        %and3A_581 = arith.constant 16383 : i32
        %and3A_582 = vector.broadcast %and3A_581 : i32 to vector<16xi32>
        %and3A_583 = arith.andi %get3A_571, %and3A_582 : vector<16xi32>
        %swap3A_584 = arith.constant 1 : i32
        %swap3A_585 = arith.index_cast %swap3A_584 : i32 to index
        %swap3A_586 = arith.constant 80 : index
        %swap3A_587 = tpu.vector_load %arg8[%swap3A_585, %swap3A_586] {strides = array<i32>} : memref<2x128xi32, #tpu.memory_space<vmem>>, vector<1x16xi32>,
        %swap3A_588 = vector.shape_cast %swap3A_587 : vector<1x16xi32> to vector<16xi32>
        %swap3A_589 = vector.shape_cast %and3A_583 : vector<16xi32> to vector<1x16xi32>
        tpu.vector_store %arg8[%swap3A_585, %swap3A_586], %swap3A_589 {strides = array<i32>} : memref<2x128xi32, #tpu.memory_space<vmem>>, vector<1x16xi32>,
        %get3A_590 = arith.index_cast %add3A_457 : i32 to index
        %get3A_591 = arith.constant 96 : index
        %get3A_592 = tpu.vector_load %arg6[%get3A_590, %get3A_591] {strides = array<i32>} : memref<80x128xi32, #tpu.memory_space<vmem>>, vector<1x16xi32>,
        %get3A_593 = vector.shape_cast %get3A_592 : vector<1x16xi32> to vector<16xi32>
        %shift_right_logical3A_594 = arith.constant 14 : i32
        %shift_right_logical3A_595 = vector.broadcast %shift_right_logical3A_594 : i32 to vector<16xi32>
        %shift_right_logical3A_596 = arith.shrui %get3A_593, %shift_right_logical3A_595 : vector<16xi32>
        %swap3A_597 = arith.constant 1 : i32
        %swap3A_598 = arith.index_cast %swap3A_597 : i32 to index
        %swap3A_599 = arith.constant 96 : index
        %swap3A_600 = tpu.vector_load %arg7[%swap3A_598, %swap3A_599] {strides = array<i32>} : memref<2x128xi32, #tpu.memory_space<vmem>>, vector<1x16xi32>,
        %swap3A_601 = vector.shape_cast %swap3A_600 : vector<1x16xi32> to vector<16xi32>
        %swap3A_602 = vector.shape_cast %shift_right_logical3A_596 : vector<16xi32> to vector<1x16xi32>
        tpu.vector_store %arg7[%swap3A_598, %swap3A_599], %swap3A_602 {strides = array<i32>} : memref<2x128xi32, #tpu.memory_space<vmem>>, vector<1x16xi32>,
        %and3A_603 = arith.constant 16383 : i32
        %and3A_604 = vector.broadcast %and3A_603 : i32 to vector<16xi32>
        %and3A_605 = arith.andi %get3A_593, %and3A_604 : vector<16xi32>
        %swap3A_606 = arith.constant 1 : i32
        %swap3A_607 = arith.index_cast %swap3A_606 : i32 to index
        %swap3A_608 = arith.constant 96 : index
        %swap3A_609 = tpu.vector_load %arg8[%swap3A_607, %swap3A_608] {strides = array<i32>} : memref<2x128xi32, #tpu.memory_space<vmem>>, vector<1x16xi32>,
        %swap3A_610 = vector.shape_cast %swap3A_609 : vector<1x16xi32> to vector<16xi32>
        %swap3A_611 = vector.shape_cast %and3A_605 : vector<16xi32> to vector<1x16xi32>
        tpu.vector_store %arg8[%swap3A_607, %swap3A_608], %swap3A_611 {strides = array<i32>} : memref<2x128xi32, #tpu.memory_space<vmem>>, vector<1x16xi32>,
        %get3A_612 = arith.index_cast %add3A_457 : i32 to index
        %get3A_613 = arith.constant 112 : index
        %get3A_614 = tpu.vector_load %arg6[%get3A_612, %get3A_613] {strides = array<i32>} : memref<80x128xi32, #tpu.memory_space<vmem>>, vector<1x16xi32>,
        %get3A_615 = vector.shape_cast %get3A_614 : vector<1x16xi32> to vector<16xi32>
        %shift_right_logical3A_616 = arith.constant 14 : i32
        %shift_right_logical3A_617 = vector.broadcast %shift_right_logical3A_616 : i32 to vector<16xi32>
        %shift_right_logical3A_618 = arith.shrui %get3A_615, %shift_right_logical3A_617 : vector<16xi32>
        %swap3A_619 = arith.constant 1 : i32
        %swap3A_620 = arith.index_cast %swap3A_619 : i32 to index
        %swap3A_621 = arith.constant 112 : index
        %swap3A_622 = tpu.vector_load %arg7[%swap3A_620, %swap3A_621] {strides = array<i32>} : memref<2x128xi32, #tpu.memory_space<vmem>>, vector<1x16xi32>,
        %swap3A_623 = vector.shape_cast %swap3A_622 : vector<1x16xi32> to vector<16xi32>
        %swap3A_624 = vector.shape_cast %shift_right_logical3A_618 : vector<16xi32> to vector<1x16xi32>
        tpu.vector_store %arg7[%swap3A_620, %swap3A_621], %swap3A_624 {strides = array<i32>} : memref<2x128xi32, #tpu.memory_space<vmem>>, vector<1x16xi32>,
        %and3A_625 = arith.constant 16383 : i32
        %and3A_626 = vector.broadcast %and3A_625 : i32 to vector<16xi32>
        %and3A_627 = arith.andi %get3A_615, %and3A_626 : vector<16xi32>
        %swap3A_628 = arith.constant 1 : i32
        %swap3A_629 = arith.index_cast %swap3A_628 : i32 to index
        %swap3A_630 = arith.constant 112 : index
        %swap3A_631 = tpu.vector_load %arg8[%swap3A_629, %swap3A_630] {strides = array<i32>} : memref<2x128xi32, #tpu.memory_space<vmem>>, vector<1x16xi32>,
        %swap3A_632 = vector.shape_cast %swap3A_631 : vector<1x16xi32> to vector<16xi32>
        %swap3A_633 = vector.shape_cast %and3A_627 : vector<16xi32> to vector<1x16xi32>
        tpu.vector_store %arg8[%swap3A_629, %swap3A_630], %swap3A_633 {strides = array<i32>} : memref<2x128xi32, #tpu.memory_space<vmem>>, vector<1x16xi32>,
        %dma_start3A_634 = arith.constant 1 : i32
        %dma_start3A_635 = arith.constant 1 : i32
        %dma_start3A_636 = arith.constant 0 : i32
        %dma_start3A_637 = arith.constant 0 : i32
        %dma_start3A_638 = tpu.memref_slice %arg9[%dma_start3A_635, %dma_start3A_636, %dma_start3A_637] : memref<2x128x128xf32, #tpu.memory_space<vmem>> -> memref<1x128x128xf32, #tpu.memory_space<vmem>>
        %dma_start3A_639 = tpu.memref_squeeze %dma_start3A_638 : memref<1x128x128xf32, #tpu.memory_space<vmem>> -> memref<128x128xf32, #tpu.memory_space<vmem>>
        %dma_start3A_640 = arith.constant 0 : i32
        %dma_start3A_641 = tpu.memref_slice %arg7[%dma_start3A_634, %dma_start3A_640] : memref<2x128xi32, #tpu.memory_space<vmem>> -> memref<1x128xi32, #tpu.memory_space<vmem>>
        %dma_start3A_642 = tpu.memref_squeeze %dma_start3A_641 : memref<1x128xi32, #tpu.memory_space<vmem>> -> memref<128xi32, #tpu.memory_space<vmem>>
        %dma_start3A_643 = arith.constant 0 : i32
        %dma_start3A_644 = arith.constant 0 : i32
        %dma_start3A_645 = tpu.memref_slice %arg2[%dma_start3A_643, %dma_start3A_644] : memref<10000x128xf32, #tpu.memory_space<hbm>> -> memref<10000x128xf32, #tpu.memory_space<hbm>>
        tpu.enqueue_indirect_dma source(%dma_start3A_645 : memref<10000x128xf32, #tpu.memory_space<hbm>>) target(%dma_start3A_639 : memref<128x128xf32, #tpu.memory_space<vmem>>) offsets(%dma_start3A_642 : memref<128xi32, #tpu.memory_space<vmem>>) semaphore(%arg13 : memref<!tpu.dma_semaphore, #tpu.memory_space<semaphore_mem>>)
      } else {
      }
    }
    %scan3A_403 = arith.constant 40 : i32
    %barrier3A_404 = arith.constant 0 : index
    tpu.barrier barrier_id(%barrier3A_404)
    %mul3A_405 = arith.constant 632 : i32
    %mul3A_406 = arith.muli %arg1, %mul3A_405 : i32
    %mul3A_407 = arith.constant 632 : i32
    %mul3A_408 = arith.muli %arg1, %mul3A_407 : i32
    "tpu.region"() ({
      %run_scoped3A = tpu.sem_alloc : memref<!tpu.dma_semaphore, #tpu.memory_space<semaphore_mem>>
      %dma_start3A_409 = arith.constant 0 : i32
      %dma_start3A_410 = tpu.memref_slice %arg5[%arg0, %mul3A_408, %dma_start3A_409] : memref<2x10112x128xf32, #tpu.memory_space<hbm>> -> memref<1x632x128xf32, #tpu.memory_space<hbm>>
      %dma_start3A_411 = tpu.memref_squeeze %dma_start3A_410 : memref<1x632x128xf32, #tpu.memory_space<hbm>> -> memref<632x128xf32, #tpu.memory_space<hbm>>
      %dma_start3A_412 = arith.constant 0 : i32
      %dma_start3A_413 = tpu.memref_slice %arg10[%mul3A_406, %dma_start3A_412] : memref<10112x128xf32, #tpu.memory_space<vmem_shared>> -> memref<632x128xf32, #tpu.memory_space<vmem_shared>>
      tpu.enqueue_dma source(%dma_start3A_413 : memref<632x128xf32, #tpu.memory_space<vmem_shared>>) target(%dma_start3A_411 : memref<632x128xf32, #tpu.memory_space<hbm>>) target_semaphore(%run_scoped3A : memref<!tpu.dma_semaphore, #tpu.memory_space<semaphore_mem>>)
      %dma_wait3A_414 = arith.constant 0 : i32
      %dma_wait3A_415 = tpu.memref_slice %arg5[%arg0, %mul3A_408, %dma_wait3A_414] : memref<2x10112x128xf32, #tpu.memory_space<hbm>> -> memref<1x632x128xf32, #tpu.memory_space<hbm>>
      %dma_wait3A_416 = tpu.memref_squeeze %dma_wait3A_415 : memref<1x632x128xf32, #tpu.memory_space<hbm>> -> memref<632x128xf32, #tpu.memory_space<hbm>>
      %dma_wait3A_417 = arith.constant 0 : i32
      %dma_wait3A_418 = tpu.memref_slice %arg10[%mul3A_406, %dma_wait3A_417] : memref<10112x128xf32, #tpu.memory_space<vmem_shared>> -> memref<632x128xf32, #tpu.memory_space<vmem_shared>>
      tpu.wait_dma2 semaphore(%run_scoped3A : memref<!tpu.dma_semaphore, #tpu.memory_space<semaphore_mem>>) src(%dma_wait3A_418 : memref<632x128xf32, #tpu.memory_space<vmem_shared>>) dst(%dma_wait3A_416 : memref<632x128xf32, #tpu.memory_space<hbm>>)
      tpu.yield
    }) : () -> ()
    return
  }
}

#map = affine_map<(d0, d1) -> (0, 0)>
#map1 = affine_map<(d0, d1) -> (0, 0, 0)>
module attributes {stable_mosaic.version = 14 : i64} {
  func.func @k(%arg0: i32, %arg1: i32, %arg2: memref<10000x128xf32, #tpu.memory_space<hbm>>, %arg3: memref<2560x128xi32, #tpu.memory_space<hbm>>, %arg4: memref<632x128xf32, #tpu.memory_space<hbm>>, %arg5: memref<2x10112x128xf32, #tpu.memory_space<hbm>>, %arg6: memref<80x128xi32, #tpu.memory_space<vmem>>, %arg7: memref<2x128xi32, #tpu.memory_space<vmem>>, %arg8: memref<2x128xi32, #tpu.memory_space<vmem>>, %arg9: memref<2x128x128xf32, #tpu.memory_space<vmem>>, %arg10: memref<10112x128xf32, #tpu.memory_space<vmem_shared>>, %arg11: memref<!tpu.dma_semaphore, #tpu.memory_space<semaphore_mem>>, %arg12: memref<!tpu.dma_semaphore, #tpu.memory_space<semaphore_mem>>, %arg13: memref<!tpu.dma_semaphore, #tpu.memory_space<semaphore_mem>>) attributes {dimension_semantics = [#tpu.dimension_semantics<core_parallel>, #tpu.dimension_semantics<subcore_parallel>], iteration_bounds = array<i64: 2, 16>, scalar_prefetch = 0 : i64, scratch_operands = 8 : i64, tpu.core_type = #tpu.core_type<sc_vector_subcore>, window_params = [{transform_indices = #map}, {transform_indices = #map}, {transform_indices = #map}, {transform_indices = #map1}]} {
    %mul3A = arith.constant 16 : i32
    %mul3A_0 = arith.muli %arg0, %mul3A : i32
    %add3A = arith.addi %mul3A_0, %arg1 : i32
    %mul3A_1 = arith.constant 80 : i32
    %mul3A_2 = arith.muli %add3A, %mul3A_1 : i32
    %dma_start3A = arith.constant 0 : i32
    %dma_start3A_3 = tpu.memref_slice %arg3[%mul3A_2, %dma_start3A] : memref<2560x128xi32, #tpu.memory_space<hbm>> -> memref<80x128xi32, #tpu.memory_space<hbm>>
    %dma_start3A_4 = arith.constant 0 : i32
    %dma_start3A_5 = tpu.memref_slice %arg3[%mul3A_2, %dma_start3A_4] : memref<2560x128xi32, #tpu.memory_space<hbm>> -> memref<80x128xi32, #tpu.memory_space<hbm>>
    tpu.enqueue_dma source(%dma_start3A_5 : memref<80x128xi32, #tpu.memory_space<hbm>>) target(%arg6 : memref<80x128xi32, #tpu.memory_space<vmem>>) target_semaphore(%arg11 : memref<!tpu.dma_semaphore, #tpu.memory_space<semaphore_mem>>)
    %dma_wait3A = arith.constant 0 : i32
    %dma_wait3A_6 = tpu.memref_slice %arg3[%mul3A_2, %dma_wait3A] : memref<2560x128xi32, #tpu.memory_space<hbm>> -> memref<80x128xi32, #tpu.memory_space<hbm>>
    %dma_wait3A_7 = arith.constant 0 : i32
    %dma_wait3A_8 = tpu.memref_slice %arg3[%mul3A_2, %dma_wait3A_7] : memref<2560x128xi32, #tpu.memory_space<hbm>> -> memref<80x128xi32, #tpu.memory_space<hbm>>
    tpu.wait_dma2 semaphore(%arg11 : memref<!tpu.dma_semaphore, #tpu.memory_space<semaphore_mem>>) src(%dma_wait3A_8 : memref<80x128xi32, #tpu.memory_space<hbm>>) dst(%arg6 : memref<80x128xi32, #tpu.memory_space<vmem>>)
    %get3A = arith.constant 0 : i32
    %get3A_9 = arith.index_cast %get3A : i32 to index
    %get3A_10 = arith.constant 0 : index
    %get3A_11 = tpu.vector_load %arg6[%get3A_9, %get3A_10] {strides = array<i32>} : memref<80x128xi32, #tpu.memory_space<vmem>>, vector<1x16xi32>,
    %get3A_12 = vector.shape_cast %get3A_11 : vector<1x16xi32> to vector<16xi32>
    %shift_right_logical3A = arith.constant 14 : i32
    %shift_right_logical3A_13 = vector.broadcast %shift_right_logical3A : i32 to vector<16xi32>
    %shift_right_logical3A_14 = arith.shrui %get3A_12, %shift_right_logical3A_13 : vector<16xi32>
    %swap3A = arith.constant 0 : i32
    %swap3A_15 = arith.index_cast %swap3A : i32 to index
    %swap3A_16 = arith.constant 0 : index
    %swap3A_17 = tpu.vector_load %arg7[%swap3A_15, %swap3A_16] {strides = array<i32>} : memref<2x128xi32, #tpu.memory_space<vmem>>, vector<1x16xi32>,
    %swap3A_18 = vector.shape_cast %swap3A_17 : vector<1x16xi32> to vector<16xi32>
    %swap3A_19 = vector.shape_cast %shift_right_logical3A_14 : vector<16xi32> to vector<1x16xi32>
    tpu.vector_store %arg7[%swap3A_15, %swap3A_16], %swap3A_19 {strides = array<i32>} : memref<2x128xi32, #tpu.memory_space<vmem>>, vector<1x16xi32>,
    %and3A = arith.constant 16383 : i32
    %and3A_20 = vector.broadcast %and3A : i32 to vector<16xi32>
    %and3A_21 = arith.andi %get3A_12, %and3A_20 : vector<16xi32>
    %swap3A_22 = arith.constant 0 : i32
    %swap3A_23 = arith.index_cast %swap3A_22 : i32 to index
    %swap3A_24 = arith.constant 0 : index
    %swap3A_25 = tpu.vector_load %arg8[%swap3A_23, %swap3A_24] {strides = array<i32>} : memref<2x128xi32, #tpu.memory_space<vmem>>, vector<1x16xi32>,
    %swap3A_26 = vector.shape_cast %swap3A_25 : vector<1x16xi32> to vector<16xi32>
    %swap3A_27 = vector.shape_cast %and3A_21 : vector<16xi32> to vector<1x16xi32>
    tpu.vector_store %arg8[%swap3A_23, %swap3A_24], %swap3A_27 {strides = array<i32>} : memref<2x128xi32, #tpu.memory_space<vmem>>, vector<1x16xi32>,
    %get3A_28 = arith.constant 0 : i32
    %get3A_29 = arith.index_cast %get3A_28 : i32 to index
    %get3A_30 = arith.constant 16 : index
    %get3A_31 = tpu.vector_load %arg6[%get3A_29, %get3A_30] {strides = array<i32>} : memref<80x128xi32, #tpu.memory_space<vmem>>, vector<1x16xi32>,
    %get3A_32 = vector.shape_cast %get3A_31 : vector<1x16xi32> to vector<16xi32>
    %shift_right_logical3A_33 = arith.constant 14 : i32
    %shift_right_logical3A_34 = vector.broadcast %shift_right_logical3A_33 : i32 to vector<16xi32>
    %shift_right_logical3A_35 = arith.shrui %get3A_32, %shift_right_logical3A_34 : vector<16xi32>
    %swap3A_36 = arith.constant 0 : i32
    %swap3A_37 = arith.index_cast %swap3A_36 : i32 to index
    %swap3A_38 = arith.constant 16 : index
    %swap3A_39 = tpu.vector_load %arg7[%swap3A_37, %swap3A_38] {strides = array<i32>} : memref<2x128xi32, #tpu.memory_space<vmem>>, vector<1x16xi32>,
    %swap3A_40 = vector.shape_cast %swap3A_39 : vector<1x16xi32> to vector<16xi32>
    %swap3A_41 = vector.shape_cast %shift_right_logical3A_35 : vector<16xi32> to vector<1x16xi32>
    tpu.vector_store %arg7[%swap3A_37, %swap3A_38], %swap3A_41 {strides = array<i32>} : memref<2x128xi32, #tpu.memory_space<vmem>>, vector<1x16xi32>,
    %and3A_42 = arith.constant 16383 : i32
    %and3A_43 = vector.broadcast %and3A_42 : i32 to vector<16xi32>
    %and3A_44 = arith.andi %get3A_32, %and3A_43 : vector<16xi32>
    %swap3A_45 = arith.constant 0 : i32
    %swap3A_46 = arith.index_cast %swap3A_45 : i32 to index
    %swap3A_47 = arith.constant 16 : index
    %swap3A_48 = tpu.vector_load %arg8[%swap3A_46, %swap3A_47] {strides = array<i32>} : memref<2x128xi32, #tpu.memory_space<vmem>>, vector<1x16xi32>,
    %swap3A_49 = vector.shape_cast %swap3A_48 : vector<1x16xi32> to vector<16xi32>
    %swap3A_50 = vector.shape_cast %and3A_44 : vector<16xi32> to vector<1x16xi32>
    tpu.vector_store %arg8[%swap3A_46, %swap3A_47], %swap3A_50 {strides = array<i32>} : memref<2x128xi32, #tpu.memory_space<vmem>>, vector<1x16xi32>,
    %get3A_51 = arith.constant 0 : i32
    %get3A_52 = arith.index_cast %get3A_51 : i32 to index
    %get3A_53 = arith.constant 32 : index
    %get3A_54 = tpu.vector_load %arg6[%get3A_52, %get3A_53] {strides = array<i32>} : memref<80x128xi32, #tpu.memory_space<vmem>>, vector<1x16xi32>,
    %get3A_55 = vector.shape_cast %get3A_54 : vector<1x16xi32> to vector<16xi32>
    %shift_right_logical3A_56 = arith.constant 14 : i32
    %shift_right_logical3A_57 = vector.broadcast %shift_right_logical3A_56 : i32 to vector<16xi32>
    %shift_right_logical3A_58 = arith.shrui %get3A_55, %shift_right_logical3A_57 : vector<16xi32>
    %swap3A_59 = arith.constant 0 : i32
    %swap3A_60 = arith.index_cast %swap3A_59 : i32 to index
    %swap3A_61 = arith.constant 32 : index
    %swap3A_62 = tpu.vector_load %arg7[%swap3A_60, %swap3A_61] {strides = array<i32>} : memref<2x128xi32, #tpu.memory_space<vmem>>, vector<1x16xi32>,
    %swap3A_63 = vector.shape_cast %swap3A_62 : vector<1x16xi32> to vector<16xi32>
    %swap3A_64 = vector.shape_cast %shift_right_logical3A_58 : vector<16xi32> to vector<1x16xi32>
    tpu.vector_store %arg7[%swap3A_60, %swap3A_61], %swap3A_64 {strides = array<i32>} : memref<2x128xi32, #tpu.memory_space<vmem>>, vector<1x16xi32>,
    %and3A_65 = arith.constant 16383 : i32
    %and3A_66 = vector.broadcast %and3A_65 : i32 to vector<16xi32>
    %and3A_67 = arith.andi %get3A_55, %and3A_66 : vector<16xi32>
    %swap3A_68 = arith.constant 0 : i32
    %swap3A_69 = arith.index_cast %swap3A_68 : i32 to index
    %swap3A_70 = arith.constant 32 : index
    %swap3A_71 = tpu.vector_load %arg8[%swap3A_69, %swap3A_70] {strides = array<i32>} : memref<2x128xi32, #tpu.memory_space<vmem>>, vector<1x16xi32>,
    %swap3A_72 = vector.shape_cast %swap3A_71 : vector<1x16xi32> to vector<16xi32>
    %swap3A_73 = vector.shape_cast %and3A_67 : vector<16xi32> to vector<1x16xi32>
    tpu.vector_store %arg8[%swap3A_69, %swap3A_70], %swap3A_73 {strides = array<i32>} : memref<2x128xi32, #tpu.memory_space<vmem>>, vector<1x16xi32>,
    %get3A_74 = arith.constant 0 : i32
    %get3A_75 = arith.index_cast %get3A_74 : i32 to index
    %get3A_76 = arith.constant 48 : index
    %get3A_77 = tpu.vector_load %arg6[%get3A_75, %get3A_76] {strides = array<i32>} : memref<80x128xi32, #tpu.memory_space<vmem>>, vector<1x16xi32>,
    %get3A_78 = vector.shape_cast %get3A_77 : vector<1x16xi32> to vector<16xi32>
    %shift_right_logical3A_79 = arith.constant 14 : i32
    %shift_right_logical3A_80 = vector.broadcast %shift_right_logical3A_79 : i32 to vector<16xi32>
    %shift_right_logical3A_81 = arith.shrui %get3A_78, %shift_right_logical3A_80 : vector<16xi32>
    %swap3A_82 = arith.constant 0 : i32
    %swap3A_83 = arith.index_cast %swap3A_82 : i32 to index
    %swap3A_84 = arith.constant 48 : index
    %swap3A_85 = tpu.vector_load %arg7[%swap3A_83, %swap3A_84] {strides = array<i32>} : memref<2x128xi32, #tpu.memory_space<vmem>>, vector<1x16xi32>,
    %swap3A_86 = vector.shape_cast %swap3A_85 : vector<1x16xi32> to vector<16xi32>
    %swap3A_87 = vector.shape_cast %shift_right_logical3A_81 : vector<16xi32> to vector<1x16xi32>
    tpu.vector_store %arg7[%swap3A_83, %swap3A_84], %swap3A_87 {strides = array<i32>} : memref<2x128xi32, #tpu.memory_space<vmem>>, vector<1x16xi32>,
    %and3A_88 = arith.constant 16383 : i32
    %and3A_89 = vector.broadcast %and3A_88 : i32 to vector<16xi32>
    %and3A_90 = arith.andi %get3A_78, %and3A_89 : vector<16xi32>
    %swap3A_91 = arith.constant 0 : i32
    %swap3A_92 = arith.index_cast %swap3A_91 : i32 to index
    %swap3A_93 = arith.constant 48 : index
    %swap3A_94 = tpu.vector_load %arg8[%swap3A_92, %swap3A_93] {strides = array<i32>} : memref<2x128xi32, #tpu.memory_space<vmem>>, vector<1x16xi32>,
    %swap3A_95 = vector.shape_cast %swap3A_94 : vector<1x16xi32> to vector<16xi32>
    %swap3A_96 = vector.shape_cast %and3A_90 : vector<16xi32> to vector<1x16xi32>
    tpu.vector_store %arg8[%swap3A_92, %swap3A_93], %swap3A_96 {strides = array<i32>} : memref<2x128xi32, #tpu.memory_space<vmem>>, vector<1x16xi32>,
    %get3A_97 = arith.constant 0 : i32
    %get3A_98 = arith.index_cast %get3A_97 : i32 to index
    %get3A_99 = arith.constant 64 : index
    %get3A_100 = tpu.vector_load %arg6[%get3A_98, %get3A_99] {strides = array<i32>} : memref<80x128xi32, #tpu.memory_space<vmem>>, vector<1x16xi32>,
    %get3A_101 = vector.shape_cast %get3A_100 : vector<1x16xi32> to vector<16xi32>
    %shift_right_logical3A_102 = arith.constant 14 : i32
    %shift_right_logical3A_103 = vector.broadcast %shift_right_logical3A_102 : i32 to vector<16xi32>
    %shift_right_logical3A_104 = arith.shrui %get3A_101, %shift_right_logical3A_103 : vector<16xi32>
    %swap3A_105 = arith.constant 0 : i32
    %swap3A_106 = arith.index_cast %swap3A_105 : i32 to index
    %swap3A_107 = arith.constant 64 : index
    %swap3A_108 = tpu.vector_load %arg7[%swap3A_106, %swap3A_107] {strides = array<i32>} : memref<2x128xi32, #tpu.memory_space<vmem>>, vector<1x16xi32>,
    %swap3A_109 = vector.shape_cast %swap3A_108 : vector<1x16xi32> to vector<16xi32>
    %swap3A_110 = vector.shape_cast %shift_right_logical3A_104 : vector<16xi32> to vector<1x16xi32>
    tpu.vector_store %arg7[%swap3A_106, %swap3A_107], %swap3A_110 {strides = array<i32>} : memref<2x128xi32, #tpu.memory_space<vmem>>, vector<1x16xi32>,
    %and3A_111 = arith.constant 16383 : i32
    %and3A_112 = vector.broadcast %and3A_111 : i32 to vector<16xi32>
    %and3A_113 = arith.andi %get3A_101, %and3A_112 : vector<16xi32>
    %swap3A_114 = arith.constant 0 : i32
    %swap3A_115 = arith.index_cast %swap3A_114 : i32 to index
    %swap3A_116 = arith.constant 64 : index
    %swap3A_117 = tpu.vector_load %arg8[%swap3A_115, %swap3A_116] {strides = array<i32>} : memref<2x128xi32, #tpu.memory_space<vmem>>, vector<1x16xi32>,
    %swap3A_118 = vector.shape_cast %swap3A_117 : vector<1x16xi32> to vector<16xi32>
    %swap3A_119 = vector.shape_cast %and3A_113 : vector<16xi32> to vector<1x16xi32>
    tpu.vector_store %arg8[%swap3A_115, %swap3A_116], %swap3A_119 {strides = array<i32>} : memref<2x128xi32, #tpu.memory_space<vmem>>, vector<1x16xi32>,
    %get3A_120 = arith.constant 0 : i32
    %get3A_121 = arith.index_cast %get3A_120 : i32 to index
    %get3A_122 = arith.constant 80 : index
    %get3A_123 = tpu.vector_load %arg6[%get3A_121, %get3A_122] {strides = array<i32>} : memref<80x128xi32, #tpu.memory_space<vmem>>, vector<1x16xi32>,
    %get3A_124 = vector.shape_cast %get3A_123 : vector<1x16xi32> to vector<16xi32>
    %shift_right_logical3A_125 = arith.constant 14 : i32
    %shift_right_logical3A_126 = vector.broadcast %shift_right_logical3A_125 : i32 to vector<16xi32>
    %shift_right_logical3A_127 = arith.shrui %get3A_124, %shift_right_logical3A_126 : vector<16xi32>
    %swap3A_128 = arith.constant 0 : i32
    %swap3A_129 = arith.index_cast %swap3A_128 : i32 to index
    %swap3A_130 = arith.constant 80 : index
    %swap3A_131 = tpu.vector_load %arg7[%swap3A_129, %swap3A_130] {strides = array<i32>} : memref<2x128xi32, #tpu.memory_space<vmem>>, vector<1x16xi32>,
    %swap3A_132 = vector.shape_cast %swap3A_131 : vector<1x16xi32> to vector<16xi32>
    %swap3A_133 = vector.shape_cast %shift_right_logical3A_127 : vector<16xi32> to vector<1x16xi32>
    tpu.vector_store %arg7[%swap3A_129, %swap3A_130], %swap3A_133 {strides = array<i32>} : memref<2x128xi32, #tpu.memory_space<vmem>>, vector<1x16xi32>,
    %and3A_134 = arith.constant 16383 : i32
    %and3A_135 = vector.broadcast %and3A_134 : i32 to vector<16xi32>
    %and3A_136 = arith.andi %get3A_124, %and3A_135 : vector<16xi32>
    %swap3A_137 = arith.constant 0 : i32
    %swap3A_138 = arith.index_cast %swap3A_137 : i32 to index
    %swap3A_139 = arith.constant 80 : index
    %swap3A_140 = tpu.vector_load %arg8[%swap3A_138, %swap3A_139] {strides = array<i32>} : memref<2x128xi32, #tpu.memory_space<vmem>>, vector<1x16xi32>,
    %swap3A_141 = vector.shape_cast %swap3A_140 : vector<1x16xi32> to vector<16xi32>
    %swap3A_142 = vector.shape_cast %and3A_136 : vector<16xi32> to vector<1x16xi32>
    tpu.vector_store %arg8[%swap3A_138, %swap3A_139], %swap3A_142 {strides = array<i32>} : memref<2x128xi32, #tpu.memory_space<vmem>>, vector<1x16xi32>,
    %get3A_143 = arith.constant 0 : i32
    %get3A_144 = arith.index_cast %get3A_143 : i32 to index
    %get3A_145 = arith.constant 96 : index
    %get3A_146 = tpu.vector_load %arg6[%get3A_144, %get3A_145] {strides = array<i32>} : memref<80x128xi32, #tpu.memory_space<vmem>>, vector<1x16xi32>,
    %get3A_147 = vector.shape_cast %get3A_146 : vector<1x16xi32> to vector<16xi32>
    %shift_right_logical3A_148 = arith.constant 14 : i32
    %shift_right_logical3A_149 = vector.broadcast %shift_right_logical3A_148 : i32 to vector<16xi32>
    %shift_right_logical3A_150 = arith.shrui %get3A_147, %shift_right_logical3A_149 : vector<16xi32>
    %swap3A_151 = arith.constant 0 : i32
    %swap3A_152 = arith.index_cast %swap3A_151 : i32 to index
    %swap3A_153 = arith.constant 96 : index
    %swap3A_154 = tpu.vector_load %arg7[%swap3A_152, %swap3A_153] {strides = array<i32>} : memref<2x128xi32, #tpu.memory_space<vmem>>, vector<1x16xi32>,
    %swap3A_155 = vector.shape_cast %swap3A_154 : vector<1x16xi32> to vector<16xi32>
    %swap3A_156 = vector.shape_cast %shift_right_logical3A_150 : vector<16xi32> to vector<1x16xi32>
    tpu.vector_store %arg7[%swap3A_152, %swap3A_153], %swap3A_156 {strides = array<i32>} : memref<2x128xi32, #tpu.memory_space<vmem>>, vector<1x16xi32>,
    %and3A_157 = arith.constant 16383 : i32
    %and3A_158 = vector.broadcast %and3A_157 : i32 to vector<16xi32>
    %and3A_159 = arith.andi %get3A_147, %and3A_158 : vector<16xi32>
    %swap3A_160 = arith.constant 0 : i32
    %swap3A_161 = arith.index_cast %swap3A_160 : i32 to index
    %swap3A_162 = arith.constant 96 : index
    %swap3A_163 = tpu.vector_load %arg8[%swap3A_161, %swap3A_162] {strides = array<i32>} : memref<2x128xi32, #tpu.memory_space<vmem>>, vector<1x16xi32>,
    %swap3A_164 = vector.shape_cast %swap3A_163 : vector<1x16xi32> to vector<16xi32>
    %swap3A_165 = vector.shape_cast %and3A_159 : vector<16xi32> to vector<1x16xi32>
    tpu.vector_store %arg8[%swap3A_161, %swap3A_162], %swap3A_165 {strides = array<i32>} : memref<2x128xi32, #tpu.memory_space<vmem>>, vector<1x16xi32>,
    %get3A_166 = arith.constant 0 : i32
    %get3A_167 = arith.index_cast %get3A_166 : i32 to index
    %get3A_168 = arith.constant 112 : index
    %get3A_169 = tpu.vector_load %arg6[%get3A_167, %get3A_168] {strides = array<i32>} : memref<80x128xi32, #tpu.memory_space<vmem>>, vector<1x16xi32>,
    %get3A_170 = vector.shape_cast %get3A_169 : vector<1x16xi32> to vector<16xi32>
    %shift_right_logical3A_171 = arith.constant 14 : i32
    %shift_right_logical3A_172 = vector.broadcast %shift_right_logical3A_171 : i32 to vector<16xi32>
    %shift_right_logical3A_173 = arith.shrui %get3A_170, %shift_right_logical3A_172 : vector<16xi32>
    %swap3A_174 = arith.constant 0 : i32
    %swap3A_175 = arith.index_cast %swap3A_174 : i32 to index
    %swap3A_176 = arith.constant 112 : index
    %swap3A_177 = tpu.vector_load %arg7[%swap3A_175, %swap3A_176] {strides = array<i32>} : memref<2x128xi32, #tpu.memory_space<vmem>>, vector<1x16xi32>,
    %swap3A_178 = vector.shape_cast %swap3A_177 : vector<1x16xi32> to vector<16xi32>
    %swap3A_179 = vector.shape_cast %shift_right_logical3A_173 : vector<16xi32> to vector<1x16xi32>
    tpu.vector_store %arg7[%swap3A_175, %swap3A_176], %swap3A_179 {strides = array<i32>} : memref<2x128xi32, #tpu.memory_space<vmem>>, vector<1x16xi32>,
    %and3A_180 = arith.constant 16383 : i32
    %and3A_181 = vector.broadcast %and3A_180 : i32 to vector<16xi32>
    %and3A_182 = arith.andi %get3A_170, %and3A_181 : vector<16xi32>
    %swap3A_183 = arith.constant 0 : i32
    %swap3A_184 = arith.index_cast %swap3A_183 : i32 to index
    %swap3A_185 = arith.constant 112 : index
    %swap3A_186 = tpu.vector_load %arg8[%swap3A_184, %swap3A_185] {strides = array<i32>} : memref<2x128xi32, #tpu.memory_space<vmem>>, vector<1x16xi32>,
    %swap3A_187 = vector.shape_cast %swap3A_186 : vector<1x16xi32> to vector<16xi32>
    %swap3A_188 = vector.shape_cast %and3A_182 : vector<16xi32> to vector<1x16xi32>
    tpu.vector_store %arg8[%swap3A_184, %swap3A_185], %swap3A_188 {strides = array<i32>} : memref<2x128xi32, #tpu.memory_space<vmem>>, vector<1x16xi32>,
    %dma_start3A_189 = arith.constant 0 : i32
    %dma_start3A_190 = arith.constant 0 : i32
    %dma_start3A_191 = arith.constant 0 : i32
    %dma_start3A_192 = arith.constant 0 : i32
    %dma_start3A_193 = tpu.memref_slice %arg9[%dma_start3A_190, %dma_start3A_191, %dma_start3A_192] : memref<2x128x128xf32, #tpu.memory_space<vmem>> -> memref<1x128x128xf32, #tpu.memory_space<vmem>>
    %dma_start3A_194 = tpu.memref_squeeze %dma_start3A_193 : memref<1x128x128xf32, #tpu.memory_space<vmem>> -> memref<128x128xf32, #tpu.memory_space<vmem>>
    %dma_start3A_195 = arith.constant 0 : i32
    %dma_start3A_196 = tpu.memref_slice %arg7[%dma_start3A_189, %dma_start3A_195] : memref<2x128xi32, #tpu.memory_space<vmem>> -> memref<1x128xi32, #tpu.memory_space<vmem>>
    %dma_start3A_197 = tpu.memref_squeeze %dma_start3A_196 : memref<1x128xi32, #tpu.memory_space<vmem>> -> memref<128xi32, #tpu.memory_space<vmem>>
    %dma_start3A_198 = arith.constant 0 : i32
    %dma_start3A_199 = arith.constant 0 : i32
    %dma_start3A_200 = tpu.memref_slice %arg2[%dma_start3A_198, %dma_start3A_199] : memref<10000x128xf32, #tpu.memory_space<hbm>> -> memref<10000x128xf32, #tpu.memory_space<hbm>>
    tpu.enqueue_indirect_dma source(%dma_start3A_200 : memref<10000x128xf32, #tpu.memory_space<hbm>>) target(%dma_start3A_194 : memref<128x128xf32, #tpu.memory_space<vmem>>) offsets(%dma_start3A_197 : memref<128xi32, #tpu.memory_space<vmem>>) semaphore(%arg12 : memref<!tpu.dma_semaphore, #tpu.memory_space<semaphore_mem>>)
    %get3A_201 = arith.constant 1 : i32
    %get3A_202 = arith.index_cast %get3A_201 : i32 to index
    %get3A_203 = arith.constant 0 : index
    %get3A_204 = tpu.vector_load %arg6[%get3A_202, %get3A_203] {strides = array<i32>} : memref<80x128xi32, #tpu.memory_space<vmem>>, vector<1x16xi32>,
    %get3A_205 = vector.shape_cast %get3A_204 : vector<1x16xi32> to vector<16xi32>
    %shift_right_logical3A_206 = arith.constant 14 : i32
    %shift_right_logical3A_207 = vector.broadcast %shift_right_logical3A_206 : i32 to vector<16xi32>
    %shift_right_logical3A_208 = arith.shrui %get3A_205, %shift_right_logical3A_207 : vector<16xi32>
    %swap3A_209 = arith.constant 1 : i32
    %swap3A_210 = arith.index_cast %swap3A_209 : i32 to index
    %swap3A_211 = arith.constant 0 : index
    %swap3A_212 = tpu.vector_load %arg7[%swap3A_210, %swap3A_211] {strides = array<i32>} : memref<2x128xi32, #tpu.memory_space<vmem>>, vector<1x16xi32>,
    %swap3A_213 = vector.shape_cast %swap3A_212 : vector<1x16xi32> to vector<16xi32>
    %swap3A_214 = vector.shape_cast %shift_right_logical3A_208 : vector<16xi32> to vector<1x16xi32>
    tpu.vector_store %arg7[%swap3A_210, %swap3A_211], %swap3A_214 {strides = array<i32>} : memref<2x128xi32, #tpu.memory_space<vmem>>, vector<1x16xi32>,
    %and3A_215 = arith.constant 16383 : i32
    %and3A_216 = vector.broadcast %and3A_215 : i32 to vector<16xi32>
    %and3A_217 = arith.andi %get3A_205, %and3A_216 : vector<16xi32>
    %swap3A_218 = arith.constant 1 : i32
    %swap3A_219 = arith.index_cast %swap3A_218 : i32 to index
    %swap3A_220 = arith.constant 0 : index
    %swap3A_221 = tpu.vector_load %arg8[%swap3A_219, %swap3A_220] {strides = array<i32>} : memref<2x128xi32, #tpu.memory_space<vmem>>, vector<1x16xi32>,
    %swap3A_222 = vector.shape_cast %swap3A_221 : vector<1x16xi32> to vector<16xi32>
    %swap3A_223 = vector.shape_cast %and3A_217 : vector<16xi32> to vector<1x16xi32>
    tpu.vector_store %arg8[%swap3A_219, %swap3A_220], %swap3A_223 {strides = array<i32>} : memref<2x128xi32, #tpu.memory_space<vmem>>, vector<1x16xi32>,
    %get3A_224 = arith.constant 1 : i32
    %get3A_225 = arith.index_cast %get3A_224 : i32 to index
    %get3A_226 = arith.constant 16 : index
    %get3A_227 = tpu.vector_load %arg6[%get3A_225, %get3A_226] {strides = array<i32>} : memref<80x128xi32, #tpu.memory_space<vmem>>, vector<1x16xi32>,
    %get3A_228 = vector.shape_cast %get3A_227 : vector<1x16xi32> to vector<16xi32>
    %shift_right_logical3A_229 = arith.constant 14 : i32
    %shift_right_logical3A_230 = vector.broadcast %shift_right_logical3A_229 : i32 to vector<16xi32>
    %shift_right_logical3A_231 = arith.shrui %get3A_228, %shift_right_logical3A_230 : vector<16xi32>
    %swap3A_232 = arith.constant 1 : i32
    %swap3A_233 = arith.index_cast %swap3A_232 : i32 to index
    %swap3A_234 = arith.constant 16 : index
    %swap3A_235 = tpu.vector_load %arg7[%swap3A_233, %swap3A_234] {strides = array<i32>} : memref<2x128xi32, #tpu.memory_space<vmem>>, vector<1x16xi32>,
    %swap3A_236 = vector.shape_cast %swap3A_235 : vector<1x16xi32> to vector<16xi32>
    %swap3A_237 = vector.shape_cast %shift_right_logical3A_231 : vector<16xi32> to vector<1x16xi32>
    tpu.vector_store %arg7[%swap3A_233, %swap3A_234], %swap3A_237 {strides = array<i32>} : memref<2x128xi32, #tpu.memory_space<vmem>>, vector<1x16xi32>,
    %and3A_238 = arith.constant 16383 : i32
    %and3A_239 = vector.broadcast %and3A_238 : i32 to vector<16xi32>
    %and3A_240 = arith.andi %get3A_228, %and3A_239 : vector<16xi32>
    %swap3A_241 = arith.constant 1 : i32
    %swap3A_242 = arith.index_cast %swap3A_241 : i32 to index
    %swap3A_243 = arith.constant 16 : index
    %swap3A_244 = tpu.vector_load %arg8[%swap3A_242, %swap3A_243] {strides = array<i32>} : memref<2x128xi32, #tpu.memory_space<vmem>>, vector<1x16xi32>,
    %swap3A_245 = vector.shape_cast %swap3A_244 : vector<1x16xi32> to vector<16xi32>
    %swap3A_246 = vector.shape_cast %and3A_240 : vector<16xi32> to vector<1x16xi32>
    tpu.vector_store %arg8[%swap3A_242, %swap3A_243], %swap3A_246 {strides = array<i32>} : memref<2x128xi32, #tpu.memory_space<vmem>>, vector<1x16xi32>,
    %get3A_247 = arith.constant 1 : i32
    %get3A_248 = arith.index_cast %get3A_247 : i32 to index
    %get3A_249 = arith.constant 32 : index
    %get3A_250 = tpu.vector_load %arg6[%get3A_248, %get3A_249] {strides = array<i32>} : memref<80x128xi32, #tpu.memory_space<vmem>>, vector<1x16xi32>,
    %get3A_251 = vector.shape_cast %get3A_250 : vector<1x16xi32> to vector<16xi32>
    %shift_right_logical3A_252 = arith.constant 14 : i32
    %shift_right_logical3A_253 = vector.broadcast %shift_right_logical3A_252 : i32 to vector<16xi32>
    %shift_right_logical3A_254 = arith.shrui %get3A_251, %shift_right_logical3A_253 : vector<16xi32>
    %swap3A_255 = arith.constant 1 : i32
    %swap3A_256 = arith.index_cast %swap3A_255 : i32 to index
    %swap3A_257 = arith.constant 32 : index
    %swap3A_258 = tpu.vector_load %arg7[%swap3A_256, %swap3A_257] {strides = array<i32>} : memref<2x128xi32, #tpu.memory_space<vmem>>, vector<1x16xi32>,
    %swap3A_259 = vector.shape_cast %swap3A_258 : vector<1x16xi32> to vector<16xi32>
    %swap3A_260 = vector.shape_cast %shift_right_logical3A_254 : vector<16xi32> to vector<1x16xi32>
    tpu.vector_store %arg7[%swap3A_256, %swap3A_257], %swap3A_260 {strides = array<i32>} : memref<2x128xi32, #tpu.memory_space<vmem>>, vector<1x16xi32>,
    %and3A_261 = arith.constant 16383 : i32
    %and3A_262 = vector.broadcast %and3A_261 : i32 to vector<16xi32>
    %and3A_263 = arith.andi %get3A_251, %and3A_262 : vector<16xi32>
    %swap3A_264 = arith.constant 1 : i32
    %swap3A_265 = arith.index_cast %swap3A_264 : i32 to index
    %swap3A_266 = arith.constant 32 : index
    %swap3A_267 = tpu.vector_load %arg8[%swap3A_265, %swap3A_266] {strides = array<i32>} : memref<2x128xi32, #tpu.memory_space<vmem>>, vector<1x16xi32>,
    %swap3A_268 = vector.shape_cast %swap3A_267 : vector<1x16xi32> to vector<16xi32>
    %swap3A_269 = vector.shape_cast %and3A_263 : vector<16xi32> to vector<1x16xi32>
    tpu.vector_store %arg8[%swap3A_265, %swap3A_266], %swap3A_269 {strides = array<i32>} : memref<2x128xi32, #tpu.memory_space<vmem>>, vector<1x16xi32>,
    %get3A_270 = arith.constant 1 : i32
    %get3A_271 = arith.index_cast %get3A_270 : i32 to index
    %get3A_272 = arith.constant 48 : index
    %get3A_273 = tpu.vector_load %arg6[%get3A_271, %get3A_272] {strides = array<i32>} : memref<80x128xi32, #tpu.memory_space<vmem>>, vector<1x16xi32>,
    %get3A_274 = vector.shape_cast %get3A_273 : vector<1x16xi32> to vector<16xi32>
    %shift_right_logical3A_275 = arith.constant 14 : i32
    %shift_right_logical3A_276 = vector.broadcast %shift_right_logical3A_275 : i32 to vector<16xi32>
    %shift_right_logical3A_277 = arith.shrui %get3A_274, %shift_right_logical3A_276 : vector<16xi32>
    %swap3A_278 = arith.constant 1 : i32
    %swap3A_279 = arith.index_cast %swap3A_278 : i32 to index
    %swap3A_280 = arith.constant 48 : index
    %swap3A_281 = tpu.vector_load %arg7[%swap3A_279, %swap3A_280] {strides = array<i32>} : memref<2x128xi32, #tpu.memory_space<vmem>>, vector<1x16xi32>,
    %swap3A_282 = vector.shape_cast %swap3A_281 : vector<1x16xi32> to vector<16xi32>
    %swap3A_283 = vector.shape_cast %shift_right_logical3A_277 : vector<16xi32> to vector<1x16xi32>
    tpu.vector_store %arg7[%swap3A_279, %swap3A_280], %swap3A_283 {strides = array<i32>} : memref<2x128xi32, #tpu.memory_space<vmem>>, vector<1x16xi32>,
    %and3A_284 = arith.constant 16383 : i32
    %and3A_285 = vector.broadcast %and3A_284 : i32 to vector<16xi32>
    %and3A_286 = arith.andi %get3A_274, %and3A_285 : vector<16xi32>
    %swap3A_287 = arith.constant 1 : i32
    %swap3A_288 = arith.index_cast %swap3A_287 : i32 to index
    %swap3A_289 = arith.constant 48 : index
    %swap3A_290 = tpu.vector_load %arg8[%swap3A_288, %swap3A_289] {strides = array<i32>} : memref<2x128xi32, #tpu.memory_space<vmem>>, vector<1x16xi32>,
    %swap3A_291 = vector.shape_cast %swap3A_290 : vector<1x16xi32> to vector<16xi32>
    %swap3A_292 = vector.shape_cast %and3A_286 : vector<16xi32> to vector<1x16xi32>
    tpu.vector_store %arg8[%swap3A_288, %swap3A_289], %swap3A_292 {strides = array<i32>} : memref<2x128xi32, #tpu.memory_space<vmem>>, vector<1x16xi32>,
    %get3A_293 = arith.constant 1 : i32
    %get3A_294 = arith.index_cast %get3A_293 : i32 to index
    %get3A_295 = arith.constant 64 : index
    %get3A_296 = tpu.vector_load %arg6[%get3A_294, %get3A_295] {strides = array<i32>} : memref<80x128xi32, #tpu.memory_space<vmem>>, vector<1x16xi32>,
    %get3A_297 = vector.shape_cast %get3A_296 : vector<1x16xi32> to vector<16xi32>
    %shift_right_logical3A_298 = arith.constant 14 : i32
    %shift_right_logical3A_299 = vector.broadcast %shift_right_logical3A_298 : i32 to vector<16xi32>
    %shift_right_logical3A_300 = arith.shrui %get3A_297, %shift_right_logical3A_299 : vector<16xi32>
    %swap3A_301 = arith.constant 1 : i32
    %swap3A_302 = arith.index_cast %swap3A_301 : i32 to index
    %swap3A_303 = arith.constant 64 : index
    %swap3A_304 = tpu.vector_load %arg7[%swap3A_302, %swap3A_303] {strides = array<i32>} : memref<2x128xi32, #tpu.memory_space<vmem>>, vector<1x16xi32>,
    %swap3A_305 = vector.shape_cast %swap3A_304 : vector<1x16xi32> to vector<16xi32>
    %swap3A_306 = vector.shape_cast %shift_right_logical3A_300 : vector<16xi32> to vector<1x16xi32>
    tpu.vector_store %arg7[%swap3A_302, %swap3A_303], %swap3A_306 {strides = array<i32>} : memref<2x128xi32, #tpu.memory_space<vmem>>, vector<1x16xi32>,
    %and3A_307 = arith.constant 16383 : i32
    %and3A_308 = vector.broadcast %and3A_307 : i32 to vector<16xi32>
    %and3A_309 = arith.andi %get3A_297, %and3A_308 : vector<16xi32>
    %swap3A_310 = arith.constant 1 : i32
    %swap3A_311 = arith.index_cast %swap3A_310 : i32 to index
    %swap3A_312 = arith.constant 64 : index
    %swap3A_313 = tpu.vector_load %arg8[%swap3A_311, %swap3A_312] {strides = array<i32>} : memref<2x128xi32, #tpu.memory_space<vmem>>, vector<1x16xi32>,
    %swap3A_314 = vector.shape_cast %swap3A_313 : vector<1x16xi32> to vector<16xi32>
    %swap3A_315 = vector.shape_cast %and3A_309 : vector<16xi32> to vector<1x16xi32>
    tpu.vector_store %arg8[%swap3A_311, %swap3A_312], %swap3A_315 {strides = array<i32>} : memref<2x128xi32, #tpu.memory_space<vmem>>, vector<1x16xi32>,
    %get3A_316 = arith.constant 1 : i32
    %get3A_317 = arith.index_cast %get3A_316 : i32 to index
    %get3A_318 = arith.constant 80 : index
    %get3A_319 = tpu.vector_load %arg6[%get3A_317, %get3A_318] {strides = array<i32>} : memref<80x128xi32, #tpu.memory_space<vmem>>, vector<1x16xi32>,
    %get3A_320 = vector.shape_cast %get3A_319 : vector<1x16xi32> to vector<16xi32>
    %shift_right_logical3A_321 = arith.constant 14 : i32
    %shift_right_logical3A_322 = vector.broadcast %shift_right_logical3A_321 : i32 to vector<16xi32>
    %shift_right_logical3A_323 = arith.shrui %get3A_320, %shift_right_logical3A_322 : vector<16xi32>
    %swap3A_324 = arith.constant 1 : i32
    %swap3A_325 = arith.index_cast %swap3A_324 : i32 to index
    %swap3A_326 = arith.constant 80 : index
    %swap3A_327 = tpu.vector_load %arg7[%swap3A_325, %swap3A_326] {strides = array<i32>} : memref<2x128xi32, #tpu.memory_space<vmem>>, vector<1x16xi32>,
    %swap3A_328 = vector.shape_cast %swap3A_327 : vector<1x16xi32> to vector<16xi32>
    %swap3A_329 = vector.shape_cast %shift_right_logical3A_323 : vector<16xi32> to vector<1x16xi32>
    tpu.vector_store %arg7[%swap3A_325, %swap3A_326], %swap3A_329 {strides = array<i32>} : memref<2x128xi32, #tpu.memory_space<vmem>>, vector<1x16xi32>,
    %and3A_330 = arith.constant 16383 : i32
    %and3A_331 = vector.broadcast %and3A_330 : i32 to vector<16xi32>
    %and3A_332 = arith.andi %get3A_320, %and3A_331 : vector<16xi32>
    %swap3A_333 = arith.constant 1 : i32
    %swap3A_334 = arith.index_cast %swap3A_333 : i32 to index
    %swap3A_335 = arith.constant 80 : index
    %swap3A_336 = tpu.vector_load %arg8[%swap3A_334, %swap3A_335] {strides = array<i32>} : memref<2x128xi32, #tpu.memory_space<vmem>>, vector<1x16xi32>,
    %swap3A_337 = vector.shape_cast %swap3A_336 : vector<1x16xi32> to vector<16xi32>
    %swap3A_338 = vector.shape_cast %and3A_332 : vector<16xi32> to vector<1x16xi32>
    tpu.vector_store %arg8[%swap3A_334, %swap3A_335], %swap3A_338 {strides = array<i32>} : memref<2x128xi32, #tpu.memory_space<vmem>>, vector<1x16xi32>,
    %get3A_339 = arith.constant 1 : i32
    %get3A_340 = arith.index_cast %get3A_339 : i32 to index
    %get3A_341 = arith.constant 96 : index
    %get3A_342 = tpu.vector_load %arg6[%get3A_340, %get3A_341] {strides = array<i32>} : memref<80x128xi32, #tpu.memory_space<vmem>>, vector<1x16xi32>,
    %get3A_343 = vector.shape_cast %get3A_342 : vector<1x16xi32> to vector<16xi32>
    %shift_right_logical3A_344 = arith.constant 14 : i32
    %shift_right_logical3A_345 = vector.broadcast %shift_right_logical3A_344 : i32 to vector<16xi32>
    %shift_right_logical3A_346 = arith.shrui %get3A_343, %shift_right_logical3A_345 : vector<16xi32>
    %swap3A_347 = arith.constant 1 : i32
    %swap3A_348 = arith.index_cast %swap3A_347 : i32 to index
    %swap3A_349 = arith.constant 96 : index
    %swap3A_350 = tpu.vector_load %arg7[%swap3A_348, %swap3A_349] {strides = array<i32>} : memref<2x128xi32, #tpu.memory_space<vmem>>, vector<1x16xi32>,
    %swap3A_351 = vector.shape_cast %swap3A_350 : vector<1x16xi32> to vector<16xi32>
    %swap3A_352 = vector.shape_cast %shift_right_logical3A_346 : vector<16xi32> to vector<1x16xi32>
    tpu.vector_store %arg7[%swap3A_348, %swap3A_349], %swap3A_352 {strides = array<i32>} : memref<2x128xi32, #tpu.memory_space<vmem>>, vector<1x16xi32>,
    %and3A_353 = arith.constant 16383 : i32
    %and3A_354 = vector.broadcast %and3A_353 : i32 to vector<16xi32>
    %and3A_355 = arith.andi %get3A_343, %and3A_354 : vector<16xi32>
    %swap3A_356 = arith.constant 1 : i32
    %swap3A_357 = arith.index_cast %swap3A_356 : i32 to index
    %swap3A_358 = arith.constant 96 : index
    %swap3A_359 = tpu.vector_load %arg8[%swap3A_357, %swap3A_358] {strides = array<i32>} : memref<2x128xi32, #tpu.memory_space<vmem>>, vector<1x16xi32>,
    %swap3A_360 = vector.shape_cast %swap3A_359 : vector<1x16xi32> to vector<16xi32>
    %swap3A_361 = vector.shape_cast %and3A_355 : vector<16xi32> to vector<1x16xi32>
    tpu.vector_store %arg8[%swap3A_357, %swap3A_358], %swap3A_361 {strides = array<i32>} : memref<2x128xi32, #tpu.memory_space<vmem>>, vector<1x16xi32>,
    %get3A_362 = arith.constant 1 : i32
    %get3A_363 = arith.index_cast %get3A_362 : i32 to index
    %get3A_364 = arith.constant 112 : index
    %get3A_365 = tpu.vector_load %arg6[%get3A_363, %get3A_364] {strides = array<i32>} : memref<80x128xi32, #tpu.memory_space<vmem>>, vector<1x16xi32>,
    %get3A_366 = vector.shape_cast %get3A_365 : vector<1x16xi32> to vector<16xi32>
    %shift_right_logical3A_367 = arith.constant 14 : i32
    %shift_right_logical3A_368 = vector.broadcast %shift_right_logical3A_367 : i32 to vector<16xi32>
    %shift_right_logical3A_369 = arith.shrui %get3A_366, %shift_right_logical3A_368 : vector<16xi32>
    %swap3A_370 = arith.constant 1 : i32
    %swap3A_371 = arith.index_cast %swap3A_370 : i32 to index
    %swap3A_372 = arith.constant 112 : index
    %swap3A_373 = tpu.vector_load %arg7[%swap3A_371, %swap3A_372] {strides = array<i32>} : memref<2x128xi32, #tpu.memory_space<vmem>>, vector<1x16xi32>,
    %swap3A_374 = vector.shape_cast %swap3A_373 : vector<1x16xi32> to vector<16xi32>
    %swap3A_375 = vector.shape_cast %shift_right_logical3A_369 : vector<16xi32> to vector<1x16xi32>
    tpu.vector_store %arg7[%swap3A_371, %swap3A_372], %swap3A_375 {strides = array<i32>} : memref<2x128xi32, #tpu.memory_space<vmem>>, vector<1x16xi32>,
    %and3A_376 = arith.constant 16383 : i32
    %and3A_377 = vector.broadcast %and3A_376 : i32 to vector<16xi32>
    %and3A_378 = arith.andi %get3A_366, %and3A_377 : vector<16xi32>
    %swap3A_379 = arith.constant 1 : i32
    %swap3A_380 = arith.index_cast %swap3A_379 : i32 to index
    %swap3A_381 = arith.constant 112 : index
    %swap3A_382 = tpu.vector_load %arg8[%swap3A_380, %swap3A_381] {strides = array<i32>} : memref<2x128xi32, #tpu.memory_space<vmem>>, vector<1x16xi32>,
    %swap3A_383 = vector.shape_cast %swap3A_382 : vector<1x16xi32> to vector<16xi32>
    %swap3A_384 = vector.shape_cast %and3A_378 : vector<16xi32> to vector<1x16xi32>
    tpu.vector_store %arg8[%swap3A_380, %swap3A_381], %swap3A_384 {strides = array<i32>} : memref<2x128xi32, #tpu.memory_space<vmem>>, vector<1x16xi32>,
    %dma_start3A_385 = arith.constant 1 : i32
    %dma_start3A_386 = arith.constant 1 : i32
    %dma_start3A_387 = arith.constant 0 : i32
    %dma_start3A_388 = arith.constant 0 : i32
    %dma_start3A_389 = tpu.memref_slice %arg9[%dma_start3A_386, %dma_start3A_387, %dma_start3A_388] : memref<2x128x128xf32, #tpu.memory_space<vmem>> -> memref<1x128x128xf32, #tpu.memory_space<vmem>>
    %dma_start3A_390 = tpu.memref_squeeze %dma_start3A_389 : memref<1x128x128xf32, #tpu.memory_space<vmem>> -> memref<128x128xf32, #tpu.memory_space<vmem>>
    %dma_start3A_391 = arith.constant 0 : i32
    %dma_start3A_392 = tpu.memref_slice %arg7[%dma_start3A_385, %dma_start3A_391] : memref<2x128xi32, #tpu.memory_space<vmem>> -> memref<1x128xi32, #tpu.memory_space<vmem>>
    %dma_start3A_393 = tpu.memref_squeeze %dma_start3A_392 : memref<1x128xi32, #tpu.memory_space<vmem>> -> memref<128xi32, #tpu.memory_space<vmem>>
    %dma_start3A_394 = arith.constant 0 : i32
    %dma_start3A_395 = arith.constant 0 : i32
    %dma_start3A_396 = tpu.memref_slice %arg2[%dma_start3A_394, %dma_start3A_395] : memref<10000x128xf32, #tpu.memory_space<hbm>> -> memref<10000x128xf32, #tpu.memory_space<hbm>>
    tpu.enqueue_indirect_dma source(%dma_start3A_396 : memref<10000x128xf32, #tpu.memory_space<hbm>>) target(%dma_start3A_390 : memref<128x128xf32, #tpu.memory_space<vmem>>) offsets(%dma_start3A_393 : memref<128xi32, #tpu.memory_space<vmem>>) semaphore(%arg13 : memref<!tpu.dma_semaphore, #tpu.memory_space<semaphore_mem>>)
    %mul3A_397 = arith.constant 632 : i32
    %mul3A_398 = arith.muli %arg1, %mul3A_397 : i32
    "tpu.region"() ({
      %run_scoped3A = tpu.sem_alloc : memref<!tpu.dma_semaphore, #tpu.memory_space<semaphore_mem>>
      %dma_start3A_409 = arith.constant 0 : i32
      %dma_start3A_410 = tpu.memref_slice %arg10[%mul3A_398, %dma_start3A_409] : memref<10112x128xf32, #tpu.memory_space<vmem_shared>> -> memref<632x128xf32, #tpu.memory_space<vmem_shared>>
      tpu.enqueue_dma source(%arg4 : memref<632x128xf32, #tpu.memory_space<hbm>>) target(%dma_start3A_410 : memref<632x128xf32, #tpu.memory_space<vmem_shared>>) target_semaphore(%run_scoped3A : memref<!tpu.dma_semaphore, #tpu.memory_space<semaphore_mem>>)
      %dma_wait3A_411 = arith.constant 0 : i32
      %dma_wait3A_412 = tpu.memref_slice %arg10[%mul3A_398, %dma_wait3A_411] : memref<10112x128xf32, #tpu.memory_space<vmem_shared>> -> memref<632x128xf32, #tpu.memory_space<vmem_shared>>
      tpu.wait_dma2 semaphore(%run_scoped3A : memref<!tpu.dma_semaphore, #tpu.memory_space<semaphore_mem>>) src(%arg4 : memref<632x128xf32, #tpu.memory_space<hbm>>) dst(%dma_wait3A_412 : memref<632x128xf32, #tpu.memory_space<vmem_shared>>)
      tpu.yield
    }) : () -> ()
    %barrier3A = arith.constant 0 : index
    tpu.barrier barrier_id(%barrier3A)
    %scan3A = arith.constant 0 : i32
    %scan3A_399 = arith.constant 0 : i32
    %scan3A_400 = arith.constant 40 : i32
    %scan3A_401 = arith.addi %scan3A_399, %scan3A_400 : i32
    %scan3A_402 = arith.constant 1 : i32
    scf.for %scan3A_409 = %scan3A_399 to %scan3A_401 step %scan3A_402  : i32 {
      %mul3A_410 = arith.constant 2 : i32
      %mul3A_411 = arith.muli %mul3A_410, %scan3A_409 : i32
      %add3A_412 = arith.constant 0 : i32
      %add3A_413 = arith.addi %mul3A_411, %add3A_412 : i32
      %dma_wait3A_414 = arith.constant 0 : i32
      %dma_wait3A_415 = arith.constant 0 : i32
      %dma_wait3A_416 = arith.constant 0 : i32
      %dma_wait3A_417 = arith.constant 0 : i32
      %dma_wait3A_418 = tpu.memref_slice %arg9[%dma_wait3A_415, %dma_wait3A_416, %dma_wait3A_417] : memref<2x128x128xf32, #tpu.memory_space<vmem>> -> memref<1x128x128xf32, #tpu.memory_space<vmem>>
      %dma_wait3A_419 = tpu.memref_squeeze %dma_wait3A_418 : memref<1x128x128xf32, #tpu.memory_space<vmem>> -> memref<128x128xf32, #tpu.memory_space<vmem>>
      %dma_wait3A_420 = arith.constant 0 : i32
      %dma_wait3A_421 = tpu.memref_slice %arg7[%dma_wait3A_414, %dma_wait3A_420] : memref<2x128xi32, #tpu.memory_space<vmem>> -> memref<1x128xi32, #tpu.memory_space<vmem>>
      %dma_wait3A_422 = tpu.memref_squeeze %dma_wait3A_421 : memref<1x128xi32, #tpu.memory_space<vmem>> -> memref<128xi32, #tpu.memory_space<vmem>>
      %dma_wait3A_423 = arith.constant 0 : i32
      %dma_wait3A_424 = arith.constant 0 : i32
      %dma_wait3A_425 = tpu.memref_slice %arg2[%dma_wait3A_423, %dma_wait3A_424] : memref<10000x128xf32, #tpu.memory_space<hbm>> -> memref<10000x128xf32, #tpu.memory_space<hbm>>
      tpu.wait_indirect_dma semaphore(%arg12 : memref<!tpu.dma_semaphore, #tpu.memory_space<semaphore_mem>>) src(%dma_wait3A_425 : memref<10000x128xf32, #tpu.memory_space<hbm>>) dst(%dma_wait3A_419 : memref<128x128xf32, #tpu.memory_space<vmem>>)
      %run_scoped3A = arith.constant 0 : i32
      %run_scoped3A_426 = arith.constant 0 : i32
      "tpu.region"() ({
        %run_scoped3A_456 = tpu.sem_alloc : memref<!tpu.dma_semaphore, #tpu.memory_space<semaphore_mem>>
        %dma_start3A_457 = arith.constant 0 : i32
        %dma_start3A_458 = arith.constant 0 : i32
        %dma_start3A_459 = tpu.memref_slice %arg9[%run_scoped3A, %dma_start3A_457, %dma_start3A_458] : memref<2x128x128xf32, #tpu.memory_space<vmem>> -> memref<1x128x128xf32, #tpu.memory_space<vmem>>
        %dma_start3A_460 = tpu.memref_squeeze %dma_start3A_459 : memref<1x128x128xf32, #tpu.memory_space<vmem>> -> memref<128x128xf32, #tpu.memory_space<vmem>>
        %dma_start3A_461 = arith.constant 0 : i32
        %dma_start3A_462 = tpu.memref_slice %arg8[%run_scoped3A_426, %dma_start3A_461] : memref<2x128xi32, #tpu.memory_space<vmem>> -> memref<1x128xi32, #tpu.memory_space<vmem>>
        %dma_start3A_463 = tpu.memref_squeeze %dma_start3A_462 : memref<1x128xi32, #tpu.memory_space<vmem>> -> memref<128xi32, #tpu.memory_space<vmem>>
        %dma_start3A_464 = arith.constant 0 : i32
        %dma_start3A_465 = arith.constant 0 : i32
        %dma_start3A_466 = tpu.memref_slice %arg10[%dma_start3A_464, %dma_start3A_465] : memref<10112x128xf32, #tpu.memory_space<vmem_shared>> -> memref<10112x128xf32, #tpu.memory_space<vmem_shared>>
        tpu.enqueue_indirect_dma source(%dma_start3A_460 : memref<128x128xf32, #tpu.memory_space<vmem>>) target(%dma_start3A_466 : memref<10112x128xf32, #tpu.memory_space<vmem_shared>>) offsets(%dma_start3A_463 : memref<128xi32, #tpu.memory_space<vmem>>) semaphore(%run_scoped3A_456 : memref<!tpu.dma_semaphore, #tpu.memory_space<semaphore_mem>>) {add = true}
        %dma_wait3A_467 = arith.constant 0 : i32
        %dma_wait3A_468 = arith.constant 0 : i32
        %dma_wait3A_469 = tpu.memref_slice %arg9[%run_scoped3A, %dma_wait3A_467, %dma_wait3A_468] : memref<2x128x128xf32, #tpu.memory_space<vmem>> -> memref<1x128x128xf32, #tpu.memory_space<vmem>>
        %dma_wait3A_470 = tpu.memref_squeeze %dma_wait3A_469 : memref<1x128x128xf32, #tpu.memory_space<vmem>> -> memref<128x128xf32, #tpu.memory_space<vmem>>
        %dma_wait3A_471 = arith.constant 0 : i32
        %dma_wait3A_472 = tpu.memref_slice %arg8[%run_scoped3A_426, %dma_wait3A_471] : memref<2x128xi32, #tpu.memory_space<vmem>> -> memref<1x128xi32, #tpu.memory_space<vmem>>
        %dma_wait3A_473 = tpu.memref_squeeze %dma_wait3A_472 : memref<1x128xi32, #tpu.memory_space<vmem>> -> memref<128xi32, #tpu.memory_space<vmem>>
        %dma_wait3A_474 = arith.constant 0 : i32
        %dma_wait3A_475 = arith.constant 0 : i32
        %dma_wait3A_476 = tpu.memref_slice %arg10[%dma_wait3A_474, %dma_wait3A_475] : memref<10112x128xf32, #tpu.memory_space<vmem_shared>> -> memref<10112x128xf32, #tpu.memory_space<vmem_shared>>
        tpu.wait_indirect_dma semaphore(%run_scoped3A_456 : memref<!tpu.dma_semaphore, #tpu.memory_space<semaphore_mem>>) src(%dma_wait3A_470 : memref<128x128xf32, #tpu.memory_space<vmem>>) dst(%dma_wait3A_476 : memref<10112x128xf32, #tpu.memory_space<vmem_shared>>)
        tpu.yield
      }) : () -> ()
      %add3A_427 = arith.constant 2 : i32
      %add3A_428 = arith.addi %add3A_413, %add3A_427 : i32
      %lt3A = arith.constant 80 : i32
      %lt3A_429 = arith.cmpi slt, %add3A_428, %lt3A : i32
      %convert_element_type3A = arith.extui %lt3A_429 : i1 to i32
      %cond3A = arith.constant 0 : i32
      %cond3A_430 = arith.cmpi ne, %convert_element_type3A, %cond3A : i32
      scf.if %cond3A_430 {
        %add3A_456 = arith.constant 2 : i32
        %add3A_457 = arith.addi %add3A_413, %add3A_456 : i32
        %get3A_458 = arith.index_cast %add3A_457 : i32 to index
        %get3A_459 = arith.constant 0 : index
        %get3A_460 = tpu.vector_load %arg6[%get3A_458, %get3A_459] {strides = array<i32>} : memref<80x128xi32, #tpu.memory_space<vmem>>, vector<1x16xi32>,
        %get3A_461 = vector.shape_cast %get3A_460 : vector<1x16xi32> to vector<16xi32>
        %shift_right_logical3A_462 = arith.constant 14 : i32
        %shift_right_logical3A_463 = vector.broadcast %shift_right_logical3A_462 : i32 to vector<16xi32>
        %shift_right_logical3A_464 = arith.shrui %get3A_461, %shift_right_logical3A_463 : vector<16xi32>
        %swap3A_465 = arith.constant 0 : i32
        %swap3A_466 = arith.index_cast %swap3A_465 : i32 to index
        %swap3A_467 = arith.constant 0 : index
        %swap3A_468 = tpu.vector_load %arg7[%swap3A_466, %swap3A_467] {strides = array<i32>} : memref<2x128xi32, #tpu.memory_space<vmem>>, vector<1x16xi32>,
        %swap3A_469 = vector.shape_cast %swap3A_468 : vector<1x16xi32> to vector<16xi32>
        %swap3A_470 = vector.shape_cast %shift_right_logical3A_464 : vector<16xi32> to vector<1x16xi32>
        tpu.vector_store %arg7[%swap3A_466, %swap3A_467], %swap3A_470 {strides = array<i32>} : memref<2x128xi32, #tpu.memory_space<vmem>>, vector<1x16xi32>,
        %and3A_471 = arith.constant 16383 : i32
        %and3A_472 = vector.broadcast %and3A_471 : i32 to vector<16xi32>
        %and3A_473 = arith.andi %get3A_461, %and3A_472 : vector<16xi32>
        %swap3A_474 = arith.constant 0 : i32
        %swap3A_475 = arith.index_cast %swap3A_474 : i32 to index
        %swap3A_476 = arith.constant 0 : index
        %swap3A_477 = tpu.vector_load %arg8[%swap3A_475, %swap3A_476] {strides = array<i32>} : memref<2x128xi32, #tpu.memory_space<vmem>>, vector<1x16xi32>,
        %swap3A_478 = vector.shape_cast %swap3A_477 : vector<1x16xi32> to vector<16xi32>
        %swap3A_479 = vector.shape_cast %and3A_473 : vector<16xi32> to vector<1x16xi32>
        tpu.vector_store %arg8[%swap3A_475, %swap3A_476], %swap3A_479 {strides = array<i32>} : memref<2x128xi32, #tpu.memory_space<vmem>>, vector<1x16xi32>,
        %get3A_480 = arith.index_cast %add3A_457 : i32 to index
        %get3A_481 = arith.constant 16 : index
        %get3A_482 = tpu.vector_load %arg6[%get3A_480, %get3A_481] {strides = array<i32>} : memref<80x128xi32, #tpu.memory_space<vmem>>, vector<1x16xi32>,
        %get3A_483 = vector.shape_cast %get3A_482 : vector<1x16xi32> to vector<16xi32>
        %shift_right_logical3A_484 = arith.constant 14 : i32
        %shift_right_logical3A_485 = vector.broadcast %shift_right_logical3A_484 : i32 to vector<16xi32>
        %shift_right_logical3A_486 = arith.shrui %get3A_483, %shift_right_logical3A_485 : vector<16xi32>
        %swap3A_487 = arith.constant 0 : i32
        %swap3A_488 = arith.index_cast %swap3A_487 : i32 to index
        %swap3A_489 = arith.constant 16 : index
        %swap3A_490 = tpu.vector_load %arg7[%swap3A_488, %swap3A_489] {strides = array<i32>} : memref<2x128xi32, #tpu.memory_space<vmem>>, vector<1x16xi32>,
        %swap3A_491 = vector.shape_cast %swap3A_490 : vector<1x16xi32> to vector<16xi32>
        %swap3A_492 = vector.shape_cast %shift_right_logical3A_486 : vector<16xi32> to vector<1x16xi32>
        tpu.vector_store %arg7[%swap3A_488, %swap3A_489], %swap3A_492 {strides = array<i32>} : memref<2x128xi32, #tpu.memory_space<vmem>>, vector<1x16xi32>,
        %and3A_493 = arith.constant 16383 : i32
        %and3A_494 = vector.broadcast %and3A_493 : i32 to vector<16xi32>
        %and3A_495 = arith.andi %get3A_483, %and3A_494 : vector<16xi32>
        %swap3A_496 = arith.constant 0 : i32
        %swap3A_497 = arith.index_cast %swap3A_496 : i32 to index
        %swap3A_498 = arith.constant 16 : index
        %swap3A_499 = tpu.vector_load %arg8[%swap3A_497, %swap3A_498] {strides = array<i32>} : memref<2x128xi32, #tpu.memory_space<vmem>>, vector<1x16xi32>,
        %swap3A_500 = vector.shape_cast %swap3A_499 : vector<1x16xi32> to vector<16xi32>
        %swap3A_501 = vector.shape_cast %and3A_495 : vector<16xi32> to vector<1x16xi32>
        tpu.vector_store %arg8[%swap3A_497, %swap3A_498], %swap3A_501 {strides = array<i32>} : memref<2x128xi32, #tpu.memory_space<vmem>>, vector<1x16xi32>,
        %get3A_502 = arith.index_cast %add3A_457 : i32 to index
        %get3A_503 = arith.constant 32 : index
        %get3A_504 = tpu.vector_load %arg6[%get3A_502, %get3A_503] {strides = array<i32>} : memref<80x128xi32, #tpu.memory_space<vmem>>, vector<1x16xi32>,
        %get3A_505 = vector.shape_cast %get3A_504 : vector<1x16xi32> to vector<16xi32>
        %shift_right_logical3A_506 = arith.constant 14 : i32
        %shift_right_logical3A_507 = vector.broadcast %shift_right_logical3A_506 : i32 to vector<16xi32>
        %shift_right_logical3A_508 = arith.shrui %get3A_505, %shift_right_logical3A_507 : vector<16xi32>
        %swap3A_509 = arith.constant 0 : i32
        %swap3A_510 = arith.index_cast %swap3A_509 : i32 to index
        %swap3A_511 = arith.constant 32 : index
        %swap3A_512 = tpu.vector_load %arg7[%swap3A_510, %swap3A_511] {strides = array<i32>} : memref<2x128xi32, #tpu.memory_space<vmem>>, vector<1x16xi32>,
        %swap3A_513 = vector.shape_cast %swap3A_512 : vector<1x16xi32> to vector<16xi32>
        %swap3A_514 = vector.shape_cast %shift_right_logical3A_508 : vector<16xi32> to vector<1x16xi32>
        tpu.vector_store %arg7[%swap3A_510, %swap3A_511], %swap3A_514 {strides = array<i32>} : memref<2x128xi32, #tpu.memory_space<vmem>>, vector<1x16xi32>,
        %and3A_515 = arith.constant 16383 : i32
        %and3A_516 = vector.broadcast %and3A_515 : i32 to vector<16xi32>
        %and3A_517 = arith.andi %get3A_505, %and3A_516 : vector<16xi32>
        %swap3A_518 = arith.constant 0 : i32
        %swap3A_519 = arith.index_cast %swap3A_518 : i32 to index
        %swap3A_520 = arith.constant 32 : index
        %swap3A_521 = tpu.vector_load %arg8[%swap3A_519, %swap3A_520] {strides = array<i32>} : memref<2x128xi32, #tpu.memory_space<vmem>>, vector<1x16xi32>,
        %swap3A_522 = vector.shape_cast %swap3A_521 : vector<1x16xi32> to vector<16xi32>
        %swap3A_523 = vector.shape_cast %and3A_517 : vector<16xi32> to vector<1x16xi32>
        tpu.vector_store %arg8[%swap3A_519, %swap3A_520], %swap3A_523 {strides = array<i32>} : memref<2x128xi32, #tpu.memory_space<vmem>>, vector<1x16xi32>,
        %get3A_524 = arith.index_cast %add3A_457 : i32 to index
        %get3A_525 = arith.constant 48 : index
        %get3A_526 = tpu.vector_load %arg6[%get3A_524, %get3A_525] {strides = array<i32>} : memref<80x128xi32, #tpu.memory_space<vmem>>, vector<1x16xi32>,
        %get3A_527 = vector.shape_cast %get3A_526 : vector<1x16xi32> to vector<16xi32>
        %shift_right_logical3A_528 = arith.constant 14 : i32
        %shift_right_logical3A_529 = vector.broadcast %shift_right_logical3A_528 : i32 to vector<16xi32>
        %shift_right_logical3A_530 = arith.shrui %get3A_527, %shift_right_logical3A_529 : vector<16xi32>
        %swap3A_531 = arith.constant 0 : i32
        %swap3A_532 = arith.index_cast %swap3A_531 : i32 to index
        %swap3A_533 = arith.constant 48 : index
        %swap3A_534 = tpu.vector_load %arg7[%swap3A_532, %swap3A_533] {strides = array<i32>} : memref<2x128xi32, #tpu.memory_space<vmem>>, vector<1x16xi32>,
        %swap3A_535 = vector.shape_cast %swap3A_534 : vector<1x16xi32> to vector<16xi32>
        %swap3A_536 = vector.shape_cast %shift_right_logical3A_530 : vector<16xi32> to vector<1x16xi32>
        tpu.vector_store %arg7[%swap3A_532, %swap3A_533], %swap3A_536 {strides = array<i32>} : memref<2x128xi32, #tpu.memory_space<vmem>>, vector<1x16xi32>,
        %and3A_537 = arith.constant 16383 : i32
        %and3A_538 = vector.broadcast %and3A_537 : i32 to vector<16xi32>
        %and3A_539 = arith.andi %get3A_527, %and3A_538 : vector<16xi32>
        %swap3A_540 = arith.constant 0 : i32
        %swap3A_541 = arith.index_cast %swap3A_540 : i32 to index
        %swap3A_542 = arith.constant 48 : index
        %swap3A_543 = tpu.vector_load %arg8[%swap3A_541, %swap3A_542] {strides = array<i32>} : memref<2x128xi32, #tpu.memory_space<vmem>>, vector<1x16xi32>,
        %swap3A_544 = vector.shape_cast %swap3A_543 : vector<1x16xi32> to vector<16xi32>
        %swap3A_545 = vector.shape_cast %and3A_539 : vector<16xi32> to vector<1x16xi32>
        tpu.vector_store %arg8[%swap3A_541, %swap3A_542], %swap3A_545 {strides = array<i32>} : memref<2x128xi32, #tpu.memory_space<vmem>>, vector<1x16xi32>,
        %get3A_546 = arith.index_cast %add3A_457 : i32 to index
        %get3A_547 = arith.constant 64 : index
        %get3A_548 = tpu.vector_load %arg6[%get3A_546, %get3A_547] {strides = array<i32>} : memref<80x128xi32, #tpu.memory_space<vmem>>, vector<1x16xi32>,
        %get3A_549 = vector.shape_cast %get3A_548 : vector<1x16xi32> to vector<16xi32>
        %shift_right_logical3A_550 = arith.constant 14 : i32
        %shift_right_logical3A_551 = vector.broadcast %shift_right_logical3A_550 : i32 to vector<16xi32>
        %shift_right_logical3A_552 = arith.shrui %get3A_549, %shift_right_logical3A_551 : vector<16xi32>
        %swap3A_553 = arith.constant 0 : i32
        %swap3A_554 = arith.index_cast %swap3A_553 : i32 to index
        %swap3A_555 = arith.constant 64 : index
        %swap3A_556 = tpu.vector_load %arg7[%swap3A_554, %swap3A_555] {strides = array<i32>} : memref<2x128xi32, #tpu.memory_space<vmem>>, vector<1x16xi32>,
        %swap3A_557 = vector.shape_cast %swap3A_556 : vector<1x16xi32> to vector<16xi32>
        %swap3A_558 = vector.shape_cast %shift_right_logical3A_552 : vector<16xi32> to vector<1x16xi32>
        tpu.vector_store %arg7[%swap3A_554, %swap3A_555], %swap3A_558 {strides = array<i32>} : memref<2x128xi32, #tpu.memory_space<vmem>>, vector<1x16xi32>,
        %and3A_559 = arith.constant 16383 : i32
        %and3A_560 = vector.broadcast %and3A_559 : i32 to vector<16xi32>
        %and3A_561 = arith.andi %get3A_549, %and3A_560 : vector<16xi32>
        %swap3A_562 = arith.constant 0 : i32
        %swap3A_563 = arith.index_cast %swap3A_562 : i32 to index
        %swap3A_564 = arith.constant 64 : index
        %swap3A_565 = tpu.vector_load %arg8[%swap3A_563, %swap3A_564] {strides = array<i32>} : memref<2x128xi32, #tpu.memory_space<vmem>>, vector<1x16xi32>,
        %swap3A_566 = vector.shape_cast %swap3A_565 : vector<1x16xi32> to vector<16xi32>
        %swap3A_567 = vector.shape_cast %and3A_561 : vector<16xi32> to vector<1x16xi32>
        tpu.vector_store %arg8[%swap3A_563, %swap3A_564], %swap3A_567 {strides = array<i32>} : memref<2x128xi32, #tpu.memory_space<vmem>>, vector<1x16xi32>,
        %get3A_568 = arith.index_cast %add3A_457 : i32 to index
        %get3A_569 = arith.constant 80 : index
        %get3A_570 = tpu.vector_load %arg6[%get3A_568, %get3A_569] {strides = array<i32>} : memref<80x128xi32, #tpu.memory_space<vmem>>, vector<1x16xi32>,
        %get3A_571 = vector.shape_cast %get3A_570 : vector<1x16xi32> to vector<16xi32>
        %shift_right_logical3A_572 = arith.constant 14 : i32
        %shift_right_logical3A_573 = vector.broadcast %shift_right_logical3A_572 : i32 to vector<16xi32>
        %shift_right_logical3A_574 = arith.shrui %get3A_571, %shift_right_logical3A_573 : vector<16xi32>
        %swap3A_575 = arith.constant 0 : i32
        %swap3A_576 = arith.index_cast %swap3A_575 : i32 to index
        %swap3A_577 = arith.constant 80 : index
        %swap3A_578 = tpu.vector_load %arg7[%swap3A_576, %swap3A_577] {strides = array<i32>} : memref<2x128xi32, #tpu.memory_space<vmem>>, vector<1x16xi32>,
        %swap3A_579 = vector.shape_cast %swap3A_578 : vector<1x16xi32> to vector<16xi32>
        %swap3A_580 = vector.shape_cast %shift_right_logical3A_574 : vector<16xi32> to vector<1x16xi32>
        tpu.vector_store %arg7[%swap3A_576, %swap3A_577], %swap3A_580 {strides = array<i32>} : memref<2x128xi32, #tpu.memory_space<vmem>>, vector<1x16xi32>,
        %and3A_581 = arith.constant 16383 : i32
        %and3A_582 = vector.broadcast %and3A_581 : i32 to vector<16xi32>
        %and3A_583 = arith.andi %get3A_571, %and3A_582 : vector<16xi32>
        %swap3A_584 = arith.constant 0 : i32
        %swap3A_585 = arith.index_cast %swap3A_584 : i32 to index
        %swap3A_586 = arith.constant 80 : index
        %swap3A_587 = tpu.vector_load %arg8[%swap3A_585, %swap3A_586] {strides = array<i32>} : memref<2x128xi32, #tpu.memory_space<vmem>>, vector<1x16xi32>,
        %swap3A_588 = vector.shape_cast %swap3A_587 : vector<1x16xi32> to vector<16xi32>
        %swap3A_589 = vector.shape_cast %and3A_583 : vector<16xi32> to vector<1x16xi32>
        tpu.vector_store %arg8[%swap3A_585, %swap3A_586], %swap3A_589 {strides = array<i32>} : memref<2x128xi32, #tpu.memory_space<vmem>>, vector<1x16xi32>,
        %get3A_590 = arith.index_cast %add3A_457 : i32 to index
        %get3A_591 = arith.constant 96 : index
        %get3A_592 = tpu.vector_load %arg6[%get3A_590, %get3A_591] {strides = array<i32>} : memref<80x128xi32, #tpu.memory_space<vmem>>, vector<1x16xi32>,
        %get3A_593 = vector.shape_cast %get3A_592 : vector<1x16xi32> to vector<16xi32>
        %shift_right_logical3A_594 = arith.constant 14 : i32
        %shift_right_logical3A_595 = vector.broadcast %shift_right_logical3A_594 : i32 to vector<16xi32>
        %shift_right_logical3A_596 = arith.shrui %get3A_593, %shift_right_logical3A_595 : vector<16xi32>
        %swap3A_597 = arith.constant 0 : i32
        %swap3A_598 = arith.index_cast %swap3A_597 : i32 to index
        %swap3A_599 = arith.constant 96 : index
        %swap3A_600 = tpu.vector_load %arg7[%swap3A_598, %swap3A_599] {strides = array<i32>} : memref<2x128xi32, #tpu.memory_space<vmem>>, vector<1x16xi32>,
        %swap3A_601 = vector.shape_cast %swap3A_600 : vector<1x16xi32> to vector<16xi32>
        %swap3A_602 = vector.shape_cast %shift_right_logical3A_596 : vector<16xi32> to vector<1x16xi32>
        tpu.vector_store %arg7[%swap3A_598, %swap3A_599], %swap3A_602 {strides = array<i32>} : memref<2x128xi32, #tpu.memory_space<vmem>>, vector<1x16xi32>,
        %and3A_603 = arith.constant 16383 : i32
        %and3A_604 = vector.broadcast %and3A_603 : i32 to vector<16xi32>
        %and3A_605 = arith.andi %get3A_593, %and3A_604 : vector<16xi32>
        %swap3A_606 = arith.constant 0 : i32
        %swap3A_607 = arith.index_cast %swap3A_606 : i32 to index
        %swap3A_608 = arith.constant 96 : index
        %swap3A_609 = tpu.vector_load %arg8[%swap3A_607, %swap3A_608] {strides = array<i32>} : memref<2x128xi32, #tpu.memory_space<vmem>>, vector<1x16xi32>,
        %swap3A_610 = vector.shape_cast %swap3A_609 : vector<1x16xi32> to vector<16xi32>
        %swap3A_611 = vector.shape_cast %and3A_605 : vector<16xi32> to vector<1x16xi32>
        tpu.vector_store %arg8[%swap3A_607, %swap3A_608], %swap3A_611 {strides = array<i32>} : memref<2x128xi32, #tpu.memory_space<vmem>>, vector<1x16xi32>,
        %get3A_612 = arith.index_cast %add3A_457 : i32 to index
        %get3A_613 = arith.constant 112 : index
        %get3A_614 = tpu.vector_load %arg6[%get3A_612, %get3A_613] {strides = array<i32>} : memref<80x128xi32, #tpu.memory_space<vmem>>, vector<1x16xi32>,
        %get3A_615 = vector.shape_cast %get3A_614 : vector<1x16xi32> to vector<16xi32>
        %shift_right_logical3A_616 = arith.constant 14 : i32
        %shift_right_logical3A_617 = vector.broadcast %shift_right_logical3A_616 : i32 to vector<16xi32>
        %shift_right_logical3A_618 = arith.shrui %get3A_615, %shift_right_logical3A_617 : vector<16xi32>
        %swap3A_619 = arith.constant 0 : i32
        %swap3A_620 = arith.index_cast %swap3A_619 : i32 to index
        %swap3A_621 = arith.constant 112 : index
        %swap3A_622 = tpu.vector_load %arg7[%swap3A_620, %swap3A_621] {strides = array<i32>} : memref<2x128xi32, #tpu.memory_space<vmem>>, vector<1x16xi32>,
        %swap3A_623 = vector.shape_cast %swap3A_622 : vector<1x16xi32> to vector<16xi32>
        %swap3A_624 = vector.shape_cast %shift_right_logical3A_618 : vector<16xi32> to vector<1x16xi32>
        tpu.vector_store %arg7[%swap3A_620, %swap3A_621], %swap3A_624 {strides = array<i32>} : memref<2x128xi32, #tpu.memory_space<vmem>>, vector<1x16xi32>,
        %and3A_625 = arith.constant 16383 : i32
        %and3A_626 = vector.broadcast %and3A_625 : i32 to vector<16xi32>
        %and3A_627 = arith.andi %get3A_615, %and3A_626 : vector<16xi32>
        %swap3A_628 = arith.constant 0 : i32
        %swap3A_629 = arith.index_cast %swap3A_628 : i32 to index
        %swap3A_630 = arith.constant 112 : index
        %swap3A_631 = tpu.vector_load %arg8[%swap3A_629, %swap3A_630] {strides = array<i32>} : memref<2x128xi32, #tpu.memory_space<vmem>>, vector<1x16xi32>,
        %swap3A_632 = vector.shape_cast %swap3A_631 : vector<1x16xi32> to vector<16xi32>
        %swap3A_633 = vector.shape_cast %and3A_627 : vector<16xi32> to vector<1x16xi32>
        tpu.vector_store %arg8[%swap3A_629, %swap3A_630], %swap3A_633 {strides = array<i32>} : memref<2x128xi32, #tpu.memory_space<vmem>>, vector<1x16xi32>,
        %dma_start3A_634 = arith.constant 0 : i32
        %dma_start3A_635 = arith.constant 0 : i32
        %dma_start3A_636 = arith.constant 0 : i32
        %dma_start3A_637 = arith.constant 0 : i32
        %dma_start3A_638 = tpu.memref_slice %arg9[%dma_start3A_635, %dma_start3A_636, %dma_start3A_637] : memref<2x128x128xf32, #tpu.memory_space<vmem>> -> memref<1x128x128xf32, #tpu.memory_space<vmem>>
        %dma_start3A_639 = tpu.memref_squeeze %dma_start3A_638 : memref<1x128x128xf32, #tpu.memory_space<vmem>> -> memref<128x128xf32, #tpu.memory_space<vmem>>
        %dma_start3A_640 = arith.constant 0 : i32
        %dma_start3A_641 = tpu.memref_slice %arg7[%dma_start3A_634, %dma_start3A_640] : memref<2x128xi32, #tpu.memory_space<vmem>> -> memref<1x128xi32, #tpu.memory_space<vmem>>
        %dma_start3A_642 = tpu.memref_squeeze %dma_start3A_641 : memref<1x128xi32, #tpu.memory_space<vmem>> -> memref<128xi32, #tpu.memory_space<vmem>>
        %dma_start3A_643 = arith.constant 0 : i32
        %dma_start3A_644 = arith.constant 0 : i32
        %dma_start3A_645 = tpu.memref_slice %arg2[%dma_start3A_643, %dma_start3A_644] : memref<10000x128xf32, #tpu.memory_space<hbm>> -> memref<10000x128xf32, #tpu.memory_space<hbm>>
        tpu.enqueue_indirect_dma source(%dma_start3A_645 : memref<10000x128xf32, #tpu.memory_space<hbm>>) target(%dma_start3A_639 : memref<128x128xf32, #tpu.memory_space<vmem>>) offsets(%dma_start3A_642 : memref<128xi32, #tpu.memory_space<vmem>>) semaphore(%arg12 : memref<!tpu.dma_semaphore, #tpu.memory_space<semaphore_mem>>)
      } else {
      }
      %mul3A_431 = arith.constant 2 : i32
      %mul3A_432 = arith.muli %mul3A_431, %scan3A_409 : i32
      %add3A_433 = arith.constant 1 : i32
      %add3A_434 = arith.addi %mul3A_432, %add3A_433 : i32
      %dma_wait3A_435 = arith.constant 1 : i32
      %dma_wait3A_436 = arith.constant 1 : i32
      %dma_wait3A_437 = arith.constant 0 : i32
      %dma_wait3A_438 = arith.constant 0 : i32
      %dma_wait3A_439 = tpu.memref_slice %arg9[%dma_wait3A_436, %dma_wait3A_437, %dma_wait3A_438] : memref<2x128x128xf32, #tpu.memory_space<vmem>> -> memref<1x128x128xf32, #tpu.memory_space<vmem>>
      %dma_wait3A_440 = tpu.memref_squeeze %dma_wait3A_439 : memref<1x128x128xf32, #tpu.memory_space<vmem>> -> memref<128x128xf32, #tpu.memory_space<vmem>>
      %dma_wait3A_441 = arith.constant 0 : i32
      %dma_wait3A_442 = tpu.memref_slice %arg7[%dma_wait3A_435, %dma_wait3A_441] : memref<2x128xi32, #tpu.memory_space<vmem>> -> memref<1x128xi32, #tpu.memory_space<vmem>>
      %dma_wait3A_443 = tpu.memref_squeeze %dma_wait3A_442 : memref<1x128xi32, #tpu.memory_space<vmem>> -> memref<128xi32, #tpu.memory_space<vmem>>
      %dma_wait3A_444 = arith.constant 0 : i32
      %dma_wait3A_445 = arith.constant 0 : i32
      %dma_wait3A_446 = tpu.memref_slice %arg2[%dma_wait3A_444, %dma_wait3A_445] : memref<10000x128xf32, #tpu.memory_space<hbm>> -> memref<10000x128xf32, #tpu.memory_space<hbm>>
      tpu.wait_indirect_dma semaphore(%arg13 : memref<!tpu.dma_semaphore, #tpu.memory_space<semaphore_mem>>) src(%dma_wait3A_446 : memref<10000x128xf32, #tpu.memory_space<hbm>>) dst(%dma_wait3A_440 : memref<128x128xf32, #tpu.memory_space<vmem>>)
      %run_scoped3A_447 = arith.constant 1 : i32
      %run_scoped3A_448 = arith.constant 1 : i32
      "tpu.region"() ({
        %run_scoped3A_456 = tpu.sem_alloc : memref<!tpu.dma_semaphore, #tpu.memory_space<semaphore_mem>>
        %dma_start3A_457 = arith.constant 0 : i32
        %dma_start3A_458 = arith.constant 0 : i32
        %dma_start3A_459 = tpu.memref_slice %arg9[%run_scoped3A_447, %dma_start3A_457, %dma_start3A_458] : memref<2x128x128xf32, #tpu.memory_space<vmem>> -> memref<1x128x128xf32, #tpu.memory_space<vmem>>
        %dma_start3A_460 = tpu.memref_squeeze %dma_start3A_459 : memref<1x128x128xf32, #tpu.memory_space<vmem>> -> memref<128x128xf32, #tpu.memory_space<vmem>>
        %dma_start3A_461 = arith.constant 0 : i32
        %dma_start3A_462 = tpu.memref_slice %arg8[%run_scoped3A_448, %dma_start3A_461] : memref<2x128xi32, #tpu.memory_space<vmem>> -> memref<1x128xi32, #tpu.memory_space<vmem>>
        %dma_start3A_463 = tpu.memref_squeeze %dma_start3A_462 : memref<1x128xi32, #tpu.memory_space<vmem>> -> memref<128xi32, #tpu.memory_space<vmem>>
        %dma_start3A_464 = arith.constant 0 : i32
        %dma_start3A_465 = arith.constant 0 : i32
        %dma_start3A_466 = tpu.memref_slice %arg10[%dma_start3A_464, %dma_start3A_465] : memref<10112x128xf32, #tpu.memory_space<vmem_shared>> -> memref<10112x128xf32, #tpu.memory_space<vmem_shared>>
        tpu.enqueue_indirect_dma source(%dma_start3A_460 : memref<128x128xf32, #tpu.memory_space<vmem>>) target(%dma_start3A_466 : memref<10112x128xf32, #tpu.memory_space<vmem_shared>>) offsets(%dma_start3A_463 : memref<128xi32, #tpu.memory_space<vmem>>) semaphore(%run_scoped3A_456 : memref<!tpu.dma_semaphore, #tpu.memory_space<semaphore_mem>>) {add = true}
        %dma_wait3A_467 = arith.constant 0 : i32
        %dma_wait3A_468 = arith.constant 0 : i32
        %dma_wait3A_469 = tpu.memref_slice %arg9[%run_scoped3A_447, %dma_wait3A_467, %dma_wait3A_468] : memref<2x128x128xf32, #tpu.memory_space<vmem>> -> memref<1x128x128xf32, #tpu.memory_space<vmem>>
        %dma_wait3A_470 = tpu.memref_squeeze %dma_wait3A_469 : memref<1x128x128xf32, #tpu.memory_space<vmem>> -> memref<128x128xf32, #tpu.memory_space<vmem>>
        %dma_wait3A_471 = arith.constant 0 : i32
        %dma_wait3A_472 = tpu.memref_slice %arg8[%run_scoped3A_448, %dma_wait3A_471] : memref<2x128xi32, #tpu.memory_space<vmem>> -> memref<1x128xi32, #tpu.memory_space<vmem>>
        %dma_wait3A_473 = tpu.memref_squeeze %dma_wait3A_472 : memref<1x128xi32, #tpu.memory_space<vmem>> -> memref<128xi32, #tpu.memory_space<vmem>>
        %dma_wait3A_474 = arith.constant 0 : i32
        %dma_wait3A_475 = arith.constant 0 : i32
        %dma_wait3A_476 = tpu.memref_slice %arg10[%dma_wait3A_474, %dma_wait3A_475] : memref<10112x128xf32, #tpu.memory_space<vmem_shared>> -> memref<10112x128xf32, #tpu.memory_space<vmem_shared>>
        tpu.wait_indirect_dma semaphore(%run_scoped3A_456 : memref<!tpu.dma_semaphore, #tpu.memory_space<semaphore_mem>>) src(%dma_wait3A_470 : memref<128x128xf32, #tpu.memory_space<vmem>>) dst(%dma_wait3A_476 : memref<10112x128xf32, #tpu.memory_space<vmem_shared>>)
        tpu.yield
      }) : () -> ()
      %add3A_449 = arith.constant 2 : i32
      %add3A_450 = arith.addi %add3A_434, %add3A_449 : i32
      %lt3A_451 = arith.constant 80 : i32
      %lt3A_452 = arith.cmpi slt, %add3A_450, %lt3A_451 : i32
      %convert_element_type3A_453 = arith.extui %lt3A_452 : i1 to i32
      %cond3A_454 = arith.constant 0 : i32
      %cond3A_455 = arith.cmpi ne, %convert_element_type3A_453, %cond3A_454 : i32
      scf.if %cond3A_455 {
        %add3A_456 = arith.constant 2 : i32
        %add3A_457 = arith.addi %add3A_434, %add3A_456 : i32
        %get3A_458 = arith.index_cast %add3A_457 : i32 to index
        %get3A_459 = arith.constant 0 : index
        %get3A_460 = tpu.vector_load %arg6[%get3A_458, %get3A_459] {strides = array<i32>} : memref<80x128xi32, #tpu.memory_space<vmem>>, vector<1x16xi32>,
        %get3A_461 = vector.shape_cast %get3A_460 : vector<1x16xi32> to vector<16xi32>
        %shift_right_logical3A_462 = arith.constant 14 : i32
        %shift_right_logical3A_463 = vector.broadcast %shift_right_logical3A_462 : i32 to vector<16xi32>
        %shift_right_logical3A_464 = arith.shrui %get3A_461, %shift_right_logical3A_463 : vector<16xi32>
        %swap3A_465 = arith.constant 1 : i32
        %swap3A_466 = arith.index_cast %swap3A_465 : i32 to index
        %swap3A_467 = arith.constant 0 : index
        %swap3A_468 = tpu.vector_load %arg7[%swap3A_466, %swap3A_467] {strides = array<i32>} : memref<2x128xi32, #tpu.memory_space<vmem>>, vector<1x16xi32>,
        %swap3A_469 = vector.shape_cast %swap3A_468 : vector<1x16xi32> to vector<16xi32>
        %swap3A_470 = vector.shape_cast %shift_right_logical3A_464 : vector<16xi32> to vector<1x16xi32>
        tpu.vector_store %arg7[%swap3A_466, %swap3A_467], %swap3A_470 {strides = array<i32>} : memref<2x128xi32, #tpu.memory_space<vmem>>, vector<1x16xi32>,
        %and3A_471 = arith.constant 16383 : i32
        %and3A_472 = vector.broadcast %and3A_471 : i32 to vector<16xi32>
        %and3A_473 = arith.andi %get3A_461, %and3A_472 : vector<16xi32>
        %swap3A_474 = arith.constant 1 : i32
        %swap3A_475 = arith.index_cast %swap3A_474 : i32 to index
        %swap3A_476 = arith.constant 0 : index
        %swap3A_477 = tpu.vector_load %arg8[%swap3A_475, %swap3A_476] {strides = array<i32>} : memref<2x128xi32, #tpu.memory_space<vmem>>, vector<1x16xi32>,
        %swap3A_478 = vector.shape_cast %swap3A_477 : vector<1x16xi32> to vector<16xi32>
        %swap3A_479 = vector.shape_cast %and3A_473 : vector<16xi32> to vector<1x16xi32>
        tpu.vector_store %arg8[%swap3A_475, %swap3A_476], %swap3A_479 {strides = array<i32>} : memref<2x128xi32, #tpu.memory_space<vmem>>, vector<1x16xi32>,
        %get3A_480 = arith.index_cast %add3A_457 : i32 to index
        %get3A_481 = arith.constant 16 : index
        %get3A_482 = tpu.vector_load %arg6[%get3A_480, %get3A_481] {strides = array<i32>} : memref<80x128xi32, #tpu.memory_space<vmem>>, vector<1x16xi32>,
        %get3A_483 = vector.shape_cast %get3A_482 : vector<1x16xi32> to vector<16xi32>
        %shift_right_logical3A_484 = arith.constant 14 : i32
        %shift_right_logical3A_485 = vector.broadcast %shift_right_logical3A_484 : i32 to vector<16xi32>
        %shift_right_logical3A_486 = arith.shrui %get3A_483, %shift_right_logical3A_485 : vector<16xi32>
        %swap3A_487 = arith.constant 1 : i32
        %swap3A_488 = arith.index_cast %swap3A_487 : i32 to index
        %swap3A_489 = arith.constant 16 : index
        %swap3A_490 = tpu.vector_load %arg7[%swap3A_488, %swap3A_489] {strides = array<i32>} : memref<2x128xi32, #tpu.memory_space<vmem>>, vector<1x16xi32>,
        %swap3A_491 = vector.shape_cast %swap3A_490 : vector<1x16xi32> to vector<16xi32>
        %swap3A_492 = vector.shape_cast %shift_right_logical3A_486 : vector<16xi32> to vector<1x16xi32>
        tpu.vector_store %arg7[%swap3A_488, %swap3A_489], %swap3A_492 {strides = array<i32>} : memref<2x128xi32, #tpu.memory_space<vmem>>, vector<1x16xi32>,
        %and3A_493 = arith.constant 16383 : i32
        %and3A_494 = vector.broadcast %and3A_493 : i32 to vector<16xi32>
        %and3A_495 = arith.andi %get3A_483, %and3A_494 : vector<16xi32>
        %swap3A_496 = arith.constant 1 : i32
        %swap3A_497 = arith.index_cast %swap3A_496 : i32 to index
        %swap3A_498 = arith.constant 16 : index
        %swap3A_499 = tpu.vector_load %arg8[%swap3A_497, %swap3A_498] {strides = array<i32>} : memref<2x128xi32, #tpu.memory_space<vmem>>, vector<1x16xi32>,
        %swap3A_500 = vector.shape_cast %swap3A_499 : vector<1x16xi32> to vector<16xi32>
        %swap3A_501 = vector.shape_cast %and3A_495 : vector<16xi32> to vector<1x16xi32>
        tpu.vector_store %arg8[%swap3A_497, %swap3A_498], %swap3A_501 {strides = array<i32>} : memref<2x128xi32, #tpu.memory_space<vmem>>, vector<1x16xi32>,
        %get3A_502 = arith.index_cast %add3A_457 : i32 to index
        %get3A_503 = arith.constant 32 : index
        %get3A_504 = tpu.vector_load %arg6[%get3A_502, %get3A_503] {strides = array<i32>} : memref<80x128xi32, #tpu.memory_space<vmem>>, vector<1x16xi32>,
        %get3A_505 = vector.shape_cast %get3A_504 : vector<1x16xi32> to vector<16xi32>
        %shift_right_logical3A_506 = arith.constant 14 : i32
        %shift_right_logical3A_507 = vector.broadcast %shift_right_logical3A_506 : i32 to vector<16xi32>
        %shift_right_logical3A_508 = arith.shrui %get3A_505, %shift_right_logical3A_507 : vector<16xi32>
        %swap3A_509 = arith.constant 1 : i32
        %swap3A_510 = arith.index_cast %swap3A_509 : i32 to index
        %swap3A_511 = arith.constant 32 : index
        %swap3A_512 = tpu.vector_load %arg7[%swap3A_510, %swap3A_511] {strides = array<i32>} : memref<2x128xi32, #tpu.memory_space<vmem>>, vector<1x16xi32>,
        %swap3A_513 = vector.shape_cast %swap3A_512 : vector<1x16xi32> to vector<16xi32>
        %swap3A_514 = vector.shape_cast %shift_right_logical3A_508 : vector<16xi32> to vector<1x16xi32>
        tpu.vector_store %arg7[%swap3A_510, %swap3A_511], %swap3A_514 {strides = array<i32>} : memref<2x128xi32, #tpu.memory_space<vmem>>, vector<1x16xi32>,
        %and3A_515 = arith.constant 16383 : i32
        %and3A_516 = vector.broadcast %and3A_515 : i32 to vector<16xi32>
        %and3A_517 = arith.andi %get3A_505, %and3A_516 : vector<16xi32>
        %swap3A_518 = arith.constant 1 : i32
        %swap3A_519 = arith.index_cast %swap3A_518 : i32 to index
        %swap3A_520 = arith.constant 32 : index
        %swap3A_521 = tpu.vector_load %arg8[%swap3A_519, %swap3A_520] {strides = array<i32>} : memref<2x128xi32, #tpu.memory_space<vmem>>, vector<1x16xi32>,
        %swap3A_522 = vector.shape_cast %swap3A_521 : vector<1x16xi32> to vector<16xi32>
        %swap3A_523 = vector.shape_cast %and3A_517 : vector<16xi32> to vector<1x16xi32>
        tpu.vector_store %arg8[%swap3A_519, %swap3A_520], %swap3A_523 {strides = array<i32>} : memref<2x128xi32, #tpu.memory_space<vmem>>, vector<1x16xi32>,
        %get3A_524 = arith.index_cast %add3A_457 : i32 to index
        %get3A_525 = arith.constant 48 : index
        %get3A_526 = tpu.vector_load %arg6[%get3A_524, %get3A_525] {strides = array<i32>} : memref<80x128xi32, #tpu.memory_space<vmem>>, vector<1x16xi32>,
        %get3A_527 = vector.shape_cast %get3A_526 : vector<1x16xi32> to vector<16xi32>
        %shift_right_logical3A_528 = arith.constant 14 : i32
        %shift_right_logical3A_529 = vector.broadcast %shift_right_logical3A_528 : i32 to vector<16xi32>
        %shift_right_logical3A_530 = arith.shrui %get3A_527, %shift_right_logical3A_529 : vector<16xi32>
        %swap3A_531 = arith.constant 1 : i32
        %swap3A_532 = arith.index_cast %swap3A_531 : i32 to index
        %swap3A_533 = arith.constant 48 : index
        %swap3A_534 = tpu.vector_load %arg7[%swap3A_532, %swap3A_533] {strides = array<i32>} : memref<2x128xi32, #tpu.memory_space<vmem>>, vector<1x16xi32>,
        %swap3A_535 = vector.shape_cast %swap3A_534 : vector<1x16xi32> to vector<16xi32>
        %swap3A_536 = vector.shape_cast %shift_right_logical3A_530 : vector<16xi32> to vector<1x16xi32>
        tpu.vector_store %arg7[%swap3A_532, %swap3A_533], %swap3A_536 {strides = array<i32>} : memref<2x128xi32, #tpu.memory_space<vmem>>, vector<1x16xi32>,
        %and3A_537 = arith.constant 16383 : i32
        %and3A_538 = vector.broadcast %and3A_537 : i32 to vector<16xi32>
        %and3A_539 = arith.andi %get3A_527, %and3A_538 : vector<16xi32>
        %swap3A_540 = arith.constant 1 : i32
        %swap3A_541 = arith.index_cast %swap3A_540 : i32 to index
        %swap3A_542 = arith.constant 48 : index
        %swap3A_543 = tpu.vector_load %arg8[%swap3A_541, %swap3A_542] {strides = array<i32>} : memref<2x128xi32, #tpu.memory_space<vmem>>, vector<1x16xi32>,
        %swap3A_544 = vector.shape_cast %swap3A_543 : vector<1x16xi32> to vector<16xi32>
        %swap3A_545 = vector.shape_cast %and3A_539 : vector<16xi32> to vector<1x16xi32>
        tpu.vector_store %arg8[%swap3A_541, %swap3A_542], %swap3A_545 {strides = array<i32>} : memref<2x128xi32, #tpu.memory_space<vmem>>, vector<1x16xi32>,
        %get3A_546 = arith.index_cast %add3A_457 : i32 to index
        %get3A_547 = arith.constant 64 : index
        %get3A_548 = tpu.vector_load %arg6[%get3A_546, %get3A_547] {strides = array<i32>} : memref<80x128xi32, #tpu.memory_space<vmem>>, vector<1x16xi32>,
        %get3A_549 = vector.shape_cast %get3A_548 : vector<1x16xi32> to vector<16xi32>
        %shift_right_logical3A_550 = arith.constant 14 : i32
        %shift_right_logical3A_551 = vector.broadcast %shift_right_logical3A_550 : i32 to vector<16xi32>
        %shift_right_logical3A_552 = arith.shrui %get3A_549, %shift_right_logical3A_551 : vector<16xi32>
        %swap3A_553 = arith.constant 1 : i32
        %swap3A_554 = arith.index_cast %swap3A_553 : i32 to index
        %swap3A_555 = arith.constant 64 : index
        %swap3A_556 = tpu.vector_load %arg7[%swap3A_554, %swap3A_555] {strides = array<i32>} : memref<2x128xi32, #tpu.memory_space<vmem>>, vector<1x16xi32>,
        %swap3A_557 = vector.shape_cast %swap3A_556 : vector<1x16xi32> to vector<16xi32>
        %swap3A_558 = vector.shape_cast %shift_right_logical3A_552 : vector<16xi32> to vector<1x16xi32>
        tpu.vector_store %arg7[%swap3A_554, %swap3A_555], %swap3A_558 {strides = array<i32>} : memref<2x128xi32, #tpu.memory_space<vmem>>, vector<1x16xi32>,
        %and3A_559 = arith.constant 16383 : i32
        %and3A_560 = vector.broadcast %and3A_559 : i32 to vector<16xi32>
        %and3A_561 = arith.andi %get3A_549, %and3A_560 : vector<16xi32>
        %swap3A_562 = arith.constant 1 : i32
        %swap3A_563 = arith.index_cast %swap3A_562 : i32 to index
        %swap3A_564 = arith.constant 64 : index
        %swap3A_565 = tpu.vector_load %arg8[%swap3A_563, %swap3A_564] {strides = array<i32>} : memref<2x128xi32, #tpu.memory_space<vmem>>, vector<1x16xi32>,
        %swap3A_566 = vector.shape_cast %swap3A_565 : vector<1x16xi32> to vector<16xi32>
        %swap3A_567 = vector.shape_cast %and3A_561 : vector<16xi32> to vector<1x16xi32>
        tpu.vector_store %arg8[%swap3A_563, %swap3A_564], %swap3A_567 {strides = array<i32>} : memref<2x128xi32, #tpu.memory_space<vmem>>, vector<1x16xi32>,
        %get3A_568 = arith.index_cast %add3A_457 : i32 to index
        %get3A_569 = arith.constant 80 : index
        %get3A_570 = tpu.vector_load %arg6[%get3A_568, %get3A_569] {strides = array<i32>} : memref<80x128xi32, #tpu.memory_space<vmem>>, vector<1x16xi32>,
        %get3A_571 = vector.shape_cast %get3A_570 : vector<1x16xi32> to vector<16xi32>
        %shift_right_logical3A_572 = arith.constant 14 : i32
        %shift_right_logical3A_573 = vector.broadcast %shift_right_logical3A_572 : i32 to vector<16xi32>
        %shift_right_logical3A_574 = arith.shrui %get3A_571, %shift_right_logical3A_573 : vector<16xi32>
        %swap3A_575 = arith.constant 1 : i32
        %swap3A_576 = arith.index_cast %swap3A_575 : i32 to index
        %swap3A_577 = arith.constant 80 : index
        %swap3A_578 = tpu.vector_load %arg7[%swap3A_576, %swap3A_577] {strides = array<i32>} : memref<2x128xi32, #tpu.memory_space<vmem>>, vector<1x16xi32>,
        %swap3A_579 = vector.shape_cast %swap3A_578 : vector<1x16xi32> to vector<16xi32>
        %swap3A_580 = vector.shape_cast %shift_right_logical3A_574 : vector<16xi32> to vector<1x16xi32>
        tpu.vector_store %arg7[%swap3A_576, %swap3A_577], %swap3A_580 {strides = array<i32>} : memref<2x128xi32, #tpu.memory_space<vmem>>, vector<1x16xi32>,
        %and3A_581 = arith.constant 16383 : i32
        %and3A_582 = vector.broadcast %and3A_581 : i32 to vector<16xi32>
        %and3A_583 = arith.andi %get3A_571, %and3A_582 : vector<16xi32>
        %swap3A_584 = arith.constant 1 : i32
        %swap3A_585 = arith.index_cast %swap3A_584 : i32 to index
        %swap3A_586 = arith.constant 80 : index
        %swap3A_587 = tpu.vector_load %arg8[%swap3A_585, %swap3A_586] {strides = array<i32>} : memref<2x128xi32, #tpu.memory_space<vmem>>, vector<1x16xi32>,
        %swap3A_588 = vector.shape_cast %swap3A_587 : vector<1x16xi32> to vector<16xi32>
        %swap3A_589 = vector.shape_cast %and3A_583 : vector<16xi32> to vector<1x16xi32>
        tpu.vector_store %arg8[%swap3A_585, %swap3A_586], %swap3A_589 {strides = array<i32>} : memref<2x128xi32, #tpu.memory_space<vmem>>, vector<1x16xi32>,
        %get3A_590 = arith.index_cast %add3A_457 : i32 to index
        %get3A_591 = arith.constant 96 : index
        %get3A_592 = tpu.vector_load %arg6[%get3A_590, %get3A_591] {strides = array<i32>} : memref<80x128xi32, #tpu.memory_space<vmem>>, vector<1x16xi32>,
        %get3A_593 = vector.shape_cast %get3A_592 : vector<1x16xi32> to vector<16xi32>
        %shift_right_logical3A_594 = arith.constant 14 : i32
        %shift_right_logical3A_595 = vector.broadcast %shift_right_logical3A_594 : i32 to vector<16xi32>
        %shift_right_logical3A_596 = arith.shrui %get3A_593, %shift_right_logical3A_595 : vector<16xi32>
        %swap3A_597 = arith.constant 1 : i32
        %swap3A_598 = arith.index_cast %swap3A_597 : i32 to index
        %swap3A_599 = arith.constant 96 : index
        %swap3A_600 = tpu.vector_load %arg7[%swap3A_598, %swap3A_599] {strides = array<i32>} : memref<2x128xi32, #tpu.memory_space<vmem>>, vector<1x16xi32>,
        %swap3A_601 = vector.shape_cast %swap3A_600 : vector<1x16xi32> to vector<16xi32>
        %swap3A_602 = vector.shape_cast %shift_right_logical3A_596 : vector<16xi32> to vector<1x16xi32>
        tpu.vector_store %arg7[%swap3A_598, %swap3A_599], %swap3A_602 {strides = array<i32>} : memref<2x128xi32, #tpu.memory_space<vmem>>, vector<1x16xi32>,
        %and3A_603 = arith.constant 16383 : i32
        %and3A_604 = vector.broadcast %and3A_603 : i32 to vector<16xi32>
        %and3A_605 = arith.andi %get3A_593, %and3A_604 : vector<16xi32>
        %swap3A_606 = arith.constant 1 : i32
        %swap3A_607 = arith.index_cast %swap3A_606 : i32 to index
        %swap3A_608 = arith.constant 96 : index
        %swap3A_609 = tpu.vector_load %arg8[%swap3A_607, %swap3A_608] {strides = array<i32>} : memref<2x128xi32, #tpu.memory_space<vmem>>, vector<1x16xi32>,
        %swap3A_610 = vector.shape_cast %swap3A_609 : vector<1x16xi32> to vector<16xi32>
        %swap3A_611 = vector.shape_cast %and3A_605 : vector<16xi32> to vector<1x16xi32>
        tpu.vector_store %arg8[%swap3A_607, %swap3A_608], %swap3A_611 {strides = array<i32>} : memref<2x128xi32, #tpu.memory_space<vmem>>, vector<1x16xi32>,
        %get3A_612 = arith.index_cast %add3A_457 : i32 to index
        %get3A_613 = arith.constant 112 : index
        %get3A_614 = tpu.vector_load %arg6[%get3A_612, %get3A_613] {strides = array<i32>} : memref<80x128xi32, #tpu.memory_space<vmem>>, vector<1x16xi32>,
        %get3A_615 = vector.shape_cast %get3A_614 : vector<1x16xi32> to vector<16xi32>
        %shift_right_logical3A_616 = arith.constant 14 : i32
        %shift_right_logical3A_617 = vector.broadcast %shift_right_logical3A_616 : i32 to vector<16xi32>
        %shift_right_logical3A_618 = arith.shrui %get3A_615, %shift_right_logical3A_617 : vector<16xi32>
        %swap3A_619 = arith.constant 1 : i32
        %swap3A_620 = arith.index_cast %swap3A_619 : i32 to index
        %swap3A_621 = arith.constant 112 : index
        %swap3A_622 = tpu.vector_load %arg7[%swap3A_620, %swap3A_621] {strides = array<i32>} : memref<2x128xi32, #tpu.memory_space<vmem>>, vector<1x16xi32>,
        %swap3A_623 = vector.shape_cast %swap3A_622 : vector<1x16xi32> to vector<16xi32>
        %swap3A_624 = vector.shape_cast %shift_right_logical3A_618 : vector<16xi32> to vector<1x16xi32>
        tpu.vector_store %arg7[%swap3A_620, %swap3A_621], %swap3A_624 {strides = array<i32>} : memref<2x128xi32, #tpu.memory_space<vmem>>, vector<1x16xi32>,
        %and3A_625 = arith.constant 16383 : i32
        %and3A_626 = vector.broadcast %and3A_625 : i32 to vector<16xi32>
        %and3A_627 = arith.andi %get3A_615, %and3A_626 : vector<16xi32>
        %swap3A_628 = arith.constant 1 : i32
        %swap3A_629 = arith.index_cast %swap3A_628 : i32 to index
        %swap3A_630 = arith.constant 112 : index
        %swap3A_631 = tpu.vector_load %arg8[%swap3A_629, %swap3A_630] {strides = array<i32>} : memref<2x128xi32, #tpu.memory_space<vmem>>, vector<1x16xi32>,
        %swap3A_632 = vector.shape_cast %swap3A_631 : vector<1x16xi32> to vector<16xi32>
        %swap3A_633 = vector.shape_cast %and3A_627 : vector<16xi32> to vector<1x16xi32>
        tpu.vector_store %arg8[%swap3A_629, %swap3A_630], %swap3A_633 {strides = array<i32>} : memref<2x128xi32, #tpu.memory_space<vmem>>, vector<1x16xi32>,
        %dma_start3A_634 = arith.constant 1 : i32
        %dma_start3A_635 = arith.constant 1 : i32
        %dma_start3A_636 = arith.constant 0 : i32
        %dma_start3A_637 = arith.constant 0 : i32
        %dma_start3A_638 = tpu.memref_slice %arg9[%dma_start3A_635, %dma_start3A_636, %dma_start3A_637] : memref<2x128x128xf32, #tpu.memory_space<vmem>> -> memref<1x128x128xf32, #tpu.memory_space<vmem>>
        %dma_start3A_639 = tpu.memref_squeeze %dma_start3A_638 : memref<1x128x128xf32, #tpu.memory_space<vmem>> -> memref<128x128xf32, #tpu.memory_space<vmem>>
        %dma_start3A_640 = arith.constant 0 : i32
        %dma_start3A_641 = tpu.memref_slice %arg7[%dma_start3A_634, %dma_start3A_640] : memref<2x128xi32, #tpu.memory_space<vmem>> -> memref<1x128xi32, #tpu.memory_space<vmem>>
        %dma_start3A_642 = tpu.memref_squeeze %dma_start3A_641 : memref<1x128xi32, #tpu.memory_space<vmem>> -> memref<128xi32, #tpu.memory_space<vmem>>
        %dma_start3A_643 = arith.constant 0 : i32
        %dma_start3A_644 = arith.constant 0 : i32
        %dma_start3A_645 = tpu.memref_slice %arg2[%dma_start3A_643, %dma_start3A_644] : memref<10000x128xf32, #tpu.memory_space<hbm>> -> memref<10000x128xf32, #tpu.memory_space<hbm>>
        tpu.enqueue_indirect_dma source(%dma_start3A_645 : memref<10000x128xf32, #tpu.memory_space<hbm>>) target(%dma_start3A_639 : memref<128x128xf32, #tpu.memory_space<vmem>>) offsets(%dma_start3A_642 : memref<128xi32, #tpu.memory_space<vmem>>) semaphore(%arg13 : memref<!tpu.dma_semaphore, #tpu.memory_space<semaphore_mem>>)
      } else {
      }
    }
    %scan3A_403 = arith.constant 40 : i32
    %barrier3A_404 = arith.constant 0 : index
    tpu.barrier barrier_id(%barrier3A_404)
    %mul3A_405 = arith.constant 632 : i32
    %mul3A_406 = arith.muli %arg1, %mul3A_405 : i32
    %mul3A_407 = arith.constant 632 : i32
    %mul3A_408 = arith.muli %arg1, %mul3A_407 : i32
    "tpu.region"() ({
      %run_scoped3A = tpu.sem_alloc : memref<!tpu.dma_semaphore, #tpu.memory_space<semaphore_mem>>
      %dma_start3A_409 = arith.constant 0 : i32
      %dma_start3A_410 = tpu.memref_slice %arg5[%arg0, %mul3A_408, %dma_start3A_409] : memref<2x10112x128xf32, #tpu.memory_space<hbm>> -> memref<1x632x128xf32, #tpu.memory_space<hbm>>
      %dma_start3A_411 = tpu.memref_squeeze %dma_start3A_410 : memref<1x632x128xf32, #tpu.memory_space<hbm>> -> memref<632x128xf32, #tpu.memory_space<hbm>>
      %dma_start3A_412 = arith.constant 0 : i32
      %dma_start3A_413 = tpu.memref_slice %arg10[%mul3A_406, %dma_start3A_412] : memref<10112x128xf32, #tpu.memory_space<vmem_shared>> -> memref<632x128xf32, #tpu.memory_space<vmem_shared>>
      tpu.enqueue_dma source(%dma_start3A_413 : memref<632x128xf32, #tpu.memory_space<vmem_shared>>) target(%dma_start3A_411 : memref<632x128xf32, #tpu.memory_space<hbm>>) target_semaphore(%run_scoped3A : memref<!tpu.dma_semaphore, #tpu.memory_space<semaphore_mem>>)
      %dma_wait3A_414 = arith.constant 0 : i32
      %dma_wait3A_415 = tpu.memref_slice %arg5[%arg0, %mul3A_408, %dma_wait3A_414] : memref<2x10112x128xf32, #tpu.memory_space<hbm>> -> memref<1x632x128xf32, #tpu.memory_space<hbm>>
      %dma_wait3A_416 = tpu.memref_squeeze %dma_wait3A_415 : memref<1x632x128xf32, #tpu.memory_space<hbm>> -> memref<632x128xf32, #tpu.memory_space<hbm>>
      %dma_wait3A_417 = arith.constant 0 : i32
      %dma_wait3A_418 = tpu.memref_slice %arg10[%mul3A_406, %dma_wait3A_417] : memref<10112x128xf32, #tpu.memory_space<vmem_shared>> -> memref<632x128xf32, #tpu.memory_space<vmem_shared>>
      tpu.wait_dma2 semaphore(%run_scoped3A : memref<!tpu.dma_semaphore, #tpu.memory_space<semaphore_mem>>) src(%dma_wait3A_418 : memref<632x128xf32, #tpu.memory_space<vmem_shared>>) dst(%dma_wait3A_416 : memref<632x128xf32, #tpu.memory_space<hbm>>)
      tpu.yield
    }) : () -> ()
    return
  }
}

#map = affine_map<(d0, d1) -> (0, 0)>
#map1 = affine_map<(d0, d1) -> (0, 0, 0)>
module attributes {stable_mosaic.version = 14 : i64} {
  func.func @k(%arg0: i32, %arg1: i32, %arg2: memref<10000x128xf32, #tpu.memory_space<hbm>>, %arg3: memref<2560x128xi32, #tpu.memory_space<hbm>>, %arg4: memref<632x128xf32, #tpu.memory_space<hbm>>, %arg5: memref<2x10112x128xf32, #tpu.memory_space<hbm>>, %arg6: memref<80x128xi32, #tpu.memory_space<vmem>>, %arg7: memref<2x128xi32, #tpu.memory_space<vmem>>, %arg8: memref<2x128xi32, #tpu.memory_space<vmem>>, %arg9: memref<2x128x128xf32, #tpu.memory_space<vmem>>, %arg10: memref<10112x128xf32, #tpu.memory_space<vmem_shared>>, %arg11: memref<!tpu.dma_semaphore, #tpu.memory_space<semaphore_mem>>, %arg12: memref<!tpu.dma_semaphore, #tpu.memory_space<semaphore_mem>>, %arg13: memref<!tpu.dma_semaphore, #tpu.memory_space<semaphore_mem>>) attributes {dimension_semantics = [#tpu.dimension_semantics<core_parallel>, #tpu.dimension_semantics<subcore_parallel>], iteration_bounds = array<i64: 2, 16>, scalar_prefetch = 0 : i64, scratch_operands = 8 : i64, tpu.core_type = #tpu.core_type<sc_vector_subcore>, window_params = [{transform_indices = #map}, {transform_indices = #map}, {transform_indices = #map}, {transform_indices = #map1}]} {
    %mul3A = arith.constant 16 : i32
    %mul3A_0 = arith.muli %arg0, %mul3A : i32
    %add3A = arith.addi %mul3A_0, %arg1 : i32
    %mul3A_1 = arith.constant 80 : i32
    %mul3A_2 = arith.muli %add3A, %mul3A_1 : i32
    %dma_start3A = arith.constant 0 : i32
    %dma_start3A_3 = tpu.memref_slice %arg3[%mul3A_2, %dma_start3A] : memref<2560x128xi32, #tpu.memory_space<hbm>> -> memref<80x128xi32, #tpu.memory_space<hbm>>
    %dma_start3A_4 = arith.constant 0 : i32
    %dma_start3A_5 = tpu.memref_slice %arg3[%mul3A_2, %dma_start3A_4] : memref<2560x128xi32, #tpu.memory_space<hbm>> -> memref<80x128xi32, #tpu.memory_space<hbm>>
    tpu.enqueue_dma source(%dma_start3A_5 : memref<80x128xi32, #tpu.memory_space<hbm>>) target(%arg6 : memref<80x128xi32, #tpu.memory_space<vmem>>) target_semaphore(%arg11 : memref<!tpu.dma_semaphore, #tpu.memory_space<semaphore_mem>>)
    %dma_wait3A = arith.constant 0 : i32
    %dma_wait3A_6 = tpu.memref_slice %arg3[%mul3A_2, %dma_wait3A] : memref<2560x128xi32, #tpu.memory_space<hbm>> -> memref<80x128xi32, #tpu.memory_space<hbm>>
    %dma_wait3A_7 = arith.constant 0 : i32
    %dma_wait3A_8 = tpu.memref_slice %arg3[%mul3A_2, %dma_wait3A_7] : memref<2560x128xi32, #tpu.memory_space<hbm>> -> memref<80x128xi32, #tpu.memory_space<hbm>>
    tpu.wait_dma2 semaphore(%arg11 : memref<!tpu.dma_semaphore, #tpu.memory_space<semaphore_mem>>) src(%dma_wait3A_8 : memref<80x128xi32, #tpu.memory_space<hbm>>) dst(%arg6 : memref<80x128xi32, #tpu.memory_space<vmem>>)
    %get3A = arith.constant 0 : i32
    %get3A_9 = arith.index_cast %get3A : i32 to index
    %get3A_10 = arith.constant 0 : index
    %get3A_11 = tpu.vector_load %arg6[%get3A_9, %get3A_10] {strides = array<i32>} : memref<80x128xi32, #tpu.memory_space<vmem>>, vector<1x16xi32>,
    %get3A_12 = vector.shape_cast %get3A_11 : vector<1x16xi32> to vector<16xi32>
    %shift_right_logical3A = arith.constant 14 : i32
    %shift_right_logical3A_13 = vector.broadcast %shift_right_logical3A : i32 to vector<16xi32>
    %shift_right_logical3A_14 = arith.shrui %get3A_12, %shift_right_logical3A_13 : vector<16xi32>
    %swap3A = arith.constant 0 : i32
    %swap3A_15 = arith.index_cast %swap3A : i32 to index
    %swap3A_16 = arith.constant 0 : index
    %swap3A_17 = tpu.vector_load %arg7[%swap3A_15, %swap3A_16] {strides = array<i32>} : memref<2x128xi32, #tpu.memory_space<vmem>>, vector<1x16xi32>,
    %swap3A_18 = vector.shape_cast %swap3A_17 : vector<1x16xi32> to vector<16xi32>
    %swap3A_19 = vector.shape_cast %shift_right_logical3A_14 : vector<16xi32> to vector<1x16xi32>
    tpu.vector_store %arg7[%swap3A_15, %swap3A_16], %swap3A_19 {strides = array<i32>} : memref<2x128xi32, #tpu.memory_space<vmem>>, vector<1x16xi32>,
    %and3A = arith.constant 16383 : i32
    %and3A_20 = vector.broadcast %and3A : i32 to vector<16xi32>
    %and3A_21 = arith.andi %get3A_12, %and3A_20 : vector<16xi32>
    %swap3A_22 = arith.constant 0 : i32
    %swap3A_23 = arith.index_cast %swap3A_22 : i32 to index
    %swap3A_24 = arith.constant 0 : index
    %swap3A_25 = tpu.vector_load %arg8[%swap3A_23, %swap3A_24] {strides = array<i32>} : memref<2x128xi32, #tpu.memory_space<vmem>>, vector<1x16xi32>,
    %swap3A_26 = vector.shape_cast %swap3A_25 : vector<1x16xi32> to vector<16xi32>
    %swap3A_27 = vector.shape_cast %and3A_21 : vector<16xi32> to vector<1x16xi32>
    tpu.vector_store %arg8[%swap3A_23, %swap3A_24], %swap3A_27 {strides = array<i32>} : memref<2x128xi32, #tpu.memory_space<vmem>>, vector<1x16xi32>,
    %get3A_28 = arith.constant 0 : i32
    %get3A_29 = arith.index_cast %get3A_28 : i32 to index
    %get3A_30 = arith.constant 16 : index
    %get3A_31 = tpu.vector_load %arg6[%get3A_29, %get3A_30] {strides = array<i32>} : memref<80x128xi32, #tpu.memory_space<vmem>>, vector<1x16xi32>,
    %get3A_32 = vector.shape_cast %get3A_31 : vector<1x16xi32> to vector<16xi32>
    %shift_right_logical3A_33 = arith.constant 14 : i32
    %shift_right_logical3A_34 = vector.broadcast %shift_right_logical3A_33 : i32 to vector<16xi32>
    %shift_right_logical3A_35 = arith.shrui %get3A_32, %shift_right_logical3A_34 : vector<16xi32>
    %swap3A_36 = arith.constant 0 : i32
    %swap3A_37 = arith.index_cast %swap3A_36 : i32 to index
    %swap3A_38 = arith.constant 16 : index
    %swap3A_39 = tpu.vector_load %arg7[%swap3A_37, %swap3A_38] {strides = array<i32>} : memref<2x128xi32, #tpu.memory_space<vmem>>, vector<1x16xi32>,
    %swap3A_40 = vector.shape_cast %swap3A_39 : vector<1x16xi32> to vector<16xi32>
    %swap3A_41 = vector.shape_cast %shift_right_logical3A_35 : vector<16xi32> to vector<1x16xi32>
    tpu.vector_store %arg7[%swap3A_37, %swap3A_38], %swap3A_41 {strides = array<i32>} : memref<2x128xi32, #tpu.memory_space<vmem>>, vector<1x16xi32>,
    %and3A_42 = arith.constant 16383 : i32
    %and3A_43 = vector.broadcast %and3A_42 : i32 to vector<16xi32>
    %and3A_44 = arith.andi %get3A_32, %and3A_43 : vector<16xi32>
    %swap3A_45 = arith.constant 0 : i32
    %swap3A_46 = arith.index_cast %swap3A_45 : i32 to index
    %swap3A_47 = arith.constant 16 : index
    %swap3A_48 = tpu.vector_load %arg8[%swap3A_46, %swap3A_47] {strides = array<i32>} : memref<2x128xi32, #tpu.memory_space<vmem>>, vector<1x16xi32>,
    %swap3A_49 = vector.shape_cast %swap3A_48 : vector<1x16xi32> to vector<16xi32>
    %swap3A_50 = vector.shape_cast %and3A_44 : vector<16xi32> to vector<1x16xi32>
    tpu.vector_store %arg8[%swap3A_46, %swap3A_47], %swap3A_50 {strides = array<i32>} : memref<2x128xi32, #tpu.memory_space<vmem>>, vector<1x16xi32>,
    %get3A_51 = arith.constant 0 : i32
    %get3A_52 = arith.index_cast %get3A_51 : i32 to index
    %get3A_53 = arith.constant 32 : index
    %get3A_54 = tpu.vector_load %arg6[%get3A_52, %get3A_53] {strides = array<i32>} : memref<80x128xi32, #tpu.memory_space<vmem>>, vector<1x16xi32>,
    %get3A_55 = vector.shape_cast %get3A_54 : vector<1x16xi32> to vector<16xi32>
    %shift_right_logical3A_56 = arith.constant 14 : i32
    %shift_right_logical3A_57 = vector.broadcast %shift_right_logical3A_56 : i32 to vector<16xi32>
    %shift_right_logical3A_58 = arith.shrui %get3A_55, %shift_right_logical3A_57 : vector<16xi32>
    %swap3A_59 = arith.constant 0 : i32
    %swap3A_60 = arith.index_cast %swap3A_59 : i32 to index
    %swap3A_61 = arith.constant 32 : index
    %swap3A_62 = tpu.vector_load %arg7[%swap3A_60, %swap3A_61] {strides = array<i32>} : memref<2x128xi32, #tpu.memory_space<vmem>>, vector<1x16xi32>,
    %swap3A_63 = vector.shape_cast %swap3A_62 : vector<1x16xi32> to vector<16xi32>
    %swap3A_64 = vector.shape_cast %shift_right_logical3A_58 : vector<16xi32> to vector<1x16xi32>
    tpu.vector_store %arg7[%swap3A_60, %swap3A_61], %swap3A_64 {strides = array<i32>} : memref<2x128xi32, #tpu.memory_space<vmem>>, vector<1x16xi32>,
    %and3A_65 = arith.constant 16383 : i32
    %and3A_66 = vector.broadcast %and3A_65 : i32 to vector<16xi32>
    %and3A_67 = arith.andi %get3A_55, %and3A_66 : vector<16xi32>
    %swap3A_68 = arith.constant 0 : i32
    %swap3A_69 = arith.index_cast %swap3A_68 : i32 to index
    %swap3A_70 = arith.constant 32 : index
    %swap3A_71 = tpu.vector_load %arg8[%swap3A_69, %swap3A_70] {strides = array<i32>} : memref<2x128xi32, #tpu.memory_space<vmem>>, vector<1x16xi32>,
    %swap3A_72 = vector.shape_cast %swap3A_71 : vector<1x16xi32> to vector<16xi32>
    %swap3A_73 = vector.shape_cast %and3A_67 : vector<16xi32> to vector<1x16xi32>
    tpu.vector_store %arg8[%swap3A_69, %swap3A_70], %swap3A_73 {strides = array<i32>} : memref<2x128xi32, #tpu.memory_space<vmem>>, vector<1x16xi32>,
    %get3A_74 = arith.constant 0 : i32
    %get3A_75 = arith.index_cast %get3A_74 : i32 to index
    %get3A_76 = arith.constant 48 : index
    %get3A_77 = tpu.vector_load %arg6[%get3A_75, %get3A_76] {strides = array<i32>} : memref<80x128xi32, #tpu.memory_space<vmem>>, vector<1x16xi32>,
    %get3A_78 = vector.shape_cast %get3A_77 : vector<1x16xi32> to vector<16xi32>
    %shift_right_logical3A_79 = arith.constant 14 : i32
    %shift_right_logical3A_80 = vector.broadcast %shift_right_logical3A_79 : i32 to vector<16xi32>
    %shift_right_logical3A_81 = arith.shrui %get3A_78, %shift_right_logical3A_80 : vector<16xi32>
    %swap3A_82 = arith.constant 0 : i32
    %swap3A_83 = arith.index_cast %swap3A_82 : i32 to index
    %swap3A_84 = arith.constant 48 : index
    %swap3A_85 = tpu.vector_load %arg7[%swap3A_83, %swap3A_84] {strides = array<i32>} : memref<2x128xi32, #tpu.memory_space<vmem>>, vector<1x16xi32>,
    %swap3A_86 = vector.shape_cast %swap3A_85 : vector<1x16xi32> to vector<16xi32>
    %swap3A_87 = vector.shape_cast %shift_right_logical3A_81 : vector<16xi32> to vector<1x16xi32>
    tpu.vector_store %arg7[%swap3A_83, %swap3A_84], %swap3A_87 {strides = array<i32>} : memref<2x128xi32, #tpu.memory_space<vmem>>, vector<1x16xi32>,
    %and3A_88 = arith.constant 16383 : i32
    %and3A_89 = vector.broadcast %and3A_88 : i32 to vector<16xi32>
    %and3A_90 = arith.andi %get3A_78, %and3A_89 : vector<16xi32>
    %swap3A_91 = arith.constant 0 : i32
    %swap3A_92 = arith.index_cast %swap3A_91 : i32 to index
    %swap3A_93 = arith.constant 48 : index
    %swap3A_94 = tpu.vector_load %arg8[%swap3A_92, %swap3A_93] {strides = array<i32>} : memref<2x128xi32, #tpu.memory_space<vmem>>, vector<1x16xi32>,
    %swap3A_95 = vector.shape_cast %swap3A_94 : vector<1x16xi32> to vector<16xi32>
    %swap3A_96 = vector.shape_cast %and3A_90 : vector<16xi32> to vector<1x16xi32>
    tpu.vector_store %arg8[%swap3A_92, %swap3A_93], %swap3A_96 {strides = array<i32>} : memref<2x128xi32, #tpu.memory_space<vmem>>, vector<1x16xi32>,
    %get3A_97 = arith.constant 0 : i32
    %get3A_98 = arith.index_cast %get3A_97 : i32 to index
    %get3A_99 = arith.constant 64 : index
    %get3A_100 = tpu.vector_load %arg6[%get3A_98, %get3A_99] {strides = array<i32>} : memref<80x128xi32, #tpu.memory_space<vmem>>, vector<1x16xi32>,
    %get3A_101 = vector.shape_cast %get3A_100 : vector<1x16xi32> to vector<16xi32>
    %shift_right_logical3A_102 = arith.constant 14 : i32
    %shift_right_logical3A_103 = vector.broadcast %shift_right_logical3A_102 : i32 to vector<16xi32>
    %shift_right_logical3A_104 = arith.shrui %get3A_101, %shift_right_logical3A_103 : vector<16xi32>
    %swap3A_105 = arith.constant 0 : i32
    %swap3A_106 = arith.index_cast %swap3A_105 : i32 to index
    %swap3A_107 = arith.constant 64 : index
    %swap3A_108 = tpu.vector_load %arg7[%swap3A_106, %swap3A_107] {strides = array<i32>} : memref<2x128xi32, #tpu.memory_space<vmem>>, vector<1x16xi32>,
    %swap3A_109 = vector.shape_cast %swap3A_108 : vector<1x16xi32> to vector<16xi32>
    %swap3A_110 = vector.shape_cast %shift_right_logical3A_104 : vector<16xi32> to vector<1x16xi32>
    tpu.vector_store %arg7[%swap3A_106, %swap3A_107], %swap3A_110 {strides = array<i32>} : memref<2x128xi32, #tpu.memory_space<vmem>>, vector<1x16xi32>,
    %and3A_111 = arith.constant 16383 : i32
    %and3A_112 = vector.broadcast %and3A_111 : i32 to vector<16xi32>
    %and3A_113 = arith.andi %get3A_101, %and3A_112 : vector<16xi32>
    %swap3A_114 = arith.constant 0 : i32
    %swap3A_115 = arith.index_cast %swap3A_114 : i32 to index
    %swap3A_116 = arith.constant 64 : index
    %swap3A_117 = tpu.vector_load %arg8[%swap3A_115, %swap3A_116] {strides = array<i32>} : memref<2x128xi32, #tpu.memory_space<vmem>>, vector<1x16xi32>,
    %swap3A_118 = vector.shape_cast %swap3A_117 : vector<1x16xi32> to vector<16xi32>
    %swap3A_119 = vector.shape_cast %and3A_113 : vector<16xi32> to vector<1x16xi32>
    tpu.vector_store %arg8[%swap3A_115, %swap3A_116], %swap3A_119 {strides = array<i32>} : memref<2x128xi32, #tpu.memory_space<vmem>>, vector<1x16xi32>,
    %get3A_120 = arith.constant 0 : i32
    %get3A_121 = arith.index_cast %get3A_120 : i32 to index
    %get3A_122 = arith.constant 80 : index
    %get3A_123 = tpu.vector_load %arg6[%get3A_121, %get3A_122] {strides = array<i32>} : memref<80x128xi32, #tpu.memory_space<vmem>>, vector<1x16xi32>,
    %get3A_124 = vector.shape_cast %get3A_123 : vector<1x16xi32> to vector<16xi32>
    %shift_right_logical3A_125 = arith.constant 14 : i32
    %shift_right_logical3A_126 = vector.broadcast %shift_right_logical3A_125 : i32 to vector<16xi32>
    %shift_right_logical3A_127 = arith.shrui %get3A_124, %shift_right_logical3A_126 : vector<16xi32>
    %swap3A_128 = arith.constant 0 : i32
    %swap3A_129 = arith.index_cast %swap3A_128 : i32 to index
    %swap3A_130 = arith.constant 80 : index
    %swap3A_131 = tpu.vector_load %arg7[%swap3A_129, %swap3A_130] {strides = array<i32>} : memref<2x128xi32, #tpu.memory_space<vmem>>, vector<1x16xi32>,
    %swap3A_132 = vector.shape_cast %swap3A_131 : vector<1x16xi32> to vector<16xi32>
    %swap3A_133 = vector.shape_cast %shift_right_logical3A_127 : vector<16xi32> to vector<1x16xi32>
    tpu.vector_store %arg7[%swap3A_129, %swap3A_130], %swap3A_133 {strides = array<i32>} : memref<2x128xi32, #tpu.memory_space<vmem>>, vector<1x16xi32>,
    %and3A_134 = arith.constant 16383 : i32
    %and3A_135 = vector.broadcast %and3A_134 : i32 to vector<16xi32>
    %and3A_136 = arith.andi %get3A_124, %and3A_135 : vector<16xi32>
    %swap3A_137 = arith.constant 0 : i32
    %swap3A_138 = arith.index_cast %swap3A_137 : i32 to index
    %swap3A_139 = arith.constant 80 : index
    %swap3A_140 = tpu.vector_load %arg8[%swap3A_138, %swap3A_139] {strides = array<i32>} : memref<2x128xi32, #tpu.memory_space<vmem>>, vector<1x16xi32>,
    %swap3A_141 = vector.shape_cast %swap3A_140 : vector<1x16xi32> to vector<16xi32>
    %swap3A_142 = vector.shape_cast %and3A_136 : vector<16xi32> to vector<1x16xi32>
    tpu.vector_store %arg8[%swap3A_138, %swap3A_139], %swap3A_142 {strides = array<i32>} : memref<2x128xi32, #tpu.memory_space<vmem>>, vector<1x16xi32>,
    %get3A_143 = arith.constant 0 : i32
    %get3A_144 = arith.index_cast %get3A_143 : i32 to index
    %get3A_145 = arith.constant 96 : index
    %get3A_146 = tpu.vector_load %arg6[%get3A_144, %get3A_145] {strides = array<i32>} : memref<80x128xi32, #tpu.memory_space<vmem>>, vector<1x16xi32>,
    %get3A_147 = vector.shape_cast %get3A_146 : vector<1x16xi32> to vector<16xi32>
    %shift_right_logical3A_148 = arith.constant 14 : i32
    %shift_right_logical3A_149 = vector.broadcast %shift_right_logical3A_148 : i32 to vector<16xi32>
    %shift_right_logical3A_150 = arith.shrui %get3A_147, %shift_right_logical3A_149 : vector<16xi32>
    %swap3A_151 = arith.constant 0 : i32
    %swap3A_152 = arith.index_cast %swap3A_151 : i32 to index
    %swap3A_153 = arith.constant 96 : index
    %swap3A_154 = tpu.vector_load %arg7[%swap3A_152, %swap3A_153] {strides = array<i32>} : memref<2x128xi32, #tpu.memory_space<vmem>>, vector<1x16xi32>,
    %swap3A_155 = vector.shape_cast %swap3A_154 : vector<1x16xi32> to vector<16xi32>
    %swap3A_156 = vector.shape_cast %shift_right_logical3A_150 : vector<16xi32> to vector<1x16xi32>
    tpu.vector_store %arg7[%swap3A_152, %swap3A_153], %swap3A_156 {strides = array<i32>} : memref<2x128xi32, #tpu.memory_space<vmem>>, vector<1x16xi32>,
    %and3A_157 = arith.constant 16383 : i32
    %and3A_158 = vector.broadcast %and3A_157 : i32 to vector<16xi32>
    %and3A_159 = arith.andi %get3A_147, %and3A_158 : vector<16xi32>
    %swap3A_160 = arith.constant 0 : i32
    %swap3A_161 = arith.index_cast %swap3A_160 : i32 to index
    %swap3A_162 = arith.constant 96 : index
    %swap3A_163 = tpu.vector_load %arg8[%swap3A_161, %swap3A_162] {strides = array<i32>} : memref<2x128xi32, #tpu.memory_space<vmem>>, vector<1x16xi32>,
    %swap3A_164 = vector.shape_cast %swap3A_163 : vector<1x16xi32> to vector<16xi32>
    %swap3A_165 = vector.shape_cast %and3A_159 : vector<16xi32> to vector<1x16xi32>
    tpu.vector_store %arg8[%swap3A_161, %swap3A_162], %swap3A_165 {strides = array<i32>} : memref<2x128xi32, #tpu.memory_space<vmem>>, vector<1x16xi32>,
    %get3A_166 = arith.constant 0 : i32
    %get3A_167 = arith.index_cast %get3A_166 : i32 to index
    %get3A_168 = arith.constant 112 : index
    %get3A_169 = tpu.vector_load %arg6[%get3A_167, %get3A_168] {strides = array<i32>} : memref<80x128xi32, #tpu.memory_space<vmem>>, vector<1x16xi32>,
    %get3A_170 = vector.shape_cast %get3A_169 : vector<1x16xi32> to vector<16xi32>
    %shift_right_logical3A_171 = arith.constant 14 : i32
    %shift_right_logical3A_172 = vector.broadcast %shift_right_logical3A_171 : i32 to vector<16xi32>
    %shift_right_logical3A_173 = arith.shrui %get3A_170, %shift_right_logical3A_172 : vector<16xi32>
    %swap3A_174 = arith.constant 0 : i32
    %swap3A_175 = arith.index_cast %swap3A_174 : i32 to index
    %swap3A_176 = arith.constant 112 : index
    %swap3A_177 = tpu.vector_load %arg7[%swap3A_175, %swap3A_176] {strides = array<i32>} : memref<2x128xi32, #tpu.memory_space<vmem>>, vector<1x16xi32>,
    %swap3A_178 = vector.shape_cast %swap3A_177 : vector<1x16xi32> to vector<16xi32>
    %swap3A_179 = vector.shape_cast %shift_right_logical3A_173 : vector<16xi32> to vector<1x16xi32>
    tpu.vector_store %arg7[%swap3A_175, %swap3A_176], %swap3A_179 {strides = array<i32>} : memref<2x128xi32, #tpu.memory_space<vmem>>, vector<1x16xi32>,
    %and3A_180 = arith.constant 16383 : i32
    %and3A_181 = vector.broadcast %and3A_180 : i32 to vector<16xi32>
    %and3A_182 = arith.andi %get3A_170, %and3A_181 : vector<16xi32>
    %swap3A_183 = arith.constant 0 : i32
    %swap3A_184 = arith.index_cast %swap3A_183 : i32 to index
    %swap3A_185 = arith.constant 112 : index
    %swap3A_186 = tpu.vector_load %arg8[%swap3A_184, %swap3A_185] {strides = array<i32>} : memref<2x128xi32, #tpu.memory_space<vmem>>, vector<1x16xi32>,
    %swap3A_187 = vector.shape_cast %swap3A_186 : vector<1x16xi32> to vector<16xi32>
    %swap3A_188 = vector.shape_cast %and3A_182 : vector<16xi32> to vector<1x16xi32>
    tpu.vector_store %arg8[%swap3A_184, %swap3A_185], %swap3A_188 {strides = array<i32>} : memref<2x128xi32, #tpu.memory_space<vmem>>, vector<1x16xi32>,
    %dma_start3A_189 = arith.constant 0 : i32
    %dma_start3A_190 = arith.constant 0 : i32
    %dma_start3A_191 = arith.constant 0 : i32
    %dma_start3A_192 = arith.constant 0 : i32
    %dma_start3A_193 = tpu.memref_slice %arg9[%dma_start3A_190, %dma_start3A_191, %dma_start3A_192] : memref<2x128x128xf32, #tpu.memory_space<vmem>> -> memref<1x128x128xf32, #tpu.memory_space<vmem>>
    %dma_start3A_194 = tpu.memref_squeeze %dma_start3A_193 : memref<1x128x128xf32, #tpu.memory_space<vmem>> -> memref<128x128xf32, #tpu.memory_space<vmem>>
    %dma_start3A_195 = arith.constant 0 : i32
    %dma_start3A_196 = tpu.memref_slice %arg7[%dma_start3A_189, %dma_start3A_195] : memref<2x128xi32, #tpu.memory_space<vmem>> -> memref<1x128xi32, #tpu.memory_space<vmem>>
    %dma_start3A_197 = tpu.memref_squeeze %dma_start3A_196 : memref<1x128xi32, #tpu.memory_space<vmem>> -> memref<128xi32, #tpu.memory_space<vmem>>
    %dma_start3A_198 = arith.constant 0 : i32
    %dma_start3A_199 = arith.constant 0 : i32
    %dma_start3A_200 = tpu.memref_slice %arg2[%dma_start3A_198, %dma_start3A_199] : memref<10000x128xf32, #tpu.memory_space<hbm>> -> memref<10000x128xf32, #tpu.memory_space<hbm>>
    tpu.enqueue_indirect_dma source(%dma_start3A_200 : memref<10000x128xf32, #tpu.memory_space<hbm>>) target(%dma_start3A_194 : memref<128x128xf32, #tpu.memory_space<vmem>>) offsets(%dma_start3A_197 : memref<128xi32, #tpu.memory_space<vmem>>) semaphore(%arg12 : memref<!tpu.dma_semaphore, #tpu.memory_space<semaphore_mem>>)
    %get3A_201 = arith.constant 1 : i32
    %get3A_202 = arith.index_cast %get3A_201 : i32 to index
    %get3A_203 = arith.constant 0 : index
    %get3A_204 = tpu.vector_load %arg6[%get3A_202, %get3A_203] {strides = array<i32>} : memref<80x128xi32, #tpu.memory_space<vmem>>, vector<1x16xi32>,
    %get3A_205 = vector.shape_cast %get3A_204 : vector<1x16xi32> to vector<16xi32>
    %shift_right_logical3A_206 = arith.constant 14 : i32
    %shift_right_logical3A_207 = vector.broadcast %shift_right_logical3A_206 : i32 to vector<16xi32>
    %shift_right_logical3A_208 = arith.shrui %get3A_205, %shift_right_logical3A_207 : vector<16xi32>
    %swap3A_209 = arith.constant 1 : i32
    %swap3A_210 = arith.index_cast %swap3A_209 : i32 to index
    %swap3A_211 = arith.constant 0 : index
    %swap3A_212 = tpu.vector_load %arg7[%swap3A_210, %swap3A_211] {strides = array<i32>} : memref<2x128xi32, #tpu.memory_space<vmem>>, vector<1x16xi32>,
    %swap3A_213 = vector.shape_cast %swap3A_212 : vector<1x16xi32> to vector<16xi32>
    %swap3A_214 = vector.shape_cast %shift_right_logical3A_208 : vector<16xi32> to vector<1x16xi32>
    tpu.vector_store %arg7[%swap3A_210, %swap3A_211], %swap3A_214 {strides = array<i32>} : memref<2x128xi32, #tpu.memory_space<vmem>>, vector<1x16xi32>,
    %and3A_215 = arith.constant 16383 : i32
    %and3A_216 = vector.broadcast %and3A_215 : i32 to vector<16xi32>
    %and3A_217 = arith.andi %get3A_205, %and3A_216 : vector<16xi32>
    %swap3A_218 = arith.constant 1 : i32
    %swap3A_219 = arith.index_cast %swap3A_218 : i32 to index
    %swap3A_220 = arith.constant 0 : index
    %swap3A_221 = tpu.vector_load %arg8[%swap3A_219, %swap3A_220] {strides = array<i32>} : memref<2x128xi32, #tpu.memory_space<vmem>>, vector<1x16xi32>,
    %swap3A_222 = vector.shape_cast %swap3A_221 : vector<1x16xi32> to vector<16xi32>
    %swap3A_223 = vector.shape_cast %and3A_217 : vector<16xi32> to vector<1x16xi32>
    tpu.vector_store %arg8[%swap3A_219, %swap3A_220], %swap3A_223 {strides = array<i32>} : memref<2x128xi32, #tpu.memory_space<vmem>>, vector<1x16xi32>,
    %get3A_224 = arith.constant 1 : i32
    %get3A_225 = arith.index_cast %get3A_224 : i32 to index
    %get3A_226 = arith.constant 16 : index
    %get3A_227 = tpu.vector_load %arg6[%get3A_225, %get3A_226] {strides = array<i32>} : memref<80x128xi32, #tpu.memory_space<vmem>>, vector<1x16xi32>,
    %get3A_228 = vector.shape_cast %get3A_227 : vector<1x16xi32> to vector<16xi32>
    %shift_right_logical3A_229 = arith.constant 14 : i32
    %shift_right_logical3A_230 = vector.broadcast %shift_right_logical3A_229 : i32 to vector<16xi32>
    %shift_right_logical3A_231 = arith.shrui %get3A_228, %shift_right_logical3A_230 : vector<16xi32>
    %swap3A_232 = arith.constant 1 : i32
    %swap3A_233 = arith.index_cast %swap3A_232 : i32 to index
    %swap3A_234 = arith.constant 16 : index
    %swap3A_235 = tpu.vector_load %arg7[%swap3A_233, %swap3A_234] {strides = array<i32>} : memref<2x128xi32, #tpu.memory_space<vmem>>, vector<1x16xi32>,
    %swap3A_236 = vector.shape_cast %swap3A_235 : vector<1x16xi32> to vector<16xi32>
    %swap3A_237 = vector.shape_cast %shift_right_logical3A_231 : vector<16xi32> to vector<1x16xi32>
    tpu.vector_store %arg7[%swap3A_233, %swap3A_234], %swap3A_237 {strides = array<i32>} : memref<2x128xi32, #tpu.memory_space<vmem>>, vector<1x16xi32>,
    %and3A_238 = arith.constant 16383 : i32
    %and3A_239 = vector.broadcast %and3A_238 : i32 to vector<16xi32>
    %and3A_240 = arith.andi %get3A_228, %and3A_239 : vector<16xi32>
    %swap3A_241 = arith.constant 1 : i32
    %swap3A_242 = arith.index_cast %swap3A_241 : i32 to index
    %swap3A_243 = arith.constant 16 : index
    %swap3A_244 = tpu.vector_load %arg8[%swap3A_242, %swap3A_243] {strides = array<i32>} : memref<2x128xi32, #tpu.memory_space<vmem>>, vector<1x16xi32>,
    %swap3A_245 = vector.shape_cast %swap3A_244 : vector<1x16xi32> to vector<16xi32>
    %swap3A_246 = vector.shape_cast %and3A_240 : vector<16xi32> to vector<1x16xi32>
    tpu.vector_store %arg8[%swap3A_242, %swap3A_243], %swap3A_246 {strides = array<i32>} : memref<2x128xi32, #tpu.memory_space<vmem>>, vector<1x16xi32>,
    %get3A_247 = arith.constant 1 : i32
    %get3A_248 = arith.index_cast %get3A_247 : i32 to index
    %get3A_249 = arith.constant 32 : index
    %get3A_250 = tpu.vector_load %arg6[%get3A_248, %get3A_249] {strides = array<i32>} : memref<80x128xi32, #tpu.memory_space<vmem>>, vector<1x16xi32>,
    %get3A_251 = vector.shape_cast %get3A_250 : vector<1x16xi32> to vector<16xi32>
    %shift_right_logical3A_252 = arith.constant 14 : i32
    %shift_right_logical3A_253 = vector.broadcast %shift_right_logical3A_252 : i32 to vector<16xi32>
    %shift_right_logical3A_254 = arith.shrui %get3A_251, %shift_right_logical3A_253 : vector<16xi32>
    %swap3A_255 = arith.constant 1 : i32
    %swap3A_256 = arith.index_cast %swap3A_255 : i32 to index
    %swap3A_257 = arith.constant 32 : index
    %swap3A_258 = tpu.vector_load %arg7[%swap3A_256, %swap3A_257] {strides = array<i32>} : memref<2x128xi32, #tpu.memory_space<vmem>>, vector<1x16xi32>,
    %swap3A_259 = vector.shape_cast %swap3A_258 : vector<1x16xi32> to vector<16xi32>
    %swap3A_260 = vector.shape_cast %shift_right_logical3A_254 : vector<16xi32> to vector<1x16xi32>
    tpu.vector_store %arg7[%swap3A_256, %swap3A_257], %swap3A_260 {strides = array<i32>} : memref<2x128xi32, #tpu.memory_space<vmem>>, vector<1x16xi32>,
    %and3A_261 = arith.constant 16383 : i32
    %and3A_262 = vector.broadcast %and3A_261 : i32 to vector<16xi32>
    %and3A_263 = arith.andi %get3A_251, %and3A_262 : vector<16xi32>
    %swap3A_264 = arith.constant 1 : i32
    %swap3A_265 = arith.index_cast %swap3A_264 : i32 to index
    %swap3A_266 = arith.constant 32 : index
    %swap3A_267 = tpu.vector_load %arg8[%swap3A_265, %swap3A_266] {strides = array<i32>} : memref<2x128xi32, #tpu.memory_space<vmem>>, vector<1x16xi32>,
    %swap3A_268 = vector.shape_cast %swap3A_267 : vector<1x16xi32> to vector<16xi32>
    %swap3A_269 = vector.shape_cast %and3A_263 : vector<16xi32> to vector<1x16xi32>
    tpu.vector_store %arg8[%swap3A_265, %swap3A_266], %swap3A_269 {strides = array<i32>} : memref<2x128xi32, #tpu.memory_space<vmem>>, vector<1x16xi32>,
    %get3A_270 = arith.constant 1 : i32
    %get3A_271 = arith.index_cast %get3A_270 : i32 to index
    %get3A_272 = arith.constant 48 : index
    %get3A_273 = tpu.vector_load %arg6[%get3A_271, %get3A_272] {strides = array<i32>} : memref<80x128xi32, #tpu.memory_space<vmem>>, vector<1x16xi32>,
    %get3A_274 = vector.shape_cast %get3A_273 : vector<1x16xi32> to vector<16xi32>
    %shift_right_logical3A_275 = arith.constant 14 : i32
    %shift_right_logical3A_276 = vector.broadcast %shift_right_logical3A_275 : i32 to vector<16xi32>
    %shift_right_logical3A_277 = arith.shrui %get3A_274, %shift_right_logical3A_276 : vector<16xi32>
    %swap3A_278 = arith.constant 1 : i32
    %swap3A_279 = arith.index_cast %swap3A_278 : i32 to index
    %swap3A_280 = arith.constant 48 : index
    %swap3A_281 = tpu.vector_load %arg7[%swap3A_279, %swap3A_280] {strides = array<i32>} : memref<2x128xi32, #tpu.memory_space<vmem>>, vector<1x16xi32>,
    %swap3A_282 = vector.shape_cast %swap3A_281 : vector<1x16xi32> to vector<16xi32>
    %swap3A_283 = vector.shape_cast %shift_right_logical3A_277 : vector<16xi32> to vector<1x16xi32>
    tpu.vector_store %arg7[%swap3A_279, %swap3A_280], %swap3A_283 {strides = array<i32>} : memref<2x128xi32, #tpu.memory_space<vmem>>, vector<1x16xi32>,
    %and3A_284 = arith.constant 16383 : i32
    %and3A_285 = vector.broadcast %and3A_284 : i32 to vector<16xi32>
    %and3A_286 = arith.andi %get3A_274, %and3A_285 : vector<16xi32>
    %swap3A_287 = arith.constant 1 : i32
    %swap3A_288 = arith.index_cast %swap3A_287 : i32 to index
    %swap3A_289 = arith.constant 48 : index
    %swap3A_290 = tpu.vector_load %arg8[%swap3A_288, %swap3A_289] {strides = array<i32>} : memref<2x128xi32, #tpu.memory_space<vmem>>, vector<1x16xi32>,
    %swap3A_291 = vector.shape_cast %swap3A_290 : vector<1x16xi32> to vector<16xi32>
    %swap3A_292 = vector.shape_cast %and3A_286 : vector<16xi32> to vector<1x16xi32>
    tpu.vector_store %arg8[%swap3A_288, %swap3A_289], %swap3A_292 {strides = array<i32>} : memref<2x128xi32, #tpu.memory_space<vmem>>, vector<1x16xi32>,
    %get3A_293 = arith.constant 1 : i32
    %get3A_294 = arith.index_cast %get3A_293 : i32 to index
    %get3A_295 = arith.constant 64 : index
    %get3A_296 = tpu.vector_load %arg6[%get3A_294, %get3A_295] {strides = array<i32>} : memref<80x128xi32, #tpu.memory_space<vmem>>, vector<1x16xi32>,
    %get3A_297 = vector.shape_cast %get3A_296 : vector<1x16xi32> to vector<16xi32>
    %shift_right_logical3A_298 = arith.constant 14 : i32
    %shift_right_logical3A_299 = vector.broadcast %shift_right_logical3A_298 : i32 to vector<16xi32>
    %shift_right_logical3A_300 = arith.shrui %get3A_297, %shift_right_logical3A_299 : vector<16xi32>
    %swap3A_301 = arith.constant 1 : i32
    %swap3A_302 = arith.index_cast %swap3A_301 : i32 to index
    %swap3A_303 = arith.constant 64 : index
    %swap3A_304 = tpu.vector_load %arg7[%swap3A_302, %swap3A_303] {strides = array<i32>} : memref<2x128xi32, #tpu.memory_space<vmem>>, vector<1x16xi32>,
    %swap3A_305 = vector.shape_cast %swap3A_304 : vector<1x16xi32> to vector<16xi32>
    %swap3A_306 = vector.shape_cast %shift_right_logical3A_300 : vector<16xi32> to vector<1x16xi32>
    tpu.vector_store %arg7[%swap3A_302, %swap3A_303], %swap3A_306 {strides = array<i32>} : memref<2x128xi32, #tpu.memory_space<vmem>>, vector<1x16xi32>,
    %and3A_307 = arith.constant 16383 : i32
    %and3A_308 = vector.broadcast %and3A_307 : i32 to vector<16xi32>
    %and3A_309 = arith.andi %get3A_297, %and3A_308 : vector<16xi32>
    %swap3A_310 = arith.constant 1 : i32
    %swap3A_311 = arith.index_cast %swap3A_310 : i32 to index
    %swap3A_312 = arith.constant 64 : index
    %swap3A_313 = tpu.vector_load %arg8[%swap3A_311, %swap3A_312] {strides = array<i32>} : memref<2x128xi32, #tpu.memory_space<vmem>>, vector<1x16xi32>,
    %swap3A_314 = vector.shape_cast %swap3A_313 : vector<1x16xi32> to vector<16xi32>
    %swap3A_315 = vector.shape_cast %and3A_309 : vector<16xi32> to vector<1x16xi32>
    tpu.vector_store %arg8[%swap3A_311, %swap3A_312], %swap3A_315 {strides = array<i32>} : memref<2x128xi32, #tpu.memory_space<vmem>>, vector<1x16xi32>,
    %get3A_316 = arith.constant 1 : i32
    %get3A_317 = arith.index_cast %get3A_316 : i32 to index
    %get3A_318 = arith.constant 80 : index
    %get3A_319 = tpu.vector_load %arg6[%get3A_317, %get3A_318] {strides = array<i32>} : memref<80x128xi32, #tpu.memory_space<vmem>>, vector<1x16xi32>,
    %get3A_320 = vector.shape_cast %get3A_319 : vector<1x16xi32> to vector<16xi32>
    %shift_right_logical3A_321 = arith.constant 14 : i32
    %shift_right_logical3A_322 = vector.broadcast %shift_right_logical3A_321 : i32 to vector<16xi32>
    %shift_right_logical3A_323 = arith.shrui %get3A_320, %shift_right_logical3A_322 : vector<16xi32>
    %swap3A_324 = arith.constant 1 : i32
    %swap3A_325 = arith.index_cast %swap3A_324 : i32 to index
    %swap3A_326 = arith.constant 80 : index
    %swap3A_327 = tpu.vector_load %arg7[%swap3A_325, %swap3A_326] {strides = array<i32>} : memref<2x128xi32, #tpu.memory_space<vmem>>, vector<1x16xi32>,
    %swap3A_328 = vector.shape_cast %swap3A_327 : vector<1x16xi32> to vector<16xi32>
    %swap3A_329 = vector.shape_cast %shift_right_logical3A_323 : vector<16xi32> to vector<1x16xi32>
    tpu.vector_store %arg7[%swap3A_325, %swap3A_326], %swap3A_329 {strides = array<i32>} : memref<2x128xi32, #tpu.memory_space<vmem>>, vector<1x16xi32>,
    %and3A_330 = arith.constant 16383 : i32
    %and3A_331 = vector.broadcast %and3A_330 : i32 to vector<16xi32>
    %and3A_332 = arith.andi %get3A_320, %and3A_331 : vector<16xi32>
    %swap3A_333 = arith.constant 1 : i32
    %swap3A_334 = arith.index_cast %swap3A_333 : i32 to index
    %swap3A_335 = arith.constant 80 : index
    %swap3A_336 = tpu.vector_load %arg8[%swap3A_334, %swap3A_335] {strides = array<i32>} : memref<2x128xi32, #tpu.memory_space<vmem>>, vector<1x16xi32>,
    %swap3A_337 = vector.shape_cast %swap3A_336 : vector<1x16xi32> to vector<16xi32>
    %swap3A_338 = vector.shape_cast %and3A_332 : vector<16xi32> to vector<1x16xi32>
    tpu.vector_store %arg8[%swap3A_334, %swap3A_335], %swap3A_338 {strides = array<i32>} : memref<2x128xi32, #tpu.memory_space<vmem>>, vector<1x16xi32>,
    %get3A_339 = arith.constant 1 : i32
    %get3A_340 = arith.index_cast %get3A_339 : i32 to index
    %get3A_341 = arith.constant 96 : index
    %get3A_342 = tpu.vector_load %arg6[%get3A_340, %get3A_341] {strides = array<i32>} : memref<80x128xi32, #tpu.memory_space<vmem>>, vector<1x16xi32>,
    %get3A_343 = vector.shape_cast %get3A_342 : vector<1x16xi32> to vector<16xi32>
    %shift_right_logical3A_344 = arith.constant 14 : i32
    %shift_right_logical3A_345 = vector.broadcast %shift_right_logical3A_344 : i32 to vector<16xi32>
    %shift_right_logical3A_346 = arith.shrui %get3A_343, %shift_right_logical3A_345 : vector<16xi32>
    %swap3A_347 = arith.constant 1 : i32
    %swap3A_348 = arith.index_cast %swap3A_347 : i32 to index
    %swap3A_349 = arith.constant 96 : index
    %swap3A_350 = tpu.vector_load %arg7[%swap3A_348, %swap3A_349] {strides = array<i32>} : memref<2x128xi32, #tpu.memory_space<vmem>>, vector<1x16xi32>,
    %swap3A_351 = vector.shape_cast %swap3A_350 : vector<1x16xi32> to vector<16xi32>
    %swap3A_352 = vector.shape_cast %shift_right_logical3A_346 : vector<16xi32> to vector<1x16xi32>
    tpu.vector_store %arg7[%swap3A_348, %swap3A_349], %swap3A_352 {strides = array<i32>} : memref<2x128xi32, #tpu.memory_space<vmem>>, vector<1x16xi32>,
    %and3A_353 = arith.constant 16383 : i32
    %and3A_354 = vector.broadcast %and3A_353 : i32 to vector<16xi32>
    %and3A_355 = arith.andi %get3A_343, %and3A_354 : vector<16xi32>
    %swap3A_356 = arith.constant 1 : i32
    %swap3A_357 = arith.index_cast %swap3A_356 : i32 to index
    %swap3A_358 = arith.constant 96 : index
    %swap3A_359 = tpu.vector_load %arg8[%swap3A_357, %swap3A_358] {strides = array<i32>} : memref<2x128xi32, #tpu.memory_space<vmem>>, vector<1x16xi32>,
    %swap3A_360 = vector.shape_cast %swap3A_359 : vector<1x16xi32> to vector<16xi32>
    %swap3A_361 = vector.shape_cast %and3A_355 : vector<16xi32> to vector<1x16xi32>
    tpu.vector_store %arg8[%swap3A_357, %swap3A_358], %swap3A_361 {strides = array<i32>} : memref<2x128xi32, #tpu.memory_space<vmem>>, vector<1x16xi32>,
    %get3A_362 = arith.constant 1 : i32
    %get3A_363 = arith.index_cast %get3A_362 : i32 to index
    %get3A_364 = arith.constant 112 : index
    %get3A_365 = tpu.vector_load %arg6[%get3A_363, %get3A_364] {strides = array<i32>} : memref<80x128xi32, #tpu.memory_space<vmem>>, vector<1x16xi32>,
    %get3A_366 = vector.shape_cast %get3A_365 : vector<1x16xi32> to vector<16xi32>
    %shift_right_logical3A_367 = arith.constant 14 : i32
    %shift_right_logical3A_368 = vector.broadcast %shift_right_logical3A_367 : i32 to vector<16xi32>
    %shift_right_logical3A_369 = arith.shrui %get3A_366, %shift_right_logical3A_368 : vector<16xi32>
    %swap3A_370 = arith.constant 1 : i32
    %swap3A_371 = arith.index_cast %swap3A_370 : i32 to index
    %swap3A_372 = arith.constant 112 : index
    %swap3A_373 = tpu.vector_load %arg7[%swap3A_371, %swap3A_372] {strides = array<i32>} : memref<2x128xi32, #tpu.memory_space<vmem>>, vector<1x16xi32>,
    %swap3A_374 = vector.shape_cast %swap3A_373 : vector<1x16xi32> to vector<16xi32>
    %swap3A_375 = vector.shape_cast %shift_right_logical3A_369 : vector<16xi32> to vector<1x16xi32>
    tpu.vector_store %arg7[%swap3A_371, %swap3A_372], %swap3A_375 {strides = array<i32>} : memref<2x128xi32, #tpu.memory_space<vmem>>, vector<1x16xi32>,
    %and3A_376 = arith.constant 16383 : i32
    %and3A_377 = vector.broadcast %and3A_376 : i32 to vector<16xi32>
    %and3A_378 = arith.andi %get3A_366, %and3A_377 : vector<16xi32>
    %swap3A_379 = arith.constant 1 : i32
    %swap3A_380 = arith.index_cast %swap3A_379 : i32 to index
    %swap3A_381 = arith.constant 112 : index
    %swap3A_382 = tpu.vector_load %arg8[%swap3A_380, %swap3A_381] {strides = array<i32>} : memref<2x128xi32, #tpu.memory_space<vmem>>, vector<1x16xi32>,
    %swap3A_383 = vector.shape_cast %swap3A_382 : vector<1x16xi32> to vector<16xi32>
    %swap3A_384 = vector.shape_cast %and3A_378 : vector<16xi32> to vector<1x16xi32>
    tpu.vector_store %arg8[%swap3A_380, %swap3A_381], %swap3A_384 {strides = array<i32>} : memref<2x128xi32, #tpu.memory_space<vmem>>, vector<1x16xi32>,
    %dma_start3A_385 = arith.constant 1 : i32
    %dma_start3A_386 = arith.constant 1 : i32
    %dma_start3A_387 = arith.constant 0 : i32
    %dma_start3A_388 = arith.constant 0 : i32
    %dma_start3A_389 = tpu.memref_slice %arg9[%dma_start3A_386, %dma_start3A_387, %dma_start3A_388] : memref<2x128x128xf32, #tpu.memory_space<vmem>> -> memref<1x128x128xf32, #tpu.memory_space<vmem>>
    %dma_start3A_390 = tpu.memref_squeeze %dma_start3A_389 : memref<1x128x128xf32, #tpu.memory_space<vmem>> -> memref<128x128xf32, #tpu.memory_space<vmem>>
    %dma_start3A_391 = arith.constant 0 : i32
    %dma_start3A_392 = tpu.memref_slice %arg7[%dma_start3A_385, %dma_start3A_391] : memref<2x128xi32, #tpu.memory_space<vmem>> -> memref<1x128xi32, #tpu.memory_space<vmem>>
    %dma_start3A_393 = tpu.memref_squeeze %dma_start3A_392 : memref<1x128xi32, #tpu.memory_space<vmem>> -> memref<128xi32, #tpu.memory_space<vmem>>
    %dma_start3A_394 = arith.constant 0 : i32
    %dma_start3A_395 = arith.constant 0 : i32
    %dma_start3A_396 = tpu.memref_slice %arg2[%dma_start3A_394, %dma_start3A_395] : memref<10000x128xf32, #tpu.memory_space<hbm>> -> memref<10000x128xf32, #tpu.memory_space<hbm>>
    tpu.enqueue_indirect_dma source(%dma_start3A_396 : memref<10000x128xf32, #tpu.memory_space<hbm>>) target(%dma_start3A_390 : memref<128x128xf32, #tpu.memory_space<vmem>>) offsets(%dma_start3A_393 : memref<128xi32, #tpu.memory_space<vmem>>) semaphore(%arg13 : memref<!tpu.dma_semaphore, #tpu.memory_space<semaphore_mem>>)
    %mul3A_397 = arith.constant 632 : i32
    %mul3A_398 = arith.muli %arg1, %mul3A_397 : i32
    "tpu.region"() ({
      %run_scoped3A = tpu.sem_alloc : memref<!tpu.dma_semaphore, #tpu.memory_space<semaphore_mem>>
      %dma_start3A_409 = arith.constant 0 : i32
      %dma_start3A_410 = tpu.memref_slice %arg10[%mul3A_398, %dma_start3A_409] : memref<10112x128xf32, #tpu.memory_space<vmem_shared>> -> memref<632x128xf32, #tpu.memory_space<vmem_shared>>
      tpu.enqueue_dma source(%arg4 : memref<632x128xf32, #tpu.memory_space<hbm>>) target(%dma_start3A_410 : memref<632x128xf32, #tpu.memory_space<vmem_shared>>) target_semaphore(%run_scoped3A : memref<!tpu.dma_semaphore, #tpu.memory_space<semaphore_mem>>)
      %dma_wait3A_411 = arith.constant 0 : i32
      %dma_wait3A_412 = tpu.memref_slice %arg10[%mul3A_398, %dma_wait3A_411] : memref<10112x128xf32, #tpu.memory_space<vmem_shared>> -> memref<632x128xf32, #tpu.memory_space<vmem_shared>>
      tpu.wait_dma2 semaphore(%run_scoped3A : memref<!tpu.dma_semaphore, #tpu.memory_space<semaphore_mem>>) src(%arg4 : memref<632x128xf32, #tpu.memory_space<hbm>>) dst(%dma_wait3A_412 : memref<632x128xf32, #tpu.memory_space<vmem_shared>>)
      tpu.yield
    }) : () -> ()
    %barrier3A = arith.constant 0 : index
    tpu.barrier barrier_id(%barrier3A)
    %scan3A = arith.constant 0 : i32
    %scan3A_399 = arith.constant 0 : i32
    %scan3A_400 = arith.constant 40 : i32
    %scan3A_401 = arith.addi %scan3A_399, %scan3A_400 : i32
    %scan3A_402 = arith.constant 1 : i32
    scf.for %scan3A_409 = %scan3A_399 to %scan3A_401 step %scan3A_402  : i32 {
      %mul3A_410 = arith.constant 2 : i32
      %mul3A_411 = arith.muli %mul3A_410, %scan3A_409 : i32
      %add3A_412 = arith.constant 0 : i32
      %add3A_413 = arith.addi %mul3A_411, %add3A_412 : i32
      %dma_wait3A_414 = arith.constant 0 : i32
      %dma_wait3A_415 = arith.constant 0 : i32
      %dma_wait3A_416 = arith.constant 0 : i32
      %dma_wait3A_417 = arith.constant 0 : i32
      %dma_wait3A_418 = tpu.memref_slice %arg9[%dma_wait3A_415, %dma_wait3A_416, %dma_wait3A_417] : memref<2x128x128xf32, #tpu.memory_space<vmem>> -> memref<1x128x128xf32, #tpu.memory_space<vmem>>
      %dma_wait3A_419 = tpu.memref_squeeze %dma_wait3A_418 : memref<1x128x128xf32, #tpu.memory_space<vmem>> -> memref<128x128xf32, #tpu.memory_space<vmem>>
      %dma_wait3A_420 = arith.constant 0 : i32
      %dma_wait3A_421 = tpu.memref_slice %arg7[%dma_wait3A_414, %dma_wait3A_420] : memref<2x128xi32, #tpu.memory_space<vmem>> -> memref<1x128xi32, #tpu.memory_space<vmem>>
      %dma_wait3A_422 = tpu.memref_squeeze %dma_wait3A_421 : memref<1x128xi32, #tpu.memory_space<vmem>> -> memref<128xi32, #tpu.memory_space<vmem>>
      %dma_wait3A_423 = arith.constant 0 : i32
      %dma_wait3A_424 = arith.constant 0 : i32
      %dma_wait3A_425 = tpu.memref_slice %arg2[%dma_wait3A_423, %dma_wait3A_424] : memref<10000x128xf32, #tpu.memory_space<hbm>> -> memref<10000x128xf32, #tpu.memory_space<hbm>>
      tpu.wait_indirect_dma semaphore(%arg12 : memref<!tpu.dma_semaphore, #tpu.memory_space<semaphore_mem>>) src(%dma_wait3A_425 : memref<10000x128xf32, #tpu.memory_space<hbm>>) dst(%dma_wait3A_419 : memref<128x128xf32, #tpu.memory_space<vmem>>)
      %run_scoped3A = arith.constant 0 : i32
      %run_scoped3A_426 = arith.constant 0 : i32
      "tpu.region"() ({
        %run_scoped3A_456 = tpu.sem_alloc : memref<!tpu.dma_semaphore, #tpu.memory_space<semaphore_mem>>
        %dma_start3A_457 = arith.constant 0 : i32
        %dma_start3A_458 = arith.constant 0 : i32
        %dma_start3A_459 = tpu.memref_slice %arg9[%run_scoped3A, %dma_start3A_457, %dma_start3A_458] : memref<2x128x128xf32, #tpu.memory_space<vmem>> -> memref<1x128x128xf32, #tpu.memory_space<vmem>>
        %dma_start3A_460 = tpu.memref_squeeze %dma_start3A_459 : memref<1x128x128xf32, #tpu.memory_space<vmem>> -> memref<128x128xf32, #tpu.memory_space<vmem>>
        %dma_start3A_461 = arith.constant 0 : i32
        %dma_start3A_462 = tpu.memref_slice %arg8[%run_scoped3A_426, %dma_start3A_461] : memref<2x128xi32, #tpu.memory_space<vmem>> -> memref<1x128xi32, #tpu.memory_space<vmem>>
        %dma_start3A_463 = tpu.memref_squeeze %dma_start3A_462 : memref<1x128xi32, #tpu.memory_space<vmem>> -> memref<128xi32, #tpu.memory_space<vmem>>
        %dma_start3A_464 = arith.constant 0 : i32
        %dma_start3A_465 = arith.constant 0 : i32
        %dma_start3A_466 = tpu.memref_slice %arg10[%dma_start3A_464, %dma_start3A_465] : memref<10112x128xf32, #tpu.memory_space<vmem_shared>> -> memref<10112x128xf32, #tpu.memory_space<vmem_shared>>
        tpu.enqueue_indirect_dma source(%dma_start3A_460 : memref<128x128xf32, #tpu.memory_space<vmem>>) target(%dma_start3A_466 : memref<10112x128xf32, #tpu.memory_space<vmem_shared>>) offsets(%dma_start3A_463 : memref<128xi32, #tpu.memory_space<vmem>>) semaphore(%run_scoped3A_456 : memref<!tpu.dma_semaphore, #tpu.memory_space<semaphore_mem>>) {add = true}
        %dma_wait3A_467 = arith.constant 0 : i32
        %dma_wait3A_468 = arith.constant 0 : i32
        %dma_wait3A_469 = tpu.memref_slice %arg9[%run_scoped3A, %dma_wait3A_467, %dma_wait3A_468] : memref<2x128x128xf32, #tpu.memory_space<vmem>> -> memref<1x128x128xf32, #tpu.memory_space<vmem>>
        %dma_wait3A_470 = tpu.memref_squeeze %dma_wait3A_469 : memref<1x128x128xf32, #tpu.memory_space<vmem>> -> memref<128x128xf32, #tpu.memory_space<vmem>>
        %dma_wait3A_471 = arith.constant 0 : i32
        %dma_wait3A_472 = tpu.memref_slice %arg8[%run_scoped3A_426, %dma_wait3A_471] : memref<2x128xi32, #tpu.memory_space<vmem>> -> memref<1x128xi32, #tpu.memory_space<vmem>>
        %dma_wait3A_473 = tpu.memref_squeeze %dma_wait3A_472 : memref<1x128xi32, #tpu.memory_space<vmem>> -> memref<128xi32, #tpu.memory_space<vmem>>
        %dma_wait3A_474 = arith.constant 0 : i32
        %dma_wait3A_475 = arith.constant 0 : i32
        %dma_wait3A_476 = tpu.memref_slice %arg10[%dma_wait3A_474, %dma_wait3A_475] : memref<10112x128xf32, #tpu.memory_space<vmem_shared>> -> memref<10112x128xf32, #tpu.memory_space<vmem_shared>>
        tpu.wait_indirect_dma semaphore(%run_scoped3A_456 : memref<!tpu.dma_semaphore, #tpu.memory_space<semaphore_mem>>) src(%dma_wait3A_470 : memref<128x128xf32, #tpu.memory_space<vmem>>) dst(%dma_wait3A_476 : memref<10112x128xf32, #tpu.memory_space<vmem_shared>>)
        tpu.yield
      }) : () -> ()
      %add3A_427 = arith.constant 2 : i32
      %add3A_428 = arith.addi %add3A_413, %add3A_427 : i32
      %lt3A = arith.constant 80 : i32
      %lt3A_429 = arith.cmpi slt, %add3A_428, %lt3A : i32
      %convert_element_type3A = arith.extui %lt3A_429 : i1 to i32
      %cond3A = arith.constant 0 : i32
      %cond3A_430 = arith.cmpi ne, %convert_element_type3A, %cond3A : i32
      scf.if %cond3A_430 {
        %add3A_456 = arith.constant 2 : i32
        %add3A_457 = arith.addi %add3A_413, %add3A_456 : i32
        %get3A_458 = arith.index_cast %add3A_457 : i32 to index
        %get3A_459 = arith.constant 0 : index
        %get3A_460 = tpu.vector_load %arg6[%get3A_458, %get3A_459] {strides = array<i32>} : memref<80x128xi32, #tpu.memory_space<vmem>>, vector<1x16xi32>,
        %get3A_461 = vector.shape_cast %get3A_460 : vector<1x16xi32> to vector<16xi32>
        %shift_right_logical3A_462 = arith.constant 14 : i32
        %shift_right_logical3A_463 = vector.broadcast %shift_right_logical3A_462 : i32 to vector<16xi32>
        %shift_right_logical3A_464 = arith.shrui %get3A_461, %shift_right_logical3A_463 : vector<16xi32>
        %swap3A_465 = arith.constant 0 : i32
        %swap3A_466 = arith.index_cast %swap3A_465 : i32 to index
        %swap3A_467 = arith.constant 0 : index
        %swap3A_468 = tpu.vector_load %arg7[%swap3A_466, %swap3A_467] {strides = array<i32>} : memref<2x128xi32, #tpu.memory_space<vmem>>, vector<1x16xi32>,
        %swap3A_469 = vector.shape_cast %swap3A_468 : vector<1x16xi32> to vector<16xi32>
        %swap3A_470 = vector.shape_cast %shift_right_logical3A_464 : vector<16xi32> to vector<1x16xi32>
        tpu.vector_store %arg7[%swap3A_466, %swap3A_467], %swap3A_470 {strides = array<i32>} : memref<2x128xi32, #tpu.memory_space<vmem>>, vector<1x16xi32>,
        %and3A_471 = arith.constant 16383 : i32
        %and3A_472 = vector.broadcast %and3A_471 : i32 to vector<16xi32>
        %and3A_473 = arith.andi %get3A_461, %and3A_472 : vector<16xi32>
        %swap3A_474 = arith.constant 0 : i32
        %swap3A_475 = arith.index_cast %swap3A_474 : i32 to index
        %swap3A_476 = arith.constant 0 : index
        %swap3A_477 = tpu.vector_load %arg8[%swap3A_475, %swap3A_476] {strides = array<i32>} : memref<2x128xi32, #tpu.memory_space<vmem>>, vector<1x16xi32>,
        %swap3A_478 = vector.shape_cast %swap3A_477 : vector<1x16xi32> to vector<16xi32>
        %swap3A_479 = vector.shape_cast %and3A_473 : vector<16xi32> to vector<1x16xi32>
        tpu.vector_store %arg8[%swap3A_475, %swap3A_476], %swap3A_479 {strides = array<i32>} : memref<2x128xi32, #tpu.memory_space<vmem>>, vector<1x16xi32>,
        %get3A_480 = arith.index_cast %add3A_457 : i32 to index
        %get3A_481 = arith.constant 16 : index
        %get3A_482 = tpu.vector_load %arg6[%get3A_480, %get3A_481] {strides = array<i32>} : memref<80x128xi32, #tpu.memory_space<vmem>>, vector<1x16xi32>,
        %get3A_483 = vector.shape_cast %get3A_482 : vector<1x16xi32> to vector<16xi32>
        %shift_right_logical3A_484 = arith.constant 14 : i32
        %shift_right_logical3A_485 = vector.broadcast %shift_right_logical3A_484 : i32 to vector<16xi32>
        %shift_right_logical3A_486 = arith.shrui %get3A_483, %shift_right_logical3A_485 : vector<16xi32>
        %swap3A_487 = arith.constant 0 : i32
        %swap3A_488 = arith.index_cast %swap3A_487 : i32 to index
        %swap3A_489 = arith.constant 16 : index
        %swap3A_490 = tpu.vector_load %arg7[%swap3A_488, %swap3A_489] {strides = array<i32>} : memref<2x128xi32, #tpu.memory_space<vmem>>, vector<1x16xi32>,
        %swap3A_491 = vector.shape_cast %swap3A_490 : vector<1x16xi32> to vector<16xi32>
        %swap3A_492 = vector.shape_cast %shift_right_logical3A_486 : vector<16xi32> to vector<1x16xi32>
        tpu.vector_store %arg7[%swap3A_488, %swap3A_489], %swap3A_492 {strides = array<i32>} : memref<2x128xi32, #tpu.memory_space<vmem>>, vector<1x16xi32>,
        %and3A_493 = arith.constant 16383 : i32
        %and3A_494 = vector.broadcast %and3A_493 : i32 to vector<16xi32>
        %and3A_495 = arith.andi %get3A_483, %and3A_494 : vector<16xi32>
        %swap3A_496 = arith.constant 0 : i32
        %swap3A_497 = arith.index_cast %swap3A_496 : i32 to index
        %swap3A_498 = arith.constant 16 : index
        %swap3A_499 = tpu.vector_load %arg8[%swap3A_497, %swap3A_498] {strides = array<i32>} : memref<2x128xi32, #tpu.memory_space<vmem>>, vector<1x16xi32>,
        %swap3A_500 = vector.shape_cast %swap3A_499 : vector<1x16xi32> to vector<16xi32>
        %swap3A_501 = vector.shape_cast %and3A_495 : vector<16xi32> to vector<1x16xi32>
        tpu.vector_store %arg8[%swap3A_497, %swap3A_498], %swap3A_501 {strides = array<i32>} : memref<2x128xi32, #tpu.memory_space<vmem>>, vector<1x16xi32>,
        %get3A_502 = arith.index_cast %add3A_457 : i32 to index
        %get3A_503 = arith.constant 32 : index
        %get3A_504 = tpu.vector_load %arg6[%get3A_502, %get3A_503] {strides = array<i32>} : memref<80x128xi32, #tpu.memory_space<vmem>>, vector<1x16xi32>,
        %get3A_505 = vector.shape_cast %get3A_504 : vector<1x16xi32> to vector<16xi32>
        %shift_right_logical3A_506 = arith.constant 14 : i32
        %shift_right_logical3A_507 = vector.broadcast %shift_right_logical3A_506 : i32 to vector<16xi32>
        %shift_right_logical3A_508 = arith.shrui %get3A_505, %shift_right_logical3A_507 : vector<16xi32>
        %swap3A_509 = arith.constant 0 : i32
        %swap3A_510 = arith.index_cast %swap3A_509 : i32 to index
        %swap3A_511 = arith.constant 32 : index
        %swap3A_512 = tpu.vector_load %arg7[%swap3A_510, %swap3A_511] {strides = array<i32>} : memref<2x128xi32, #tpu.memory_space<vmem>>, vector<1x16xi32>,
        %swap3A_513 = vector.shape_cast %swap3A_512 : vector<1x16xi32> to vector<16xi32>
        %swap3A_514 = vector.shape_cast %shift_right_logical3A_508 : vector<16xi32> to vector<1x16xi32>
        tpu.vector_store %arg7[%swap3A_510, %swap3A_511], %swap3A_514 {strides = array<i32>} : memref<2x128xi32, #tpu.memory_space<vmem>>, vector<1x16xi32>,
        %and3A_515 = arith.constant 16383 : i32
        %and3A_516 = vector.broadcast %and3A_515 : i32 to vector<16xi32>
        %and3A_517 = arith.andi %get3A_505, %and3A_516 : vector<16xi32>
        %swap3A_518 = arith.constant 0 : i32
        %swap3A_519 = arith.index_cast %swap3A_518 : i32 to index
        %swap3A_520 = arith.constant 32 : index
        %swap3A_521 = tpu.vector_load %arg8[%swap3A_519, %swap3A_520] {strides = array<i32>} : memref<2x128xi32, #tpu.memory_space<vmem>>, vector<1x16xi32>,
        %swap3A_522 = vector.shape_cast %swap3A_521 : vector<1x16xi32> to vector<16xi32>
        %swap3A_523 = vector.shape_cast %and3A_517 : vector<16xi32> to vector<1x16xi32>
        tpu.vector_store %arg8[%swap3A_519, %swap3A_520], %swap3A_523 {strides = array<i32>} : memref<2x128xi32, #tpu.memory_space<vmem>>, vector<1x16xi32>,
        %get3A_524 = arith.index_cast %add3A_457 : i32 to index
        %get3A_525 = arith.constant 48 : index
        %get3A_526 = tpu.vector_load %arg6[%get3A_524, %get3A_525] {strides = array<i32>} : memref<80x128xi32, #tpu.memory_space<vmem>>, vector<1x16xi32>,
        %get3A_527 = vector.shape_cast %get3A_526 : vector<1x16xi32> to vector<16xi32>
        %shift_right_logical3A_528 = arith.constant 14 : i32
        %shift_right_logical3A_529 = vector.broadcast %shift_right_logical3A_528 : i32 to vector<16xi32>
        %shift_right_logical3A_530 = arith.shrui %get3A_527, %shift_right_logical3A_529 : vector<16xi32>
        %swap3A_531 = arith.constant 0 : i32
        %swap3A_532 = arith.index_cast %swap3A_531 : i32 to index
        %swap3A_533 = arith.constant 48 : index
        %swap3A_534 = tpu.vector_load %arg7[%swap3A_532, %swap3A_533] {strides = array<i32>} : memref<2x128xi32, #tpu.memory_space<vmem>>, vector<1x16xi32>,
        %swap3A_535 = vector.shape_cast %swap3A_534 : vector<1x16xi32> to vector<16xi32>
        %swap3A_536 = vector.shape_cast %shift_right_logical3A_530 : vector<16xi32> to vector<1x16xi32>
        tpu.vector_store %arg7[%swap3A_532, %swap3A_533], %swap3A_536 {strides = array<i32>} : memref<2x128xi32, #tpu.memory_space<vmem>>, vector<1x16xi32>,
        %and3A_537 = arith.constant 16383 : i32
        %and3A_538 = vector.broadcast %and3A_537 : i32 to vector<16xi32>
        %and3A_539 = arith.andi %get3A_527, %and3A_538 : vector<16xi32>
        %swap3A_540 = arith.constant 0 : i32
        %swap3A_541 = arith.index_cast %swap3A_540 : i32 to index
        %swap3A_542 = arith.constant 48 : index
        %swap3A_543 = tpu.vector_load %arg8[%swap3A_541, %swap3A_542] {strides = array<i32>} : memref<2x128xi32, #tpu.memory_space<vmem>>, vector<1x16xi32>,
        %swap3A_544 = vector.shape_cast %swap3A_543 : vector<1x16xi32> to vector<16xi32>
        %swap3A_545 = vector.shape_cast %and3A_539 : vector<16xi32> to vector<1x16xi32>
        tpu.vector_store %arg8[%swap3A_541, %swap3A_542], %swap3A_545 {strides = array<i32>} : memref<2x128xi32, #tpu.memory_space<vmem>>, vector<1x16xi32>,
        %get3A_546 = arith.index_cast %add3A_457 : i32 to index
        %get3A_547 = arith.constant 64 : index
        %get3A_548 = tpu.vector_load %arg6[%get3A_546, %get3A_547] {strides = array<i32>} : memref<80x128xi32, #tpu.memory_space<vmem>>, vector<1x16xi32>,
        %get3A_549 = vector.shape_cast %get3A_548 : vector<1x16xi32> to vector<16xi32>
        %shift_right_logical3A_550 = arith.constant 14 : i32
        %shift_right_logical3A_551 = vector.broadcast %shift_right_logical3A_550 : i32 to vector<16xi32>
        %shift_right_logical3A_552 = arith.shrui %get3A_549, %shift_right_logical3A_551 : vector<16xi32>
        %swap3A_553 = arith.constant 0 : i32
        %swap3A_554 = arith.index_cast %swap3A_553 : i32 to index
        %swap3A_555 = arith.constant 64 : index
        %swap3A_556 = tpu.vector_load %arg7[%swap3A_554, %swap3A_555] {strides = array<i32>} : memref<2x128xi32, #tpu.memory_space<vmem>>, vector<1x16xi32>,
        %swap3A_557 = vector.shape_cast %swap3A_556 : vector<1x16xi32> to vector<16xi32>
        %swap3A_558 = vector.shape_cast %shift_right_logical3A_552 : vector<16xi32> to vector<1x16xi32>
        tpu.vector_store %arg7[%swap3A_554, %swap3A_555], %swap3A_558 {strides = array<i32>} : memref<2x128xi32, #tpu.memory_space<vmem>>, vector<1x16xi32>,
        %and3A_559 = arith.constant 16383 : i32
        %and3A_560 = vector.broadcast %and3A_559 : i32 to vector<16xi32>
        %and3A_561 = arith.andi %get3A_549, %and3A_560 : vector<16xi32>
        %swap3A_562 = arith.constant 0 : i32
        %swap3A_563 = arith.index_cast %swap3A_562 : i32 to index
        %swap3A_564 = arith.constant 64 : index
        %swap3A_565 = tpu.vector_load %arg8[%swap3A_563, %swap3A_564] {strides = array<i32>} : memref<2x128xi32, #tpu.memory_space<vmem>>, vector<1x16xi32>,
        %swap3A_566 = vector.shape_cast %swap3A_565 : vector<1x16xi32> to vector<16xi32>
        %swap3A_567 = vector.shape_cast %and3A_561 : vector<16xi32> to vector<1x16xi32>
        tpu.vector_store %arg8[%swap3A_563, %swap3A_564], %swap3A_567 {strides = array<i32>} : memref<2x128xi32, #tpu.memory_space<vmem>>, vector<1x16xi32>,
        %get3A_568 = arith.index_cast %add3A_457 : i32 to index
        %get3A_569 = arith.constant 80 : index
        %get3A_570 = tpu.vector_load %arg6[%get3A_568, %get3A_569] {strides = array<i32>} : memref<80x128xi32, #tpu.memory_space<vmem>>, vector<1x16xi32>,
        %get3A_571 = vector.shape_cast %get3A_570 : vector<1x16xi32> to vector<16xi32>
        %shift_right_logical3A_572 = arith.constant 14 : i32
        %shift_right_logical3A_573 = vector.broadcast %shift_right_logical3A_572 : i32 to vector<16xi32>
        %shift_right_logical3A_574 = arith.shrui %get3A_571, %shift_right_logical3A_573 : vector<16xi32>
        %swap3A_575 = arith.constant 0 : i32
        %swap3A_576 = arith.index_cast %swap3A_575 : i32 to index
        %swap3A_577 = arith.constant 80 : index
        %swap3A_578 = tpu.vector_load %arg7[%swap3A_576, %swap3A_577] {strides = array<i32>} : memref<2x128xi32, #tpu.memory_space<vmem>>, vector<1x16xi32>,
        %swap3A_579 = vector.shape_cast %swap3A_578 : vector<1x16xi32> to vector<16xi32>
        %swap3A_580 = vector.shape_cast %shift_right_logical3A_574 : vector<16xi32> to vector<1x16xi32>
        tpu.vector_store %arg7[%swap3A_576, %swap3A_577], %swap3A_580 {strides = array<i32>} : memref<2x128xi32, #tpu.memory_space<vmem>>, vector<1x16xi32>,
        %and3A_581 = arith.constant 16383 : i32
        %and3A_582 = vector.broadcast %and3A_581 : i32 to vector<16xi32>
        %and3A_583 = arith.andi %get3A_571, %and3A_582 : vector<16xi32>
        %swap3A_584 = arith.constant 0 : i32
        %swap3A_585 = arith.index_cast %swap3A_584 : i32 to index
        %swap3A_586 = arith.constant 80 : index
        %swap3A_587 = tpu.vector_load %arg8[%swap3A_585, %swap3A_586] {strides = array<i32>} : memref<2x128xi32, #tpu.memory_space<vmem>>, vector<1x16xi32>,
        %swap3A_588 = vector.shape_cast %swap3A_587 : vector<1x16xi32> to vector<16xi32>
        %swap3A_589 = vector.shape_cast %and3A_583 : vector<16xi32> to vector<1x16xi32>
        tpu.vector_store %arg8[%swap3A_585, %swap3A_586], %swap3A_589 {strides = array<i32>} : memref<2x128xi32, #tpu.memory_space<vmem>>, vector<1x16xi32>,
        %get3A_590 = arith.index_cast %add3A_457 : i32 to index
        %get3A_591 = arith.constant 96 : index
        %get3A_592 = tpu.vector_load %arg6[%get3A_590, %get3A_591] {strides = array<i32>} : memref<80x128xi32, #tpu.memory_space<vmem>>, vector<1x16xi32>,
        %get3A_593 = vector.shape_cast %get3A_592 : vector<1x16xi32> to vector<16xi32>
        %shift_right_logical3A_594 = arith.constant 14 : i32
        %shift_right_logical3A_595 = vector.broadcast %shift_right_logical3A_594 : i32 to vector<16xi32>
        %shift_right_logical3A_596 = arith.shrui %get3A_593, %shift_right_logical3A_595 : vector<16xi32>
        %swap3A_597 = arith.constant 0 : i32
        %swap3A_598 = arith.index_cast %swap3A_597 : i32 to index
        %swap3A_599 = arith.constant 96 : index
        %swap3A_600 = tpu.vector_load %arg7[%swap3A_598, %swap3A_599] {strides = array<i32>} : memref<2x128xi32, #tpu.memory_space<vmem>>, vector<1x16xi32>,
        %swap3A_601 = vector.shape_cast %swap3A_600 : vector<1x16xi32> to vector<16xi32>
        %swap3A_602 = vector.shape_cast %shift_right_logical3A_596 : vector<16xi32> to vector<1x16xi32>
        tpu.vector_store %arg7[%swap3A_598, %swap3A_599], %swap3A_602 {strides = array<i32>} : memref<2x128xi32, #tpu.memory_space<vmem>>, vector<1x16xi32>,
        %and3A_603 = arith.constant 16383 : i32
        %and3A_604 = vector.broadcast %and3A_603 : i32 to vector<16xi32>
        %and3A_605 = arith.andi %get3A_593, %and3A_604 : vector<16xi32>
        %swap3A_606 = arith.constant 0 : i32
        %swap3A_607 = arith.index_cast %swap3A_606 : i32 to index
        %swap3A_608 = arith.constant 96 : index
        %swap3A_609 = tpu.vector_load %arg8[%swap3A_607, %swap3A_608] {strides = array<i32>} : memref<2x128xi32, #tpu.memory_space<vmem>>, vector<1x16xi32>,
        %swap3A_610 = vector.shape_cast %swap3A_609 : vector<1x16xi32> to vector<16xi32>
        %swap3A_611 = vector.shape_cast %and3A_605 : vector<16xi32> to vector<1x16xi32>
        tpu.vector_store %arg8[%swap3A_607, %swap3A_608], %swap3A_611 {strides = array<i32>} : memref<2x128xi32, #tpu.memory_space<vmem>>, vector<1x16xi32>,
        %get3A_612 = arith.index_cast %add3A_457 : i32 to index
        %get3A_613 = arith.constant 112 : index
        %get3A_614 = tpu.vector_load %arg6[%get3A_612, %get3A_613] {strides = array<i32>} : memref<80x128xi32, #tpu.memory_space<vmem>>, vector<1x16xi32>,
        %get3A_615 = vector.shape_cast %get3A_614 : vector<1x16xi32> to vector<16xi32>
        %shift_right_logical3A_616 = arith.constant 14 : i32
        %shift_right_logical3A_617 = vector.broadcast %shift_right_logical3A_616 : i32 to vector<16xi32>
        %shift_right_logical3A_618 = arith.shrui %get3A_615, %shift_right_logical3A_617 : vector<16xi32>
        %swap3A_619 = arith.constant 0 : i32
        %swap3A_620 = arith.index_cast %swap3A_619 : i32 to index
        %swap3A_621 = arith.constant 112 : index
        %swap3A_622 = tpu.vector_load %arg7[%swap3A_620, %swap3A_621] {strides = array<i32>} : memref<2x128xi32, #tpu.memory_space<vmem>>, vector<1x16xi32>,
        %swap3A_623 = vector.shape_cast %swap3A_622 : vector<1x16xi32> to vector<16xi32>
        %swap3A_624 = vector.shape_cast %shift_right_logical3A_618 : vector<16xi32> to vector<1x16xi32>
        tpu.vector_store %arg7[%swap3A_620, %swap3A_621], %swap3A_624 {strides = array<i32>} : memref<2x128xi32, #tpu.memory_space<vmem>>, vector<1x16xi32>,
        %and3A_625 = arith.constant 16383 : i32
        %and3A_626 = vector.broadcast %and3A_625 : i32 to vector<16xi32>
        %and3A_627 = arith.andi %get3A_615, %and3A_626 : vector<16xi32>
        %swap3A_628 = arith.constant 0 : i32
        %swap3A_629 = arith.index_cast %swap3A_628 : i32 to index
        %swap3A_630 = arith.constant 112 : index
        %swap3A_631 = tpu.vector_load %arg8[%swap3A_629, %swap3A_630] {strides = array<i32>} : memref<2x128xi32, #tpu.memory_space<vmem>>, vector<1x16xi32>,
        %swap3A_632 = vector.shape_cast %swap3A_631 : vector<1x16xi32> to vector<16xi32>
        %swap3A_633 = vector.shape_cast %and3A_627 : vector<16xi32> to vector<1x16xi32>
        tpu.vector_store %arg8[%swap3A_629, %swap3A_630], %swap3A_633 {strides = array<i32>} : memref<2x128xi32, #tpu.memory_space<vmem>>, vector<1x16xi32>,
        %dma_start3A_634 = arith.constant 0 : i32
        %dma_start3A_635 = arith.constant 0 : i32
        %dma_start3A_636 = arith.constant 0 : i32
        %dma_start3A_637 = arith.constant 0 : i32
        %dma_start3A_638 = tpu.memref_slice %arg9[%dma_start3A_635, %dma_start3A_636, %dma_start3A_637] : memref<2x128x128xf32, #tpu.memory_space<vmem>> -> memref<1x128x128xf32, #tpu.memory_space<vmem>>
        %dma_start3A_639 = tpu.memref_squeeze %dma_start3A_638 : memref<1x128x128xf32, #tpu.memory_space<vmem>> -> memref<128x128xf32, #tpu.memory_space<vmem>>
        %dma_start3A_640 = arith.constant 0 : i32
        %dma_start3A_641 = tpu.memref_slice %arg7[%dma_start3A_634, %dma_start3A_640] : memref<2x128xi32, #tpu.memory_space<vmem>> -> memref<1x128xi32, #tpu.memory_space<vmem>>
        %dma_start3A_642 = tpu.memref_squeeze %dma_start3A_641 : memref<1x128xi32, #tpu.memory_space<vmem>> -> memref<128xi32, #tpu.memory_space<vmem>>
        %dma_start3A_643 = arith.constant 0 : i32
        %dma_start3A_644 = arith.constant 0 : i32
        %dma_start3A_645 = tpu.memref_slice %arg2[%dma_start3A_643, %dma_start3A_644] : memref<10000x128xf32, #tpu.memory_space<hbm>> -> memref<10000x128xf32, #tpu.memory_space<hbm>>
        tpu.enqueue_indirect_dma source(%dma_start3A_645 : memref<10000x128xf32, #tpu.memory_space<hbm>>) target(%dma_start3A_639 : memref<128x128xf32, #tpu.memory_space<vmem>>) offsets(%dma_start3A_642 : memref<128xi32, #tpu.memory_space<vmem>>) semaphore(%arg12 : memref<!tpu.dma_semaphore, #tpu.memory_space<semaphore_mem>>)
      } else {
      }
      %mul3A_431 = arith.constant 2 : i32
      %mul3A_432 = arith.muli %mul3A_431, %scan3A_409 : i32
      %add3A_433 = arith.constant 1 : i32
      %add3A_434 = arith.addi %mul3A_432, %add3A_433 : i32
      %dma_wait3A_435 = arith.constant 1 : i32
      %dma_wait3A_436 = arith.constant 1 : i32
      %dma_wait3A_437 = arith.constant 0 : i32
      %dma_wait3A_438 = arith.constant 0 : i32
      %dma_wait3A_439 = tpu.memref_slice %arg9[%dma_wait3A_436, %dma_wait3A_437, %dma_wait3A_438] : memref<2x128x128xf32, #tpu.memory_space<vmem>> -> memref<1x128x128xf32, #tpu.memory_space<vmem>>
      %dma_wait3A_440 = tpu.memref_squeeze %dma_wait3A_439 : memref<1x128x128xf32, #tpu.memory_space<vmem>> -> memref<128x128xf32, #tpu.memory_space<vmem>>
      %dma_wait3A_441 = arith.constant 0 : i32
      %dma_wait3A_442 = tpu.memref_slice %arg7[%dma_wait3A_435, %dma_wait3A_441] : memref<2x128xi32, #tpu.memory_space<vmem>> -> memref<1x128xi32, #tpu.memory_space<vmem>>
      %dma_wait3A_443 = tpu.memref_squeeze %dma_wait3A_442 : memref<1x128xi32, #tpu.memory_space<vmem>> -> memref<128xi32, #tpu.memory_space<vmem>>
      %dma_wait3A_444 = arith.constant 0 : i32
      %dma_wait3A_445 = arith.constant 0 : i32
      %dma_wait3A_446 = tpu.memref_slice %arg2[%dma_wait3A_444, %dma_wait3A_445] : memref<10000x128xf32, #tpu.memory_space<hbm>> -> memref<10000x128xf32, #tpu.memory_space<hbm>>
      tpu.wait_indirect_dma semaphore(%arg13 : memref<!tpu.dma_semaphore, #tpu.memory_space<semaphore_mem>>) src(%dma_wait3A_446 : memref<10000x128xf32, #tpu.memory_space<hbm>>) dst(%dma_wait3A_440 : memref<128x128xf32, #tpu.memory_space<vmem>>)
      %run_scoped3A_447 = arith.constant 1 : i32
      %run_scoped3A_448 = arith.constant 1 : i32
      "tpu.region"() ({
        %run_scoped3A_456 = tpu.sem_alloc : memref<!tpu.dma_semaphore, #tpu.memory_space<semaphore_mem>>
        %dma_start3A_457 = arith.constant 0 : i32
        %dma_start3A_458 = arith.constant 0 : i32
        %dma_start3A_459 = tpu.memref_slice %arg9[%run_scoped3A_447, %dma_start3A_457, %dma_start3A_458] : memref<2x128x128xf32, #tpu.memory_space<vmem>> -> memref<1x128x128xf32, #tpu.memory_space<vmem>>
        %dma_start3A_460 = tpu.memref_squeeze %dma_start3A_459 : memref<1x128x128xf32, #tpu.memory_space<vmem>> -> memref<128x128xf32, #tpu.memory_space<vmem>>
        %dma_start3A_461 = arith.constant 0 : i32
        %dma_start3A_462 = tpu.memref_slice %arg8[%run_scoped3A_448, %dma_start3A_461] : memref<2x128xi32, #tpu.memory_space<vmem>> -> memref<1x128xi32, #tpu.memory_space<vmem>>
        %dma_start3A_463 = tpu.memref_squeeze %dma_start3A_462 : memref<1x128xi32, #tpu.memory_space<vmem>> -> memref<128xi32, #tpu.memory_space<vmem>>
        %dma_start3A_464 = arith.constant 0 : i32
        %dma_start3A_465 = arith.constant 0 : i32
        %dma_start3A_466 = tpu.memref_slice %arg10[%dma_start3A_464, %dma_start3A_465] : memref<10112x128xf32, #tpu.memory_space<vmem_shared>> -> memref<10112x128xf32, #tpu.memory_space<vmem_shared>>
        tpu.enqueue_indirect_dma source(%dma_start3A_460 : memref<128x128xf32, #tpu.memory_space<vmem>>) target(%dma_start3A_466 : memref<10112x128xf32, #tpu.memory_space<vmem_shared>>) offsets(%dma_start3A_463 : memref<128xi32, #tpu.memory_space<vmem>>) semaphore(%run_scoped3A_456 : memref<!tpu.dma_semaphore, #tpu.memory_space<semaphore_mem>>) {add = true}
        %dma_wait3A_467 = arith.constant 0 : i32
        %dma_wait3A_468 = arith.constant 0 : i32
        %dma_wait3A_469 = tpu.memref_slice %arg9[%run_scoped3A_447, %dma_wait3A_467, %dma_wait3A_468] : memref<2x128x128xf32, #tpu.memory_space<vmem>> -> memref<1x128x128xf32, #tpu.memory_space<vmem>>
        %dma_wait3A_470 = tpu.memref_squeeze %dma_wait3A_469 : memref<1x128x128xf32, #tpu.memory_space<vmem>> -> memref<128x128xf32, #tpu.memory_space<vmem>>
        %dma_wait3A_471 = arith.constant 0 : i32
        %dma_wait3A_472 = tpu.memref_slice %arg8[%run_scoped3A_448, %dma_wait3A_471] : memref<2x128xi32, #tpu.memory_space<vmem>> -> memref<1x128xi32, #tpu.memory_space<vmem>>
        %dma_wait3A_473 = tpu.memref_squeeze %dma_wait3A_472 : memref<1x128xi32, #tpu.memory_space<vmem>> -> memref<128xi32, #tpu.memory_space<vmem>>
        %dma_wait3A_474 = arith.constant 0 : i32
        %dma_wait3A_475 = arith.constant 0 : i32
        %dma_wait3A_476 = tpu.memref_slice %arg10[%dma_wait3A_474, %dma_wait3A_475] : memref<10112x128xf32, #tpu.memory_space<vmem_shared>> -> memref<10112x128xf32, #tpu.memory_space<vmem_shared>>
        tpu.wait_indirect_dma semaphore(%run_scoped3A_456 : memref<!tpu.dma_semaphore, #tpu.memory_space<semaphore_mem>>) src(%dma_wait3A_470 : memref<128x128xf32, #tpu.memory_space<vmem>>) dst(%dma_wait3A_476 : memref<10112x128xf32, #tpu.memory_space<vmem_shared>>)
        tpu.yield
      }) : () -> ()
      %add3A_449 = arith.constant 2 : i32
      %add3A_450 = arith.addi %add3A_434, %add3A_449 : i32
      %lt3A_451 = arith.constant 80 : i32
      %lt3A_452 = arith.cmpi slt, %add3A_450, %lt3A_451 : i32
      %convert_element_type3A_453 = arith.extui %lt3A_452 : i1 to i32
      %cond3A_454 = arith.constant 0 : i32
      %cond3A_455 = arith.cmpi ne, %convert_element_type3A_453, %cond3A_454 : i32
      scf.if %cond3A_455 {
        %add3A_456 = arith.constant 2 : i32
        %add3A_457 = arith.addi %add3A_434, %add3A_456 : i32
        %get3A_458 = arith.index_cast %add3A_457 : i32 to index
        %get3A_459 = arith.constant 0 : index
        %get3A_460 = tpu.vector_load %arg6[%get3A_458, %get3A_459] {strides = array<i32>} : memref<80x128xi32, #tpu.memory_space<vmem>>, vector<1x16xi32>,
        %get3A_461 = vector.shape_cast %get3A_460 : vector<1x16xi32> to vector<16xi32>
        %shift_right_logical3A_462 = arith.constant 14 : i32
        %shift_right_logical3A_463 = vector.broadcast %shift_right_logical3A_462 : i32 to vector<16xi32>
        %shift_right_logical3A_464 = arith.shrui %get3A_461, %shift_right_logical3A_463 : vector<16xi32>
        %swap3A_465 = arith.constant 1 : i32
        %swap3A_466 = arith.index_cast %swap3A_465 : i32 to index
        %swap3A_467 = arith.constant 0 : index
        %swap3A_468 = tpu.vector_load %arg7[%swap3A_466, %swap3A_467] {strides = array<i32>} : memref<2x128xi32, #tpu.memory_space<vmem>>, vector<1x16xi32>,
        %swap3A_469 = vector.shape_cast %swap3A_468 : vector<1x16xi32> to vector<16xi32>
        %swap3A_470 = vector.shape_cast %shift_right_logical3A_464 : vector<16xi32> to vector<1x16xi32>
        tpu.vector_store %arg7[%swap3A_466, %swap3A_467], %swap3A_470 {strides = array<i32>} : memref<2x128xi32, #tpu.memory_space<vmem>>, vector<1x16xi32>,
        %and3A_471 = arith.constant 16383 : i32
        %and3A_472 = vector.broadcast %and3A_471 : i32 to vector<16xi32>
        %and3A_473 = arith.andi %get3A_461, %and3A_472 : vector<16xi32>
        %swap3A_474 = arith.constant 1 : i32
        %swap3A_475 = arith.index_cast %swap3A_474 : i32 to index
        %swap3A_476 = arith.constant 0 : index
        %swap3A_477 = tpu.vector_load %arg8[%swap3A_475, %swap3A_476] {strides = array<i32>} : memref<2x128xi32, #tpu.memory_space<vmem>>, vector<1x16xi32>,
        %swap3A_478 = vector.shape_cast %swap3A_477 : vector<1x16xi32> to vector<16xi32>
        %swap3A_479 = vector.shape_cast %and3A_473 : vector<16xi32> to vector<1x16xi32>
        tpu.vector_store %arg8[%swap3A_475, %swap3A_476], %swap3A_479 {strides = array<i32>} : memref<2x128xi32, #tpu.memory_space<vmem>>, vector<1x16xi32>,
        %get3A_480 = arith.index_cast %add3A_457 : i32 to index
        %get3A_481 = arith.constant 16 : index
        %get3A_482 = tpu.vector_load %arg6[%get3A_480, %get3A_481] {strides = array<i32>} : memref<80x128xi32, #tpu.memory_space<vmem>>, vector<1x16xi32>,
        %get3A_483 = vector.shape_cast %get3A_482 : vector<1x16xi32> to vector<16xi32>
        %shift_right_logical3A_484 = arith.constant 14 : i32
        %shift_right_logical3A_485 = vector.broadcast %shift_right_logical3A_484 : i32 to vector<16xi32>
        %shift_right_logical3A_486 = arith.shrui %get3A_483, %shift_right_logical3A_485 : vector<16xi32>
        %swap3A_487 = arith.constant 1 : i32
        %swap3A_488 = arith.index_cast %swap3A_487 : i32 to index
        %swap3A_489 = arith.constant 16 : index
        %swap3A_490 = tpu.vector_load %arg7[%swap3A_488, %swap3A_489] {strides = array<i32>} : memref<2x128xi32, #tpu.memory_space<vmem>>, vector<1x16xi32>,
        %swap3A_491 = vector.shape_cast %swap3A_490 : vector<1x16xi32> to vector<16xi32>
        %swap3A_492 = vector.shape_cast %shift_right_logical3A_486 : vector<16xi32> to vector<1x16xi32>
        tpu.vector_store %arg7[%swap3A_488, %swap3A_489], %swap3A_492 {strides = array<i32>} : memref<2x128xi32, #tpu.memory_space<vmem>>, vector<1x16xi32>,
        %and3A_493 = arith.constant 16383 : i32
        %and3A_494 = vector.broadcast %and3A_493 : i32 to vector<16xi32>
        %and3A_495 = arith.andi %get3A_483, %and3A_494 : vector<16xi32>
        %swap3A_496 = arith.constant 1 : i32
        %swap3A_497 = arith.index_cast %swap3A_496 : i32 to index
        %swap3A_498 = arith.constant 16 : index
        %swap3A_499 = tpu.vector_load %arg8[%swap3A_497, %swap3A_498] {strides = array<i32>} : memref<2x128xi32, #tpu.memory_space<vmem>>, vector<1x16xi32>,
        %swap3A_500 = vector.shape_cast %swap3A_499 : vector<1x16xi32> to vector<16xi32>
        %swap3A_501 = vector.shape_cast %and3A_495 : vector<16xi32> to vector<1x16xi32>
        tpu.vector_store %arg8[%swap3A_497, %swap3A_498], %swap3A_501 {strides = array<i32>} : memref<2x128xi32, #tpu.memory_space<vmem>>, vector<1x16xi32>,
        %get3A_502 = arith.index_cast %add3A_457 : i32 to index
        %get3A_503 = arith.constant 32 : index
        %get3A_504 = tpu.vector_load %arg6[%get3A_502, %get3A_503] {strides = array<i32>} : memref<80x128xi32, #tpu.memory_space<vmem>>, vector<1x16xi32>,
        %get3A_505 = vector.shape_cast %get3A_504 : vector<1x16xi32> to vector<16xi32>
        %shift_right_logical3A_506 = arith.constant 14 : i32
        %shift_right_logical3A_507 = vector.broadcast %shift_right_logical3A_506 : i32 to vector<16xi32>
        %shift_right_logical3A_508 = arith.shrui %get3A_505, %shift_right_logical3A_507 : vector<16xi32>
        %swap3A_509 = arith.constant 1 : i32
        %swap3A_510 = arith.index_cast %swap3A_509 : i32 to index
        %swap3A_511 = arith.constant 32 : index
        %swap3A_512 = tpu.vector_load %arg7[%swap3A_510, %swap3A_511] {strides = array<i32>} : memref<2x128xi32, #tpu.memory_space<vmem>>, vector<1x16xi32>,
        %swap3A_513 = vector.shape_cast %swap3A_512 : vector<1x16xi32> to vector<16xi32>
        %swap3A_514 = vector.shape_cast %shift_right_logical3A_508 : vector<16xi32> to vector<1x16xi32>
        tpu.vector_store %arg7[%swap3A_510, %swap3A_511], %swap3A_514 {strides = array<i32>} : memref<2x128xi32, #tpu.memory_space<vmem>>, vector<1x16xi32>,
        %and3A_515 = arith.constant 16383 : i32
        %and3A_516 = vector.broadcast %and3A_515 : i32 to vector<16xi32>
        %and3A_517 = arith.andi %get3A_505, %and3A_516 : vector<16xi32>
        %swap3A_518 = arith.constant 1 : i32
        %swap3A_519 = arith.index_cast %swap3A_518 : i32 to index
        %swap3A_520 = arith.constant 32 : index
        %swap3A_521 = tpu.vector_load %arg8[%swap3A_519, %swap3A_520] {strides = array<i32>} : memref<2x128xi32, #tpu.memory_space<vmem>>, vector<1x16xi32>,
        %swap3A_522 = vector.shape_cast %swap3A_521 : vector<1x16xi32> to vector<16xi32>
        %swap3A_523 = vector.shape_cast %and3A_517 : vector<16xi32> to vector<1x16xi32>
        tpu.vector_store %arg8[%swap3A_519, %swap3A_520], %swap3A_523 {strides = array<i32>} : memref<2x128xi32, #tpu.memory_space<vmem>>, vector<1x16xi32>,
        %get3A_524 = arith.index_cast %add3A_457 : i32 to index
        %get3A_525 = arith.constant 48 : index
        %get3A_526 = tpu.vector_load %arg6[%get3A_524, %get3A_525] {strides = array<i32>} : memref<80x128xi32, #tpu.memory_space<vmem>>, vector<1x16xi32>,
        %get3A_527 = vector.shape_cast %get3A_526 : vector<1x16xi32> to vector<16xi32>
        %shift_right_logical3A_528 = arith.constant 14 : i32
        %shift_right_logical3A_529 = vector.broadcast %shift_right_logical3A_528 : i32 to vector<16xi32>
        %shift_right_logical3A_530 = arith.shrui %get3A_527, %shift_right_logical3A_529 : vector<16xi32>
        %swap3A_531 = arith.constant 1 : i32
        %swap3A_532 = arith.index_cast %swap3A_531 : i32 to index
        %swap3A_533 = arith.constant 48 : index
        %swap3A_534 = tpu.vector_load %arg7[%swap3A_532, %swap3A_533] {strides = array<i32>} : memref<2x128xi32, #tpu.memory_space<vmem>>, vector<1x16xi32>,
        %swap3A_535 = vector.shape_cast %swap3A_534 : vector<1x16xi32> to vector<16xi32>
        %swap3A_536 = vector.shape_cast %shift_right_logical3A_530 : vector<16xi32> to vector<1x16xi32>
        tpu.vector_store %arg7[%swap3A_532, %swap3A_533], %swap3A_536 {strides = array<i32>} : memref<2x128xi32, #tpu.memory_space<vmem>>, vector<1x16xi32>,
        %and3A_537 = arith.constant 16383 : i32
        %and3A_538 = vector.broadcast %and3A_537 : i32 to vector<16xi32>
        %and3A_539 = arith.andi %get3A_527, %and3A_538 : vector<16xi32>
        %swap3A_540 = arith.constant 1 : i32
        %swap3A_541 = arith.index_cast %swap3A_540 : i32 to index
        %swap3A_542 = arith.constant 48 : index
        %swap3A_543 = tpu.vector_load %arg8[%swap3A_541, %swap3A_542] {strides = array<i32>} : memref<2x128xi32, #tpu.memory_space<vmem>>, vector<1x16xi32>,
        %swap3A_544 = vector.shape_cast %swap3A_543 : vector<1x16xi32> to vector<16xi32>
        %swap3A_545 = vector.shape_cast %and3A_539 : vector<16xi32> to vector<1x16xi32>
        tpu.vector_store %arg8[%swap3A_541, %swap3A_542], %swap3A_545 {strides = array<i32>} : memref<2x128xi32, #tpu.memory_space<vmem>>, vector<1x16xi32>,
        %get3A_546 = arith.index_cast %add3A_457 : i32 to index
        %get3A_547 = arith.constant 64 : index
        %get3A_548 = tpu.vector_load %arg6[%get3A_546, %get3A_547] {strides = array<i32>} : memref<80x128xi32, #tpu.memory_space<vmem>>, vector<1x16xi32>,
        %get3A_549 = vector.shape_cast %get3A_548 : vector<1x16xi32> to vector<16xi32>
        %shift_right_logical3A_550 = arith.constant 14 : i32
        %shift_right_logical3A_551 = vector.broadcast %shift_right_logical3A_550 : i32 to vector<16xi32>
        %shift_right_logical3A_552 = arith.shrui %get3A_549, %shift_right_logical3A_551 : vector<16xi32>
        %swap3A_553 = arith.constant 1 : i32
        %swap3A_554 = arith.index_cast %swap3A_553 : i32 to index
        %swap3A_555 = arith.constant 64 : index
        %swap3A_556 = tpu.vector_load %arg7[%swap3A_554, %swap3A_555] {strides = array<i32>} : memref<2x128xi32, #tpu.memory_space<vmem>>, vector<1x16xi32>,
        %swap3A_557 = vector.shape_cast %swap3A_556 : vector<1x16xi32> to vector<16xi32>
        %swap3A_558 = vector.shape_cast %shift_right_logical3A_552 : vector<16xi32> to vector<1x16xi32>
        tpu.vector_store %arg7[%swap3A_554, %swap3A_555], %swap3A_558 {strides = array<i32>} : memref<2x128xi32, #tpu.memory_space<vmem>>, vector<1x16xi32>,
        %and3A_559 = arith.constant 16383 : i32
        %and3A_560 = vector.broadcast %and3A_559 : i32 to vector<16xi32>
        %and3A_561 = arith.andi %get3A_549, %and3A_560 : vector<16xi32>
        %swap3A_562 = arith.constant 1 : i32
        %swap3A_563 = arith.index_cast %swap3A_562 : i32 to index
        %swap3A_564 = arith.constant 64 : index
        %swap3A_565 = tpu.vector_load %arg8[%swap3A_563, %swap3A_564] {strides = array<i32>} : memref<2x128xi32, #tpu.memory_space<vmem>>, vector<1x16xi32>,
        %swap3A_566 = vector.shape_cast %swap3A_565 : vector<1x16xi32> to vector<16xi32>
        %swap3A_567 = vector.shape_cast %and3A_561 : vector<16xi32> to vector<1x16xi32>
        tpu.vector_store %arg8[%swap3A_563, %swap3A_564], %swap3A_567 {strides = array<i32>} : memref<2x128xi32, #tpu.memory_space<vmem>>, vector<1x16xi32>,
        %get3A_568 = arith.index_cast %add3A_457 : i32 to index
        %get3A_569 = arith.constant 80 : index
        %get3A_570 = tpu.vector_load %arg6[%get3A_568, %get3A_569] {strides = array<i32>} : memref<80x128xi32, #tpu.memory_space<vmem>>, vector<1x16xi32>,
        %get3A_571 = vector.shape_cast %get3A_570 : vector<1x16xi32> to vector<16xi32>
        %shift_right_logical3A_572 = arith.constant 14 : i32
        %shift_right_logical3A_573 = vector.broadcast %shift_right_logical3A_572 : i32 to vector<16xi32>
        %shift_right_logical3A_574 = arith.shrui %get3A_571, %shift_right_logical3A_573 : vector<16xi32>
        %swap3A_575 = arith.constant 1 : i32
        %swap3A_576 = arith.index_cast %swap3A_575 : i32 to index
        %swap3A_577 = arith.constant 80 : index
        %swap3A_578 = tpu.vector_load %arg7[%swap3A_576, %swap3A_577] {strides = array<i32>} : memref<2x128xi32, #tpu.memory_space<vmem>>, vector<1x16xi32>,
        %swap3A_579 = vector.shape_cast %swap3A_578 : vector<1x16xi32> to vector<16xi32>
        %swap3A_580 = vector.shape_cast %shift_right_logical3A_574 : vector<16xi32> to vector<1x16xi32>
        tpu.vector_store %arg7[%swap3A_576, %swap3A_577], %swap3A_580 {strides = array<i32>} : memref<2x128xi32, #tpu.memory_space<vmem>>, vector<1x16xi32>,
        %and3A_581 = arith.constant 16383 : i32
        %and3A_582 = vector.broadcast %and3A_581 : i32 to vector<16xi32>
        %and3A_583 = arith.andi %get3A_571, %and3A_582 : vector<16xi32>
        %swap3A_584 = arith.constant 1 : i32
        %swap3A_585 = arith.index_cast %swap3A_584 : i32 to index
        %swap3A_586 = arith.constant 80 : index
        %swap3A_587 = tpu.vector_load %arg8[%swap3A_585, %swap3A_586] {strides = array<i32>} : memref<2x128xi32, #tpu.memory_space<vmem>>, vector<1x16xi32>,
        %swap3A_588 = vector.shape_cast %swap3A_587 : vector<1x16xi32> to vector<16xi32>
        %swap3A_589 = vector.shape_cast %and3A_583 : vector<16xi32> to vector<1x16xi32>
        tpu.vector_store %arg8[%swap3A_585, %swap3A_586], %swap3A_589 {strides = array<i32>} : memref<2x128xi32, #tpu.memory_space<vmem>>, vector<1x16xi32>,
        %get3A_590 = arith.index_cast %add3A_457 : i32 to index
        %get3A_591 = arith.constant 96 : index
        %get3A_592 = tpu.vector_load %arg6[%get3A_590, %get3A_591] {strides = array<i32>} : memref<80x128xi32, #tpu.memory_space<vmem>>, vector<1x16xi32>,
        %get3A_593 = vector.shape_cast %get3A_592 : vector<1x16xi32> to vector<16xi32>
        %shift_right_logical3A_594 = arith.constant 14 : i32
        %shift_right_logical3A_595 = vector.broadcast %shift_right_logical3A_594 : i32 to vector<16xi32>
        %shift_right_logical3A_596 = arith.shrui %get3A_593, %shift_right_logical3A_595 : vector<16xi32>
        %swap3A_597 = arith.constant 1 : i32
        %swap3A_598 = arith.index_cast %swap3A_597 : i32 to index
        %swap3A_599 = arith.constant 96 : index
        %swap3A_600 = tpu.vector_load %arg7[%swap3A_598, %swap3A_599] {strides = array<i32>} : memref<2x128xi32, #tpu.memory_space<vmem>>, vector<1x16xi32>,
        %swap3A_601 = vector.shape_cast %swap3A_600 : vector<1x16xi32> to vector<16xi32>
        %swap3A_602 = vector.shape_cast %shift_right_logical3A_596 : vector<16xi32> to vector<1x16xi32>
        tpu.vector_store %arg7[%swap3A_598, %swap3A_599], %swap3A_602 {strides = array<i32>} : memref<2x128xi32, #tpu.memory_space<vmem>>, vector<1x16xi32>,
        %and3A_603 = arith.constant 16383 : i32
        %and3A_604 = vector.broadcast %and3A_603 : i32 to vector<16xi32>
        %and3A_605 = arith.andi %get3A_593, %and3A_604 : vector<16xi32>
        %swap3A_606 = arith.constant 1 : i32
        %swap3A_607 = arith.index_cast %swap3A_606 : i32 to index
        %swap3A_608 = arith.constant 96 : index
        %swap3A_609 = tpu.vector_load %arg8[%swap3A_607, %swap3A_608] {strides = array<i32>} : memref<2x128xi32, #tpu.memory_space<vmem>>, vector<1x16xi32>,
        %swap3A_610 = vector.shape_cast %swap3A_609 : vector<1x16xi32> to vector<16xi32>
        %swap3A_611 = vector.shape_cast %and3A_605 : vector<16xi32> to vector<1x16xi32>
        tpu.vector_store %arg8[%swap3A_607, %swap3A_608], %swap3A_611 {strides = array<i32>} : memref<2x128xi32, #tpu.memory_space<vmem>>, vector<1x16xi32>,
        %get3A_612 = arith.index_cast %add3A_457 : i32 to index
        %get3A_613 = arith.constant 112 : index
        %get3A_614 = tpu.vector_load %arg6[%get3A_612, %get3A_613] {strides = array<i32>} : memref<80x128xi32, #tpu.memory_space<vmem>>, vector<1x16xi32>,
        %get3A_615 = vector.shape_cast %get3A_614 : vector<1x16xi32> to vector<16xi32>
        %shift_right_logical3A_616 = arith.constant 14 : i32
        %shift_right_logical3A_617 = vector.broadcast %shift_right_logical3A_616 : i32 to vector<16xi32>
        %shift_right_logical3A_618 = arith.shrui %get3A_615, %shift_right_logical3A_617 : vector<16xi32>
        %swap3A_619 = arith.constant 1 : i32
        %swap3A_620 = arith.index_cast %swap3A_619 : i32 to index
        %swap3A_621 = arith.constant 112 : index
        %swap3A_622 = tpu.vector_load %arg7[%swap3A_620, %swap3A_621] {strides = array<i32>} : memref<2x128xi32, #tpu.memory_space<vmem>>, vector<1x16xi32>,
        %swap3A_623 = vector.shape_cast %swap3A_622 : vector<1x16xi32> to vector<16xi32>
        %swap3A_624 = vector.shape_cast %shift_right_logical3A_618 : vector<16xi32> to vector<1x16xi32>
        tpu.vector_store %arg7[%swap3A_620, %swap3A_621], %swap3A_624 {strides = array<i32>} : memref<2x128xi32, #tpu.memory_space<vmem>>, vector<1x16xi32>,
        %and3A_625 = arith.constant 16383 : i32
        %and3A_626 = vector.broadcast %and3A_625 : i32 to vector<16xi32>
        %and3A_627 = arith.andi %get3A_615, %and3A_626 : vector<16xi32>
        %swap3A_628 = arith.constant 1 : i32
        %swap3A_629 = arith.index_cast %swap3A_628 : i32 to index
        %swap3A_630 = arith.constant 112 : index
        %swap3A_631 = tpu.vector_load %arg8[%swap3A_629, %swap3A_630] {strides = array<i32>} : memref<2x128xi32, #tpu.memory_space<vmem>>, vector<1x16xi32>,
        %swap3A_632 = vector.shape_cast %swap3A_631 : vector<1x16xi32> to vector<16xi32>
        %swap3A_633 = vector.shape_cast %and3A_627 : vector<16xi32> to vector<1x16xi32>
        tpu.vector_store %arg8[%swap3A_629, %swap3A_630], %swap3A_633 {strides = array<i32>} : memref<2x128xi32, #tpu.memory_space<vmem>>, vector<1x16xi32>,
        %dma_start3A_634 = arith.constant 1 : i32
        %dma_start3A_635 = arith.constant 1 : i32
        %dma_start3A_636 = arith.constant 0 : i32
        %dma_start3A_637 = arith.constant 0 : i32
        %dma_start3A_638 = tpu.memref_slice %arg9[%dma_start3A_635, %dma_start3A_636, %dma_start3A_637] : memref<2x128x128xf32, #tpu.memory_space<vmem>> -> memref<1x128x128xf32, #tpu.memory_space<vmem>>
        %dma_start3A_639 = tpu.memref_squeeze %dma_start3A_638 : memref<1x128x128xf32, #tpu.memory_space<vmem>> -> memref<128x128xf32, #tpu.memory_space<vmem>>
        %dma_start3A_640 = arith.constant 0 : i32
        %dma_start3A_641 = tpu.memref_slice %arg7[%dma_start3A_634, %dma_start3A_640] : memref<2x128xi32, #tpu.memory_space<vmem>> -> memref<1x128xi32, #tpu.memory_space<vmem>>
        %dma_start3A_642 = tpu.memref_squeeze %dma_start3A_641 : memref<1x128xi32, #tpu.memory_space<vmem>> -> memref<128xi32, #tpu.memory_space<vmem>>
        %dma_start3A_643 = arith.constant 0 : i32
        %dma_start3A_644 = arith.constant 0 : i32
        %dma_start3A_645 = tpu.memref_slice %arg2[%dma_start3A_643, %dma_start3A_644] : memref<10000x128xf32, #tpu.memory_space<hbm>> -> memref<10000x128xf32, #tpu.memory_space<hbm>>
        tpu.enqueue_indirect_dma source(%dma_start3A_645 : memref<10000x128xf32, #tpu.memory_space<hbm>>) target(%dma_start3A_639 : memref<128x128xf32, #tpu.memory_space<vmem>>) offsets(%dma_start3A_642 : memref<128xi32, #tpu.memory_space<vmem>>) semaphore(%arg13 : memref<!tpu.dma_semaphore, #tpu.memory_space<semaphore_mem>>)
      } else {
      }
    }
    %scan3A_403 = arith.constant 40 : i32
    %barrier3A_404 = arith.constant 0 : index
    tpu.barrier barrier_id(%barrier3A_404)
    %mul3A_405 = arith.constant 632 : i32
    %mul3A_406 = arith.muli %arg1, %mul3A_405 : i32
    %mul3A_407 = arith.constant 632 : i32
    %mul3A_408 = arith.muli %arg1, %mul3A_407 : i32
    "tpu.region"() ({
      %run_scoped3A = tpu.sem_alloc : memref<!tpu.dma_semaphore, #tpu.memory_space<semaphore_mem>>
      %dma_start3A_409 = arith.constant 0 : i32
      %dma_start3A_410 = tpu.memref_slice %arg5[%arg0, %mul3A_408, %dma_start3A_409] : memref<2x10112x128xf32, #tpu.memory_space<hbm>> -> memref<1x632x128xf32, #tpu.memory_space<hbm>>
      %dma_start3A_411 = tpu.memref_squeeze %dma_start3A_410 : memref<1x632x128xf32, #tpu.memory_space<hbm>> -> memref<632x128xf32, #tpu.memory_space<hbm>>
      %dma_start3A_412 = arith.constant 0 : i32
      %dma_start3A_413 = tpu.memref_slice %arg10[%mul3A_406, %dma_start3A_412] : memref<10112x128xf32, #tpu.memory_space<vmem_shared>> -> memref<632x128xf32, #tpu.memory_space<vmem_shared>>
      tpu.enqueue_dma source(%dma_start3A_413 : memref<632x128xf32, #tpu.memory_space<vmem_shared>>) target(%dma_start3A_411 : memref<632x128xf32, #tpu.memory_space<hbm>>) target_semaphore(%run_scoped3A : memref<!tpu.dma_semaphore, #tpu.memory_space<semaphore_mem>>)
      %dma_wait3A_414 = arith.constant 0 : i32
      %dma_wait3A_415 = tpu.memref_slice %arg5[%arg0, %mul3A_408, %dma_wait3A_414] : memref<2x10112x128xf32, #tpu.memory_space<hbm>> -> memref<1x632x128xf32, #tpu.memory_space<hbm>>
      %dma_wait3A_416 = tpu.memref_squeeze %dma_wait3A_415 : memref<1x632x128xf32, #tpu.memory_space<hbm>> -> memref<632x128xf32, #tpu.memory_space<hbm>>
      %dma_wait3A_417 = arith.constant 0 : i32
      %dma_wait3A_418 = tpu.memref_slice %arg10[%mul3A_406, %dma_wait3A_417] : memref<10112x128xf32, #tpu.memory_space<vmem_shared>> -> memref<632x128xf32, #tpu.memory_space<vmem_shared>>
      tpu.wait_dma2 semaphore(%run_scoped3A : memref<!tpu.dma_semaphore, #tpu.memory_space<semaphore_mem>>) src(%dma_wait3A_418 : memref<632x128xf32, #tpu.memory_space<vmem_shared>>) dst(%dma_wait3A_416 : memref<632x128xf32, #tpu.memory_space<hbm>>)
      tpu.yield
    }) : () -> ()
    return
  }
}

module attributes {stable_mosaic.version = 14 : i64} {
  func.func @_mlp_body(%arg0: i32, %arg1: memref<1x1xf32, #tpu.memory_space<smem>>, %arg2: memref<2000x128xf32, #tpu.memory_space<vmem>>, %arg3: memref<2x2000x128xf32, #tpu.memory_space<vmem>>, %arg4: memref<128x128xf32, #tpu.memory_space<vmem>>, %arg5: memref<1x128xf32, #tpu.memory_space<vmem>>, %arg6: memref<128x128xf32, #tpu.memory_space<vmem>>, %arg7: memref<1x128xf32, #tpu.memory_space<vmem>>, %arg8: memref<2000x128xf32, #tpu.memory_space<vmem>>) attributes {dimension_semantics = [#tpu.dimension_semantics<arbitrary>], iteration_bounds = array<i64: 5>, scalar_prefetch = 0 : i64, scratch_operands = 0 : i64, tpu.core_type = #tpu.core_type<tc>, window_params = [{transform_indices = @transform_0, window_bounds = array<i64: 1, 1>}, {transform_indices = @transform_1, window_bounds = array<i64: 2000, 128>}, {transform_indices = @transform_2, window_bounds = array<i64: 2, 2000, 128>}, {pipeline_mode = #tpu.pipeline_mode<synchronous>, transform_indices = @transform_3, window_bounds = array<i64: 128, 128>}, {pipeline_mode = #tpu.pipeline_mode<synchronous>, transform_indices = @transform_4, window_bounds = array<i64: 1, 128>}, {pipeline_mode = #tpu.pipeline_mode<synchronous>, transform_indices = @transform_5, window_bounds = array<i64: 128, 128>}, {pipeline_mode = #tpu.pipeline_mode<synchronous>, transform_indices = @transform_6, window_bounds = array<i64: 1, 128>}, {transform_indices = @transform_7, window_bounds = array<i64: 2000, 128>}]} {
    %get3A = arith.constant 0 : index
    %get3A_0 = arith.constant 0 : index
    %get3A_1 = vector.load %arg2[%get3A, %get3A_0] : memref<2000x128xf32, #tpu.memory_space<vmem>>, vector<2000x128xf32>
    %get3A_2 = arith.constant 0 : index
    %get3A_3 = arith.constant 0 : index
    %get3A_4 = memref.load %arg1[%get3A_2, %get3A_3] : memref<1x1xf32, #tpu.memory_space<smem>>
    %mul3A = vector.broadcast %get3A_4 : f32 to vector<2000x128xf32>
    %mul3A_5 = arith.mulf %get3A_1, %mul3A : vector<2000x128xf32>
    %get3A_6 = arith.constant 0 : index
    %get3A_7 = arith.constant 0 : index
    %get3A_8 = arith.constant 0 : index
    %get3A_9 = vector.load %arg3[%get3A_6, %get3A_7, %get3A_8] : memref<2x2000x128xf32, #tpu.memory_space<vmem>>, vector<1x2000x128xf32>
    %get3A_10 = vector.shape_cast %get3A_9 : vector<1x2000x128xf32> to vector<2000x128xf32>
    %add3A = arith.addf %mul3A_5, %get3A_10 : vector<2000x128xf32>
    %get3A_11 = arith.constant 1 : index
    %get3A_12 = arith.constant 0 : index
    %get3A_13 = arith.constant 0 : index
    %get3A_14 = vector.load %arg3[%get3A_11, %get3A_12, %get3A_13] : memref<2x2000x128xf32, #tpu.memory_space<vmem>>, vector<1x2000x128xf32>
    %get3A_15 = vector.shape_cast %get3A_14 : vector<1x2000x128xf32> to vector<2000x128xf32>
    %add3A_16 = arith.addf %add3A, %get3A_15 : vector<2000x128xf32>
    %get3A_17 = arith.constant 0 : index
    %get3A_18 = arith.constant 0 : index
    %get3A_19 = vector.load %arg4[%get3A_17, %get3A_18] : memref<128x128xf32, #tpu.memory_space<vmem>>, vector<128x128xf32>
    %dot_general3A = arith.constant dense<0.000000e+00> : vector<2000x128xf32>
    %dot_general3A_20 = tpu.matmul %add3A_16, %get3A_19, %dot_general3A {dimension_numbers = #tpu.dot_dimension_numbers<[1], [0], [0], [1], [0, 0, 1, 1], [], []>, transpose_lhs_hint = false} : vector<2000x128xf32>, vector<128x128xf32>, vector<2000x128xf32> -> vector<2000x128xf32>
    %get3A_21 = arith.constant 0 : index
    %get3A_22 = arith.constant 0 : index
    %get3A_23 = vector.load %arg5[%get3A_21, %get3A_22] : memref<1x128xf32, #tpu.memory_space<vmem>>, vector<1x128xf32>
    %add3A_24 = vector.broadcast %get3A_23 : vector<1x128xf32> to vector<2000x128xf32>
    %add3A_25 = arith.addf %dot_general3A_20, %add3A_24 : vector<2000x128xf32>
    %max3A = arith.constant 0.000000e+00 : f32
    %max3A_26 = vector.broadcast %max3A : f32 to vector<2000x128xf32>
    %max3A_27 = arith.maximumf %add3A_25, %max3A_26 : vector<2000x128xf32>
    %get3A_28 = arith.constant 0 : index
    %get3A_29 = arith.constant 0 : index
    %get3A_30 = vector.load %arg6[%get3A_28, %get3A_29] : memref<128x128xf32, #tpu.memory_space<vmem>>, vector<128x128xf32>
    %dot_general3A_31 = arith.constant dense<0.000000e+00> : vector<2000x128xf32>
    %dot_general3A_32 = tpu.matmul %max3A_27, %get3A_30, %dot_general3A_31 {dimension_numbers = #tpu.dot_dimension_numbers<[1], [0], [0], [1], [0, 0, 1, 1], [], []>, transpose_lhs_hint = false} : vector<2000x128xf32>, vector<128x128xf32>, vector<2000x128xf32> -> vector<2000x128xf32>
    %get3A_33 = arith.constant 0 : index
    %get3A_34 = arith.constant 0 : index
    %get3A_35 = vector.load %arg7[%get3A_33, %get3A_34] : memref<1x128xf32, #tpu.memory_space<vmem>>, vector<1x128xf32>
    %add3A_36 = vector.broadcast %get3A_35 : vector<1x128xf32> to vector<2000x128xf32>
    %add3A_37 = arith.addf %dot_general3A_32, %add3A_36 : vector<2000x128xf32>
    %swap3A = arith.constant 0 : index
    %swap3A_38 = arith.constant 0 : index
    %swap3A_39 = vector.load %arg8[%swap3A, %swap3A_38] : memref<2000x128xf32, #tpu.memory_space<vmem>>, vector<2000x128xf32>
    tpu.vector_store %arg8[%swap3A, %swap3A_38], %add3A_37 {strides = array<i32>} : memref<2000x128xf32, #tpu.memory_space<vmem>>, vector<2000x128xf32>,
    return
  }
  func.func @transform_0(%arg0: i32) -> (i32, i32) {
    %c0_i32 = arith.constant 0 : i32
    %c0_i32_0 = arith.constant 0 : i32
    %c0_i32_1 = arith.constant 0 : i32
    return %c0_i32, %c0_i32_0 : i32, i32
  }
  func.func @transform_1(%arg0: i32) -> (i32, i32) {
    %c0_i32 = arith.constant 0 : i32
    %c0_i32_0 = arith.constant 0 : i32
    return %arg0, %c0_i32 : i32, i32
  }
  func.func @transform_2(%arg0: i32) -> (i32, i32, i32) {
    %c0_i32 = arith.constant 0 : i32
    %c0_i32_0 = arith.constant 0 : i32
    %c0_i32_1 = arith.constant 0 : i32
    return %c0_i32, %arg0, %c0_i32_0 : i32, i32, i32
  }
  func.func @transform_3(%arg0: i32) -> (i32, i32) {
    %c0_i32 = arith.constant 0 : i32
    %c0_i32_0 = arith.constant 0 : i32
    %c0_i32_1 = arith.constant 0 : i32
    return %c0_i32, %c0_i32_0 : i32, i32
  }
  func.func @transform_4(%arg0: i32) -> (i32, i32) {
    %c0_i32 = arith.constant 0 : i32
    %c0_i32_0 = arith.constant 0 : i32
    %c0_i32_1 = arith.constant 0 : i32
    return %c0_i32, %c0_i32_0 : i32, i32
  }
  func.func @transform_5(%arg0: i32) -> (i32, i32) {
    %c0_i32 = arith.constant 0 : i32
    %c0_i32_0 = arith.constant 0 : i32
    %c0_i32_1 = arith.constant 0 : i32
    return %c0_i32, %c0_i32_0 : i32, i32
  }
  func.func @transform_6(%arg0: i32) -> (i32, i32) {
    %c0_i32 = arith.constant 0 : i32
    %c0_i32_0 = arith.constant 0 : i32
    %c0_i32_1 = arith.constant 0 : i32
    return %c0_i32, %c0_i32_0 : i32, i32
  }
  func.func @transform_7(%arg0: i32) -> (i32, i32) {
    %c0_i32 = arith.constant 0 : i32
    %c0_i32_0 = arith.constant 0 : i32
    return %arg0, %c0_i32 : i32, i32
  }
}

module attributes {stable_mosaic.version = 14 : i64} {
  func.func @_mlp_head_body(%arg0: i32, %arg1: memref<1x1xf32, #tpu.memory_space<smem>>, %arg2: memref<2000x128xf32, #tpu.memory_space<vmem>>, %arg3: memref<2x2000x128xf32, #tpu.memory_space<vmem>>, %arg4: memref<128x128xf32, #tpu.memory_space<vmem>>, %arg5: memref<1x128xf32, #tpu.memory_space<vmem>>, %arg6: memref<128x128xf32, #tpu.memory_space<vmem>>, %arg7: memref<1x128xf32, #tpu.memory_space<vmem>>, %arg8: memref<128x128xf32, #tpu.memory_space<vmem>>, %arg9: memref<1x128xf32, #tpu.memory_space<vmem>>, %arg10: memref<128x128xf32, #tpu.memory_space<vmem>>, %arg11: memref<1x128xf32, #tpu.memory_space<vmem>>, %arg12: memref<1x128xf32, #tpu.memory_space<vmem>>, %arg13: memref<1x128xf32, #tpu.memory_space<vmem>>) attributes {dimension_semantics = [#tpu.dimension_semantics<arbitrary>], iteration_bounds = array<i64: 5>, scalar_prefetch = 0 : i64, scratch_operands = 1 : i64, tpu.core_type = #tpu.core_type<tc>, window_params = [{transform_indices = @transform_0, window_bounds = array<i64: 1, 1>}, {transform_indices = @transform_1, window_bounds = array<i64: 2000, 128>}, {transform_indices = @transform_2, window_bounds = array<i64: 2, 2000, 128>}, {pipeline_mode = #tpu.pipeline_mode<synchronous>, transform_indices = @transform_3, window_bounds = array<i64: 128, 128>}, {pipeline_mode = #tpu.pipeline_mode<synchronous>, transform_indices = @transform_4, window_bounds = array<i64: 1, 128>}, {pipeline_mode = #tpu.pipeline_mode<synchronous>, transform_indices = @transform_5, window_bounds = array<i64: 128, 128>}, {pipeline_mode = #tpu.pipeline_mode<synchronous>, transform_indices = @transform_6, window_bounds = array<i64: 1, 128>}, {pipeline_mode = #tpu.pipeline_mode<synchronous>, transform_indices = @transform_7, window_bounds = array<i64: 128, 128>}, {pipeline_mode = #tpu.pipeline_mode<synchronous>, transform_indices = @transform_8, window_bounds = array<i64: 1, 128>}, {pipeline_mode = #tpu.pipeline_mode<synchronous>, transform_indices = @transform_9, window_bounds = array<i64: 128, 128>}, {pipeline_mode = #tpu.pipeline_mode<synchronous>, transform_indices = @transform_10, window_bounds = array<i64: 1, 128>}, {pipeline_mode = #tpu.pipeline_mode<synchronous>, transform_indices = @transform_11, window_bounds = array<i64: 1, 128>}]} {
    %get3A = arith.constant 0 : index
    %get3A_0 = arith.constant 0 : index
    %get3A_1 = vector.load %arg2[%get3A, %get3A_0] : memref<2000x128xf32, #tpu.memory_space<vmem>>, vector<2000x128xf32>
    %get3A_2 = arith.constant 0 : index
    %get3A_3 = arith.constant 0 : index
    %get3A_4 = memref.load %arg1[%get3A_2, %get3A_3] : memref<1x1xf32, #tpu.memory_space<smem>>
    %mul3A = vector.broadcast %get3A_4 : f32 to vector<2000x128xf32>
    %mul3A_5 = arith.mulf %get3A_1, %mul3A : vector<2000x128xf32>
    %get3A_6 = arith.constant 0 : index
    %get3A_7 = arith.constant 0 : index
    %get3A_8 = arith.constant 0 : index
    %get3A_9 = vector.load %arg3[%get3A_6, %get3A_7, %get3A_8] : memref<2x2000x128xf32, #tpu.memory_space<vmem>>, vector<1x2000x128xf32>
    %get3A_10 = vector.shape_cast %get3A_9 : vector<1x2000x128xf32> to vector<2000x128xf32>
    %add3A = arith.addf %mul3A_5, %get3A_10 : vector<2000x128xf32>
    %get3A_11 = arith.constant 1 : index
    %get3A_12 = arith.constant 0 : index
    %get3A_13 = arith.constant 0 : index
    %get3A_14 = vector.load %arg3[%get3A_11, %get3A_12, %get3A_13] : memref<2x2000x128xf32, #tpu.memory_space<vmem>>, vector<1x2000x128xf32>
    %get3A_15 = vector.shape_cast %get3A_14 : vector<1x2000x128xf32> to vector<2000x128xf32>
    %add3A_16 = arith.addf %add3A, %get3A_15 : vector<2000x128xf32>
    %get3A_17 = arith.constant 0 : index
    %get3A_18 = arith.constant 0 : index
    %get3A_19 = vector.load %arg4[%get3A_17, %get3A_18] : memref<128x128xf32, #tpu.memory_space<vmem>>, vector<128x128xf32>
    %dot_general3A = arith.constant dense<0.000000e+00> : vector<2000x128xf32>
    %dot_general3A_20 = tpu.matmul %add3A_16, %get3A_19, %dot_general3A {dimension_numbers = #tpu.dot_dimension_numbers<[1], [0], [0], [1], [0, 0, 1, 1], [], []>, transpose_lhs_hint = false} : vector<2000x128xf32>, vector<128x128xf32>, vector<2000x128xf32> -> vector<2000x128xf32>
    %get3A_21 = arith.constant 0 : index
    %get3A_22 = arith.constant 0 : index
    %get3A_23 = vector.load %arg5[%get3A_21, %get3A_22] : memref<1x128xf32, #tpu.memory_space<vmem>>, vector<1x128xf32>
    %add3A_24 = vector.broadcast %get3A_23 : vector<1x128xf32> to vector<2000x128xf32>
    %add3A_25 = arith.addf %dot_general3A_20, %add3A_24 : vector<2000x128xf32>
    %max3A = arith.constant 0.000000e+00 : f32
    %max3A_26 = vector.broadcast %max3A : f32 to vector<2000x128xf32>
    %max3A_27 = arith.maximumf %add3A_25, %max3A_26 : vector<2000x128xf32>
    %get3A_28 = arith.constant 0 : index
    %get3A_29 = arith.constant 0 : index
    %get3A_30 = vector.load %arg6[%get3A_28, %get3A_29] : memref<128x128xf32, #tpu.memory_space<vmem>>, vector<128x128xf32>
    %dot_general3A_31 = arith.constant dense<0.000000e+00> : vector<2000x128xf32>
    %dot_general3A_32 = tpu.matmul %max3A_27, %get3A_30, %dot_general3A_31 {dimension_numbers = #tpu.dot_dimension_numbers<[1], [0], [0], [1], [0, 0, 1, 1], [], []>, transpose_lhs_hint = false} : vector<2000x128xf32>, vector<128x128xf32>, vector<2000x128xf32> -> vector<2000x128xf32>
    %get3A_33 = arith.constant 0 : index
    %get3A_34 = arith.constant 0 : index
    %get3A_35 = vector.load %arg7[%get3A_33, %get3A_34] : memref<1x128xf32, #tpu.memory_space<vmem>>, vector<1x128xf32>
    %add3A_36 = vector.broadcast %get3A_35 : vector<1x128xf32> to vector<2000x128xf32>
    %add3A_37 = arith.addf %dot_general3A_32, %add3A_36 : vector<2000x128xf32>
    %eq3A = arith.constant 0 : i32
    %eq3A_38 = arith.cmpi eq, %arg0, %eq3A : i32
    %convert_element_type3A = arith.extui %eq3A_38 : i1 to i32
    %cond3A = arith.constant 0 : i32
    %cond3A_39 = arith.cmpi ne, %convert_element_type3A, %cond3A : i32
    scf.if %cond3A_39 {
      %broadcast_in_dim3A_52 = arith.constant 0.000000e+00 : f32
      %broadcast_in_dim3A_53 = vector.broadcast %broadcast_in_dim3A_52 : f32 to vector<1x128xf32>
      %swap3A_54 = arith.constant 0 : index
      %swap3A_55 = arith.constant 0 : index
      %swap3A_56 = vector.load %arg13[%swap3A_54, %swap3A_55] : memref<1x128xf32, #tpu.memory_space<vmem>>, vector<1x128xf32>
      tpu.vector_store %arg13[%swap3A_54, %swap3A_55], %broadcast_in_dim3A_53 {strides = array<i32>} : memref<1x128xf32, #tpu.memory_space<vmem>>, vector<1x128xf32>,
    } else {
    }
    %get3A_40 = arith.constant 0 : index
    %get3A_41 = arith.constant 0 : index
    %get3A_42 = vector.load %arg13[%get3A_40, %get3A_41] : memref<1x128xf32, #tpu.memory_space<vmem>>, vector<1x128xf32>
    %reduce_sum3A = arith.constant dense<0.000000e+00> : vector<128xf32>
    %reduce_sum3A_43 = vector.multi_reduction <add>, %add3A_37, %reduce_sum3A [0] : vector<2000x128xf32> to vector<128xf32>
    %broadcast_in_dim3A = vector.shape_cast %reduce_sum3A_43 : vector<128xf32> to vector<1x128xf32>
    %add3A_44 = arith.addf %get3A_42, %broadcast_in_dim3A : vector<1x128xf32>
    %swap3A = arith.constant 0 : index
    %swap3A_45 = arith.constant 0 : index
    %swap3A_46 = vector.load %arg13[%swap3A, %swap3A_45] : memref<1x128xf32, #tpu.memory_space<vmem>>, vector<1x128xf32>
    tpu.vector_store %arg13[%swap3A, %swap3A_45], %add3A_44 {strides = array<i32>} : memref<1x128xf32, #tpu.memory_space<vmem>>, vector<1x128xf32>,
    %eq3A_47 = arith.constant 4 : i32
    %eq3A_48 = arith.cmpi eq, %arg0, %eq3A_47 : i32
    %convert_element_type3A_49 = arith.extui %eq3A_48 : i1 to i32
    %cond3A_50 = arith.constant 0 : i32
    %cond3A_51 = arith.cmpi ne, %convert_element_type3A_49, %cond3A_50 : i32
    scf.if %cond3A_51 {
      %get3A_52 = arith.constant 0 : index
      %get3A_53 = arith.constant 0 : index
      %get3A_54 = vector.load %arg13[%get3A_52, %get3A_53] : memref<1x128xf32, #tpu.memory_space<vmem>>, vector<1x128xf32>
      %get3A_55 = arith.constant 0 : index
      %get3A_56 = arith.constant 0 : index
      %get3A_57 = vector.load %arg8[%get3A_55, %get3A_56] : memref<128x128xf32, #tpu.memory_space<vmem>>, vector<128x128xf32>
      %dot_general3A_58 = arith.constant dense<0.000000e+00> : vector<1x128xf32>
      %dot_general3A_59 = tpu.matmul %get3A_54, %get3A_57, %dot_general3A_58 {dimension_numbers = #tpu.dot_dimension_numbers<[1], [0], [0], [1], [0, 0, 1, 1], [], []>, transpose_lhs_hint = false} : vector<1x128xf32>, vector<128x128xf32>, vector<1x128xf32> -> vector<1x128xf32>
      %get3A_60 = arith.constant 0 : index
      %get3A_61 = arith.constant 0 : index
      %get3A_62 = vector.load %arg9[%get3A_60, %get3A_61] : memref<1x128xf32, #tpu.memory_space<vmem>>, vector<1x128xf32>
      %add3A_63 = arith.addf %dot_general3A_59, %get3A_62 : vector<1x128xf32>
      %max3A_64 = arith.constant 0.000000e+00 : f32
      %max3A_65 = vector.broadcast %max3A_64 : f32 to vector<1x128xf32>
      %max3A_66 = arith.maximumf %add3A_63, %max3A_65 : vector<1x128xf32>
      %get3A_67 = arith.constant 0 : index
      %get3A_68 = arith.constant 0 : index
      %get3A_69 = vector.load %arg10[%get3A_67, %get3A_68] : memref<128x128xf32, #tpu.memory_space<vmem>>, vector<128x128xf32>
      %dot_general3A_70 = arith.constant dense<0.000000e+00> : vector<1x128xf32>
      %dot_general3A_71 = tpu.matmul %max3A_66, %get3A_69, %dot_general3A_70 {dimension_numbers = #tpu.dot_dimension_numbers<[1], [0], [0], [1], [0, 0, 1, 1], [], []>, transpose_lhs_hint = false} : vector<1x128xf32>, vector<128x128xf32>, vector<1x128xf32> -> vector<1x128xf32>
      %get3A_72 = arith.constant 0 : index
      %get3A_73 = arith.constant 0 : index
      %get3A_74 = vector.load %arg11[%get3A_72, %get3A_73] : memref<1x128xf32, #tpu.memory_space<vmem>>, vector<1x128xf32>
      %add3A_75 = arith.addf %dot_general3A_71, %get3A_74 : vector<1x128xf32>
      %swap3A_76 = arith.constant 0 : index
      %swap3A_77 = arith.constant 0 : index
      %swap3A_78 = vector.load %arg12[%swap3A_76, %swap3A_77] : memref<1x128xf32, #tpu.memory_space<vmem>>, vector<1x128xf32>
      tpu.vector_store %arg12[%swap3A_76, %swap3A_77], %add3A_75 {strides = array<i32>} : memref<1x128xf32, #tpu.memory_space<vmem>>, vector<1x128xf32>,
    } else {
    }
    return
  }
  func.func @transform_0(%arg0: i32) -> (i32, i32) {
    %c0_i32 = arith.constant 0 : i32
    %c0_i32_0 = arith.constant 0 : i32
    %c0_i32_1 = arith.constant 0 : i32
    return %c0_i32, %c0_i32_0 : i32, i32
  }
  func.func @transform_1(%arg0: i32) -> (i32, i32) {
    %c0_i32 = arith.constant 0 : i32
    %c0_i32_0 = arith.constant 0 : i32
    return %arg0, %c0_i32 : i32, i32
  }
  func.func @transform_2(%arg0: i32) -> (i32, i32, i32) {
    %c0_i32 = arith.constant 0 : i32
    %c0_i32_0 = arith.constant 0 : i32
    %c0_i32_1 = arith.constant 0 : i32
    return %c0_i32, %arg0, %c0_i32_0 : i32, i32, i32
  }
  func.func @transform_3(%arg0: i32) -> (i32, i32) {
    %c0_i32 = arith.constant 0 : i32
    %c0_i32_0 = arith.constant 0 : i32
    %c0_i32_1 = arith.constant 0 : i32
    return %c0_i32, %c0_i32_0 : i32, i32
  }
  func.func @transform_4(%arg0: i32) -> (i32, i32) {
    %c0_i32 = arith.constant 0 : i32
    %c0_i32_0 = arith.constant 0 : i32
    %c0_i32_1 = arith.constant 0 : i32
    return %c0_i32, %c0_i32_0 : i32, i32
  }
  func.func @transform_5(%arg0: i32) -> (i32, i32) {
    %c0_i32 = arith.constant 0 : i32
    %c0_i32_0 = arith.constant 0 : i32
    %c0_i32_1 = arith.constant 0 : i32
    return %c0_i32, %c0_i32_0 : i32, i32
  }
  func.func @transform_6(%arg0: i32) -> (i32, i32) {
    %c0_i32 = arith.constant 0 : i32
    %c0_i32_0 = arith.constant 0 : i32
    %c0_i32_1 = arith.constant 0 : i32
    return %c0_i32, %c0_i32_0 : i32, i32
  }
  func.func @transform_7(%arg0: i32) -> (i32, i32) {
    %c0_i32 = arith.constant 0 : i32
    %c0_i32_0 = arith.constant 0 : i32
    %c0_i32_1 = arith.constant 0 : i32
    return %c0_i32, %c0_i32_0 : i32, i32
  }
  func.func @transform_8(%arg0: i32) -> (i32, i32) {
    %c0_i32 = arith.constant 0 : i32
    %c0_i32_0 = arith.constant 0 : i32
    %c0_i32_1 = arith.constant 0 : i32
    return %c0_i32, %c0_i32_0 : i32, i32
  }
  func.func @transform_9(%arg0: i32) -> (i32, i32) {
    %c0_i32 = arith.constant 0 : i32
    %c0_i32_0 = arith.constant 0 : i32
    %c0_i32_1 = arith.constant 0 : i32
    return %c0_i32, %c0_i32_0 : i32, i32
  }
  func.func @transform_10(%arg0: i32) -> (i32, i32) {
    %c0_i32 = arith.constant 0 : i32
    %c0_i32_0 = arith.constant 0 : i32
    %c0_i32_1 = arith.constant 0 : i32
    return %c0_i32, %c0_i32_0 : i32, i32
  }
  func.func @transform_11(%arg0: i32) -> (i32, i32) {
    %c0_i32 = arith.constant 0 : i32
    %c0_i32_0 = arith.constant 0 : i32
    %c0_i32_1 = arith.constant 0 : i32
    return %c0_i32, %c0_i32_0 : i32, i32
  }
}

</mosaic_0001>

<sc_bundles>
// kernel: kernel.11.cloned.1.call-start
scs
__scs_entry_jumppad:
0x0: {  	(pc) =	sbr.rel $0x88, $3  }
0x1: {  	(tag) =	ssettag $0x0;
	lr =	simm.s32 $0x1  }
0x2: {  	[smem:$0x3F8C] =	sst lr;
	_ =	strace $0xD0000000  }
0x3: {  	_ = 	snop  }
0x4: {  	_ = 	snop  }
0x5: {  	_ = 	snop  }
0x6: {  	_ = 	snop  }
0x7: {  	_ = 	snop  }
__scs_overlays_trampoline_lowered:
0x8: {  	[smem:$0x3F9B] =	sst s0  }
0x9: {  	[smem:$0x3F9C] =	sst s1  }
0xa: {  	[smem:$0x3F9D] =	sst s2  }
0xb: {  	[smem:$0x3F9E] =	sst s3  }
0xc: {  	[smem:$0x3F9F] =	sst s4  }
0xd: {  	[smem:$0x3FA0] =	sst s5  }
0xe: {  	[smem:$0x3FA1] =	sst s6  }
0xf: {  	[smem:$0x3FA2] =	sst s7  }
0x10: {  	[smem:$0x3FA3] =	sst s8  }
0x11: {  	[smem:$0x3FA4] =	sst s9;
	s0 =	simm.s32 @!p0 $0x0  }
0x12: {  	s1 =	sld [smem:$0x3F8A];
	s0 =	simm.s32 @p0 $0x1  }
0x13: {  	[smem:$0x3FA5] =	sst s0;
	s0 =	simm.s32 @!p1 $0x0  }
0x14: {  	s2 =	sld [smem:$0x3F89];
	s0 =	simm.s32 @p1 $0x1  }
0x15: {  	[smem:$0x3FA6] =	sst s0;
	s0 =	simm.s32 @!p2 $0x0  }
0x16: {  	s3 =	sld [smem:$0x3FDB];
	s0 =	simm.s32 @p2 $0x1  }
0x17: {  	s4 =	simm.s32 $0x1BF5;
	[smem:$0x3FA8] =	sst s0  }
0x18: {  	s0 =	sld [smem:$0x3F8B];
	_ =	swait.ge [sflag:s4], $0x0  }
0x19: {  	s7 =	sld [smem:$0x3F8C]  }
0x1a: {  	s8 =	sadd.s32 $0xFFFFE003, lr  }
0x1b: {  	s9 =	sadd.s32 $0xFFFFFEF7, lr;
	s5 =	simm.s32 $0xFFFFFFFF;
	p2 =	slt.u32 s8, $0xFFFFF086  }
0x1c: {  	p1 =	slt.u32 s9, $0xF7A;
	s5 =	simm.s32 @!p2 $0x0  }
0x1d: {  	s5 =	simm.s32 @p1 $0x1;
	p0 =	seq.s32 s7, s2  }
0x1e: {  	s7 =	smul.u32 @!p0 $0xF7A, s2;
	p2 =	seq.s32 @!p0 s5, $0x0  }
0x1f: {  	s9 =	smul.u32 $0xF7A, s1;
	s8 =	simm.s32 @!p0 $0x1BF5;
	p2 =	por !p2, p0  }
0x20: {  	[sflag:s8] =	ssyncset.s32 @!p0 $0xFFFFF086;
	s6 =	sadd.s32 @!p0 s3, s7;
	s7 =	simm.s32 @!p0 $0x108  }
0x21: {  	s3 =	sadd.s32 s3, s9;
	s6 =	sadd.s32 @!p0 $0x88, s6;
	s7 =	simm.s32 @p2 $0x1082  }
0x22: {  	[simem:s7], [sflag:s8] =	dma.local @!p0 [hbm:s6], $0xF7A  }
0x23: {  	s9 =	sor.u32 $0xD0000000, s2;
	s6 =	simm.s32 $0x108;
	_ =	swait.ge @!p0 [sflag:s8], $0x0  }
0x24: {  	s3 =	sadd.s32 $0x88, s3;
	s6 =	simm.s32 @!p1 $0x1082;
	[sflag:s4] =	ssyncset.s32 $0xFFFFF086  }
0x25: {  	[simem:s6], [sflag:s4] =	dma.local [hbm:s3], $0xF7A  }
0x26: {  	[smem:$0x3F8C] =	sst s1;
	(tag) =	ssettag s2;
	_ =	strace s9  }
0x27: {  	s1 =	sld [smem:$0x3F9C]  }
0x28: {  	s2 =	sld [smem:$0x3F9D]  }
0x29: {  	s4 =	sld [smem:$0x3F9F]  }
0x2a: {  	p0 =	seq.s32 s5, $0x0;
	s5 =	sld [smem:$0x3FA0]  }
0x2b: {  	s6 =	sld [smem:$0x3FA1]  }
0x2c: {  	s7 =	sld [smem:$0x3FA2]  }
0x2d: {  	s3 =	simm.s32 $0x108;
	s8 =	sld [smem:$0x3FA3]  }
0x2e: {  	s3 =	simm.s32 @!p0 $0x1082;
	s9 =	sld [smem:$0x3FA4]  }
0x2f: {  	lr =	sadd.s32 s0, s3;
	s0 =	sld [smem:$0x3F9B]  }
0x30: {  	s3 =	sld [smem:$0x3F9E]  }
0x31: {  	[smem:$0x3FA7] =	sst s10  }
0x32: {  	s10 =	sld [smem:$0x3FA5];
	_ =	sdelay $0x3  }
0x33: {  	p0 =	seq.s32 s10, $0x1;
	s10 =	sld [smem:$0x3FA7];
	_ =	sdelay $0x3  }
0x34: {  	[smem:$0x3FA7] =	sst s10  }
0x35: {  	s10 =	sld [smem:$0x3FA6];
	_ =	sdelay $0x3  }
0x36: {  	p1 =	seq.s32 s10, $0x1;
	s10 =	sld [smem:$0x3FA7];
	_ =	sdelay $0x3  }
0x37: {  	[smem:$0x3FA7] =	sst s10  }
0x38: {  	s10 =	sld [smem:$0x3FA8]  }
0x39: {  	_ = 	snop;
	(pc) =	sbr.ind lr, $3  }
0x3a: {  	_ = 	snop  }
0x3b: {  	_ = 	snop  }
0x3c: {  	p2 =	seq.s32 s10, $0x1;
	s10 =	sld [smem:$0x3FA7]  }
0x3d: {  	_ =	shalt  }
0x3e: {  	_ =	shalt  }
0x3f: {  	_ =	shalt  }
0x40: {  	_ =	shalt  }
0x41: {  	_ =	shalt  }
0x42: {  	_ =	shalt  }
0x43: {  	_ =	shalt  }
0x44: {  	_ =	shalt  }
0x45: {  	_ =	shalt  }
0x46: {  	_ =	shalt  }
0x47: {  	_ =	shalt  }
0x48: {  	_ =	shalt  }
0x49: {  	_ =	shalt  }
0x4a: {  	_ =	shalt  }
0x4b: {  	_ =	shalt  }
0x4c: {  	_ =	shalt  }
0x4d: {  	_ =	shalt  }
0x4e: {  	_ =	shalt  }
0x4f: {  	_ =	shalt  }
0x50: {  	_ =	shalt  }
0x51: {  	_ =	shalt  }
0x52: {  	_ =	shalt  }
0x53: {  	_ =	shalt  }
0x54: {  	_ =	shalt  }
0x55: {  	_ =	shalt  }
0x56: {  	_ =	shalt  }
0x57: {  	_ =	shalt  }
0x58: {  	_ =	shalt  }
0x59: {  	_ =	shalt  }
0x5a: {  	_ =	shalt  }
0x5b: {  	_ =	shalt  }
0x5c: {  	_ =	shalt  }
0x5d: {  	_ =	shalt  }
0x5e: {  	_ =	shalt  }
0x5f: {  	_ =	shalt  }
0x60: {  	_ =	shalt  }
0x61: {  	_ =	shalt  }
0x62: {  	_ =	shalt  }
0x63: {  	_ =	shalt  }
0x64: {  	_ =	shalt  }
0x65: {  	_ =	shalt  }
0x66: {  	_ =	shalt  }
0x67: {  	_ =	shalt  }
0x68: {  	_ =	shalt  }
0x69: {  	_ =	shalt  }
0x6a: {  	_ =	shalt  }
0x6b: {  	_ =	shalt  }
0x6c: {  	_ =	shalt  }
0x6d: {  	_ =	shalt  }
0x6e: {  	_ =	shalt  }
0x6f: {  	_ =	shalt  }
0x70: {  	_ =	shalt  }
0x71: {  	_ =	shalt  }
0x72: {  	_ =	shalt  }
0x73: {  	_ =	shalt  }
0x74: {  	_ =	shalt  }
0x75: {  	_ =	shalt  }
0x76: {  	_ =	shalt  }
0x77: {  	_ =	shalt  }
0x78: {  	_ =	shalt  }
0x79: {  	_ =	shalt  }
0x7a: {  	_ =	shalt  }
0x7b: {  	_ =	shalt  }
0x7c: {  	_ =	shalt  }
0x7d: {  	_ =	shalt  }
0x7e: {  	_ =	shalt  }
0x7f: {  	_ =	shalt  }
0x80: {  	_ =	shalt  }
0x81: {  	_ =	shalt  }
0x82: {  	_ =	shalt  }
0x83: {  	_ =	shalt  }
0x84: {  	_ =	shalt  }
0x85: {  	_ =	shalt  }
0x86: {  	_ =	shalt  }
0x87: {  	_ =	shalt  }
.Lfunc_end0:
.L_simem_size_0:
called_computation.1_lowered:
.L_overlay_start_0:
0x88: {  	s2 =	sld [smem:$0x3FD9]  }
0x89: {  	s3 =	sld [smem:$0x3FFE];
	_ =	sdelay $0x1  }
0x8a: {  	s1 =	srdreg.scid  }
0x8b: {  	s0 =	sand.u32 $0x1, s1  }
0x8c: {  	s16 =	sshll.u32 s0, $0xA;
	s2 =	sadd.s32 s3, s2  }
0x8d: {  	s2 =	sadd.s32 s2, s16  }
0x8e: {  	[smem:$0x3FB3] =	sst s2  }
0x8f: {  	_ = 	snop  }
0x90: {  	(tm) =	ssettm $0x1  }
0x91: {  	s17 =	sld [smem:$0x3FFB];
	_ =	sdelay $0x3  }
0x92: {  	_ =	strace s17  }
0x93: {  	s2 =	sld [smem:$0x3FFC];
	_ =	sdelay $0x3  }
0x94: {  	_ =	strace s2  }
0x95: {  	s2 =	sld [smem:$0x3FFD];
	_ =	sdelay $0x3  }
0x96: {  	_ =	strace s2  }
0x97: {  	_ =	strace $0x8FFFFFFF  }
0x98: {  	s18 =	sld [smem:$0x3FDB];
	_ =	sdelay $0x1  }
0x99: {  	s19 =	simm.s32 $_scs_section_size  }
0x9a: {  	s4 =	simm.s32 $_size__tile_overlayer_lowered;
	s5 =	simm.s32 $_tile_overlayer_lowered  }
0x9b: {  	s22 =	simm.s32 $0x1BFF;
	s21 =	sshll.u32 s5, $0x1;
	s2 =	sadd.s32 s19, s18  }
0x9c: {  	s6 =	simm.s32 $0x0;
	s20 =	sshll.u32 s4, $0x1;
	s4 =	sadd.s32 s21, s2  }
0x9d: {  	[timem:s6], [sflag:s22] =	dma.local [hbm:s4], s20  }
0x9e: {  	_ =	swait.ge [sflag:s22], s20  }
0x9f: {  	s3 =	ssub.s32 $0x0, s20;
	[sflag:s22] =	ssyncset.done $0x0  }
0xa0: {  	[sflag:s22] =	ssyncadd.s32 s3;
	_ =	sdelay $0x1  }
0xa1: {  	s23 =	simm.s32 $0x1B8B  }
0xa2: {  	_ =	swait.ge [sflag:s23], $0x1  }
0xa3: {  	[sflag:s23] =	ssyncset.done $0x0  }
0xa4: {  	s25 =	simm.s32 $0x1B8E;
	s24 =	sld [smem:$0x3FFE];
	[sflag:s23] =	ssyncadd.s32 $0xFFFFFFFF  }
0xa5: {  	s26 =	simm.s32 $execute0_lowered;
	[smem:$0x3FD2] =	sst s25  }
0xa6: {  	s4 =	sshll.u32 s26, $0x1;
	_ =	strace $0x80000049;
	[dreg:$0x1] =	wrdreg $0xFFFFFFFF  }
0xa7: {  	s28 =	simm.s32 $_size_execute0_lowered;
	s2 =	sadd.s32 s2, s4;
	[dreg:$0x0] =	wrdreg $0x0  }
0xa8: {  	s4 =	sshll.u32 s28, $0x1;
	[dreg:$0x2] =	wrdreg s2  }
0xa9: {  	[dreg:$0x3] =	wrdreg s4  }
0xaa: {  	[dreg:$0x4] =	wrdreg $0xC0  }
0xab: {  	_ =	task [dreg:s6], $0x5FFFF  }
0xac: {  	[dreg:$0x1] =	wrdreg $0xFFFFFFFF  }
0xad: {  	[dreg:$0x0] =	wrdreg $0x60  }
0xae: {  	[dreg:$0x2] =	wrdreg s24  }
0xaf: {  	[dreg:$0x3] =	wrdreg $0xAA000  }
0xb0: {  	[dreg:$0x4] =	wrdreg $0x9  }
0xb1: {  	_ =	task.clear_ibuf [dreg:s6], $0x5FFFF;
	_ =	strace $0x90000049  }
0xb2: {  	s29 =	simm.s32 $0x9;
	_ =	strace $0x8000004B  }
0xb3: {  	_ =	swait.ge [sflag:s29], $0x1  }
0xb4: {  	[sflag:s29] =	ssyncadd.s32 $0xFFFFFFFF  }
0xb5: {  	_ =	strace $0x9000004B  }
0xb6: {  	_ =	sfence  }
0xb7: {  	s30 =	sld [smem:$0x0];
	_ =	sdelay $0x2  }
0xb8: {  	s31 =	sshll.u32 s1, $0xD;
	s1 =	sshrl.u32 s1, $0x2  }
0xb9: {  	s3 =	sand.u32 $0x4000, s31;
	s1 =	sadd.s32 s1, s30  }
0xba: {  	s0 =	sor.u32 s3, s0;
	s1 =	sshll.u32 s1, $0x11  }
0xbb: {  	s0 =	sor.u32 s1, s0  }
0xbc: {  	s0 =	sadd.s32 $0x8F2B, s0  }
0xbd: {  	[sflag:s0] =	ssyncadd.remote.s32 $0x1  }
0xbe: {  	_ =	sfence.sel $0xFFFF  }
0xbf: {  	[dreg:$0x0] =	wrdreg $0xFFFFFFFF;
	(pc) =	sbr.abs _section_cstart, $3  }
0xc0: {  	[dreg:$0x1] =	wrdreg $0xFFFFFFFF  }
0xc1: {  	_ =	task.clear_ibuf [dreg:s6], $0x2FFFF;
	_ =	strace $0x9FFFFFFF  }
0xc2: {  	(tm) =	ssettm $0x7FFFFFFF  }
0xc3: {  	_ =	shalt  }
tec
execute0_lowered:
.L_overlay_start_1:
0x0: {  	(tag) =	ssettag $0x1  }
0x1: {  	s0 =	srdreg.scid;
	s6 =	rddreg [dreg:$0x0]  }
0x2: {  	s2 =	rddreg [dreg:$0x1];
	s3 =	simm.s32 $0x0;
	s11 =	simm.s32 $0x2800  }
0x3: {  	s12 =	simm.s32 $0x2A00;
	s13 =	simm.s32 $0x2880;
	s14 =	simm.s32 $0x6A00  }
0x4: {  	s17 =	simm.s32 $0x4;
	s18 =	simm.s32 $0x2;
	s19 =	simm.s32 $0x2900  }
0x5: {  	s20 =	simm.s32 $0x3;
	s21 =	simm.s32 $0x2980;
	s5 =	sand.u32 $0x1, s0  }
0x6: {  	s22 =	simm.s32 $0x0;
	s0 =	stileid.u32;
	s8 =	smul.u32 $0x13C000, s5  }
0x7: {  	[smem:$0x7FF] =	sst s3;
	s4 =	sadd.s32 $0x10200, s6;
	s9 =	smul.u32 $0x13C00, s0  }
0x8: {  	s1 =	sshll.u32 s5, $0x4;
	s29 =	ssub.s32 $0x2, s5;
	s10 =	smul.u32 $0x4F000, s0  }
0x9: {  	s5 =	sadd.s32 $0xDA00, s6;
	s15 =	sshll.u32 s0, $0x6;
	s1 =	sor.u32 s0, s1  }
0xa: {  	s30 =	sshrl.u32 s29, $0x1;
	s15 =	sor.u32 $0x1C04, s15;
	s7 =	smul.u32 $0x500, s1  }
0xb: {  	s1 =	rddreg [dreg:$0x2];
	_ =	strace $0x8000004A;
	s8 =	sadd.s32 s9, s8  }
0xc: {  	s9 =	ssub.s32 s29, s30;
	s31 =	sshrl.u32 s10, $0x2;
	s10 =	simm.s32 $0x80  }
0xd: {  	s8 =	sshrl.u32 s8, $0x3;
	s16 =	sadd.s32 s31, s2;
	s7 =	sadd.s32 s7, s6  }
0xe: {  	s8 =	sadd.s32 s8, s6;
	s16 =	sshrl.u32 s16, $0x3;
	s6 =	sadd.s32 $0x3A00, s7  }
0xf: {  	s7 =	sadd.s32 $0x37400, s8;
	s8 =	smax.u32 s9, $0x1;
	s9 =	simm.s32 $0x1  }
.LBB2_1:
0x10: {  	[tilespmem:s3], [sflag:$0x1] =	stream.linear.gather [hbm4b:s6+s3], $0x2800, $0x38;
	[tilespmem:$0x1E600] =	vst v63  }
0x11: {  	_ =	swait.ge [sflag:s9], $0x2800  }
0x12: {  	[sflag:s9] =	ssyncset.done $0x0  }
0x13: {  	[sflag:s9] =	ssyncadd.s32 $0xFFFFD800  }
0x14: {  	v0 =	vld [tilespmem:$0x0];
	_ =	sdelay $0x1  }
0x15: {  	v1 =	vld [tilespmem:$0x10];
	_ =	sdelay $0x1  }
0x16: {  	v2 =	vld [tilespmem:$0x20]  }
0x17: {  	v3 =	vshrl.u32 v0, $0xE  }
0x18: {  	v0 =	vand.u32 $0x3FFF, v0;
	[tilespmem:$0x2800] =	vst v3;
	v3 =	vld [tilespmem:$0x30]  }
0x19: {  	[tilespmem:$0x2900] =	vst v0;
	v0 =	vshrl.u32 v1, $0xE  }
0x1a: {  	[tilespmem:$0x2810] =	vst v0;
	v0 =	vand.u32 $0x3FFF, v1;
	v1 =	vld [tilespmem:$0x40]  }
0x1b: {  	[tilespmem:$0x2910] =	vst v0;
	v0 =	vshrl.u32 v2, $0xE  }
0x1c: {  	[tilespmem:$0x2820] =	vst v0;
	v0 =	vand.u32 $0x3FFF, v2;
	v2 =	vld [tilespmem:$0x50]  }
0x1d: {  	[tilespmem:$0x2920] =	vst v0;
	v0 =	vshrl.u32 v3, $0xE  }
0x1e: {  	[tilespmem:$0x2830] =	vst v0;
	v0 =	vand.u32 $0x3FFF, v3;
	v3 =	vld [tilespmem:$0x60]  }
0x1f: {  	[tilespmem:$0x2930] =	vst v0;
	v0 =	vshrl.u32 v1, $0xE  }
0x20: {  	[tilespmem:$0x2840] =	vst v0;
	v0 =	vand.u32 $0x3FFF, v1;
	v1 =	vld [tilespmem:$0x70]  }
0x21: {  	[tilespmem:$0x2940] =	vst v0;
	v0 =	vshrl.u32 v2, $0xE  }
0x22: {  	[tilespmem:$0x2850] =	vst v0;
	v0 =	vand.u32 $0x3FFF, v2  }
0x23: {  	[tilespmem:$0x2950] =	vst v0;
	v0 =	vshrl.u32 v3, $0xE  }
0x24: {  	[tilespmem:$0x2860] =	vst v0;
	v0 =	vand.u32 $0x3FFF, v3  }
0x25: {  	[tilespmem:$0x2960] =	vst v0;
	v0 =	vshrl.u32 v1, $0xE  }
0x26: {  	[tilespmem:$0x2870] =	vst v0;
	v0 =	vand.u32 $0x3FFF, v1  }
0x27: {  	[tilespmem:$0x2970] =	vst v0  }
0x28: {  	[tilespmem:s12], [sflag:$0x2] =	stream.indirect.gather [hbm4b:s4+s10], $0x80, s11, s10, $0xb8;
	[tilespmem:$0x1E600] =	vst v63  }
0x29: {  	v0 =	vld [tilespmem:$0x80];
	_ =	sdelay $0x1  }
0x2a: {  	v1 =	vld [tilespmem:$0x90];
	_ =	sdelay $0x1  }
0x2b: {  	v2 =	vld [tilespmem:$0xA0]  }
0x2c: {  	v3 =	vshrl.u32 v0, $0xE  }
0x2d: {  	v0 =	vand.u32 $0x3FFF, v0;
	[tilespmem:$0x2880] =	vst v3;
	v3 =	vld [tilespmem:$0xB0]  }
0x2e: {  	[tilespmem:$0x2980] =	vst v0;
	v0 =	vshrl.u32 v1, $0xE  }
0x2f: {  	[tilespmem:$0x2890] =	vst v0;
	v0 =	vand.u32 $0x3FFF, v1;
	v1 =	vld [tilespmem:$0xC0]  }
0x30: {  	[tilespmem:$0x2990] =	vst v0;
	v0 =	vshrl.u32 v2, $0xE  }
0x31: {  	[tilespmem:$0x28A0] =	vst v0;
	v0 =	vand.u32 $0x3FFF, v2;
	v2 =	vld [tilespmem:$0xD0]  }
0x32: {  	[tilespmem:$0x29A0] =	vst v0;
	v0 =	vshrl.u32 v3, $0xE  }
0x33: {  	[tilespmem:$0x28B0] =	vst v0;
	v0 =	vand.u32 $0x3FFF, v3;
	v3 =	vld [tilespmem:$0xE0]  }
0x34: {  	[tilespmem:$0x29B0] =	vst v0;
	v0 =	vshrl.u32 v1, $0xE  }
0x35: {  	[tilespmem:$0x28C0] =	vst v0;
	v0 =	vand.u32 $0x3FFF, v1;
	v1 =	vld [tilespmem:$0xF0]  }
0x36: {  	[tilespmem:$0x29C0] =	vst v0;
	v0 =	vshrl.u32 v2, $0xE  }
0x37: {  	[tilespmem:$0x28D0] =	vst v0;
	v0 =	vand.u32 $0x3FFF, v2  }
0x38: {  	[tilespmem:$0x29D0] =	vst v0;
	v0 =	vshrl.u32 v3, $0xE  }
0x39: {  	[tilespmem:$0x28E0] =	vst v0;
	v0 =	vand.u32 $0x3FFF, v3  }
0x3a: {  	[tilespmem:$0x29E0] =	vst v0;
	v0 =	vshrl.u32 v1, $0xE  }
0x3b: {  	[tilespmem:$0x28F0] =	vst v0;
	v0 =	vand.u32 $0x3FFF, v1  }
0x3c: {  	[tilespmem:$0x29F0] =	vst v0  }
0x3d: {  	[tilespmem:s14], [sflag:$0x3] =	stream.indirect.gather [hbm4b:s4+s10], $0x80, s13, s10, $0xb8;
	[tilespmem:$0x1E600] =	vst v63  }
0x3e: {  	[spmem:s16], [sflag:s15] =	dma.local [hbm:s5], $0x2780  }
0x3f: {  	_ =	swait.ge [sflag:s17], $0x2780  }
0x40: {  	[sflag:s17] =	ssyncset.done $0x0  }
0x41: {  	[sflag:s17] =	ssyncadd.s32 $0xFFFFD880  }
0x42: {  	[bflag:$0x0] =	sbarrier.arrive $0xFFFF  }
0x43: {  	_ =	swait.ge [sflag:s18], $0x4000  }
0x44: {  	[sflag:s18] =	ssyncset.done $0x0  }
0x45: {  	[sflag:s18] =	ssyncadd.s32 $0xFFFFC000  }
0x46: {  	[spmem:s2] =	stream.indirect.scatter.add.f32 [tilespmem:s12], [sflag:$0x4], $0x80, s19, s10, $0xb8;
	[tilespmem:$0x1E600] =	vst v63  }
0x47: {  	_ =	swait.ge [sflag:s17], $0x4000  }
0x48: {  	[sflag:s17] =	ssyncset.done $0x0  }
0x49: {  	s23 =	simm.s32 $0x1F0;
	[sflag:s17] =	ssyncadd.s32 $0xFFFFC000  }
0x4a: {  	v0 =	vld [tilespmem:s23+$0xFFFFFF10];
	_ =	sdelay $0x4  }
0x4b: {  	v1 =	vshrl.u32 v0, $0xE  }
0x4c: {  	v0 =	vand.u32 $0x3FFF, v0;
	[tilespmem:$0x2800] =	vst v1  }
0x4d: {  	[tilespmem:$0x2900] =	vst v0  }
0x4e: {  	v0 =	vld [tilespmem:s23+$0xFFFFFF20];
	_ =	sdelay $0x4  }
0x4f: {  	v1 =	vshrl.u32 v0, $0xE  }
0x50: {  	v0 =	vand.u32 $0x3FFF, v0;
	[tilespmem:$0x2810] =	vst v1  }
0x51: {  	[tilespmem:$0x2910] =	vst v0  }
0x52: {  	v0 =	vld [tilespmem:s23+$0xFFFFFF30];
	_ =	sdelay $0x4  }
0x53: {  	v1 =	vshrl.u32 v0, $0xE  }
0x54: {  	v0 =	vand.u32 $0x3FFF, v0;
	[tilespmem:$0x2820] =	vst v1  }
0x55: {  	[tilespmem:$0x2920] =	vst v0  }
0x56: {  	v0 =	vld [tilespmem:s23+$0xFFFFFF40];
	_ =	sdelay $0x4  }
0x57: {  	v1 =	vshrl.u32 v0, $0xE  }
0x58: {  	v0 =	vand.u32 $0x3FFF, v0;
	[tilespmem:$0x2830] =	vst v1  }
0x59: {  	[tilespmem:$0x2930] =	vst v0  }
0x5a: {  	v0 =	vld [tilespmem:s23+$0xFFFFFF50];
	_ =	sdelay $0x4  }
0x5b: {  	v1 =	vshrl.u32 v0, $0xE  }
0x5c: {  	v0 =	vand.u32 $0x3FFF, v0;
	[tilespmem:$0x2840] =	vst v1  }
0x5d: {  	[tilespmem:$0x2940] =	vst v0  }
0x5e: {  	v0 =	vld [tilespmem:s23+$0xFFFFFF60];
	_ =	sdelay $0x4  }
0x5f: {  	v1 =	vshrl.u32 v0, $0xE  }
0x60: {  	v0 =	vand.u32 $0x3FFF, v0;
	[tilespmem:$0x2850] =	vst v1  }
0x61: {  	[tilespmem:$0x2950] =	vst v0  }
0x62: {  	v0 =	vld [tilespmem:s23+$0xFFFFFF70];
	_ =	sdelay $0x4  }
0x63: {  	v1 =	vshrl.u32 v0, $0xE  }
0x64: {  	v0 =	vand.u32 $0x3FFF, v0;
	[tilespmem:$0x2860] =	vst v1  }
0x65: {  	[tilespmem:$0x2960] =	vst v0  }
0x66: {  	v0 =	vld [tilespmem:s23+$0xFFFFFF80];
	_ =	sdelay $0x4  }
0x67: {  	v1 =	vshrl.u32 v0, $0xE  }
0x68: {  	v0 =	vand.u32 $0x3FFF, v0;
	[tilespmem:$0x2870] =	vst v1  }
0x69: {  	[tilespmem:$0x2970] =	vst v0  }
0x6a: {  	[tilespmem:s12], [sflag:$0x2] =	stream.indirect.gather [hbm4b:s4+s10], $0x80, s11, s10, $0xb8;
	[tilespmem:$0x1E600] =	vst v63  }
0x6b: {  	_ =	swait.ge [sflag:s20], $0x4000  }
0x6c: {  	[sflag:s20] =	ssyncset.done $0x0  }
0x6d: {  	[sflag:s20] =	ssyncadd.s32 $0xFFFFC000  }
0x6e: {  	[spmem:s2] =	stream.indirect.scatter.add.f32 [tilespmem:s14], [sflag:$0x4], $0x80, s21, s10, $0xb8;
	[tilespmem:$0x1E600] =	vst v63  }
0x6f: {  	_ =	swait.ge [sflag:s17], $0x4000  }
0x70: {  	[sflag:s17] =	ssyncset.done $0x0  }
0x71: {  	[sflag:s17] =	ssyncadd.s32 $0xFFFFC000  }
0x72: {  	v0 =	vld [tilespmem:s23+$0xFFFFFF90];
	_ =	sdelay $0x4  }
0x73: {  	v1 =	vshrl.u32 v0, $0xE  }
0x74: {  	v0 =	vand.u32 $0x3FFF, v0;
	[tilespmem:$0x2880] =	vst v1  }
0x75: {  	[tilespmem:$0x2980] =	vst v0  }
0x76: {  	v0 =	vld [tilespmem:s23+$0xFFFFFFA0];
	_ =	sdelay $0x4  }
0x77: {  	v1 =	vshrl.u32 v0, $0xE  }
0x78: {  	v0 =	vand.u32 $0x3FFF, v0;
	[tilespmem:$0x2890] =	vst v1  }
0x79: {  	[tilespmem:$0x2990] =	vst v0  }
0x7a: {  	v0 =	vld [tilespmem:s23+$0xFFFFFFB0];
	_ =	sdelay $0x4  }
0x7b: {  	v1 =	vshrl.u32 v0, $0xE  }
0x7c: {  	v0 =	vand.u32 $0x3FFF, v0;
	[tilespmem:$0x28A0] =	vst v1  }
0x7d: {  	[tilespmem:$0x29A0] =	vst v0  }
0x7e: {  	v0 =	vld [tilespmem:s23+$0xFFFFFFC0];
	_ =	sdelay $0x4  }
0x7f: {  	v1 =	vshrl.u32 v0, $0xE  }
0x80: {  	v0 =	vand.u32 $0x3FFF, v0;
	[tilespmem:$0x28B0] =	vst v1  }
0x81: {  	[tilespmem:$0x29B0] =	vst v0  }
0x82: {  	v0 =	vld [tilespmem:s23+$0xFFFFFFD0];
	_ =	sdelay $0x4  }
0x83: {  	v1 =	vshrl.u32 v0, $0xE  }
0x84: {  	v0 =	vand.u32 $0x3FFF, v0;
	[tilespmem:$0x28C0] =	vst v1  }
0x85: {  	[tilespmem:$0x29C0] =	vst v0  }
0x86: {  	v0 =	vld [tilespmem:s23+$0xFFFFFFE0];
	_ =	sdelay $0x4  }
0x87: {  	v1 =	vshrl.u32 v0, $0xE  }
0x88: {  	v0 =	vand.u32 $0x3FFF, v0;
	[tilespmem:$0x28D0] =	vst v1  }
0x89: {  	[tilespmem:$0x29D0] =	vst v0  }
0x8a: {  	v0 =	vld [tilespmem:s23+$0xFFFFFFF0];
	_ =	sdelay $0x4  }
0x8b: {  	v1 =	vshrl.u32 v0, $0xE  }
0x8c: {  	s24 =	simm.s32 $0xBC0;
	v0 =	vand.u32 $0x3FFF, v0;
	[tilespmem:$0x28E0] =	vst v1  }
.LBB2_2:
0x8d: {  	p0 =	sne.s32 s24, $0x9FC0;
	[tilespmem:$0x29E0] =	vst v0;
	s25 =	smov.u32 s24;
	s24 =	sadd.s32 $0x400, s24  }
0x8e: {  	v0 =	vld [tilespmem:s23+$0x0];
	_ =	sdelay $0x4  }
0x8f: {  	v1 =	vshrl.u32 v0, $0xE;
	v0 =	vand.u32 $0x3FFF, v0  }
0x90: {  	[tilespmem:$0x28F0] =	vst v1  }
0x91: {  	[tilespmem:$0x29F0] =	vst v0  }
0x92: {  	[tilespmem:s14], [sflag:$0x3] =	stream.indirect.gather [hbm4b:s4+s10], $0x80, s13, s10, $0xb8;
	[tilespmem:$0x1E600] =	vst v63  }
0x93: {  	_ =	swait.ge [sflag:s18], $0x4000  }
0x94: {  	[sflag:s18] =	ssyncset.done $0x0  }
0x95: {  	[sflag:s18] =	ssyncadd.s32 $0xFFFFC000  }
0x96: {  	[spmem:s2] =	stream.indirect.scatter.add.f32 [tilespmem:s12], [sflag:$0x4], $0x80, s19, s10, $0xb8;
	[tilespmem:$0x1E600] =	vst v63  }
0x97: {  	_ =	swait.ge [sflag:s17], $0x4000  }
0x98: {  	[sflag:s17] =	ssyncset.done $0x0  }
0x99: {  	s23 =	sshra.s32 s25, $0x2;
	[sflag:s17] =	ssyncadd.s32 $0xFFFFC000  }
0x9a: {  	v0 =	vld [tilespmem:s23+$0xFFFFFF10];
	_ =	sdelay $0x4  }
0x9b: {  	v1 =	vshrl.u32 v0, $0xE;
	v0 =	vand.u32 $0x3FFF, v0  }
0x9c: {  	[tilespmem:$0x2800] =	vst v1  }
0x9d: {  	[tilespmem:$0x2900] =	vst v0  }
0x9e: {  	v0 =	vld [tilespmem:s23+$0xFFFFFF20];
	_ =	sdelay $0x4  }
0x9f: {  	v1 =	vshrl.u32 v0, $0xE;
	v0 =	vand.u32 $0x3FFF, v0  }
0xa0: {  	[tilespmem:$0x2810] =	vst v1  }
0xa1: {  	[tilespmem:$0x2910] =	vst v0  }
0xa2: {  	v0 =	vld [tilespmem:s23+$0xFFFFFF30];
	_ =	sdelay $0x4  }
0xa3: {  	v1 =	vshrl.u32 v0, $0xE;
	v0 =	vand.u32 $0x3FFF, v0  }
0xa4: {  	[tilespmem:$0x2820] =	vst v1  }
0xa5: {  	[tilespmem:$0x2920] =	vst v0  }
0xa6: {  	v0 =	vld [tilespmem:s23+$0xFFFFFF40];
	_ =	sdelay $0x4  }
0xa7: {  	v1 =	vshrl.u32 v0, $0xE;
	v0 =	vand.u32 $0x3FFF, v0  }
0xa8: {  	[tilespmem:$0x2830] =	vst v1  }
0xa9: {  	[tilespmem:$0x2930] =	vst v0  }
0xaa: {  	v0 =	vld [tilespmem:s23+$0xFFFFFF50];
	_ =	sdelay $0x4  }
0xab: {  	v1 =	vshrl.u32 v0, $0xE;
	v0 =	vand.u32 $0x3FFF, v0  }
0xac: {  	[tilespmem:$0x2840] =	vst v1  }
0xad: {  	[tilespmem:$0x2940] =	vst v0  }
0xae: {  	v0 =	vld [tilespmem:s23+$0xFFFFFF60];
	_ =	sdelay $0x4  }
0xaf: {  	v1 =	vshrl.u32 v0, $0xE;
	v0 =	vand.u32 $0x3FFF, v0  }
0xb0: {  	[tilespmem:$0x2850] =	vst v1  }
0xb1: {  	[tilespmem:$0x2950] =	vst v0  }
0xb2: {  	v0 =	vld [tilespmem:s23+$0xFFFFFF70];
	_ =	sdelay $0x4  }
0xb3: {  	v1 =	vshrl.u32 v0, $0xE;
	v0 =	vand.u32 $0x3FFF, v0  }
0xb4: {  	[tilespmem:$0x2860] =	vst v1  }
0xb5: {  	[tilespmem:$0x2960] =	vst v0  }
0xb6: {  	v0 =	vld [tilespmem:s23+$0xFFFFFF80];
	_ =	sdelay $0x4  }
0xb7: {  	v1 =	vshrl.u32 v0, $0xE;
	v0 =	vand.u32 $0x3FFF, v0  }
0xb8: {  	[tilespmem:$0x2870] =	vst v1  }
0xb9: {  	[tilespmem:$0x2970] =	vst v0  }
0xba: {  	[tilespmem:s12], [sflag:$0x2] =	stream.indirect.gather [hbm4b:s4+s10], $0x80, s11, s10, $0xb8;
	[tilespmem:$0x1E600] =	vst v63  }
0xbb: {  	_ =	swait.ge [sflag:s20], $0x4000  }
0xbc: {  	[sflag:s20] =	ssyncset.done $0x0  }
0xbd: {  	[sflag:s20] =	ssyncadd.s32 $0xFFFFC000  }
0xbe: {  	[spmem:s2] =	stream.indirect.scatter.add.f32 [tilespmem:s14], [sflag:$0x4], $0x80, s21, s10, $0xb8;
	[tilespmem:$0x1E600] =	vst v63  }
0xbf: {  	_ =	swait.ge [sflag:s17], $0x4000  }
0xc0: {  	[sflag:s17] =	ssyncset.done $0x0  }
0xc1: {  	[sflag:s17] =	ssyncadd.s32 $0xFFFFC000  }
0xc2: {  	v0 =	vld [tilespmem:s23+$0xFFFFFF90];
	_ =	sdelay $0x4  }
0xc3: {  	v1 =	vshrl.u32 v0, $0xE;
	v0 =	vand.u32 $0x3FFF, v0  }
0xc4: {  	[tilespmem:$0x2880] =	vst v1  }
0xc5: {  	[tilespmem:$0x2980] =	vst v0  }
0xc6: {  	v0 =	vld [tilespmem:s23+$0xFFFFFFA0];
	_ =	sdelay $0x4  }
0xc7: {  	v1 =	vshrl.u32 v0, $0xE;
	v0 =	vand.u32 $0x3FFF, v0  }
0xc8: {  	[tilespmem:$0x2890] =	vst v1  }
0xc9: {  	[tilespmem:$0x2990] =	vst v0  }
0xca: {  	v0 =	vld [tilespmem:s23+$0xFFFFFFB0];
	_ =	sdelay $0x4  }
0xcb: {  	v1 =	vshrl.u32 v0, $0xE;
	v0 =	vand.u32 $0x3FFF, v0  }
0xcc: {  	[tilespmem:$0x28A0] =	vst v1  }
0xcd: {  	[tilespmem:$0x29A0] =	vst v0  }
0xce: {  	v0 =	vld [tilespmem:s23+$0xFFFFFFC0];
	_ =	sdelay $0x4  }
0xcf: {  	v1 =	vshrl.u32 v0, $0xE;
	v0 =	vand.u32 $0x3FFF, v0  }
0xd0: {  	[tilespmem:$0x28B0] =	vst v1  }
0xd1: {  	[tilespmem:$0x29B0] =	vst v0  }
0xd2: {  	v0 =	vld [tilespmem:s23+$0xFFFFFFD0];
	_ =	sdelay $0x4  }
0xd3: {  	v1 =	vshrl.u32 v0, $0xE;
	v0 =	vand.u32 $0x3FFF, v0  }
0xd4: {  	[tilespmem:$0x28C0] =	vst v1  }
0xd5: {  	[tilespmem:$0x29C0] =	vst v0  }
0xd6: {  	v0 =	vld [tilespmem:s23+$0xFFFFFFE0];
	_ =	sdelay $0x4  }
0xd7: {  	v1 =	vshrl.u32 v0, $0xE;
	v0 =	vand.u32 $0x3FFF, v0  }
0xd8: {  	[tilespmem:$0x28D0] =	vst v1  }
0xd9: {  	[tilespmem:$0x29D0] =	vst v0  }
0xda: {  	v0 =	vld [tilespmem:s23+$0xFFFFFFF0];
	_ =	sdelay $0x1  }
.Ltmp0:
0xdb: {  	(pc) =	sbr.rel @p0 .LBB2_2-.Ltmp0, $3  }
0xdc: {  	_ =	sdelay $0x1  }
0xdd: {  	v1 =	vshrl.u32 v0, $0xE;
	v0 =	vand.u32 $0x3FFF, v0  }
0xde: {  	[tilespmem:$0x28E0] =	vst v1  }
0xdf: {  	[tilespmem:$0x29E0] =	vst v0  }
0xe0: {  	v0 =	vld [tilespmem:s23+$0x0];
	_ =	sdelay $0x4  }
0xe1: {  	v1 =	vshrl.u32 v0, $0xE  }
0xe2: {  	v0 =	vand.u32 $0x3FFF, v0;
	[tilespmem:$0x28F0] =	vst v1  }
0xe3: {  	[tilespmem:$0x29F0] =	vst v0  }
0xe4: {  	[tilespmem:s14], [sflag:$0x3] =	stream.indirect.gather [hbm4b:s4+s10], $0x80, s13, s10, $0xb8;
	[tilespmem:$0x1E600] =	vst v63  }
0xe5: {  	_ =	swait.ge [sflag:s18], $0x4000  }
0xe6: {  	[sflag:s18] =	ssyncset.done $0x0  }
0xe7: {  	[sflag:s18] =	ssyncadd.s32 $0xFFFFC000  }
0xe8: {  	[spmem:s2] =	stream.indirect.scatter.add.f32 [tilespmem:s12], [sflag:$0x4], $0x80, s19, s10, $0xb8;
	[tilespmem:$0x1E600] =	vst v63  }
0xe9: {  	_ =	swait.ge [sflag:s17], $0x4000  }
0xea: {  	[sflag:s17] =	ssyncset.done $0x0  }
0xeb: {  	[sflag:s17] =	ssyncadd.s32 $0xFFFFC000  }
0xec: {  	_ =	swait.ge [sflag:s20], $0x4000  }
0xed: {  	[sflag:s20] =	ssyncset.done $0x0  }
0xee: {  	[sflag:s20] =	ssyncadd.s32 $0xFFFFC000  }
0xef: {  	[spmem:s2] =	stream.indirect.scatter.add.f32 [tilespmem:s14], [sflag:$0x4], $0x80, s21, s10, $0xb8;
	[tilespmem:$0x1E600] =	vst v63  }
0xf0: {  	_ =	swait.ge [sflag:s17], $0x4000  }
0xf1: {  	s22 =	sadd.s32 $0x1, s22;
	[sflag:s17] =	ssyncset.done $0x0  }
0xf2: {  	p0 =	sne.s32 s22, s8;
	[sflag:s17] =	ssyncadd.s32 $0xFFFFC000  }
.Ltmp1:
0xf3: {  	[bflag:$0x0] =	sbarrier.arrive $0xFFFF;
	(pc) =	sbr.rel @p0 .LBB2_1-.Ltmp1, $4  }
0xf4: {  	[hbm:s7], [sflag:s15] =	dma.local [spmem:s16], $0x2780  }
0xf5: {  	_ =	swait.ge [sflag:s17], $0x2780  }
0xf6: {  	[sflag:s17] =	ssyncset.done $0x0  }
0xf7: {  	[sflag:s17] =	ssyncadd.s32 $0xFFFFD880  }
0xf8: {  	_ =	sfence.sel $0x180000  }
0xf9: {  	[bflag:$0x0] =	sbarrier.arrive $0xFFFF  }
0xfa: {  	p0 =	sne.s32 s0, $0x0;
	_ =	strace $0x9000004A  }
0xfb: {  	s0 =	sadd.s32 @!p0 $0x100000, s1;
	[bflag:$0x2] =	sbarrier.arrive $0xFFFF  }
0xfc: {  	[sflag:s0] =	ssyncadd.tile.s32 @!p0 $0x1;
	_ =	shalt  }
.Lfunc_end2:
_tile_overlayer_lowered:
.L_overlay_start_2:
0xfd: {  	(tag) =	ssettag $0x2  }
0xfe: {  	s0 =	rddreg [dreg:$0x0];
	s2 =	stileid.u32  }
0xff: {  	s1 =	rddreg [dreg:$0x1];
	p0 =	sne.s32 s2, $0x0  }
0x100: {  	s3 =	rddreg [dreg:$0x2];
	[bflag:$0x3] =	sbarrier.arrive $0xFFFF;
	s2 =	simm.s32 @!p0 $0x1C04  }
0x101: {  	[timem:s3], [sflag:s2] =	dma.local @!p0 [hbm:s0], s1  }
0x102: {  	s0 =	simm.s32 @!p0 $0x4  }
0x103: {  	_ =	swait.ge @!p0 [sflag:s0], s1  }
0x104: {  	s1 =	ssub.s32 @!p0 $0x0, s1;
	[sflag:s0] =	ssyncset.done @!p0 $0x0  }
0x105: {  	[sflag:s0] =	ssyncadd.s32 @!p0 s1  }
0x106: {  	[bflag:$0x3] =	sbarrier.arrive $0xFFFF  }
0x107: {  	_ =	shalt  }

// kernel: kernel.14.cloned.1.call-start
scs
__scs_entry_jumppad:
0x0: {  	(pc) =	sbr.rel $0x88, $3  }
0x1: {  	(tag) =	ssettag $0x0;
	lr =	simm.s32 $0x1  }
0x2: {  	[smem:$0x3F8C] =	sst lr;
	_ =	strace $0xD0000000  }
0x3: {  	_ = 	snop  }
0x4: {  	_ = 	snop  }
0x5: {  	_ = 	snop  }
0x6: {  	_ = 	snop  }
0x7: {  	_ = 	snop  }
__scs_overlays_trampoline_lowered:
0x8: {  	[smem:$0x3F9B] =	sst s0  }
0x9: {  	[smem:$0x3F9C] =	sst s1  }
0xa: {  	[smem:$0x3F9D] =	sst s2  }
0xb: {  	[smem:$0x3F9E] =	sst s3  }
0xc: {  	[smem:$0x3F9F] =	sst s4  }
0xd: {  	[smem:$0x3FA0] =	sst s5  }
0xe: {  	[smem:$0x3FA1] =	sst s6  }
0xf: {  	[smem:$0x3FA2] =	sst s7  }
0x10: {  	[smem:$0x3FA3] =	sst s8  }
0x11: {  	[smem:$0x3FA4] =	sst s9;
	s0 =	simm.s32 @!p0 $0x0  }
0x12: {  	s1 =	sld [smem:$0x3F8A];
	s0 =	simm.s32 @p0 $0x1  }
0x13: {  	[smem:$0x3FA5] =	sst s0;
	s0 =	simm.s32 @!p1 $0x0  }
0x14: {  	s2 =	sld [smem:$0x3F89];
	s0 =	simm.s32 @p1 $0x1  }
0x15: {  	[smem:$0x3FA6] =	sst s0;
	s0 =	simm.s32 @!p2 $0x0  }
0x16: {  	s3 =	sld [smem:$0x3FDB];
	s0 =	simm.s32 @p2 $0x1  }
0x17: {  	s4 =	simm.s32 $0x1BF5;
	[smem:$0x3FA8] =	sst s0  }
0x18: {  	s0 =	sld [smem:$0x3F8B];
	_ =	swait.ge [sflag:s4], $0x0  }
0x19: {  	s7 =	sld [smem:$0x3F8C]  }
0x1a: {  	s8 =	sadd.s32 $0xFFFFE003, lr  }
0x1b: {  	s9 =	sadd.s32 $0xFFFFFEF7, lr;
	s5 =	simm.s32 $0xFFFFFFFF;
	p2 =	slt.u32 s8, $0xFFFFF086  }
0x1c: {  	p1 =	slt.u32 s9, $0xF7A;
	s5 =	simm.s32 @!p2 $0x0  }
0x1d: {  	s5 =	simm.s32 @p1 $0x1;
	p0 =	seq.s32 s7, s2  }
0x1e: {  	s7 =	smul.u32 @!p0 $0xF7A, s2;
	p2 =	seq.s32 @!p0 s5, $0x0  }
0x1f: {  	s9 =	smul.u32 $0xF7A, s1;
	s8 =	simm.s32 @!p0 $0x1BF5;
	p2 =	por !p2, p0  }
0x20: {  	[sflag:s8] =	ssyncset.s32 @!p0 $0xFFFFF086;
	s6 =	sadd.s32 @!p0 s3, s7;
	s7 =	simm.s32 @!p0 $0x108  }
0x21: {  	s3 =	sadd.s32 s3, s9;
	s6 =	sadd.s32 @!p0 $0x88, s6;
	s7 =	simm.s32 @p2 $0x1082  }
0x22: {  	[simem:s7], [sflag:s8] =	dma.local @!p0 [hbm:s6], $0xF7A  }
0x23: {  	s9 =	sor.u32 $0xD0000000, s2;
	s6 =	simm.s32 $0x108;
	_ =	swait.ge @!p0 [sflag:s8], $0x0  }
0x24: {  	s3 =	sadd.s32 $0x88, s3;
	s6 =	simm.s32 @!p1 $0x1082;
	[sflag:s4] =	ssyncset.s32 $0xFFFFF086  }
0x25: {  	[simem:s6], [sflag:s4] =	dma.local [hbm:s3], $0xF7A  }
0x26: {  	[smem:$0x3F8C] =	sst s1;
	(tag) =	ssettag s2;
	_ =	strace s9  }
0x27: {  	s1 =	sld [smem:$0x3F9C]  }
0x28: {  	s2 =	sld [smem:$0x3F9D]  }
0x29: {  	s4 =	sld [smem:$0x3F9F]  }
0x2a: {  	p0 =	seq.s32 s5, $0x0;
	s5 =	sld [smem:$0x3FA0]  }
0x2b: {  	s6 =	sld [smem:$0x3FA1]  }
0x2c: {  	s7 =	sld [smem:$0x3FA2]  }
0x2d: {  	s3 =	simm.s32 $0x108;
	s8 =	sld [smem:$0x3FA3]  }
0x2e: {  	s3 =	simm.s32 @!p0 $0x1082;
	s9 =	sld [smem:$0x3FA4]  }
0x2f: {  	lr =	sadd.s32 s0, s3;
	s0 =	sld [smem:$0x3F9B]  }
0x30: {  	s3 =	sld [smem:$0x3F9E]  }
0x31: {  	[smem:$0x3FA7] =	sst s10  }
0x32: {  	s10 =	sld [smem:$0x3FA5];
	_ =	sdelay $0x3  }
0x33: {  	p0 =	seq.s32 s10, $0x1;
	s10 =	sld [smem:$0x3FA7];
	_ =	sdelay $0x3  }
0x34: {  	[smem:$0x3FA7] =	sst s10  }
0x35: {  	s10 =	sld [smem:$0x3FA6];
	_ =	sdelay $0x3  }
0x36: {  	p1 =	seq.s32 s10, $0x1;
	s10 =	sld [smem:$0x3FA7];
	_ =	sdelay $0x3  }
0x37: {  	[smem:$0x3FA7] =	sst s10  }
0x38: {  	s10 =	sld [smem:$0x3FA8]  }
0x39: {  	_ = 	snop;
	(pc) =	sbr.ind lr, $3  }
0x3a: {  	_ = 	snop  }
0x3b: {  	_ = 	snop  }
0x3c: {  	p2 =	seq.s32 s10, $0x1;
	s10 =	sld [smem:$0x3FA7]  }
0x3d: {  	_ =	shalt  }
0x3e: {  	_ =	shalt  }
0x3f: {  	_ =	shalt  }
0x40: {  	_ =	shalt  }
0x41: {  	_ =	shalt  }
0x42: {  	_ =	shalt  }
0x43: {  	_ =	shalt  }
0x44: {  	_ =	shalt  }
0x45: {  	_ =	shalt  }
0x46: {  	_ =	shalt  }
0x47: {  	_ =	shalt  }
0x48: {  	_ =	shalt  }
0x49: {  	_ =	shalt  }
0x4a: {  	_ =	shalt  }
0x4b: {  	_ =	shalt  }
0x4c: {  	_ =	shalt  }
0x4d: {  	_ =	shalt  }
0x4e: {  	_ =	shalt  }
0x4f: {  	_ =	shalt  }
0x50: {  	_ =	shalt  }
0x51: {  	_ =	shalt  }
0x52: {  	_ =	shalt  }
0x53: {  	_ =	shalt  }
0x54: {  	_ =	shalt  }
0x55: {  	_ =	shalt  }
0x56: {  	_ =	shalt  }
0x57: {  	_ =	shalt  }
0x58: {  	_ =	shalt  }
0x59: {  	_ =	shalt  }
0x5a: {  	_ =	shalt  }
0x5b: {  	_ =	shalt  }
0x5c: {  	_ =	shalt  }
0x5d: {  	_ =	shalt  }
0x5e: {  	_ =	shalt  }
0x5f: {  	_ =	shalt  }
0x60: {  	_ =	shalt  }
0x61: {  	_ =	shalt  }
0x62: {  	_ =	shalt  }
0x63: {  	_ =	shalt  }
0x64: {  	_ =	shalt  }
0x65: {  	_ =	shalt  }
0x66: {  	_ =	shalt  }
0x67: {  	_ =	shalt  }
0x68: {  	_ =	shalt  }
0x69: {  	_ =	shalt  }
0x6a: {  	_ =	shalt  }
0x6b: {  	_ =	shalt  }
0x6c: {  	_ =	shalt  }
0x6d: {  	_ =	shalt  }
0x6e: {  	_ =	shalt  }
0x6f: {  	_ =	shalt  }
0x70: {  	_ =	shalt  }
0x71: {  	_ =	shalt  }
0x72: {  	_ =	shalt  }
0x73: {  	_ =	shalt  }
0x74: {  	_ =	shalt  }
0x75: {  	_ =	shalt  }
0x76: {  	_ =	shalt  }
0x77: {  	_ =	shalt  }
0x78: {  	_ =	shalt  }
0x79: {  	_ =	shalt  }
0x7a: {  	_ =	shalt  }
0x7b: {  	_ =	shalt  }
0x7c: {  	_ =	shalt  }
0x7d: {  	_ =	shalt  }
0x7e: {  	_ =	shalt  }
0x7f: {  	_ =	shalt  }
0x80: {  	_ =	shalt  }
0x81: {  	_ =	shalt  }
0x82: {  	_ =	shalt  }
0x83: {  	_ =	shalt  }
0x84: {  	_ =	shalt  }
0x85: {  	_ =	shalt  }
0x86: {  	_ =	shalt  }
0x87: {  	_ =	shalt  }
.Lfunc_end0:
.L_simem_size_0:
called_computation.2_lowered:
.L_overlay_start_0:
0x88: {  	s2 =	sld [smem:$0x3FD9]  }
0x89: {  	s3 =	sld [smem:$0x3FFE];
	_ =	sdelay $0x1  }
0x8a: {  	s1 =	srdreg.scid  }
0x8b: {  	s0 =	sand.u32 $0x1, s1  }
0x8c: {  	s16 =	sshll.u32 s0, $0xA;
	s2 =	sadd.s32 s3, s2  }
0x8d: {  	s2 =	sadd.s32 s2, s16  }
0x8e: {  	[smem:$0x3FB3] =	sst s2  }
0x8f: {  	_ = 	snop  }
0x90: {  	(tm) =	ssettm $0x1  }
0x91: {  	s17 =	sld [smem:$0x3FFB];
	_ =	sdelay $0x3  }
0x92: {  	_ =	strace s17  }
0x93: {  	s2 =	sld [smem:$0x3FFC];
	_ =	sdelay $0x3  }
0x94: {  	_ =	strace s2  }
0x95: {  	s2 =	sld [smem:$0x3FFD];
	_ =	sdelay $0x3  }
0x96: {  	_ =	strace s2  }
0x97: {  	_ =	strace $0x8FFFFFFF  }
0x98: {  	s18 =	sld [smem:$0x3FDB];
	_ =	sdelay $0x1  }
0x99: {  	s19 =	simm.s32 $_scs_section_size  }
0x9a: {  	s4 =	simm.s32 $_size__tile_overlayer_lowered;
	s5 =	simm.s32 $_tile_overlayer_lowered  }
0x9b: {  	s22 =	simm.s32 $0x1BFF;
	s21 =	sshll.u32 s5, $0x1;
	s2 =	sadd.s32 s19, s18  }
0x9c: {  	s6 =	simm.s32 $0x0;
	s20 =	sshll.u32 s4, $0x1;
	s4 =	sadd.s32 s21, s2  }
0x9d: {  	[timem:s6], [sflag:s22] =	dma.local [hbm:s4], s20  }
0x9e: {  	_ =	swait.ge [sflag:s22], s20  }
0x9f: {  	s3 =	ssub.s32 $0x0, s20;
	[sflag:s22] =	ssyncset.done $0x0  }
0xa0: {  	[sflag:s22] =	ssyncadd.s32 s3;
	_ =	sdelay $0x1  }
0xa1: {  	s23 =	simm.s32 $0x1B8B  }
0xa2: {  	_ =	swait.ge [sflag:s23], $0x1  }
0xa3: {  	[sflag:s23] =	ssyncset.done $0x0  }
0xa4: {  	s25 =	simm.s32 $0x1B8E;
	s24 =	sld [smem:$0x3FFE];
	[sflag:s23] =	ssyncadd.s32 $0xFFFFFFFF  }
0xa5: {  	s26 =	simm.s32 $execute0_lowered;
	[smem:$0x3FD2] =	sst s25  }
0xa6: {  	s4 =	sshll.u32 s26, $0x1;
	_ =	strace $0x8000004C;
	[dreg:$0x1] =	wrdreg $0xFFFFFFFF  }
0xa7: {  	s28 =	simm.s32 $_size_execute0_lowered;
	s2 =	sadd.s32 s2, s4;
	[dreg:$0x0] =	wrdreg $0x0  }
0xa8: {  	s4 =	sshll.u32 s28, $0x1;
	[dreg:$0x2] =	wrdreg s2  }
0xa9: {  	[dreg:$0x3] =	wrdreg s4  }
0xaa: {  	[dreg:$0x4] =	wrdreg $0xC0  }
0xab: {  	_ =	task [dreg:s6], $0x5FFFF  }
0xac: {  	[dreg:$0x1] =	wrdreg $0xFFFFFFFF  }
0xad: {  	[dreg:$0x0] =	wrdreg $0x60  }
0xae: {  	[dreg:$0x2] =	wrdreg s24  }
0xaf: {  	[dreg:$0x3] =	wrdreg $0xAA000  }
0xb0: {  	[dreg:$0x4] =	wrdreg $0x9  }
0xb1: {  	_ =	task.clear_ibuf [dreg:s6], $0x5FFFF;
	_ =	strace $0x9000004C  }
0xb2: {  	s29 =	simm.s32 $0x9;
	_ =	strace $0x8000004E  }
0xb3: {  	_ =	swait.ge [sflag:s29], $0x1  }
0xb4: {  	[sflag:s29] =	ssyncadd.s32 $0xFFFFFFFF  }
0xb5: {  	_ =	strace $0x9000004E  }
0xb6: {  	_ =	sfence  }
0xb7: {  	s30 =	sld [smem:$0x0];
	_ =	sdelay $0x2  }
0xb8: {  	s31 =	sshll.u32 s1, $0xD;
	s1 =	sshrl.u32 s1, $0x2  }
0xb9: {  	s3 =	sand.u32 $0x4000, s31;
	s1 =	sadd.s32 s1, s30  }
0xba: {  	s0 =	sor.u32 s3, s0;
	s1 =	sshll.u32 s1, $0x11  }
0xbb: {  	s0 =	sor.u32 s1, s0  }
0xbc: {  	s0 =	sadd.s32 $0x8F2B, s0  }
0xbd: {  	[sflag:s0] =	ssyncadd.remote.s32 $0x1  }
0xbe: {  	_ =	sfence.sel $0xFFFF  }
0xbf: {  	[dreg:$0x0] =	wrdreg $0xFFFFFFFF;
	(pc) =	sbr.abs _section_cstart, $3  }
0xc0: {  	[dreg:$0x1] =	wrdreg $0xFFFFFFFF  }
0xc1: {  	_ =	task.clear_ibuf [dreg:s6], $0x2FFFF;
	_ =	strace $0x9FFFFFFF  }
0xc2: {  	(tm) =	ssettm $0x7FFFFFFF  }
0xc3: {  	_ =	shalt  }
tec
execute0_lowered:
.L_overlay_start_1:
0x0: {  	(tag) =	ssettag $0x1  }
0x1: {  	s0 =	srdreg.scid;
	s6 =	rddreg [dreg:$0x0]  }
0x2: {  	s2 =	rddreg [dreg:$0x1];
	s3 =	simm.s32 $0x0;
	s11 =	simm.s32 $0x2800  }
0x3: {  	s12 =	simm.s32 $0x2A00;
	s13 =	simm.s32 $0x2880;
	s14 =	simm.s32 $0x6A00  }
0x4: {  	s17 =	simm.s32 $0x4;
	s18 =	simm.s32 $0x2;
	s19 =	simm.s32 $0x2900  }
0x5: {  	s20 =	simm.s32 $0x3;
	s21 =	simm.s32 $0x2980;
	s5 =	sand.u32 $0x1, s0  }
0x6: {  	s22 =	simm.s32 $0x0;
	s0 =	stileid.u32;
	s8 =	smul.u32 $0x13C000, s5  }
0x7: {  	[smem:$0x7FF] =	sst s3;
	s4 =	sadd.s32 $0x10200, s6;
	s9 =	smul.u32 $0x13C00, s0  }
0x8: {  	s1 =	sshll.u32 s5, $0x4;
	s29 =	ssub.s32 $0x2, s5;
	s10 =	smul.u32 $0x4F000, s0  }
0x9: {  	s5 =	sadd.s32 $0xDA00, s6;
	s15 =	sshll.u32 s0, $0x6;
	s1 =	sor.u32 s0, s1  }
0xa: {  	s30 =	sshrl.u32 s29, $0x1;
	s15 =	sor.u32 $0x1C04, s15;
	s7 =	smul.u32 $0x500, s1  }
0xb: {  	s1 =	rddreg [dreg:$0x2];
	_ =	strace $0x8000004D;
	s8 =	sadd.s32 s9, s8  }
0xc: {  	s9 =	ssub.s32 s29, s30;
	s31 =	sshrl.u32 s10, $0x2;
	s10 =	simm.s32 $0x80  }
0xd: {  	s8 =	sshrl.u32 s8, $0x3;
	s16 =	sadd.s32 s31, s2;
	s7 =	sadd.s32 s7, s6  }
0xe: {  	s8 =	sadd.s32 s8, s6;
	s16 =	sshrl.u32 s16, $0x3;
	s6 =	sadd.s32 $0x3A00, s7  }
0xf: {  	s7 =	sadd.s32 $0x37400, s8;
	s8 =	smax.u32 s9, $0x1;
	s9 =	simm.s32 $0x1  }
.LBB2_1:
0x10: {  	[tilespmem:s3], [sflag:$0x1] =	stream.linear.gather [hbm4b:s6+s3], $0x2800, $0x38;
	[tilespmem:$0x1E600] =	vst v63  }
0x11: {  	_ =	swait.ge [sflag:s9], $0x2800  }
0x12: {  	[sflag:s9] =	ssyncset.done $0x0  }
0x13: {  	[sflag:s9] =	ssyncadd.s32 $0xFFFFD800  }
0x14: {  	v0 =	vld [tilespmem:$0x0];
	_ =	sdelay $0x1  }
0x15: {  	v1 =	vld [tilespmem:$0x10];
	_ =	sdelay $0x1  }
0x16: {  	v2 =	vld [tilespmem:$0x20]  }
0x17: {  	v3 =	vshrl.u32 v0, $0xE  }
0x18: {  	v0 =	vand.u32 $0x3FFF, v0;
	[tilespmem:$0x2800] =	vst v3;
	v3 =	vld [tilespmem:$0x30]  }
0x19: {  	[tilespmem:$0x2900] =	vst v0;
	v0 =	vshrl.u32 v1, $0xE  }
0x1a: {  	[tilespmem:$0x2810] =	vst v0;
	v0 =	vand.u32 $0x3FFF, v1;
	v1 =	vld [tilespmem:$0x40]  }
0x1b: {  	[tilespmem:$0x2910] =	vst v0;
	v0 =	vshrl.u32 v2, $0xE  }
0x1c: {  	[tilespmem:$0x2820] =	vst v0;
	v0 =	vand.u32 $0x3FFF, v2;
	v2 =	vld [tilespmem:$0x50]  }
0x1d: {  	[tilespmem:$0x2920] =	vst v0;
	v0 =	vshrl.u32 v3, $0xE  }
0x1e: {  	[tilespmem:$0x2830] =	vst v0;
	v0 =	vand.u32 $0x3FFF, v3;
	v3 =	vld [tilespmem:$0x60]  }
0x1f: {  	[tilespmem:$0x2930] =	vst v0;
	v0 =	vshrl.u32 v1, $0xE  }
0x20: {  	[tilespmem:$0x2840] =	vst v0;
	v0 =	vand.u32 $0x3FFF, v1;
	v1 =	vld [tilespmem:$0x70]  }
0x21: {  	[tilespmem:$0x2940] =	vst v0;
	v0 =	vshrl.u32 v2, $0xE  }
0x22: {  	[tilespmem:$0x2850] =	vst v0;
	v0 =	vand.u32 $0x3FFF, v2  }
0x23: {  	[tilespmem:$0x2950] =	vst v0;
	v0 =	vshrl.u32 v3, $0xE  }
0x24: {  	[tilespmem:$0x2860] =	vst v0;
	v0 =	vand.u32 $0x3FFF, v3  }
0x25: {  	[tilespmem:$0x2960] =	vst v0;
	v0 =	vshrl.u32 v1, $0xE  }
0x26: {  	[tilespmem:$0x2870] =	vst v0;
	v0 =	vand.u32 $0x3FFF, v1  }
0x27: {  	[tilespmem:$0x2970] =	vst v0  }
0x28: {  	[tilespmem:s12], [sflag:$0x2] =	stream.indirect.gather [hbm4b:s4+s10], $0x80, s11, s10, $0xb8;
	[tilespmem:$0x1E600] =	vst v63  }
0x29: {  	v0 =	vld [tilespmem:$0x80];
	_ =	sdelay $0x1  }
0x2a: {  	v1 =	vld [tilespmem:$0x90];
	_ =	sdelay $0x1  }
0x2b: {  	v2 =	vld [tilespmem:$0xA0]  }
0x2c: {  	v3 =	vshrl.u32 v0, $0xE  }
0x2d: {  	v0 =	vand.u32 $0x3FFF, v0;
	[tilespmem:$0x2880] =	vst v3;
	v3 =	vld [tilespmem:$0xB0]  }
0x2e: {  	[tilespmem:$0x2980] =	vst v0;
	v0 =	vshrl.u32 v1, $0xE  }
0x2f: {  	[tilespmem:$0x2890] =	vst v0;
	v0 =	vand.u32 $0x3FFF, v1;
	v1 =	vld [tilespmem:$0xC0]  }
0x30: {  	[tilespmem:$0x2990] =	vst v0;
	v0 =	vshrl.u32 v2, $0xE  }
0x31: {  	[tilespmem:$0x28A0] =	vst v0;
	v0 =	vand.u32 $0x3FFF, v2;
	v2 =	vld [tilespmem:$0xD0]  }
0x32: {  	[tilespmem:$0x29A0] =	vst v0;
	v0 =	vshrl.u32 v3, $0xE  }
0x33: {  	[tilespmem:$0x28B0] =	vst v0;
	v0 =	vand.u32 $0x3FFF, v3;
	v3 =	vld [tilespmem:$0xE0]  }
0x34: {  	[tilespmem:$0x29B0] =	vst v0;
	v0 =	vshrl.u32 v1, $0xE  }
0x35: {  	[tilespmem:$0x28C0] =	vst v0;
	v0 =	vand.u32 $0x3FFF, v1;
	v1 =	vld [tilespmem:$0xF0]  }
0x36: {  	[tilespmem:$0x29C0] =	vst v0;
	v0 =	vshrl.u32 v2, $0xE  }
0x37: {  	[tilespmem:$0x28D0] =	vst v0;
	v0 =	vand.u32 $0x3FFF, v2  }
0x38: {  	[tilespmem:$0x29D0] =	vst v0;
	v0 =	vshrl.u32 v3, $0xE  }
0x39: {  	[tilespmem:$0x28E0] =	vst v0;
	v0 =	vand.u32 $0x3FFF, v3  }
0x3a: {  	[tilespmem:$0x29E0] =	vst v0;
	v0 =	vshrl.u32 v1, $0xE  }
0x3b: {  	[tilespmem:$0x28F0] =	vst v0;
	v0 =	vand.u32 $0x3FFF, v1  }
0x3c: {  	[tilespmem:$0x29F0] =	vst v0  }
0x3d: {  	[tilespmem:s14], [sflag:$0x3] =	stream.indirect.gather [hbm4b:s4+s10], $0x80, s13, s10, $0xb8;
	[tilespmem:$0x1E600] =	vst v63  }
0x3e: {  	[spmem:s16], [sflag:s15] =	dma.local [hbm:s5], $0x2780  }
0x3f: {  	_ =	swait.ge [sflag:s17], $0x2780  }
0x40: {  	[sflag:s17] =	ssyncset.done $0x0  }
0x41: {  	[sflag:s17] =	ssyncadd.s32 $0xFFFFD880  }
0x42: {  	[bflag:$0x0] =	sbarrier.arrive $0xFFFF  }
0x43: {  	_ =	swait.ge [sflag:s18], $0x4000  }
0x44: {  	[sflag:s18] =	ssyncset.done $0x0  }
0x45: {  	[sflag:s18] =	ssyncadd.s32 $0xFFFFC000  }
0x46: {  	[spmem:s2] =	stream.indirect.scatter.add.f32 [tilespmem:s12], [sflag:$0x4], $0x80, s19, s10, $0xb8;
	[tilespmem:$0x1E600] =	vst v63  }
0x47: {  	_ =	swait.ge [sflag:s17], $0x4000  }
0x48: {  	[sflag:s17] =	ssyncset.done $0x0  }
0x49: {  	s23 =	simm.s32 $0x1F0;
	[sflag:s17] =	ssyncadd.s32 $0xFFFFC000  }
0x4a: {  	v0 =	vld [tilespmem:s23+$0xFFFFFF10];
	_ =	sdelay $0x4  }
0x4b: {  	v1 =	vshrl.u32 v0, $0xE  }
0x4c: {  	v0 =	vand.u32 $0x3FFF, v0;
	[tilespmem:$0x2800] =	vst v1  }
0x4d: {  	[tilespmem:$0x2900] =	vst v0  }
0x4e: {  	v0 =	vld [tilespmem:s23+$0xFFFFFF20];
	_ =	sdelay $0x4  }
0x4f: {  	v1 =	vshrl.u32 v0, $0xE  }
0x50: {  	v0 =	vand.u32 $0x3FFF, v0;
	[tilespmem:$0x2810] =	vst v1  }
0x51: {  	[tilespmem:$0x2910] =	vst v0  }
0x52: {  	v0 =	vld [tilespmem:s23+$0xFFFFFF30];
	_ =	sdelay $0x4  }
0x53: {  	v1 =	vshrl.u32 v0, $0xE  }
0x54: {  	v0 =	vand.u32 $0x3FFF, v0;
	[tilespmem:$0x2820] =	vst v1  }
0x55: {  	[tilespmem:$0x2920] =	vst v0  }
0x56: {  	v0 =	vld [tilespmem:s23+$0xFFFFFF40];
	_ =	sdelay $0x4  }
0x57: {  	v1 =	vshrl.u32 v0, $0xE  }
0x58: {  	v0 =	vand.u32 $0x3FFF, v0;
	[tilespmem:$0x2830] =	vst v1  }
0x59: {  	[tilespmem:$0x2930] =	vst v0  }
0x5a: {  	v0 =	vld [tilespmem:s23+$0xFFFFFF50];
	_ =	sdelay $0x4  }
0x5b: {  	v1 =	vshrl.u32 v0, $0xE  }
0x5c: {  	v0 =	vand.u32 $0x3FFF, v0;
	[tilespmem:$0x2840] =	vst v1  }
0x5d: {  	[tilespmem:$0x2940] =	vst v0  }
0x5e: {  	v0 =	vld [tilespmem:s23+$0xFFFFFF60];
	_ =	sdelay $0x4  }
0x5f: {  	v1 =	vshrl.u32 v0, $0xE  }
0x60: {  	v0 =	vand.u32 $0x3FFF, v0;
	[tilespmem:$0x2850] =	vst v1  }
0x61: {  	[tilespmem:$0x2950] =	vst v0  }
0x62: {  	v0 =	vld [tilespmem:s23+$0xFFFFFF70];
	_ =	sdelay $0x4  }
0x63: {  	v1 =	vshrl.u32 v0, $0xE  }
0x64: {  	v0 =	vand.u32 $0x3FFF, v0;
	[tilespmem:$0x2860] =	vst v1  }
0x65: {  	[tilespmem:$0x2960] =	vst v0  }
0x66: {  	v0 =	vld [tilespmem:s23+$0xFFFFFF80];
	_ =	sdelay $0x4  }
0x67: {  	v1 =	vshrl.u32 v0, $0xE  }
0x68: {  	v0 =	vand.u32 $0x3FFF, v0;
	[tilespmem:$0x2870] =	vst v1  }
0x69: {  	[tilespmem:$0x2970] =	vst v0  }
0x6a: {  	[tilespmem:s12], [sflag:$0x2] =	stream.indirect.gather [hbm4b:s4+s10], $0x80, s11, s10, $0xb8;
	[tilespmem:$0x1E600] =	vst v63  }
0x6b: {  	_ =	swait.ge [sflag:s20], $0x4000  }
0x6c: {  	[sflag:s20] =	ssyncset.done $0x0  }
0x6d: {  	[sflag:s20] =	ssyncadd.s32 $0xFFFFC000  }
0x6e: {  	[spmem:s2] =	stream.indirect.scatter.add.f32 [tilespmem:s14], [sflag:$0x4], $0x80, s21, s10, $0xb8;
	[tilespmem:$0x1E600] =	vst v63  }
0x6f: {  	_ =	swait.ge [sflag:s17], $0x4000  }
0x70: {  	[sflag:s17] =	ssyncset.done $0x0  }
0x71: {  	[sflag:s17] =	ssyncadd.s32 $0xFFFFC000  }
0x72: {  	v0 =	vld [tilespmem:s23+$0xFFFFFF90];
	_ =	sdelay $0x4  }
0x73: {  	v1 =	vshrl.u32 v0, $0xE  }
0x74: {  	v0 =	vand.u32 $0x3FFF, v0;
	[tilespmem:$0x2880] =	vst v1  }
0x75: {  	[tilespmem:$0x2980] =	vst v0  }
0x76: {  	v0 =	vld [tilespmem:s23+$0xFFFFFFA0];
	_ =	sdelay $0x4  }
0x77: {  	v1 =	vshrl.u32 v0, $0xE  }
0x78: {  	v0 =	vand.u32 $0x3FFF, v0;
	[tilespmem:$0x2890] =	vst v1  }
0x79: {  	[tilespmem:$0x2990] =	vst v0  }
0x7a: {  	v0 =	vld [tilespmem:s23+$0xFFFFFFB0];
	_ =	sdelay $0x4  }
0x7b: {  	v1 =	vshrl.u32 v0, $0xE  }
0x7c: {  	v0 =	vand.u32 $0x3FFF, v0;
	[tilespmem:$0x28A0] =	vst v1  }
0x7d: {  	[tilespmem:$0x29A0] =	vst v0  }
0x7e: {  	v0 =	vld [tilespmem:s23+$0xFFFFFFC0];
	_ =	sdelay $0x4  }
0x7f: {  	v1 =	vshrl.u32 v0, $0xE  }
0x80: {  	v0 =	vand.u32 $0x3FFF, v0;
	[tilespmem:$0x28B0] =	vst v1  }
0x81: {  	[tilespmem:$0x29B0] =	vst v0  }
0x82: {  	v0 =	vld [tilespmem:s23+$0xFFFFFFD0];
	_ =	sdelay $0x4  }
0x83: {  	v1 =	vshrl.u32 v0, $0xE  }
0x84: {  	v0 =	vand.u32 $0x3FFF, v0;
	[tilespmem:$0x28C0] =	vst v1  }
0x85: {  	[tilespmem:$0x29C0] =	vst v0  }
0x86: {  	v0 =	vld [tilespmem:s23+$0xFFFFFFE0];
	_ =	sdelay $0x4  }
0x87: {  	v1 =	vshrl.u32 v0, $0xE  }
0x88: {  	v0 =	vand.u32 $0x3FFF, v0;
	[tilespmem:$0x28D0] =	vst v1  }
0x89: {  	[tilespmem:$0x29D0] =	vst v0  }
0x8a: {  	v0 =	vld [tilespmem:s23+$0xFFFFFFF0];
	_ =	sdelay $0x4  }
0x8b: {  	v1 =	vshrl.u32 v0, $0xE  }
0x8c: {  	s24 =	simm.s32 $0xBC0;
	v0 =	vand.u32 $0x3FFF, v0;
	[tilespmem:$0x28E0] =	vst v1  }
.LBB2_2:
0x8d: {  	p0 =	sne.s32 s24, $0x9FC0;
	[tilespmem:$0x29E0] =	vst v0;
	s25 =	smov.u32 s24;
	s24 =	sadd.s32 $0x400, s24  }
0x8e: {  	v0 =	vld [tilespmem:s23+$0x0];
	_ =	sdelay $0x4  }
0x8f: {  	v1 =	vshrl.u32 v0, $0xE;
	v0 =	vand.u32 $0x3FFF, v0  }
0x90: {  	[tilespmem:$0x28F0] =	vst v1  }
0x91: {  	[tilespmem:$0x29F0] =	vst v0  }
0x92: {  	[tilespmem:s14], [sflag:$0x3] =	stream.indirect.gather [hbm4b:s4+s10], $0x80, s13, s10, $0xb8;
	[tilespmem:$0x1E600] =	vst v63  }
0x93: {  	_ =	swait.ge [sflag:s18], $0x4000  }
0x94: {  	[sflag:s18] =	ssyncset.done $0x0  }
0x95: {  	[sflag:s18] =	ssyncadd.s32 $0xFFFFC000  }
0x96: {  	[spmem:s2] =	stream.indirect.scatter.add.f32 [tilespmem:s12], [sflag:$0x4], $0x80, s19, s10, $0xb8;
	[tilespmem:$0x1E600] =	vst v63  }
0x97: {  	_ =	swait.ge [sflag:s17], $0x4000  }
0x98: {  	[sflag:s17] =	ssyncset.done $0x0  }
0x99: {  	s23 =	sshra.s32 s25, $0x2;
	[sflag:s17] =	ssyncadd.s32 $0xFFFFC000  }
0x9a: {  	v0 =	vld [tilespmem:s23+$0xFFFFFF10];
	_ =	sdelay $0x4  }
0x9b: {  	v1 =	vshrl.u32 v0, $0xE;
	v0 =	vand.u32 $0x3FFF, v0  }
0x9c: {  	[tilespmem:$0x2800] =	vst v1  }
0x9d: {  	[tilespmem:$0x2900] =	vst v0  }
0x9e: {  	v0 =	vld [tilespmem:s23+$0xFFFFFF20];
	_ =	sdelay $0x4  }
0x9f: {  	v1 =	vshrl.u32 v0, $0xE;
	v0 =	vand.u32 $0x3FFF, v0  }
0xa0: {  	[tilespmem:$0x2810] =	vst v1  }
0xa1: {  	[tilespmem:$0x2910] =	vst v0  }
0xa2: {  	v0 =	vld [tilespmem:s23+$0xFFFFFF30];
	_ =	sdelay $0x4  }
0xa3: {  	v1 =	vshrl.u32 v0, $0xE;
	v0 =	vand.u32 $0x3FFF, v0  }
0xa4: {  	[tilespmem:$0x2820] =	vst v1  }
0xa5: {  	[tilespmem:$0x2920] =	vst v0  }
0xa6: {  	v0 =	vld [tilespmem:s23+$0xFFFFFF40];
	_ =	sdelay $0x4  }
0xa7: {  	v1 =	vshrl.u32 v0, $0xE;
	v0 =	vand.u32 $0x3FFF, v0  }
0xa8: {  	[tilespmem:$0x2830] =	vst v1  }
0xa9: {  	[tilespmem:$0x2930] =	vst v0  }
0xaa: {  	v0 =	vld [tilespmem:s23+$0xFFFFFF50];
	_ =	sdelay $0x4  }
0xab: {  	v1 =	vshrl.u32 v0, $0xE;
	v0 =	vand.u32 $0x3FFF, v0  }
0xac: {  	[tilespmem:$0x2840] =	vst v1  }
0xad: {  	[tilespmem:$0x2940] =	vst v0  }
0xae: {  	v0 =	vld [tilespmem:s23+$0xFFFFFF60];
	_ =	sdelay $0x4  }
0xaf: {  	v1 =	vshrl.u32 v0, $0xE;
	v0 =	vand.u32 $0x3FFF, v0  }
0xb0: {  	[tilespmem:$0x2850] =	vst v1  }
0xb1: {  	[tilespmem:$0x2950] =	vst v0  }
0xb2: {  	v0 =	vld [tilespmem:s23+$0xFFFFFF70];
	_ =	sdelay $0x4  }
0xb3: {  	v1 =	vshrl.u32 v0, $0xE;
	v0 =	vand.u32 $0x3FFF, v0  }
0xb4: {  	[tilespmem:$0x2860] =	vst v1  }
0xb5: {  	[tilespmem:$0x2960] =	vst v0  }
0xb6: {  	v0 =	vld [tilespmem:s23+$0xFFFFFF80];
	_ =	sdelay $0x4  }
0xb7: {  	v1 =	vshrl.u32 v0, $0xE;
	v0 =	vand.u32 $0x3FFF, v0  }
0xb8: {  	[tilespmem:$0x2870] =	vst v1  }
0xb9: {  	[tilespmem:$0x2970] =	vst v0  }
0xba: {  	[tilespmem:s12], [sflag:$0x2] =	stream.indirect.gather [hbm4b:s4+s10], $0x80, s11, s10, $0xb8;
	[tilespmem:$0x1E600] =	vst v63  }
0xbb: {  	_ =	swait.ge [sflag:s20], $0x4000  }
0xbc: {  	[sflag:s20] =	ssyncset.done $0x0  }
0xbd: {  	[sflag:s20] =	ssyncadd.s32 $0xFFFFC000  }
0xbe: {  	[spmem:s2] =	stream.indirect.scatter.add.f32 [tilespmem:s14], [sflag:$0x4], $0x80, s21, s10, $0xb8;
	[tilespmem:$0x1E600] =	vst v63  }
0xbf: {  	_ =	swait.ge [sflag:s17], $0x4000  }
0xc0: {  	[sflag:s17] =	ssyncset.done $0x0  }
0xc1: {  	[sflag:s17] =	ssyncadd.s32 $0xFFFFC000  }
0xc2: {  	v0 =	vld [tilespmem:s23+$0xFFFFFF90];
	_ =	sdelay $0x4  }
0xc3: {  	v1 =	vshrl.u32 v0, $0xE;
	v0 =	vand.u32 $0x3FFF, v0  }
0xc4: {  	[tilespmem:$0x2880] =	vst v1  }
0xc5: {  	[tilespmem:$0x2980] =	vst v0  }
0xc6: {  	v0 =	vld [tilespmem:s23+$0xFFFFFFA0];
	_ =	sdelay $0x4  }
0xc7: {  	v1 =	vshrl.u32 v0, $0xE;
	v0 =	vand.u32 $0x3FFF, v0  }
0xc8: {  	[tilespmem:$0x2890] =	vst v1  }
0xc9: {  	[tilespmem:$0x2990] =	vst v0  }
0xca: {  	v0 =	vld [tilespmem:s23+$0xFFFFFFB0];
	_ =	sdelay $0x4  }
0xcb: {  	v1 =	vshrl.u32 v0, $0xE;
	v0 =	vand.u32 $0x3FFF, v0  }
0xcc: {  	[tilespmem:$0x28A0] =	vst v1  }
0xcd: {  	[tilespmem:$0x29A0] =	vst v0  }
0xce: {  	v0 =	vld [tilespmem:s23+$0xFFFFFFC0];
	_ =	sdelay $0x4  }
0xcf: {  	v1 =	vshrl.u32 v0, $0xE;
	v0 =	vand.u32 $0x3FFF, v0  }
0xd0: {  	[tilespmem:$0x28B0] =	vst v1  }
0xd1: {  	[tilespmem:$0x29B0] =	vst v0  }
0xd2: {  	v0 =	vld [tilespmem:s23+$0xFFFFFFD0];
	_ =	sdelay $0x4  }
0xd3: {  	v1 =	vshrl.u32 v0, $0xE;
	v0 =	vand.u32 $0x3FFF, v0  }
0xd4: {  	[tilespmem:$0x28C0] =	vst v1  }
0xd5: {  	[tilespmem:$0x29C0] =	vst v0  }
0xd6: {  	v0 =	vld [tilespmem:s23+$0xFFFFFFE0];
	_ =	sdelay $0x4  }
0xd7: {  	v1 =	vshrl.u32 v0, $0xE;
	v0 =	vand.u32 $0x3FFF, v0  }
0xd8: {  	[tilespmem:$0x28D0] =	vst v1  }
0xd9: {  	[tilespmem:$0x29D0] =	vst v0  }
0xda: {  	v0 =	vld [tilespmem:s23+$0xFFFFFFF0];
	_ =	sdelay $0x1  }
.Ltmp0:
0xdb: {  	(pc) =	sbr.rel @p0 .LBB2_2-.Ltmp0, $3  }
0xdc: {  	_ =	sdelay $0x1  }
0xdd: {  	v1 =	vshrl.u32 v0, $0xE;
	v0 =	vand.u32 $0x3FFF, v0  }
0xde: {  	[tilespmem:$0x28E0] =	vst v1  }
0xdf: {  	[tilespmem:$0x29E0] =	vst v0  }
0xe0: {  	v0 =	vld [tilespmem:s23+$0x0];
	_ =	sdelay $0x4  }
0xe1: {  	v1 =	vshrl.u32 v0, $0xE  }
0xe2: {  	v0 =	vand.u32 $0x3FFF, v0;
	[tilespmem:$0x28F0] =	vst v1  }
0xe3: {  	[tilespmem:$0x29F0] =	vst v0  }
0xe4: {  	[tilespmem:s14], [sflag:$0x3] =	stream.indirect.gather [hbm4b:s4+s10], $0x80, s13, s10, $0xb8;
	[tilespmem:$0x1E600] =	vst v63  }
0xe5: {  	_ =	swait.ge [sflag:s18], $0x4000  }
0xe6: {  	[sflag:s18] =	ssyncset.done $0x0  }
0xe7: {  	[sflag:s18] =	ssyncadd.s32 $0xFFFFC000  }
0xe8: {  	[spmem:s2] =	stream.indirect.scatter.add.f32 [tilespmem:s12], [sflag:$0x4], $0x80, s19, s10, $0xb8;
	[tilespmem:$0x1E600] =	vst v63  }
0xe9: {  	_ =	swait.ge [sflag:s17], $0x4000  }
0xea: {  	[sflag:s17] =	ssyncset.done $0x0  }
0xeb: {  	[sflag:s17] =	ssyncadd.s32 $0xFFFFC000  }
0xec: {  	_ =	swait.ge [sflag:s20], $0x4000  }
0xed: {  	[sflag:s20] =	ssyncset.done $0x0  }
0xee: {  	[sflag:s20] =	ssyncadd.s32 $0xFFFFC000  }
0xef: {  	[spmem:s2] =	stream.indirect.scatter.add.f32 [tilespmem:s14], [sflag:$0x4], $0x80, s21, s10, $0xb8;
	[tilespmem:$0x1E600] =	vst v63  }
0xf0: {  	_ =	swait.ge [sflag:s17], $0x4000  }
0xf1: {  	s22 =	sadd.s32 $0x1, s22;
	[sflag:s17] =	ssyncset.done $0x0  }
0xf2: {  	p0 =	sne.s32 s22, s8;
	[sflag:s17] =	ssyncadd.s32 $0xFFFFC000  }
.Ltmp1:
0xf3: {  	[bflag:$0x0] =	sbarrier.arrive $0xFFFF;
	(pc) =	sbr.rel @p0 .LBB2_1-.Ltmp1, $4  }
0xf4: {  	[hbm:s7], [sflag:s15] =	dma.local [spmem:s16], $0x2780  }
0xf5: {  	_ =	swait.ge [sflag:s17], $0x2780  }
0xf6: {  	[sflag:s17] =	ssyncset.done $0x0  }
0xf7: {  	[sflag:s17] =	ssyncadd.s32 $0xFFFFD880  }
0xf8: {  	_ =	sfence.sel $0x180000  }
0xf9: {  	[bflag:$0x0] =	sbarrier.arrive $0xFFFF  }
0xfa: {  	p0 =	sne.s32 s0, $0x0;
	_ =	strace $0x9000004D  }
0xfb: {  	s0 =	sadd.s32 @!p0 $0x100000, s1;
	[bflag:$0x2] =	sbarrier.arrive $0xFFFF  }
0xfc: {  	[sflag:s0] =	ssyncadd.tile.s32 @!p0 $0x1;
	_ =	shalt  }
.Lfunc_end2:
_tile_overlayer_lowered:
.L_overlay_start_2:
0xfd: {  	(tag) =	ssettag $0x2  }
0xfe: {  	s0 =	rddreg [dreg:$0x0];
	s2 =	stileid.u32  }
0xff: {  	s1 =	rddreg [dreg:$0x1];
	p0 =	sne.s32 s2, $0x0  }
0x100: {  	s3 =	rddreg [dreg:$0x2];
	[bflag:$0x3] =	sbarrier.arrive $0xFFFF;
	s2 =	simm.s32 @!p0 $0x1C04  }
0x101: {  	[timem:s3], [sflag:s2] =	dma.local @!p0 [hbm:s0], s1  }
0x102: {  	s0 =	simm.s32 @!p0 $0x4  }
0x103: {  	_ =	swait.ge @!p0 [sflag:s0], s1  }
0x104: {  	s1 =	ssub.s32 @!p0 $0x0, s1;
	[sflag:s0] =	ssyncset.done @!p0 $0x0  }
0x105: {  	[sflag:s0] =	ssyncadd.s32 @!p0 s1  }
0x106: {  	[bflag:$0x3] =	sbarrier.arrive $0xFFFF  }
0x107: {  	_ =	shalt  }

// kernel: kernel.8.cloned.1.call-start
scs
__scs_entry_jumppad:
0x0: {  	(pc) =	sbr.rel $0x88, $3  }
0x1: {  	(tag) =	ssettag $0x0;
	lr =	simm.s32 $0x1  }
0x2: {  	[smem:$0x3F8C] =	sst lr;
	_ =	strace $0xD0000000  }
0x3: {  	_ = 	snop  }
0x4: {  	_ = 	snop  }
0x5: {  	_ = 	snop  }
0x6: {  	_ = 	snop  }
0x7: {  	_ = 	snop  }
__scs_overlays_trampoline_lowered:
0x8: {  	[smem:$0x3F9B] =	sst s0  }
0x9: {  	[smem:$0x3F9C] =	sst s1  }
0xa: {  	[smem:$0x3F9D] =	sst s2  }
0xb: {  	[smem:$0x3F9E] =	sst s3  }
0xc: {  	[smem:$0x3F9F] =	sst s4  }
0xd: {  	[smem:$0x3FA0] =	sst s5  }
0xe: {  	[smem:$0x3FA1] =	sst s6  }
0xf: {  	[smem:$0x3FA2] =	sst s7  }
0x10: {  	[smem:$0x3FA3] =	sst s8  }
0x11: {  	[smem:$0x3FA4] =	sst s9;
	s0 =	simm.s32 @!p0 $0x0  }
0x12: {  	s1 =	sld [smem:$0x3F8A];
	s0 =	simm.s32 @p0 $0x1  }
0x13: {  	[smem:$0x3FA5] =	sst s0;
	s0 =	simm.s32 @!p1 $0x0  }
0x14: {  	s2 =	sld [smem:$0x3F89];
	s0 =	simm.s32 @p1 $0x1  }
0x15: {  	[smem:$0x3FA6] =	sst s0;
	s0 =	simm.s32 @!p2 $0x0  }
0x16: {  	s3 =	sld [smem:$0x3FDB];
	s0 =	simm.s32 @p2 $0x1  }
0x17: {  	s4 =	simm.s32 $0x1BF5;
	[smem:$0x3FA8] =	sst s0  }
0x18: {  	s0 =	sld [smem:$0x3F8B];
	_ =	swait.ge [sflag:s4], $0x0  }
0x19: {  	s7 =	sld [smem:$0x3F8C]  }
0x1a: {  	s8 =	sadd.s32 $0xFFFFE003, lr  }
0x1b: {  	s9 =	sadd.s32 $0xFFFFFEF7, lr;
	s5 =	simm.s32 $0xFFFFFFFF;
	p2 =	slt.u32 s8, $0xFFFFF086  }
0x1c: {  	p1 =	slt.u32 s9, $0xF7A;
	s5 =	simm.s32 @!p2 $0x0  }
0x1d: {  	s5 =	simm.s32 @p1 $0x1;
	p0 =	seq.s32 s7, s2  }
0x1e: {  	s7 =	smul.u32 @!p0 $0xF7A, s2;
	p2 =	seq.s32 @!p0 s5, $0x0  }
0x1f: {  	s9 =	smul.u32 $0xF7A, s1;
	s8 =	simm.s32 @!p0 $0x1BF5;
	p2 =	por !p2, p0  }
0x20: {  	[sflag:s8] =	ssyncset.s32 @!p0 $0xFFFFF086;
	s6 =	sadd.s32 @!p0 s3, s7;
	s7 =	simm.s32 @!p0 $0x108  }
0x21: {  	s3 =	sadd.s32 s3, s9;
	s6 =	sadd.s32 @!p0 $0x88, s6;
	s7 =	simm.s32 @p2 $0x1082  }
0x22: {  	[simem:s7], [sflag:s8] =	dma.local @!p0 [hbm:s6], $0xF7A  }
0x23: {  	s9 =	sor.u32 $0xD0000000, s2;
	s6 =	simm.s32 $0x108;
	_ =	swait.ge @!p0 [sflag:s8], $0x0  }
0x24: {  	s3 =	sadd.s32 $0x88, s3;
	s6 =	simm.s32 @!p1 $0x1082;
	[sflag:s4] =	ssyncset.s32 $0xFFFFF086  }
0x25: {  	[simem:s6], [sflag:s4] =	dma.local [hbm:s3], $0xF7A  }
0x26: {  	[smem:$0x3F8C] =	sst s1;
	(tag) =	ssettag s2;
	_ =	strace s9  }
0x27: {  	s1 =	sld [smem:$0x3F9C]  }
0x28: {  	s2 =	sld [smem:$0x3F9D]  }
0x29: {  	s4 =	sld [smem:$0x3F9F]  }
0x2a: {  	p0 =	seq.s32 s5, $0x0;
	s5 =	sld [smem:$0x3FA0]  }
0x2b: {  	s6 =	sld [smem:$0x3FA1]  }
0x2c: {  	s7 =	sld [smem:$0x3FA2]  }
0x2d: {  	s3 =	simm.s32 $0x108;
	s8 =	sld [smem:$0x3FA3]  }
0x2e: {  	s3 =	simm.s32 @!p0 $0x1082;
	s9 =	sld [smem:$0x3FA4]  }
0x2f: {  	lr =	sadd.s32 s0, s3;
	s0 =	sld [smem:$0x3F9B]  }
0x30: {  	s3 =	sld [smem:$0x3F9E]  }
0x31: {  	[smem:$0x3FA7] =	sst s10  }
0x32: {  	s10 =	sld [smem:$0x3FA5];
	_ =	sdelay $0x3  }
0x33: {  	p0 =	seq.s32 s10, $0x1;
	s10 =	sld [smem:$0x3FA7];
	_ =	sdelay $0x3  }
0x34: {  	[smem:$0x3FA7] =	sst s10  }
0x35: {  	s10 =	sld [smem:$0x3FA6];
	_ =	sdelay $0x3  }
0x36: {  	p1 =	seq.s32 s10, $0x1;
	s10 =	sld [smem:$0x3FA7];
	_ =	sdelay $0x3  }
0x37: {  	[smem:$0x3FA7] =	sst s10  }
0x38: {  	s10 =	sld [smem:$0x3FA8]  }
0x39: {  	_ = 	snop;
	(pc) =	sbr.ind lr, $3  }
0x3a: {  	_ = 	snop  }
0x3b: {  	_ = 	snop  }
0x3c: {  	p2 =	seq.s32 s10, $0x1;
	s10 =	sld [smem:$0x3FA7]  }
0x3d: {  	_ =	shalt  }
0x3e: {  	_ =	shalt  }
0x3f: {  	_ =	shalt  }
0x40: {  	_ =	shalt  }
0x41: {  	_ =	shalt  }
0x42: {  	_ =	shalt  }
0x43: {  	_ =	shalt  }
0x44: {  	_ =	shalt  }
0x45: {  	_ =	shalt  }
0x46: {  	_ =	shalt  }
0x47: {  	_ =	shalt  }
0x48: {  	_ =	shalt  }
0x49: {  	_ =	shalt  }
0x4a: {  	_ =	shalt  }
0x4b: {  	_ =	shalt  }
0x4c: {  	_ =	shalt  }
0x4d: {  	_ =	shalt  }
0x4e: {  	_ =	shalt  }
0x4f: {  	_ =	shalt  }
0x50: {  	_ =	shalt  }
0x51: {  	_ =	shalt  }
0x52: {  	_ =	shalt  }
0x53: {  	_ =	shalt  }
0x54: {  	_ =	shalt  }
0x55: {  	_ =	shalt  }
0x56: {  	_ =	shalt  }
0x57: {  	_ =	shalt  }
0x58: {  	_ =	shalt  }
0x59: {  	_ =	shalt  }
0x5a: {  	_ =	shalt  }
0x5b: {  	_ =	shalt  }
0x5c: {  	_ =	shalt  }
0x5d: {  	_ =	shalt  }
0x5e: {  	_ =	shalt  }
0x5f: {  	_ =	shalt  }
0x60: {  	_ =	shalt  }
0x61: {  	_ =	shalt  }
0x62: {  	_ =	shalt  }
0x63: {  	_ =	shalt  }
0x64: {  	_ =	shalt  }
0x65: {  	_ =	shalt  }
0x66: {  	_ =	shalt  }
0x67: {  	_ =	shalt  }
0x68: {  	_ =	shalt  }
0x69: {  	_ =	shalt  }
0x6a: {  	_ =	shalt  }
0x6b: {  	_ =	shalt  }
0x6c: {  	_ =	shalt  }
0x6d: {  	_ =	shalt  }
0x6e: {  	_ =	shalt  }
0x6f: {  	_ =	shalt  }
0x70: {  	_ =	shalt  }
0x71: {  	_ =	shalt  }
0x72: {  	_ =	shalt  }
0x73: {  	_ =	shalt  }
0x74: {  	_ =	shalt  }
0x75: {  	_ =	shalt  }
0x76: {  	_ =	shalt  }
0x77: {  	_ =	shalt  }
0x78: {  	_ =	shalt  }
0x79: {  	_ =	shalt  }
0x7a: {  	_ =	shalt  }
0x7b: {  	_ =	shalt  }
0x7c: {  	_ =	shalt  }
0x7d: {  	_ =	shalt  }
0x7e: {  	_ =	shalt  }
0x7f: {  	_ =	shalt  }
0x80: {  	_ =	shalt  }
0x81: {  	_ =	shalt  }
0x82: {  	_ =	shalt  }
0x83: {  	_ =	shalt  }
0x84: {  	_ =	shalt  }
0x85: {  	_ =	shalt  }
0x86: {  	_ =	shalt  }
0x87: {  	_ =	shalt  }
.Lfunc_end0:
.L_simem_size_0:
called_computation_lowered:
.L_overlay_start_0:
0x88: {  	s2 =	sld [smem:$0x3FD9]  }
0x89: {  	s3 =	sld [smem:$0x3FFE];
	_ =	sdelay $0x1  }
0x8a: {  	s1 =	srdreg.scid  }
0x8b: {  	s0 =	sand.u32 $0x1, s1  }
0x8c: {  	s17 =	sshll.u32 s0, $0xA;
	s2 =	sadd.s32 s3, s2  }
0x8d: {  	s2 =	sadd.s32 s2, s17  }
0x8e: {  	[smem:$0x3FB3] =	sst s2  }
0x8f: {  	_ = 	snop  }
0x90: {  	s2 =	sld [smem:$0x3FC9];
	(tm) =	ssettm $0x1  }
0x91: {  	s18 =	sld [smem:$0x3FFB];
	_ =	sdelay $0x3  }
0x92: {  	_ =	strace s18  }
0x93: {  	s3 =	sld [smem:$0x3FFC];
	_ =	sdelay $0x3  }
0x94: {  	_ =	strace s3  }
0x95: {  	s3 =	sld [smem:$0x3FFD];
	_ =	sdelay $0x3  }
0x96: {  	_ =	strace s3  }
0x97: {  	_ =	strace $0x8FFFFFFF  }
0x98: {  	s19 =	sld [smem:$0x3FDB];
	_ =	sdelay $0x1  }
0x99: {  	s4 =	simm.s32 $_scs_section_size  }
0x9a: {  	s5 =	simm.s32 $_size__tile_overlayer_lowered;
	s6 =	simm.s32 $_tile_overlayer_lowered  }
0x9b: {  	s22 =	simm.s32 $0x1BFF;
	s21 =	sshll.u32 s6, $0x1;
	s3 =	sadd.s32 s4, s19  }
0x9c: {  	s7 =	simm.s32 $0x0;
	s20 =	sshll.u32 s5, $0x1;
	s5 =	sadd.s32 s21, s3  }
0x9d: {  	[timem:s7], [sflag:s22] =	dma.local [hbm:s5], s20  }
0x9e: {  	_ =	swait.ge [sflag:s22], s20  }
0x9f: {  	s4 =	ssub.s32 $0x0, s20;
	[sflag:s22] =	ssyncset.done $0x0  }
0xa0: {  	[sflag:s22] =	ssyncadd.s32 s4;
	_ =	sdelay $0x1  }
0xa1: {  	s23 =	simm.s32 $0x1B8B  }
0xa2: {  	_ =	swait.ge [sflag:s23], $0x1  }
0xa3: {  	[sflag:s23] =	ssyncset.done $0x0  }
0xa4: {  	s25 =	simm.s32 $0x1B8E;
	s24 =	sld [smem:$0x3FFE];
	[sflag:s23] =	ssyncadd.s32 $0xFFFFFFFF  }
0xa5: {  	s26 =	simm.s32 $execute0_lowered;
	[smem:$0x3FD2] =	sst s25  }
0xa6: {  	s5 =	sshll.u32 s26, $0x1;
	_ =	strace $0x80000046;
	[dreg:$0x1] =	wrdreg $0xFFFFFFFF  }
0xa7: {  	s28 =	simm.s32 $_size_execute0_lowered;
	s3 =	sadd.s32 s3, s5;
	[dreg:$0x0] =	wrdreg $0x0  }
0xa8: {  	s5 =	sshll.u32 s28, $0x1;
	[dreg:$0x2] =	wrdreg s3  }
0xa9: {  	[dreg:$0x3] =	wrdreg s5  }
0xaa: {  	[dreg:$0x4] =	wrdreg $0xC0  }
0xab: {  	_ =	task [dreg:s7], $0x5FFFF  }
0xac: {  	[dreg:$0x1] =	wrdreg $0xFFFFFFFF  }
0xad: {  	[dreg:$0x0] =	wrdreg $0x60  }
0xae: {  	[dreg:$0x2] =	wrdreg s2  }
0xaf: {  	[dreg:$0x3] =	wrdreg s24  }
0xb0: {  	[dreg:$0x4] =	wrdreg $0xAA000  }
0xb1: {  	[dreg:$0x5] =	wrdreg $0x9  }
0xb2: {  	_ =	task.clear_ibuf [dreg:s7], $0x6FFFF;
	_ =	strace $0x90000046  }
0xb3: {  	s29 =	simm.s32 $0x9;
	_ =	strace $0x80000048  }
0xb4: {  	_ =	swait.ge [sflag:s29], $0x1  }
0xb5: {  	[sflag:s29] =	ssyncadd.s32 $0xFFFFFFFF  }
0xb6: {  	_ =	strace $0x90000048  }
0xb7: {  	_ =	sfence  }
0xb8: {  	s30 =	sld [smem:$0x0];
	_ =	sdelay $0x2  }
0xb9: {  	s31 =	sshll.u32 s1, $0xD;
	s1 =	sshrl.u32 s1, $0x2  }
0xba: {  	s3 =	sand.u32 $0x4000, s31;
	s1 =	sadd.s32 s1, s30  }
0xbb: {  	s0 =	sor.u32 s3, s0;
	s1 =	sshll.u32 s1, $0x11  }
0xbc: {  	s0 =	sor.u32 s1, s0  }
0xbd: {  	s0 =	sadd.s32 $0x8F2B, s0  }
0xbe: {  	[sflag:s0] =	ssyncadd.remote.s32 $0x1  }
0xbf: {  	_ =	sfence.sel $0xFFFF  }
0xc0: {  	[dreg:$0x0] =	wrdreg $0xFFFFFFFF;
	(pc) =	sbr.abs _section_cstart, $3  }
0xc1: {  	[dreg:$0x1] =	wrdreg $0xFFFFFFFF  }
0xc2: {  	_ =	task.clear_ibuf [dreg:s7], $0x2FFFF;
	_ =	strace $0x9FFFFFFF  }
0xc3: {  	(tm) =	ssettm $0x7FFFFFFF  }
tec
execute0_lowered:
.L_overlay_start_1:
0x0: {  	(tag) =	ssettag $0x1  }
0x1: {  	s2 =	rddreg [dreg:$0x0]  }
0x2: {  	s6 =	rddreg [dreg:$0x1]  }
0x3: {  	s0 =	srdreg.scid;
	s3 =	rddreg [dreg:$0x2];
	s4 =	simm.s32 $0x0  }
0x4: {  	s11 =	simm.s32 $0x2800;
	s12 =	simm.s32 $0x2A00;
	s13 =	simm.s32 $0x2880  }
0x5: {  	s14 =	simm.s32 $0x6A00;
	s17 =	simm.s32 $0x4;
	s18 =	simm.s32 $0x2  }
0x6: {  	s19 =	simm.s32 $0x2900;
	s20 =	simm.s32 $0x3;
	s5 =	sand.u32 $0x1, s0  }
0x7: {  	s21 =	simm.s32 $0x2980;
	s0 =	stileid.u32;
	s8 =	smul.u32 $0x13C000, s5  }
0x8: {  	s22 =	simm.s32 $0x0;
	[smem:$0x7FF] =	sst s4;
	s9 =	smul.u32 $0x13C00, s0  }
0x9: {  	s1 =	sshll.u32 s5, $0x4;
	s29 =	ssub.s32 $0x2, s5;
	s10 =	smul.u32 $0x4F000, s0  }
0xa: {  	s5 =	sadd.s32 $0xDA00, s6;
	s15 =	sshll.u32 s0, $0x6;
	s1 =	sor.u32 s0, s1  }
0xb: {  	s30 =	sshrl.u32 s29, $0x1;
	s15 =	sor.u32 $0x1C04, s15;
	s7 =	smul.u32 $0x500, s1  }
0xc: {  	s1 =	rddreg [dreg:$0x3];
	_ =	strace $0x80000047;
	s8 =	sadd.s32 s9, s8  }
0xd: {  	s9 =	ssub.s32 s29, s30;
	s31 =	sshrl.u32 s10, $0x2;
	s10 =	simm.s32 $0x80  }
0xe: {  	s8 =	sshrl.u32 s8, $0x3;
	s16 =	sadd.s32 s31, s3;
	s7 =	sadd.s32 s7, s6  }
0xf: {  	s8 =	sadd.s32 s8, s6;
	s16 =	sshrl.u32 s16, $0x3;
	s6 =	sadd.s32 $0x3A00, s7  }
0x10: {  	s7 =	sadd.s32 $0x10200, s8;
	s8 =	smax.u32 s9, $0x1;
	s9 =	simm.s32 $0x1  }
.LBB2_1:
0x11: {  	[tilespmem:s4], [sflag:$0x1] =	stream.linear.gather [hbm4b:s6+s4], $0x2800, $0x38;
	[tilespmem:$0x1E600] =	vst v63  }
0x12: {  	_ =	swait.ge [sflag:s9], $0x2800  }
0x13: {  	[sflag:s9] =	ssyncset.done $0x0  }
0x14: {  	[sflag:s9] =	ssyncadd.s32 $0xFFFFD800  }
0x15: {  	v0 =	vld [tilespmem:$0x0];
	_ =	sdelay $0x1  }
0x16: {  	v1 =	vld [tilespmem:$0x10];
	_ =	sdelay $0x1  }
0x17: {  	v2 =	vld [tilespmem:$0x20]  }
0x18: {  	v3 =	vshrl.u32 v0, $0xE  }
0x19: {  	v0 =	vand.u32 $0x3FFF, v0;
	[tilespmem:$0x2800] =	vst v3;
	v3 =	vld [tilespmem:$0x30]  }
0x1a: {  	[tilespmem:$0x2900] =	vst v0;
	v0 =	vshrl.u32 v1, $0xE  }
0x1b: {  	[tilespmem:$0x2810] =	vst v0;
	v0 =	vand.u32 $0x3FFF, v1;
	v1 =	vld [tilespmem:$0x40]  }
0x1c: {  	[tilespmem:$0x2910] =	vst v0;
	v0 =	vshrl.u32 v2, $0xE  }
0x1d: {  	[tilespmem:$0x2820] =	vst v0;
	v0 =	vand.u32 $0x3FFF, v2;
	v2 =	vld [tilespmem:$0x50]  }
0x1e: {  	[tilespmem:$0x2920] =	vst v0;
	v0 =	vshrl.u32 v3, $0xE  }
0x1f: {  	[tilespmem:$0x2830] =	vst v0;
	v0 =	vand.u32 $0x3FFF, v3;
	v3 =	vld [tilespmem:$0x60]  }
0x20: {  	[tilespmem:$0x2930] =	vst v0;
	v0 =	vshrl.u32 v1, $0xE  }
0x21: {  	[tilespmem:$0x2840] =	vst v0;
	v0 =	vand.u32 $0x3FFF, v1;
	v1 =	vld [tilespmem:$0x70]  }
0x22: {  	[tilespmem:$0x2940] =	vst v0;
	v0 =	vshrl.u32 v2, $0xE  }
0x23: {  	[tilespmem:$0x2850] =	vst v0;
	v0 =	vand.u32 $0x3FFF, v2  }
0x24: {  	[tilespmem:$0x2950] =	vst v0;
	v0 =	vshrl.u32 v3, $0xE  }
0x25: {  	[tilespmem:$0x2860] =	vst v0;
	v0 =	vand.u32 $0x3FFF, v3  }
0x26: {  	[tilespmem:$0x2960] =	vst v0;
	v0 =	vshrl.u32 v1, $0xE  }
0x27: {  	[tilespmem:$0x2870] =	vst v0;
	v0 =	vand.u32 $0x3FFF, v1  }
0x28: {  	[tilespmem:$0x2970] =	vst v0  }
0x29: {  	[tilespmem:s12], [sflag:$0x2] =	stream.indirect.gather [hbm4b:s2+s10], $0x80, s11, s10, $0xb8;
	[tilespmem:$0x1E600] =	vst v63  }
0x2a: {  	v0 =	vld [tilespmem:$0x80];
	_ =	sdelay $0x1  }
0x2b: {  	v1 =	vld [tilespmem:$0x90];
	_ =	sdelay $0x1  }
0x2c: {  	v2 =	vld [tilespmem:$0xA0]  }
0x2d: {  	v3 =	vshrl.u32 v0, $0xE  }
0x2e: {  	v0 =	vand.u32 $0x3FFF, v0;
	[tilespmem:$0x2880] =	vst v3;
	v3 =	vld [tilespmem:$0xB0]  }
0x2f: {  	[tilespmem:$0x2980] =	vst v0;
	v0 =	vshrl.u32 v1, $0xE  }
0x30: {  	[tilespmem:$0x2890] =	vst v0;
	v0 =	vand.u32 $0x3FFF, v1;
	v1 =	vld [tilespmem:$0xC0]  }
0x31: {  	[tilespmem:$0x2990] =	vst v0;
	v0 =	vshrl.u32 v2, $0xE  }
0x32: {  	[tilespmem:$0x28A0] =	vst v0;
	v0 =	vand.u32 $0x3FFF, v2;
	v2 =	vld [tilespmem:$0xD0]  }
0x33: {  	[tilespmem:$0x29A0] =	vst v0;
	v0 =	vshrl.u32 v3, $0xE  }
0x34: {  	[tilespmem:$0x28B0] =	vst v0;
	v0 =	vand.u32 $0x3FFF, v3;
	v3 =	vld [tilespmem:$0xE0]  }
0x35: {  	[tilespmem:$0x29B0] =	vst v0;
	v0 =	vshrl.u32 v1, $0xE  }
0x36: {  	[tilespmem:$0x28C0] =	vst v0;
	v0 =	vand.u32 $0x3FFF, v1;
	v1 =	vld [tilespmem:$0xF0]  }
0x37: {  	[tilespmem:$0x29C0] =	vst v0;
	v0 =	vshrl.u32 v2, $0xE  }
0x38: {  	[tilespmem:$0x28D0] =	vst v0;
	v0 =	vand.u32 $0x3FFF, v2  }
0x39: {  	[tilespmem:$0x29D0] =	vst v0;
	v0 =	vshrl.u32 v3, $0xE  }
0x3a: {  	[tilespmem:$0x28E0] =	vst v0;
	v0 =	vand.u32 $0x3FFF, v3  }
0x3b: {  	[tilespmem:$0x29E0] =	vst v0;
	v0 =	vshrl.u32 v1, $0xE  }
0x3c: {  	[tilespmem:$0x28F0] =	vst v0;
	v0 =	vand.u32 $0x3FFF, v1  }
0x3d: {  	[tilespmem:$0x29F0] =	vst v0  }
0x3e: {  	[tilespmem:s14], [sflag:$0x3] =	stream.indirect.gather [hbm4b:s2+s10], $0x80, s13, s10, $0xb8;
	[tilespmem:$0x1E600] =	vst v63  }
0x3f: {  	[spmem:s16], [sflag:s15] =	dma.local [hbm:s5], $0x2780  }
0x40: {  	_ =	swait.ge [sflag:s17], $0x2780  }
0x41: {  	[sflag:s17] =	ssyncset.done $0x0  }
0x42: {  	[sflag:s17] =	ssyncadd.s32 $0xFFFFD880  }
0x43: {  	[bflag:$0x0] =	sbarrier.arrive $0xFFFF  }
0x44: {  	_ =	swait.ge [sflag:s18], $0x4000  }
0x45: {  	[sflag:s18] =	ssyncset.done $0x0  }
0x46: {  	[sflag:s18] =	ssyncadd.s32 $0xFFFFC000  }
0x47: {  	[spmem:s3] =	stream.indirect.scatter.add.f32 [tilespmem:s12], [sflag:$0x4], $0x80, s19, s10, $0xb8;
	[tilespmem:$0x1E600] =	vst v63  }
0x48: {  	_ =	swait.ge [sflag:s17], $0x4000  }
0x49: {  	[sflag:s17] =	ssyncset.done $0x0  }
0x4a: {  	s23 =	simm.s32 $0x1F0;
	[sflag:s17] =	ssyncadd.s32 $0xFFFFC000  }
0x4b: {  	v0 =	vld [tilespmem:s23+$0xFFFFFF10];
	_ =	sdelay $0x4  }
0x4c: {  	v1 =	vshrl.u32 v0, $0xE  }
0x4d: {  	v0 =	vand.u32 $0x3FFF, v0;
	[tilespmem:$0x2800] =	vst v1  }
0x4e: {  	[tilespmem:$0x2900] =	vst v0  }
0x4f: {  	v0 =	vld [tilespmem:s23+$0xFFFFFF20];
	_ =	sdelay $0x4  }
0x50: {  	v1 =	vshrl.u32 v0, $0xE  }
0x51: {  	v0 =	vand.u32 $0x3FFF, v0;
	[tilespmem:$0x2810] =	vst v1  }
0x52: {  	[tilespmem:$0x2910] =	vst v0  }
0x53: {  	v0 =	vld [tilespmem:s23+$0xFFFFFF30];
	_ =	sdelay $0x4  }
0x54: {  	v1 =	vshrl.u32 v0, $0xE  }
0x55: {  	v0 =	vand.u32 $0x3FFF, v0;
	[tilespmem:$0x2820] =	vst v1  }
0x56: {  	[tilespmem:$0x2920] =	vst v0  }
0x57: {  	v0 =	vld [tilespmem:s23+$0xFFFFFF40];
	_ =	sdelay $0x4  }
0x58: {  	v1 =	vshrl.u32 v0, $0xE  }
0x59: {  	v0 =	vand.u32 $0x3FFF, v0;
	[tilespmem:$0x2830] =	vst v1  }
0x5a: {  	[tilespmem:$0x2930] =	vst v0  }
0x5b: {  	v0 =	vld [tilespmem:s23+$0xFFFFFF50];
	_ =	sdelay $0x4  }
0x5c: {  	v1 =	vshrl.u32 v0, $0xE  }
0x5d: {  	v0 =	vand.u32 $0x3FFF, v0;
	[tilespmem:$0x2840] =	vst v1  }
0x5e: {  	[tilespmem:$0x2940] =	vst v0  }
0x5f: {  	v0 =	vld [tilespmem:s23+$0xFFFFFF60];
	_ =	sdelay $0x4  }
0x60: {  	v1 =	vshrl.u32 v0, $0xE  }
0x61: {  	v0 =	vand.u32 $0x3FFF, v0;
	[tilespmem:$0x2850] =	vst v1  }
0x62: {  	[tilespmem:$0x2950] =	vst v0  }
0x63: {  	v0 =	vld [tilespmem:s23+$0xFFFFFF70];
	_ =	sdelay $0x4  }
0x64: {  	v1 =	vshrl.u32 v0, $0xE  }
0x65: {  	v0 =	vand.u32 $0x3FFF, v0;
	[tilespmem:$0x2860] =	vst v1  }
0x66: {  	[tilespmem:$0x2960] =	vst v0  }
0x67: {  	v0 =	vld [tilespmem:s23+$0xFFFFFF80];
	_ =	sdelay $0x4  }
0x68: {  	v1 =	vshrl.u32 v0, $0xE  }
0x69: {  	v0 =	vand.u32 $0x3FFF, v0;
	[tilespmem:$0x2870] =	vst v1  }
0x6a: {  	[tilespmem:$0x2970] =	vst v0  }
0x6b: {  	[tilespmem:s12], [sflag:$0x2] =	stream.indirect.gather [hbm4b:s2+s10], $0x80, s11, s10, $0xb8;
	[tilespmem:$0x1E600] =	vst v63  }
0x6c: {  	_ =	swait.ge [sflag:s20], $0x4000  }
0x6d: {  	[sflag:s20] =	ssyncset.done $0x0  }
0x6e: {  	[sflag:s20] =	ssyncadd.s32 $0xFFFFC000  }
0x6f: {  	[spmem:s3] =	stream.indirect.scatter.add.f32 [tilespmem:s14], [sflag:$0x4], $0x80, s21, s10, $0xb8;
	[tilespmem:$0x1E600] =	vst v63  }
0x70: {  	_ =	swait.ge [sflag:s17], $0x4000  }
0x71: {  	[sflag:s17] =	ssyncset.done $0x0  }
0x72: {  	[sflag:s17] =	ssyncadd.s32 $0xFFFFC000  }
0x73: {  	v0 =	vld [tilespmem:s23+$0xFFFFFF90];
	_ =	sdelay $0x4  }
0x74: {  	v1 =	vshrl.u32 v0, $0xE  }
0x75: {  	v0 =	vand.u32 $0x3FFF, v0;
	[tilespmem:$0x2880] =	vst v1  }
0x76: {  	[tilespmem:$0x2980] =	vst v0  }
0x77: {  	v0 =	vld [tilespmem:s23+$0xFFFFFFA0];
	_ =	sdelay $0x4  }
0x78: {  	v1 =	vshrl.u32 v0, $0xE  }
0x79: {  	v0 =	vand.u32 $0x3FFF, v0;
	[tilespmem:$0x2890] =	vst v1  }
0x7a: {  	[tilespmem:$0x2990] =	vst v0  }
0x7b: {  	v0 =	vld [tilespmem:s23+$0xFFFFFFB0];
	_ =	sdelay $0x4  }
0x7c: {  	v1 =	vshrl.u32 v0, $0xE  }
0x7d: {  	v0 =	vand.u32 $0x3FFF, v0;
	[tilespmem:$0x28A0] =	vst v1  }
0x7e: {  	[tilespmem:$0x29A0] =	vst v0  }
0x7f: {  	v0 =	vld [tilespmem:s23+$0xFFFFFFC0];
	_ =	sdelay $0x4  }
0x80: {  	v1 =	vshrl.u32 v0, $0xE  }
0x81: {  	v0 =	vand.u32 $0x3FFF, v0;
	[tilespmem:$0x28B0] =	vst v1  }
0x82: {  	[tilespmem:$0x29B0] =	vst v0  }
0x83: {  	v0 =	vld [tilespmem:s23+$0xFFFFFFD0];
	_ =	sdelay $0x4  }
0x84: {  	v1 =	vshrl.u32 v0, $0xE  }
0x85: {  	v0 =	vand.u32 $0x3FFF, v0;
	[tilespmem:$0x28C0] =	vst v1  }
0x86: {  	[tilespmem:$0x29C0] =	vst v0  }
0x87: {  	v0 =	vld [tilespmem:s23+$0xFFFFFFE0];
	_ =	sdelay $0x4  }
0x88: {  	v1 =	vshrl.u32 v0, $0xE  }
0x89: {  	v0 =	vand.u32 $0x3FFF, v0;
	[tilespmem:$0x28D0] =	vst v1  }
0x8a: {  	[tilespmem:$0x29D0] =	vst v0  }
0x8b: {  	v0 =	vld [tilespmem:s23+$0xFFFFFFF0];
	_ =	sdelay $0x4  }
0x8c: {  	v1 =	vshrl.u32 v0, $0xE  }
0x8d: {  	s24 =	simm.s32 $0xBC0;
	v0 =	vand.u32 $0x3FFF, v0;
	[tilespmem:$0x28E0] =	vst v1  }
.LBB2_2:
0x8e: {  	p0 =	sne.s32 s24, $0x9FC0;
	[tilespmem:$0x29E0] =	vst v0;
	s25 =	smov.u32 s24;
	s24 =	sadd.s32 $0x400, s24  }
0x8f: {  	v0 =	vld [tilespmem:s23+$0x0];
	_ =	sdelay $0x4  }
0x90: {  	v1 =	vshrl.u32 v0, $0xE;
	v0 =	vand.u32 $0x3FFF, v0  }
0x91: {  	[tilespmem:$0x28F0] =	vst v1  }
0x92: {  	[tilespmem:$0x29F0] =	vst v0  }
0x93: {  	[tilespmem:s14], [sflag:$0x3] =	stream.indirect.gather [hbm4b:s2+s10], $0x80, s13, s10, $0xb8;
	[tilespmem:$0x1E600] =	vst v63  }
0x94: {  	_ =	swait.ge [sflag:s18], $0x4000  }
0x95: {  	[sflag:s18] =	ssyncset.done $0x0  }
0x96: {  	[sflag:s18] =	ssyncadd.s32 $0xFFFFC000  }
0x97: {  	[spmem:s3] =	stream.indirect.scatter.add.f32 [tilespmem:s12], [sflag:$0x4], $0x80, s19, s10, $0xb8;
	[tilespmem:$0x1E600] =	vst v63  }
0x98: {  	_ =	swait.ge [sflag:s17], $0x4000  }
0x99: {  	[sflag:s17] =	ssyncset.done $0x0  }
0x9a: {  	s23 =	sshra.s32 s25, $0x2;
	[sflag:s17] =	ssyncadd.s32 $0xFFFFC000  }
0x9b: {  	v0 =	vld [tilespmem:s23+$0xFFFFFF10];
	_ =	sdelay $0x4  }
0x9c: {  	v1 =	vshrl.u32 v0, $0xE;
	v0 =	vand.u32 $0x3FFF, v0  }
0x9d: {  	[tilespmem:$0x2800] =	vst v1  }
0x9e: {  	[tilespmem:$0x2900] =	vst v0  }
0x9f: {  	v0 =	vld [tilespmem:s23+$0xFFFFFF20];
	_ =	sdelay $0x4  }
0xa0: {  	v1 =	vshrl.u32 v0, $0xE;
	v0 =	vand.u32 $0x3FFF, v0  }
0xa1: {  	[tilespmem:$0x2810] =	vst v1  }
0xa2: {  	[tilespmem:$0x2910] =	vst v0  }
0xa3: {  	v0 =	vld [tilespmem:s23+$0xFFFFFF30];
	_ =	sdelay $0x4  }
0xa4: {  	v1 =	vshrl.u32 v0, $0xE;
	v0 =	vand.u32 $0x3FFF, v0  }
0xa5: {  	[tilespmem:$0x2820] =	vst v1  }
0xa6: {  	[tilespmem:$0x2920] =	vst v0  }
0xa7: {  	v0 =	vld [tilespmem:s23+$0xFFFFFF40];
	_ =	sdelay $0x4  }
0xa8: {  	v1 =	vshrl.u32 v0, $0xE;
	v0 =	vand.u32 $0x3FFF, v0  }
0xa9: {  	[tilespmem:$0x2830] =	vst v1  }
0xaa: {  	[tilespmem:$0x2930] =	vst v0  }
0xab: {  	v0 =	vld [tilespmem:s23+$0xFFFFFF50];
	_ =	sdelay $0x4  }
0xac: {  	v1 =	vshrl.u32 v0, $0xE;
	v0 =	vand.u32 $0x3FFF, v0  }
0xad: {  	[tilespmem:$0x2840] =	vst v1  }
0xae: {  	[tilespmem:$0x2940] =	vst v0  }
0xaf: {  	v0 =	vld [tilespmem:s23+$0xFFFFFF60];
	_ =	sdelay $0x4  }
0xb0: {  	v1 =	vshrl.u32 v0, $0xE;
	v0 =	vand.u32 $0x3FFF, v0  }
0xb1: {  	[tilespmem:$0x2850] =	vst v1  }
0xb2: {  	[tilespmem:$0x2950] =	vst v0  }
0xb3: {  	v0 =	vld [tilespmem:s23+$0xFFFFFF70];
	_ =	sdelay $0x4  }
0xb4: {  	v1 =	vshrl.u32 v0, $0xE;
	v0 =	vand.u32 $0x3FFF, v0  }
0xb5: {  	[tilespmem:$0x2860] =	vst v1  }
0xb6: {  	[tilespmem:$0x2960] =	vst v0  }
0xb7: {  	v0 =	vld [tilespmem:s23+$0xFFFFFF80];
	_ =	sdelay $0x4  }
0xb8: {  	v1 =	vshrl.u32 v0, $0xE;
	v0 =	vand.u32 $0x3FFF, v0  }
0xb9: {  	[tilespmem:$0x2870] =	vst v1  }
0xba: {  	[tilespmem:$0x2970] =	vst v0  }
0xbb: {  	[tilespmem:s12], [sflag:$0x2] =	stream.indirect.gather [hbm4b:s2+s10], $0x80, s11, s10, $0xb8;
	[tilespmem:$0x1E600] =	vst v63  }
0xbc: {  	_ =	swait.ge [sflag:s20], $0x4000  }
0xbd: {  	[sflag:s20] =	ssyncset.done $0x0  }
0xbe: {  	[sflag:s20] =	ssyncadd.s32 $0xFFFFC000  }
0xbf: {  	[spmem:s3] =	stream.indirect.scatter.add.f32 [tilespmem:s14], [sflag:$0x4], $0x80, s21, s10, $0xb8;
	[tilespmem:$0x1E600] =	vst v63  }
0xc0: {  	_ =	swait.ge [sflag:s17], $0x4000  }
0xc1: {  	[sflag:s17] =	ssyncset.done $0x0  }
0xc2: {  	[sflag:s17] =	ssyncadd.s32 $0xFFFFC000  }
0xc3: {  	v0 =	vld [tilespmem:s23+$0xFFFFFF90];
	_ =	sdelay $0x4  }
0xc4: {  	v1 =	vshrl.u32 v0, $0xE;
	v0 =	vand.u32 $0x3FFF, v0  }
0xc5: {  	[tilespmem:$0x2880] =	vst v1  }
0xc6: {  	[tilespmem:$0x2980] =	vst v0  }
0xc7: {  	v0 =	vld [tilespmem:s23+$0xFFFFFFA0];
	_ =	sdelay $0x4  }
0xc8: {  	v1 =	vshrl.u32 v0, $0xE;
	v0 =	vand.u32 $0x3FFF, v0  }
0xc9: {  	[tilespmem:$0x2890] =	vst v1  }
0xca: {  	[tilespmem:$0x2990] =	vst v0  }
0xcb: {  	v0 =	vld [tilespmem:s23+$0xFFFFFFB0];
	_ =	sdelay $0x4  }
0xcc: {  	v1 =	vshrl.u32 v0, $0xE;
	v0 =	vand.u32 $0x3FFF, v0  }
0xcd: {  	[tilespmem:$0x28A0] =	vst v1  }
0xce: {  	[tilespmem:$0x29A0] =	vst v0  }
0xcf: {  	v0 =	vld [tilespmem:s23+$0xFFFFFFC0];
	_ =	sdelay $0x4  }
0xd0: {  	v1 =	vshrl.u32 v0, $0xE;
	v0 =	vand.u32 $0x3FFF, v0  }
0xd1: {  	[tilespmem:$0x28B0] =	vst v1  }
0xd2: {  	[tilespmem:$0x29B0] =	vst v0  }
0xd3: {  	v0 =	vld [tilespmem:s23+$0xFFFFFFD0];
	_ =	sdelay $0x4  }
0xd4: {  	v1 =	vshrl.u32 v0, $0xE;
	v0 =	vand.u32 $0x3FFF, v0  }
0xd5: {  	[tilespmem:$0x28C0] =	vst v1  }
0xd6: {  	[tilespmem:$0x29C0] =	vst v0  }
0xd7: {  	v0 =	vld [tilespmem:s23+$0xFFFFFFE0];
	_ =	sdelay $0x4  }
0xd8: {  	v1 =	vshrl.u32 v0, $0xE;
	v0 =	vand.u32 $0x3FFF, v0  }
0xd9: {  	[tilespmem:$0x28D0] =	vst v1  }
0xda: {  	[tilespmem:$0x29D0] =	vst v0  }
0xdb: {  	v0 =	vld [tilespmem:s23+$0xFFFFFFF0];
	_ =	sdelay $0x1  }
.Ltmp0:
0xdc: {  	(pc) =	sbr.rel @p0 .LBB2_2-.Ltmp0, $3  }
0xdd: {  	_ =	sdelay $0x1  }
0xde: {  	v1 =	vshrl.u32 v0, $0xE;
	v0 =	vand.u32 $0x3FFF, v0  }
0xdf: {  	[tilespmem:$0x28E0] =	vst v1  }
0xe0: {  	[tilespmem:$0x29E0] =	vst v0  }
0xe1: {  	v0 =	vld [tilespmem:s23+$0x0];
	_ =	sdelay $0x4  }
0xe2: {  	v1 =	vshrl.u32 v0, $0xE  }
0xe3: {  	v0 =	vand.u32 $0x3FFF, v0;
	[tilespmem:$0x28F0] =	vst v1  }
0xe4: {  	[tilespmem:$0x29F0] =	vst v0  }
0xe5: {  	[tilespmem:s14], [sflag:$0x3] =	stream.indirect.gather [hbm4b:s2+s10], $0x80, s13, s10, $0xb8;
	[tilespmem:$0x1E600] =	vst v63  }
0xe6: {  	_ =	swait.ge [sflag:s18], $0x4000  }
0xe7: {  	[sflag:s18] =	ssyncset.done $0x0  }
0xe8: {  	[sflag:s18] =	ssyncadd.s32 $0xFFFFC000  }
0xe9: {  	[spmem:s3] =	stream.indirect.scatter.add.f32 [tilespmem:s12], [sflag:$0x4], $0x80, s19, s10, $0xb8;
	[tilespmem:$0x1E600] =	vst v63  }
0xea: {  	_ =	swait.ge [sflag:s17], $0x4000  }
0xeb: {  	[sflag:s17] =	ssyncset.done $0x0  }
0xec: {  	[sflag:s17] =	ssyncadd.s32 $0xFFFFC000  }
0xed: {  	_ =	swait.ge [sflag:s20], $0x4000  }
0xee: {  	[sflag:s20] =	ssyncset.done $0x0  }
0xef: {  	[sflag:s20] =	ssyncadd.s32 $0xFFFFC000  }
0xf0: {  	[spmem:s3] =	stream.indirect.scatter.add.f32 [tilespmem:s14], [sflag:$0x4], $0x80, s21, s10, $0xb8;
	[tilespmem:$0x1E600] =	vst v63  }
0xf1: {  	_ =	swait.ge [sflag:s17], $0x4000  }
0xf2: {  	s22 =	sadd.s32 $0x1, s22;
	[sflag:s17] =	ssyncset.done $0x0  }
0xf3: {  	p0 =	sne.s32 s22, s8;
	[sflag:s17] =	ssyncadd.s32 $0xFFFFC000  }
.Ltmp1:
0xf4: {  	[bflag:$0x0] =	sbarrier.arrive $0xFFFF;
	(pc) =	sbr.rel @p0 .LBB2_1-.Ltmp1, $4  }
0xf5: {  	[hbm:s7], [sflag:s15] =	dma.local [spmem:s16], $0x2780  }
0xf6: {  	_ =	swait.ge [sflag:s17], $0x2780  }
0xf7: {  	[sflag:s17] =	ssyncset.done $0x0  }
0xf8: {  	[sflag:s17] =	ssyncadd.s32 $0xFFFFD880  }
0xf9: {  	_ =	sfence.sel $0x180000  }
0xfa: {  	[bflag:$0x0] =	sbarrier.arrive $0xFFFF  }
0xfb: {  	p0 =	sne.s32 s0, $0x0;
	_ =	strace $0x90000047  }
0xfc: {  	s0 =	sadd.s32 @!p0 $0x100000, s1;
	[bflag:$0x2] =	sbarrier.arrive $0xFFFF  }
0xfd: {  	[sflag:s0] =	ssyncadd.tile.s32 @!p0 $0x1;
	_ =	shalt  }
.Lfunc_end2:
_tile_overlayer_lowered:
.L_overlay_start_2:
0xfe: {  	(tag) =	ssettag $0x2  }
0xff: {  	s0 =	rddreg [dreg:$0x0];
	s2 =	stileid.u32  }
0x100: {  	s1 =	rddreg [dreg:$0x1];
	p0 =	sne.s32 s2, $0x0  }
0x101: {  	s3 =	rddreg [dreg:$0x2];
	[bflag:$0x3] =	sbarrier.arrive $0xFFFF;
	s2 =	simm.s32 @!p0 $0x1C04  }
0x102: {  	[timem:s3], [sflag:s2] =	dma.local @!p0 [hbm:s0], s1  }
0x103: {  	s0 =	simm.s32 @!p0 $0x4  }
0x104: {  	_ =	swait.ge @!p0 [sflag:s0], s1  }
0x105: {  	s1 =	ssub.s32 @!p0 $0x0, s1;
	[sflag:s0] =	ssyncset.done @!p0 $0x0  }
0x106: {  	[sflag:s0] =	ssyncadd.s32 @!p0 s1  }
0x107: {  	[bflag:$0x3] =	sbarrier.arrive $0xFFFF  }
0x108: {  	_ =	shalt  }

</sc_bundles>
